<compile_context>
chip_gen: v7x
topology: tpu7x:2x2x1
jax: 0.10.2.dev20260603
libtpu: 0.0.44.dev20260713+nightly
codegen_flags: <defaults>
</compile_context>

<pallas_src>
import functools

import jax
import jax.numpy as jnp
from jax import lax
from jax.experimental import pallas as pl
from jax.experimental.pallas import tpu as pltpu
from jax.experimental.pallas import tpu_sc as plsc

N = 100000
E = 3200000
F = 16

NUM_CORES = 2
NUM_SUBCORES = 16
NUM_TILES = NUM_CORES * NUM_SUBCORES

CHUNK = 128
K = 4
NCHUNKS = E // CHUNK
BASE_CHUNKS = NCHUNKS // NUM_TILES
EXTRA = NCHUNKS - BASE_CHUNKS * NUM_TILES
MAIN_CHUNKS = (BASE_CHUNKS // K) * K
GROUPS = MAIN_CHUNKS // K
N_ACC = 100352
T_ROWS = N_ACC // NUM_SUBCORES
M_ROWS = N_ACC // NUM_TILES


def _sc_pass(with_deg: bool):
    mesh = plsc.VectorSubcoreMesh(
        core_axis_name="c", subcore_axis_name="s",
        num_cores=NUM_CORES, num_subcores=NUM_SUBCORES)

    out_type = [jax.ShapeDtypeStruct((NUM_CORES, N_ACC, F), jnp.float32)]
    scratch = [
        pltpu.VMEM((2, K, CHUNK), jnp.int32),
        pltpu.VMEM((2, K, CHUNK), jnp.int32),
        pltpu.VMEM((2, K, CHUNK, F), jnp.float32),
        pltpu.VMEM((CHUNK, F), jnp.float32),
        pltpu.VMEM_SHARED((N_ACC, F), jnp.float32),
        pltpu.SemaphoreType.DMA,
        pltpu.SemaphoreType.DMA,
        pltpu.SemaphoreType.DMA,
    ]
    if with_deg:
        out_type.append(jax.ShapeDtypeStruct((NUM_CORES, N_ACC), jnp.float32))
        scratch += [
            pltpu.VMEM((CHUNK,), jnp.float32),
            pltpu.VMEM((CHUNK,), jnp.float32),
            pltpu.VMEM_SHARED((N_ACC,), jnp.float32),
            pltpu.SemaphoreType.DMA,
        ]

    def body(table, edges, *refs):
        if with_deg:
            (out, deg_out, src_v, dst_v, rows_v, zrow, acc, sem_i, sem_g,
             sem_s, ones_v, zone_v, deg_acc, sem_d) = refs
        else:
            out, src_v, dst_v, rows_v, zrow, acc, sem_i, sem_g, sem_s = refs
        c = lax.axis_index("c")
        s = lax.axis_index("s")

        def zfill(i, carry):
            zrow[i] = jnp.zeros((F,), jnp.float32)
            return carry
        lax.fori_loop(0, CHUNK, zfill, 0)
        if with_deg:
            for i in range(CHUNK // 16):
                ones_v[pl.ds(i * 16, 16)] = jnp.ones((16,), jnp.float32)
                zone_v[pl.ds(i * 16, 16)] = jnp.zeros((16,), jnp.float32)
        def zcopy(i, carry):
            base = s * T_ROWS + i * CHUNK
            pltpu.sync_copy(zrow, acc.at[pl.ds(base, CHUNK)])
            if with_deg:
                pltpu.sync_copy(zone_v, deg_acc.at[pl.ds(base, CHUNK)])
            return carry
        lax.fori_loop(0, T_ROWS // CHUNK, zcopy, 0)
        plsc.subcore_barrier()

        t = c * NUM_SUBCORES + s
        start = BASE_CHUNKS * t + jnp.minimum(t, EXTRA)
        n_rem = (BASE_CHUNKS - MAIN_CHUNKS) + jnp.where(t < EXTRA, 1, 0)

        def start_idx(g, slot):
            base = start + g * K
            pltpu.async_copy(edges.at[0, pl.ds(base, K)], src_v.at[slot],
                             sem_i)
            pltpu.async_copy(edges.at[1, pl.ds(base, K)], dst_v.at[slot],
                             sem_i)

        def drain_idx(slot):
            pltpu.make_async_copy(edges.at[0, pl.ds(0, K)], src_v.at[slot],
                                  sem_i).wait()
            pltpu.make_async_copy(edges.at[1, pl.ds(0, K)], dst_v.at[slot],
                                  sem_i).wait()

        def drain_scatters(slot):
            for j in range(K):
                pltpu.make_async_copy(rows_v.at[slot, j],
                                      acc.at[dst_v.at[slot, j]], sem_s).wait()
            if with_deg:
                for j in range(K):
                    pltpu.make_async_copy(
                        ones_v, deg_acc.at[dst_v.at[slot, j]], sem_d).wait()

        start_idx(0, 0)

        def group(g, carry):
            slot = lax.rem(g, 2)
            other = 1 - slot
            drain_idx(slot)
            for j in range(K):
                pltpu.async_copy(table.at[src_v.at[slot, j]],
                                 rows_v.at[slot, j], sem_g)

            @pl.when(g > 0)
            def _():
                drain_scatters(other)

            @pl.when(g + 1 < GROUPS)
            def _():
                start_idx(g + 1, other)

            for j in range(K):
                pltpu.make_async_copy(table.at[src_v.at[slot, j]],
                                      rows_v.at[slot, j], sem_g).wait()
            for j in range(K):
                pltpu.async_copy(rows_v.at[slot, j], acc.at[dst_v.at[slot, j]],
                                 sem_s, add=True)
            if with_deg:
                for j in range(K):
                    pltpu.async_copy(ones_v, deg_acc.at[dst_v.at[slot, j]],
                                     sem_d, add=True)
            return carry

        lax.fori_loop(0, GROUPS, group, 0)
        drain_scatters((GROUPS - 1) % 2)

        def rem_chunk(r, carry):
            base = start + MAIN_CHUNKS + r
            pltpu.sync_copy(edges.at[0, pl.ds(base, 1)],
                            src_v.at[0, pl.ds(0, 1)])
            pltpu.sync_copy(edges.at[1, pl.ds(base, 1)],
                            dst_v.at[0, pl.ds(0, 1)])
            pltpu.async_copy(table.at[src_v.at[0, 0]], rows_v.at[0, 0],
                             sem_g).wait()
            pltpu.sync_copy(rows_v.at[0, 0], acc.at[dst_v.at[0, 0]], add=True)
            if with_deg:
                pltpu.sync_copy(ones_v, deg_acc.at[dst_v.at[0, 0]], add=True)
            return carry
        lax.fori_loop(0, n_rem, rem_chunk, 0)
        plsc.subcore_barrier()

        pltpu.sync_copy(acc.at[pl.ds(s * T_ROWS, T_ROWS)],
                        out.at[c, pl.ds(s * T_ROWS, T_ROWS)])
        if with_deg:
            pltpu.sync_copy(deg_acc.at[pl.ds(s * T_ROWS, T_ROWS)],
                            deg_out.at[c, pl.ds(s * T_ROWS, T_ROWS)])

    return pl.kernel(
        body, out_type=out_type, mesh=mesh, scratch_types=scratch,
        compiler_params=pltpu.CompilerParams(use_tc_tiling_on_sc=False))


def _sc_merge(with_deg: bool):
    mesh = plsc.VectorSubcoreMesh(
        core_axis_name="c", subcore_axis_name="s",
        num_cores=NUM_CORES, num_subcores=NUM_SUBCORES)
    out_type = [jax.ShapeDtypeStruct((N_ACC, F), jnp.float32)]
    scratch = [
        pltpu.VMEM((M_ROWS, F), jnp.float32),
        pltpu.VMEM((M_ROWS, F), jnp.float32),
    ]
    if with_deg:
        out_type.append(jax.ShapeDtypeStruct((N_ACC,), jnp.float32))
        scratch += [
            pltpu.VMEM((M_ROWS,), jnp.float32),
            pltpu.VMEM((M_ROWS,), jnp.float32),
        ]

    def body(*refs):
        if with_deg:
            parts, degp, out, deg_out, buf0, buf1, db0, db1 = refs
        else:
            parts, out, buf0, buf1 = refs
        c = lax.axis_index("c")
        s = lax.axis_index("s")
        t = c * NUM_SUBCORES + s
        base = t * M_ROWS
        pltpu.sync_copy(parts.at[0, pl.ds(base, M_ROWS)], buf0)
        pltpu.sync_copy(parts.at[1, pl.ds(base, M_ROWS)], buf1)
        if with_deg:
            pltpu.sync_copy(degp.at[0, pl.ds(base, M_ROWS)], db0)
            pltpu.sync_copy(degp.at[1, pl.ds(base, M_ROWS)], db1)

        def add4(i, carry):
            for u in range(4):
                r = i * 4 + u
                buf0[r] = buf0[r] + buf1[r]
            return carry
        lax.fori_loop(0, M_ROWS // 4, add4, 0)
        pltpu.sync_copy(buf0, out.at[pl.ds(base, M_ROWS)])
        if with_deg:
            def dadd(i, carry):
                sl = pl.ds(i * 16, 16)
                db0[sl] = db0[sl] + db1[sl]
                return carry
            lax.fori_loop(0, M_ROWS // 16, dadd, 0)
            pltpu.sync_copy(db0, deg_out.at[pl.ds(base, M_ROWS)])

    return pl.kernel(
        body, out_type=out_type, mesh=mesh, scratch_types=scratch,
        compiler_params=pltpu.CompilerParams(use_tc_tiling_on_sc=False))


R_PACK = N // 8
R_ACC = N_ACC // 8
FBLK = 640


def _tc_final(x128, a128, b128, deg8, Wrel1, Wroot1, b1, Wrel2, Wroot2, b2,
              fcW, fcb):
    def body(x_ref, a1_ref, b_ref, dp_ref, wr1_ref, wo1_ref, b1_ref,
             wr2_ref, wo2_ref, b2_ref, fw_ref, fb_ref, o_ref):
        dot = functools.partial(jnp.dot, preferred_element_type=jnp.float32)
        wr1t = wr1_ref[...].T
        wo1t = wo1_ref[...].T
        w2f = dot(wr2_ref[...].T, fw_ref[...].T)
        wo2f = dot(wo2_ref[...].T, fw_ref[...].T)
        M1 = dot(wo1t, wo2f)
        M2 = dot(wo1t, w2f) + dot(wr1t, wo2f)
        M3 = dot(wr1t, w2f)
        b1r = b1_ref[...].reshape(1, 32)
        b2r = b2_ref[...].reshape(1, 64)
        v = dot(b1r, w2f)
        const = (dot(dot(b1r, wo2_ref[...].T) + b2r, fw_ref[...].T)
                 + fb_ref[...].reshape(1, 10))

        def kron8(M, nr, nc):
            Mt = jnp.tile(M, (8, 8))
            rb = lax.broadcasted_iota(jnp.int32, (8 * nr, 8 * nc), 0) // nr
            cb = lax.broadcasted_iota(jnp.int32, (8 * nr, 8 * nc), 1) // nc
            return jnp.where(rb == cb, Mt, jnp.float32(0))

        W1 = kron8(M1, 16, 10)
        W2 = kron8(M2, 16, 10)
        W3 = kron8(M3, 16, 10)
        V8 = kron8(v, 1, 10)
        o_ref[...] = (dot(b_ref[...], W3) + dot(a1_ref[...], W2)
                      + dot(x_ref[...], W1) + dot(dp_ref[...], V8)
                      + jnp.tile(const, (1, 8)))

    full = lambda shape: pl.BlockSpec(shape, lambda i: tuple(0 for _ in shape))
    return pl.pallas_call(
        body,
        grid=(pl.cdiv(R_PACK, FBLK),),
        in_specs=[
            pl.BlockSpec((FBLK, 128), lambda i: (i, 0)),
            pl.BlockSpec((FBLK, 128), lambda i: (i, 0)),
            pl.BlockSpec((FBLK, 128), lambda i: (i, 0)),
            pl.BlockSpec((FBLK, 8), lambda i: (i, 0)),
            full((32, 16)), full((32, 16)), full((32,)),
            full((64, 32)), full((64, 32)), full((64,)),
            full((10, 64)), full((10,)),
        ],
        out_specs=pl.BlockSpec((FBLK, 80), lambda i: (i, 0)),
        out_shape=jax.ShapeDtypeStruct((R_PACK, 80), jnp.float32),
    )(x128, a128, b128, deg8, Wrel1, Wroot1, b1, Wrel2, Wroot2, b2, fcW, fcb)


def kernel(x, edge_index, Wrel1, Wroot1, b1, Wrel2, Wroot2, b2, fcW, fcb):
    edges = edge_index.astype(jnp.int32).reshape(2, NCHUNKS, CHUNK)
    x128 = x.reshape(R_PACK, 128)
    x_sc = x128.reshape(N, F)
    agg1_parts, deg_parts = _sc_pass(True)(x_sc, edges)
    agg1, deg = _sc_merge(True)(agg1_parts, deg_parts)
    (b_parts,) = _sc_pass(False)(agg1, edges)
    (b_sum,) = _sc_merge(False)(b_parts)
    out = _tc_final(x128, agg1.reshape(R_ACC, 128), b_sum.reshape(R_ACC, 128),
                    deg.reshape(R_ACC, 8), Wrel1, Wroot1, b1, Wrel2, Wroot2,
                    b2, fcW, fcb)
    return out.reshape(N, 10)

# --- scband reference (transcript-rebuilt; emitter-appended) ---
"""Pipeline reference for scband-gcnnfingerprint-recognizer-77146202571273 (READ-ONLY COPY).

The authoritative reference and input builder live on the scoring server;
editing this copy changes nothing except your own understanding.
"""

import jax, jax.numpy as jnp
import numpy as np

N = 100000
E = 3200000
NUM_CLASSES = 10


def setup_inputs(seed: int = 0) -> dict:
    key = jax.random.key(seed)
    ks = jax.random.split(key, 12)
    x = jax.random.normal(ks[0], (N, 16), dtype=jnp.float32)
    edge_index = jax.random.randint(ks[1], (2, E), 0, N)
    # GraphConv 1: 16 -> 32 (lin_rel has bias, lin_root has no bias)
    Wrel1 = jax.random.normal(ks[2], (32, 16), dtype=jnp.float32) * 0.1
    Wroot1 = jax.random.normal(ks[3], (32, 16), dtype=jnp.float32) * 0.1
    b1 = jax.random.normal(ks[4], (32,), dtype=jnp.float32) * 0.1
    # GraphConv 2: 32 -> 64
    Wrel2 = jax.random.normal(ks[5], (64, 32), dtype=jnp.float32) * 0.1
    Wroot2 = jax.random.normal(ks[6], (64, 32), dtype=jnp.float32) * 0.1
    b2 = jax.random.normal(ks[7], (64,), dtype=jnp.float32) * 0.1
    # Final Linear: 64 -> num_classes
    fcW = jax.random.normal(ks[8], (NUM_CLASSES, 64), dtype=jnp.float32) * 0.1
    fcb = jax.random.normal(ks[9], (NUM_CLASSES,), dtype=jnp.float32) * 0.1
    return {
        "x": x,
        "edge_index": edge_index,
        "Wrel1": Wrel1,
        "Wroot1": Wroot1,
        "b1": b1,
        "Wrel2": Wrel2,
        "Wroot2": Wroot2,
        "b2": b2,
        "fcW": fcW,
        "fcb": fcb,
    }


def _graph_conv(h, src, dst, Wrel, Wroot, b):
    # PyG GraphConv with aggr='add':
    #   out_i = lin_rel( sum_{j in N(i)} h_j ) + lin_root(h_i)
    # lin_rel has bias, lin_root has no bias.
    msgs = jnp.take(h, src, axis=0)
    agg = jax.ops.segment_sum(msgs, dst, num_segments=N)
    return agg @ Wrel.T + b + h @ Wroot.T


def reference(x, edge_index, Wrel1, Wroot1, b1, Wrel2, Wroot2, b2, fcW, fcb):
    src = edge_index[0]
    dst = edge_index[1]
    h = _graph_conv(x, src, dst, Wrel1, Wroot1, b1)
    h = _graph_conv(h, src, dst, Wrel2, Wroot2, b2)
    out = h @ fcW.T + fcb
    return out

if __name__ == "__main__":
    import jax
    _d = setup_inputs()
    print(jax.jit(kernel)(*tuple(_d.values())))

</pallas_src>

<mosaic_0001>
#map = affine_map<(d0, d1) -> (0, 0, 0)>
#map1 = affine_map<(d0, d1) -> (0, 0)>
module attributes {stable_mosaic.version = 14 : i64} {
  func.func @body(%arg0: i32, %arg1: i32, %arg2: memref<2x100352x16xf32, #tpu.memory_space<hbm>>, %arg3: memref<100352x16xf32, #tpu.memory_space<hbm>>, %arg4: memref<3136x16xf32, #tpu.memory_space<vmem>>, %arg5: memref<3136x16xf32, #tpu.memory_space<vmem>>) attributes {dimension_semantics = [#tpu.dimension_semantics<core_parallel>, #tpu.dimension_semantics<subcore_parallel>], iteration_bounds = array<i64: 2, 16>, scalar_prefetch = 0 : i64, scratch_operands = 2 : i64, tpu.core_type = #tpu.core_type<sc_vector_subcore>, window_params = [{transform_indices = #map}, {transform_indices = #map1}]} {
    %mul3A = arith.constant 16 : i32
    %mul3A_0 = arith.muli %arg0, %mul3A : i32
    %add3A = arith.addi %mul3A_0, %arg1 : i32
    %mul3A_1 = arith.constant 3136 : i32
    %mul3A_2 = arith.muli %add3A, %mul3A_1 : i32
    %run_scoped3A = arith.constant 0 : i32
    "tpu.region"() ({
      %run_scoped3A_9 = tpu.sem_alloc : memref<!tpu.dma_semaphore, #tpu.memory_space<semaphore_mem>>
      %dma_start3A = arith.constant 0 : i32
      %dma_start3A_10 = tpu.memref_slice %arg2[%run_scoped3A, %mul3A_2, %dma_start3A] : memref<2x100352x16xf32, #tpu.memory_space<hbm>> -> memref<1x3136x16xf32, #tpu.memory_space<hbm>>
      %dma_start3A_11 = tpu.memref_squeeze %dma_start3A_10 : memref<1x3136x16xf32, #tpu.memory_space<hbm>> -> memref<3136x16xf32, #tpu.memory_space<hbm>>
      %dma_start3A_12 = arith.constant 0 : i32
      %dma_start3A_13 = tpu.memref_slice %arg2[%run_scoped3A, %mul3A_2, %dma_start3A_12] : memref<2x100352x16xf32, #tpu.memory_space<hbm>> -> memref<1x3136x16xf32, #tpu.memory_space<hbm>>
      %dma_start3A_14 = tpu.memref_squeeze %dma_start3A_13 : memref<1x3136x16xf32, #tpu.memory_space<hbm>> -> memref<3136x16xf32, #tpu.memory_space<hbm>>
      tpu.enqueue_dma source(%dma_start3A_14 : memref<3136x16xf32, #tpu.memory_space<hbm>>) target(%arg4 : memref<3136x16xf32, #tpu.memory_space<vmem>>) target_semaphore(%run_scoped3A_9 : memref<!tpu.dma_semaphore, #tpu.memory_space<semaphore_mem>>)
      %dma_wait3A = arith.constant 0 : i32
      %dma_wait3A_15 = tpu.memref_slice %arg2[%run_scoped3A, %mul3A_2, %dma_wait3A] : memref<2x100352x16xf32, #tpu.memory_space<hbm>> -> memref<1x3136x16xf32, #tpu.memory_space<hbm>>
      %dma_wait3A_16 = tpu.memref_squeeze %dma_wait3A_15 : memref<1x3136x16xf32, #tpu.memory_space<hbm>> -> memref<3136x16xf32, #tpu.memory_space<hbm>>
      %dma_wait3A_17 = arith.constant 0 : i32
      %dma_wait3A_18 = tpu.memref_slice %arg2[%run_scoped3A, %mul3A_2, %dma_wait3A_17] : memref<2x100352x16xf32, #tpu.memory_space<hbm>> -> memref<1x3136x16xf32, #tpu.memory_space<hbm>>
      %dma_wait3A_19 = tpu.memref_squeeze %dma_wait3A_18 : memref<1x3136x16xf32, #tpu.memory_space<hbm>> -> memref<3136x16xf32, #tpu.memory_space<hbm>>
      tpu.wait_dma2 semaphore(%run_scoped3A_9 : memref<!tpu.dma_semaphore, #tpu.memory_space<semaphore_mem>>) src(%dma_wait3A_19 : memref<3136x16xf32, #tpu.memory_space<hbm>>) dst(%arg4 : memref<3136x16xf32, #tpu.memory_space<vmem>>)
      tpu.yield
    }) : () -> ()
    %run_scoped3A_3 = arith.constant 1 : i32
    "tpu.region"() ({
      %run_scoped3A_9 = tpu.sem_alloc : memref<!tpu.dma_semaphore, #tpu.memory_space<semaphore_mem>>
      %dma_start3A = arith.constant 0 : i32
      %dma_start3A_10 = tpu.memref_slice %arg2[%run_scoped3A_3, %mul3A_2, %dma_start3A] : memref<2x100352x16xf32, #tpu.memory_space<hbm>> -> memref<1x3136x16xf32, #tpu.memory_space<hbm>>
      %dma_start3A_11 = tpu.memref_squeeze %dma_start3A_10 : memref<1x3136x16xf32, #tpu.memory_space<hbm>> -> memref<3136x16xf32, #tpu.memory_space<hbm>>
      %dma_start3A_12 = arith.constant 0 : i32
      %dma_start3A_13 = tpu.memref_slice %arg2[%run_scoped3A_3, %mul3A_2, %dma_start3A_12] : memref<2x100352x16xf32, #tpu.memory_space<hbm>> -> memref<1x3136x16xf32, #tpu.memory_space<hbm>>
      %dma_start3A_14 = tpu.memref_squeeze %dma_start3A_13 : memref<1x3136x16xf32, #tpu.memory_space<hbm>> -> memref<3136x16xf32, #tpu.memory_space<hbm>>
      tpu.enqueue_dma source(%dma_start3A_14 : memref<3136x16xf32, #tpu.memory_space<hbm>>) target(%arg5 : memref<3136x16xf32, #tpu.memory_space<vmem>>) target_semaphore(%run_scoped3A_9 : memref<!tpu.dma_semaphore, #tpu.memory_space<semaphore_mem>>)
      %dma_wait3A = arith.constant 0 : i32
      %dma_wait3A_15 = tpu.memref_slice %arg2[%run_scoped3A_3, %mul3A_2, %dma_wait3A] : memref<2x100352x16xf32, #tpu.memory_space<hbm>> -> memref<1x3136x16xf32, #tpu.memory_space<hbm>>
      %dma_wait3A_16 = tpu.memref_squeeze %dma_wait3A_15 : memref<1x3136x16xf32, #tpu.memory_space<hbm>> -> memref<3136x16xf32, #tpu.memory_space<hbm>>
      %dma_wait3A_17 = arith.constant 0 : i32
      %dma_wait3A_18 = tpu.memref_slice %arg2[%run_scoped3A_3, %mul3A_2, %dma_wait3A_17] : memref<2x100352x16xf32, #tpu.memory_space<hbm>> -> memref<1x3136x16xf32, #tpu.memory_space<hbm>>
      %dma_wait3A_19 = tpu.memref_squeeze %dma_wait3A_18 : memref<1x3136x16xf32, #tpu.memory_space<hbm>> -> memref<3136x16xf32, #tpu.memory_space<hbm>>
      tpu.wait_dma2 semaphore(%run_scoped3A_9 : memref<!tpu.dma_semaphore, #tpu.memory_space<semaphore_mem>>) src(%dma_wait3A_19 : memref<3136x16xf32, #tpu.memory_space<hbm>>) dst(%arg5 : memref<3136x16xf32, #tpu.memory_space<vmem>>)
      tpu.yield
    }) : () -> ()
    %scan3A = arith.constant 0 : i32
    %scan3A_4 = arith.constant 0 : i32
    %scan3A_5 = arith.constant 784 : i32
    %scan3A_6 = arith.addi %scan3A_4, %scan3A_5 : i32
    %scan3A_7 = arith.constant 1 : i32
    scf.for %scan3A_9 = %scan3A_4 to %scan3A_6 step %scan3A_7  : i32 {
      %mul3A_10 = arith.constant 4 : i32
      %mul3A_11 = arith.muli %scan3A_9, %mul3A_10 : i32
      %add3A_12 = arith.constant 0 : i32
      %add3A_13 = arith.addi %mul3A_11, %add3A_12 : i32
      %get3A = arith.index_cast %add3A_13 : i32 to index
      %get3A_14 = arith.constant 0 : index
      %get3A_15 = tpu.vector_load %arg4[%get3A, %get3A_14] {strides = array<i32>} : memref<3136x16xf32, #tpu.memory_space<vmem>>, vector<1x16xf32>,
      %get3A_16 = vector.shape_cast %get3A_15 : vector<1x16xf32> to vector<16xf32>
      %get3A_17 = arith.index_cast %add3A_13 : i32 to index
      %get3A_18 = arith.constant 0 : index
      %get3A_19 = tpu.vector_load %arg5[%get3A_17, %get3A_18] {strides = array<i32>} : memref<3136x16xf32, #tpu.memory_space<vmem>>, vector<1x16xf32>,
      %get3A_20 = vector.shape_cast %get3A_19 : vector<1x16xf32> to vector<16xf32>
      %add3A_21 = arith.addf %get3A_16, %get3A_20 : vector<16xf32>
      %swap3A = arith.index_cast %add3A_13 : i32 to index
      %swap3A_22 = arith.constant 0 : index
      %swap3A_23 = tpu.vector_load %arg4[%swap3A, %swap3A_22] {strides = array<i32>} : memref<3136x16xf32, #tpu.memory_space<vmem>>, vector<1x16xf32>,
      %swap3A_24 = vector.shape_cast %swap3A_23 : vector<1x16xf32> to vector<16xf32>
      %swap3A_25 = vector.shape_cast %add3A_21 : vector<16xf32> to vector<1x16xf32>
      tpu.vector_store %arg4[%swap3A, %swap3A_22], %swap3A_25 {strides = array<i32>} : memref<3136x16xf32, #tpu.memory_space<vmem>>, vector<1x16xf32>,
      %mul3A_26 = arith.constant 4 : i32
      %mul3A_27 = arith.muli %scan3A_9, %mul3A_26 : i32
      %add3A_28 = arith.constant 1 : i32
      %add3A_29 = arith.addi %mul3A_27, %add3A_28 : i32
      %get3A_30 = arith.index_cast %add3A_29 : i32 to index
      %get3A_31 = arith.constant 0 : index
      %get3A_32 = tpu.vector_load %arg4[%get3A_30, %get3A_31] {strides = array<i32>} : memref<3136x16xf32, #tpu.memory_space<vmem>>, vector<1x16xf32>,
      %get3A_33 = vector.shape_cast %get3A_32 : vector<1x16xf32> to vector<16xf32>
      %get3A_34 = arith.index_cast %add3A_29 : i32 to index
      %get3A_35 = arith.constant 0 : index
      %get3A_36 = tpu.vector_load %arg5[%get3A_34, %get3A_35] {strides = array<i32>} : memref<3136x16xf32, #tpu.memory_space<vmem>>, vector<1x16xf32>,
      %get3A_37 = vector.shape_cast %get3A_36 : vector<1x16xf32> to vector<16xf32>
      %add3A_38 = arith.addf %get3A_33, %get3A_37 : vector<16xf32>
      %swap3A_39 = arith.index_cast %add3A_29 : i32 to index
      %swap3A_40 = arith.constant 0 : index
      %swap3A_41 = tpu.vector_load %arg4[%swap3A_39, %swap3A_40] {strides = array<i32>} : memref<3136x16xf32, #tpu.memory_space<vmem>>, vector<1x16xf32>,
      %swap3A_42 = vector.shape_cast %swap3A_41 : vector<1x16xf32> to vector<16xf32>
      %swap3A_43 = vector.shape_cast %add3A_38 : vector<16xf32> to vector<1x16xf32>
      tpu.vector_store %arg4[%swap3A_39, %swap3A_40], %swap3A_43 {strides = array<i32>} : memref<3136x16xf32, #tpu.memory_space<vmem>>, vector<1x16xf32>,
      %mul3A_44 = arith.constant 4 : i32
      %mul3A_45 = arith.muli %scan3A_9, %mul3A_44 : i32
      %add3A_46 = arith.constant 2 : i32
      %add3A_47 = arith.addi %mul3A_45, %add3A_46 : i32
      %get3A_48 = arith.index_cast %add3A_47 : i32 to index
      %get3A_49 = arith.constant 0 : index
      %get3A_50 = tpu.vector_load %arg4[%get3A_48, %get3A_49] {strides = array<i32>} : memref<3136x16xf32, #tpu.memory_space<vmem>>, vector<1x16xf32>,
      %get3A_51 = vector.shape_cast %get3A_50 : vector<1x16xf32> to vector<16xf32>
      %get3A_52 = arith.index_cast %add3A_47 : i32 to index
      %get3A_53 = arith.constant 0 : index
      %get3A_54 = tpu.vector_load %arg5[%get3A_52, %get3A_53] {strides = array<i32>} : memref<3136x16xf32, #tpu.memory_space<vmem>>, vector<1x16xf32>,
      %get3A_55 = vector.shape_cast %get3A_54 : vector<1x16xf32> to vector<16xf32>
      %add3A_56 = arith.addf %get3A_51, %get3A_55 : vector<16xf32>
      %swap3A_57 = arith.index_cast %add3A_47 : i32 to index
      %swap3A_58 = arith.constant 0 : index
      %swap3A_59 = tpu.vector_load %arg4[%swap3A_57, %swap3A_58] {strides = array<i32>} : memref<3136x16xf32, #tpu.memory_space<vmem>>, vector<1x16xf32>,
      %swap3A_60 = vector.shape_cast %swap3A_59 : vector<1x16xf32> to vector<16xf32>
      %swap3A_61 = vector.shape_cast %add3A_56 : vector<16xf32> to vector<1x16xf32>
      tpu.vector_store %arg4[%swap3A_57, %swap3A_58], %swap3A_61 {strides = array<i32>} : memref<3136x16xf32, #tpu.memory_space<vmem>>, vector<1x16xf32>,
      %mul3A_62 = arith.constant 4 : i32
      %mul3A_63 = arith.muli %scan3A_9, %mul3A_62 : i32
      %add3A_64 = arith.constant 3 : i32
      %add3A_65 = arith.addi %mul3A_63, %add3A_64 : i32
      %get3A_66 = arith.index_cast %add3A_65 : i32 to index
      %get3A_67 = arith.constant 0 : index
      %get3A_68 = tpu.vector_load %arg4[%get3A_66, %get3A_67] {strides = array<i32>} : memref<3136x16xf32, #tpu.memory_space<vmem>>, vector<1x16xf32>,
      %get3A_69 = vector.shape_cast %get3A_68 : vector<1x16xf32> to vector<16xf32>
      %get3A_70 = arith.index_cast %add3A_65 : i32 to index
      %get3A_71 = arith.constant 0 : index
      %get3A_72 = tpu.vector_load %arg5[%get3A_70, %get3A_71] {strides = array<i32>} : memref<3136x16xf32, #tpu.memory_space<vmem>>, vector<1x16xf32>,
      %get3A_73 = vector.shape_cast %get3A_72 : vector<1x16xf32> to vector<16xf32>
      %add3A_74 = arith.addf %get3A_69, %get3A_73 : vector<16xf32>
      %swap3A_75 = arith.index_cast %add3A_65 : i32 to index
      %swap3A_76 = arith.constant 0 : index
      %swap3A_77 = tpu.vector_load %arg4[%swap3A_75, %swap3A_76] {strides = array<i32>} : memref<3136x16xf32, #tpu.memory_space<vmem>>, vector<1x16xf32>,
      %swap3A_78 = vector.shape_cast %swap3A_77 : vector<1x16xf32> to vector<16xf32>
      %swap3A_79 = vector.shape_cast %add3A_74 : vector<16xf32> to vector<1x16xf32>
      tpu.vector_store %arg4[%swap3A_75, %swap3A_76], %swap3A_79 {strides = array<i32>} : memref<3136x16xf32, #tpu.memory_space<vmem>>, vector<1x16xf32>,
    }
    %scan3A_8 = arith.constant 784 : i32
    "tpu.region"() ({
      %run_scoped3A_9 = tpu.sem_alloc : memref<!tpu.dma_semaphore, #tpu.memory_space<semaphore_mem>>
      %dma_start3A = arith.constant 0 : i32
      %dma_start3A_10 = tpu.memref_slice %arg3[%mul3A_2, %dma_start3A] : memref<100352x16xf32, #tpu.memory_space<hbm>> -> memref<3136x16xf32, #tpu.memory_space<hbm>>
      %dma_start3A_11 = arith.constant 0 : i32
      %dma_start3A_12 = tpu.memref_slice %arg3[%mul3A_2, %dma_start3A_11] : memref<100352x16xf32, #tpu.memory_space<hbm>> -> memref<3136x16xf32, #tpu.memory_space<hbm>>
      tpu.enqueue_dma source(%arg4 : memref<3136x16xf32, #tpu.memory_space<vmem>>) target(%dma_start3A_12 : memref<3136x16xf32, #tpu.memory_space<hbm>>) target_semaphore(%run_scoped3A_9 : memref<!tpu.dma_semaphore, #tpu.memory_space<semaphore_mem>>)
      %dma_wait3A = arith.constant 0 : i32
      %dma_wait3A_13 = tpu.memref_slice %arg3[%mul3A_2, %dma_wait3A] : memref<100352x16xf32, #tpu.memory_space<hbm>> -> memref<3136x16xf32, #tpu.memory_space<hbm>>
      %dma_wait3A_14 = arith.constant 0 : i32
      %dma_wait3A_15 = tpu.memref_slice %arg3[%mul3A_2, %dma_wait3A_14] : memref<100352x16xf32, #tpu.memory_space<hbm>> -> memref<3136x16xf32, #tpu.memory_space<hbm>>
      tpu.wait_dma2 semaphore(%run_scoped3A_9 : memref<!tpu.dma_semaphore, #tpu.memory_space<semaphore_mem>>) src(%arg4 : memref<3136x16xf32, #tpu.memory_space<vmem>>) dst(%dma_wait3A_15 : memref<3136x16xf32, #tpu.memory_space<hbm>>)
      tpu.yield
    }) : () -> ()
    return
  }
}

#map = affine_map<(d0, d1) -> (0, 0, 0)>
#map1 = affine_map<(d0, d1) -> (0, 0)>
#map2 = affine_map<(d0, d1) -> (0)>
module attributes {stable_mosaic.version = 14 : i64} {
  func.func @body(%arg0: i32, %arg1: i32, %arg2: memref<2x100352x16xf32, #tpu.memory_space<hbm>>, %arg3: memref<2x100352xf32, #tpu.memory_space<hbm>>, %arg4: memref<100352x16xf32, #tpu.memory_space<hbm>>, %arg5: memref<100352xf32, #tpu.memory_space<hbm>>, %arg6: memref<3136x16xf32, #tpu.memory_space<vmem>>, %arg7: memref<3136x16xf32, #tpu.memory_space<vmem>>, %arg8: memref<3136xf32, #tpu.memory_space<vmem>>, %arg9: memref<3136xf32, #tpu.memory_space<vmem>>) attributes {dimension_semantics = [#tpu.dimension_semantics<core_parallel>, #tpu.dimension_semantics<subcore_parallel>], iteration_bounds = array<i64: 2, 16>, scalar_prefetch = 0 : i64, scratch_operands = 4 : i64, tpu.core_type = #tpu.core_type<sc_vector_subcore>, window_params = [{transform_indices = #map}, {transform_indices = #map1}, {transform_indices = #map1}, {transform_indices = #map2}]} {
    %mul3A = arith.constant 16 : i32
    %mul3A_0 = arith.muli %arg0, %mul3A : i32
    %add3A = arith.addi %mul3A_0, %arg1 : i32
    %mul3A_1 = arith.constant 3136 : i32
    %mul3A_2 = arith.muli %add3A, %mul3A_1 : i32
    %run_scoped3A = arith.constant 0 : i32
    "tpu.region"() ({
      %run_scoped3A_17 = tpu.sem_alloc : memref<!tpu.dma_semaphore, #tpu.memory_space<semaphore_mem>>
      %dma_start3A = arith.constant 0 : i32
      %dma_start3A_18 = tpu.memref_slice %arg2[%run_scoped3A, %mul3A_2, %dma_start3A] : memref<2x100352x16xf32, #tpu.memory_space<hbm>> -> memref<1x3136x16xf32, #tpu.memory_space<hbm>>
      %dma_start3A_19 = tpu.memref_squeeze %dma_start3A_18 : memref<1x3136x16xf32, #tpu.memory_space<hbm>> -> memref<3136x16xf32, #tpu.memory_space<hbm>>
      %dma_start3A_20 = arith.constant 0 : i32
      %dma_start3A_21 = tpu.memref_slice %arg2[%run_scoped3A, %mul3A_2, %dma_start3A_20] : memref<2x100352x16xf32, #tpu.memory_space<hbm>> -> memref<1x3136x16xf32, #tpu.memory_space<hbm>>
      %dma_start3A_22 = tpu.memref_squeeze %dma_start3A_21 : memref<1x3136x16xf32, #tpu.memory_space<hbm>> -> memref<3136x16xf32, #tpu.memory_space<hbm>>
      tpu.enqueue_dma source(%dma_start3A_22 : memref<3136x16xf32, #tpu.memory_space<hbm>>) target(%arg6 : memref<3136x16xf32, #tpu.memory_space<vmem>>) target_semaphore(%run_scoped3A_17 : memref<!tpu.dma_semaphore, #tpu.memory_space<semaphore_mem>>)
      %dma_wait3A = arith.constant 0 : i32
      %dma_wait3A_23 = tpu.memref_slice %arg2[%run_scoped3A, %mul3A_2, %dma_wait3A] : memref<2x100352x16xf32, #tpu.memory_space<hbm>> -> memref<1x3136x16xf32, #tpu.memory_space<hbm>>
      %dma_wait3A_24 = tpu.memref_squeeze %dma_wait3A_23 : memref<1x3136x16xf32, #tpu.memory_space<hbm>> -> memref<3136x16xf32, #tpu.memory_space<hbm>>
      %dma_wait3A_25 = arith.constant 0 : i32
      %dma_wait3A_26 = tpu.memref_slice %arg2[%run_scoped3A, %mul3A_2, %dma_wait3A_25] : memref<2x100352x16xf32, #tpu.memory_space<hbm>> -> memref<1x3136x16xf32, #tpu.memory_space<hbm>>
      %dma_wait3A_27 = tpu.memref_squeeze %dma_wait3A_26 : memref<1x3136x16xf32, #tpu.memory_space<hbm>> -> memref<3136x16xf32, #tpu.memory_space<hbm>>
      tpu.wait_dma2 semaphore(%run_scoped3A_17 : memref<!tpu.dma_semaphore, #tpu.memory_space<semaphore_mem>>) src(%dma_wait3A_27 : memref<3136x16xf32, #tpu.memory_space<hbm>>) dst(%arg6 : memref<3136x16xf32, #tpu.memory_space<vmem>>)
      tpu.yield
    }) : () -> ()
    %run_scoped3A_3 = arith.constant 1 : i32
    "tpu.region"() ({
      %run_scoped3A_17 = tpu.sem_alloc : memref<!tpu.dma_semaphore, #tpu.memory_space<semaphore_mem>>
      %dma_start3A = arith.constant 0 : i32
      %dma_start3A_18 = tpu.memref_slice %arg2[%run_scoped3A_3, %mul3A_2, %dma_start3A] : memref<2x100352x16xf32, #tpu.memory_space<hbm>> -> memref<1x3136x16xf32, #tpu.memory_space<hbm>>
      %dma_start3A_19 = tpu.memref_squeeze %dma_start3A_18 : memref<1x3136x16xf32, #tpu.memory_space<hbm>> -> memref<3136x16xf32, #tpu.memory_space<hbm>>
      %dma_start3A_20 = arith.constant 0 : i32
      %dma_start3A_21 = tpu.memref_slice %arg2[%run_scoped3A_3, %mul3A_2, %dma_start3A_20] : memref<2x100352x16xf32, #tpu.memory_space<hbm>> -> memref<1x3136x16xf32, #tpu.memory_space<hbm>>
      %dma_start3A_22 = tpu.memref_squeeze %dma_start3A_21 : memref<1x3136x16xf32, #tpu.memory_space<hbm>> -> memref<3136x16xf32, #tpu.memory_space<hbm>>
      tpu.enqueue_dma source(%dma_start3A_22 : memref<3136x16xf32, #tpu.memory_space<hbm>>) target(%arg7 : memref<3136x16xf32, #tpu.memory_space<vmem>>) target_semaphore(%run_scoped3A_17 : memref<!tpu.dma_semaphore, #tpu.memory_space<semaphore_mem>>)
      %dma_wait3A = arith.constant 0 : i32
      %dma_wait3A_23 = tpu.memref_slice %arg2[%run_scoped3A_3, %mul3A_2, %dma_wait3A] : memref<2x100352x16xf32, #tpu.memory_space<hbm>> -> memref<1x3136x16xf32, #tpu.memory_space<hbm>>
      %dma_wait3A_24 = tpu.memref_squeeze %dma_wait3A_23 : memref<1x3136x16xf32, #tpu.memory_space<hbm>> -> memref<3136x16xf32, #tpu.memory_space<hbm>>
      %dma_wait3A_25 = arith.constant 0 : i32
      %dma_wait3A_26 = tpu.memref_slice %arg2[%run_scoped3A_3, %mul3A_2, %dma_wait3A_25] : memref<2x100352x16xf32, #tpu.memory_space<hbm>> -> memref<1x3136x16xf32, #tpu.memory_space<hbm>>
      %dma_wait3A_27 = tpu.memref_squeeze %dma_wait3A_26 : memref<1x3136x16xf32, #tpu.memory_space<hbm>> -> memref<3136x16xf32, #tpu.memory_space<hbm>>
      tpu.wait_dma2 semaphore(%run_scoped3A_17 : memref<!tpu.dma_semaphore, #tpu.memory_space<semaphore_mem>>) src(%dma_wait3A_27 : memref<3136x16xf32, #tpu.memory_space<hbm>>) dst(%arg7 : memref<3136x16xf32, #tpu.memory_space<vmem>>)
      tpu.yield
    }) : () -> ()
    %run_scoped3A_4 = arith.constant 0 : i32
    "tpu.region"() ({
      %run_scoped3A_17 = tpu.sem_alloc : memref<!tpu.dma_semaphore, #tpu.memory_space<semaphore_mem>>
      %dma_start3A = tpu.memref_slice %arg3[%run_scoped3A_4, %mul3A_2] : memref<2x100352xf32, #tpu.memory_space<hbm>> -> memref<1x3136xf32, #tpu.memory_space<hbm>>
      %dma_start3A_18 = tpu.memref_squeeze %dma_start3A : memref<1x3136xf32, #tpu.memory_space<hbm>> -> memref<3136xf32, #tpu.memory_space<hbm>>
      %dma_start3A_19 = tpu.memref_slice %arg3[%run_scoped3A_4, %mul3A_2] : memref<2x100352xf32, #tpu.memory_space<hbm>> -> memref<1x3136xf32, #tpu.memory_space<hbm>>
      %dma_start3A_20 = tpu.memref_squeeze %dma_start3A_19 : memref<1x3136xf32, #tpu.memory_space<hbm>> -> memref<3136xf32, #tpu.memory_space<hbm>>
      tpu.enqueue_dma source(%dma_start3A_20 : memref<3136xf32, #tpu.memory_space<hbm>>) target(%arg8 : memref<3136xf32, #tpu.memory_space<vmem>>) target_semaphore(%run_scoped3A_17 : memref<!tpu.dma_semaphore, #tpu.memory_space<semaphore_mem>>)
      %dma_wait3A = tpu.memref_slice %arg3[%run_scoped3A_4, %mul3A_2] : memref<2x100352xf32, #tpu.memory_space<hbm>> -> memref<1x3136xf32, #tpu.memory_space<hbm>>
      %dma_wait3A_21 = tpu.memref_squeeze %dma_wait3A : memref<1x3136xf32, #tpu.memory_space<hbm>> -> memref<3136xf32, #tpu.memory_space<hbm>>
      %dma_wait3A_22 = tpu.memref_slice %arg3[%run_scoped3A_4, %mul3A_2] : memref<2x100352xf32, #tpu.memory_space<hbm>> -> memref<1x3136xf32, #tpu.memory_space<hbm>>
      %dma_wait3A_23 = tpu.memref_squeeze %dma_wait3A_22 : memref<1x3136xf32, #tpu.memory_space<hbm>> -> memref<3136xf32, #tpu.memory_space<hbm>>
      tpu.wait_dma2 semaphore(%run_scoped3A_17 : memref<!tpu.dma_semaphore, #tpu.memory_space<semaphore_mem>>) src(%dma_wait3A_23 : memref<3136xf32, #tpu.memory_space<hbm>>) dst(%arg8 : memref<3136xf32, #tpu.memory_space<vmem>>)
      tpu.yield
    }) : () -> ()
    %run_scoped3A_5 = arith.constant 1 : i32
    "tpu.region"() ({
      %run_scoped3A_17 = tpu.sem_alloc : memref<!tpu.dma_semaphore, #tpu.memory_space<semaphore_mem>>
      %dma_start3A = tpu.memref_slice %arg3[%run_scoped3A_5, %mul3A_2] : memref<2x100352xf32, #tpu.memory_space<hbm>> -> memref<1x3136xf32, #tpu.memory_space<hbm>>
      %dma_start3A_18 = tpu.memref_squeeze %dma_start3A : memref<1x3136xf32, #tpu.memory_space<hbm>> -> memref<3136xf32, #tpu.memory_space<hbm>>
      %dma_start3A_19 = tpu.memref_slice %arg3[%run_scoped3A_5, %mul3A_2] : memref<2x100352xf32, #tpu.memory_space<hbm>> -> memref<1x3136xf32, #tpu.memory_space<hbm>>
      %dma_start3A_20 = tpu.memref_squeeze %dma_start3A_19 : memref<1x3136xf32, #tpu.memory_space<hbm>> -> memref<3136xf32, #tpu.memory_space<hbm>>
      tpu.enqueue_dma source(%dma_start3A_20 : memref<3136xf32, #tpu.memory_space<hbm>>) target(%arg9 : memref<3136xf32, #tpu.memory_space<vmem>>) target_semaphore(%run_scoped3A_17 : memref<!tpu.dma_semaphore, #tpu.memory_space<semaphore_mem>>)
      %dma_wait3A = tpu.memref_slice %arg3[%run_scoped3A_5, %mul3A_2] : memref<2x100352xf32, #tpu.memory_space<hbm>> -> memref<1x3136xf32, #tpu.memory_space<hbm>>
      %dma_wait3A_21 = tpu.memref_squeeze %dma_wait3A : memref<1x3136xf32, #tpu.memory_space<hbm>> -> memref<3136xf32, #tpu.memory_space<hbm>>
      %dma_wait3A_22 = tpu.memref_slice %arg3[%run_scoped3A_5, %mul3A_2] : memref<2x100352xf32, #tpu.memory_space<hbm>> -> memref<1x3136xf32, #tpu.memory_space<hbm>>
      %dma_wait3A_23 = tpu.memref_squeeze %dma_wait3A_22 : memref<1x3136xf32, #tpu.memory_space<hbm>> -> memref<3136xf32, #tpu.memory_space<hbm>>
      tpu.wait_dma2 semaphore(%run_scoped3A_17 : memref<!tpu.dma_semaphore, #tpu.memory_space<semaphore_mem>>) src(%dma_wait3A_23 : memref<3136xf32, #tpu.memory_space<hbm>>) dst(%arg9 : memref<3136xf32, #tpu.memory_space<vmem>>)
      tpu.yield
    }) : () -> ()
    %scan3A = arith.constant 0 : i32
    %scan3A_6 = arith.constant 0 : i32
    %scan3A_7 = arith.constant 784 : i32
    %scan3A_8 = arith.addi %scan3A_6, %scan3A_7 : i32
    %scan3A_9 = arith.constant 1 : i32
    scf.for %scan3A_17 = %scan3A_6 to %scan3A_8 step %scan3A_9  : i32 {
      %mul3A_18 = arith.constant 4 : i32
      %mul3A_19 = arith.muli %scan3A_17, %mul3A_18 : i32
      %add3A_20 = arith.constant 0 : i32
      %add3A_21 = arith.addi %mul3A_19, %add3A_20 : i32
      %get3A = arith.index_cast %add3A_21 : i32 to index
      %get3A_22 = arith.constant 0 : index
      %get3A_23 = tpu.vector_load %arg6[%get3A, %get3A_22] {strides = array<i32>} : memref<3136x16xf32, #tpu.memory_space<vmem>>, vector<1x16xf32>,
      %get3A_24 = vector.shape_cast %get3A_23 : vector<1x16xf32> to vector<16xf32>
      %get3A_25 = arith.index_cast %add3A_21 : i32 to index
      %get3A_26 = arith.constant 0 : index
      %get3A_27 = tpu.vector_load %arg7[%get3A_25, %get3A_26] {strides = array<i32>} : memref<3136x16xf32, #tpu.memory_space<vmem>>, vector<1x16xf32>,
      %get3A_28 = vector.shape_cast %get3A_27 : vector<1x16xf32> to vector<16xf32>
      %add3A_29 = arith.addf %get3A_24, %get3A_28 : vector<16xf32>
      %swap3A = arith.index_cast %add3A_21 : i32 to index
      %swap3A_30 = arith.constant 0 : index
      %swap3A_31 = tpu.vector_load %arg6[%swap3A, %swap3A_30] {strides = array<i32>} : memref<3136x16xf32, #tpu.memory_space<vmem>>, vector<1x16xf32>,
      %swap3A_32 = vector.shape_cast %swap3A_31 : vector<1x16xf32> to vector<16xf32>
      %swap3A_33 = vector.shape_cast %add3A_29 : vector<16xf32> to vector<1x16xf32>
      tpu.vector_store %arg6[%swap3A, %swap3A_30], %swap3A_33 {strides = array<i32>} : memref<3136x16xf32, #tpu.memory_space<vmem>>, vector<1x16xf32>,
      %mul3A_34 = arith.constant 4 : i32
      %mul3A_35 = arith.muli %scan3A_17, %mul3A_34 : i32
      %add3A_36 = arith.constant 1 : i32
      %add3A_37 = arith.addi %mul3A_35, %add3A_36 : i32
      %get3A_38 = arith.index_cast %add3A_37 : i32 to index
      %get3A_39 = arith.constant 0 : index
      %get3A_40 = tpu.vector_load %arg6[%get3A_38, %get3A_39] {strides = array<i32>} : memref<3136x16xf32, #tpu.memory_space<vmem>>, vector<1x16xf32>,
      %get3A_41 = vector.shape_cast %get3A_40 : vector<1x16xf32> to vector<16xf32>
      %get3A_42 = arith.index_cast %add3A_37 : i32 to index
      %get3A_43 = arith.constant 0 : index
      %get3A_44 = tpu.vector_load %arg7[%get3A_42, %get3A_43] {strides = array<i32>} : memref<3136x16xf32, #tpu.memory_space<vmem>>, vector<1x16xf32>,
      %get3A_45 = vector.shape_cast %get3A_44 : vector<1x16xf32> to vector<16xf32>
      %add3A_46 = arith.addf %get3A_41, %get3A_45 : vector<16xf32>
      %swap3A_47 = arith.index_cast %add3A_37 : i32 to index
      %swap3A_48 = arith.constant 0 : index
      %swap3A_49 = tpu.vector_load %arg6[%swap3A_47, %swap3A_48] {strides = array<i32>} : memref<3136x16xf32, #tpu.memory_space<vmem>>, vector<1x16xf32>,
      %swap3A_50 = vector.shape_cast %swap3A_49 : vector<1x16xf32> to vector<16xf32>
      %swap3A_51 = vector.shape_cast %add3A_46 : vector<16xf32> to vector<1x16xf32>
      tpu.vector_store %arg6[%swap3A_47, %swap3A_48], %swap3A_51 {strides = array<i32>} : memref<3136x16xf32, #tpu.memory_space<vmem>>, vector<1x16xf32>,
      %mul3A_52 = arith.constant 4 : i32
      %mul3A_53 = arith.muli %scan3A_17, %mul3A_52 : i32
      %add3A_54 = arith.constant 2 : i32
      %add3A_55 = arith.addi %mul3A_53, %add3A_54 : i32
      %get3A_56 = arith.index_cast %add3A_55 : i32 to index
      %get3A_57 = arith.constant 0 : index
      %get3A_58 = tpu.vector_load %arg6[%get3A_56, %get3A_57] {strides = array<i32>} : memref<3136x16xf32, #tpu.memory_space<vmem>>, vector<1x16xf32>,
      %get3A_59 = vector.shape_cast %get3A_58 : vector<1x16xf32> to vector<16xf32>
      %get3A_60 = arith.index_cast %add3A_55 : i32 to index
      %get3A_61 = arith.constant 0 : index
      %get3A_62 = tpu.vector_load %arg7[%get3A_60, %get3A_61] {strides = array<i32>} : memref<3136x16xf32, #tpu.memory_space<vmem>>, vector<1x16xf32>,
      %get3A_63 = vector.shape_cast %get3A_62 : vector<1x16xf32> to vector<16xf32>
      %add3A_64 = arith.addf %get3A_59, %get3A_63 : vector<16xf32>
      %swap3A_65 = arith.index_cast %add3A_55 : i32 to index
      %swap3A_66 = arith.constant 0 : index
      %swap3A_67 = tpu.vector_load %arg6[%swap3A_65, %swap3A_66] {strides = array<i32>} : memref<3136x16xf32, #tpu.memory_space<vmem>>, vector<1x16xf32>,
      %swap3A_68 = vector.shape_cast %swap3A_67 : vector<1x16xf32> to vector<16xf32>
      %swap3A_69 = vector.shape_cast %add3A_64 : vector<16xf32> to vector<1x16xf32>
      tpu.vector_store %arg6[%swap3A_65, %swap3A_66], %swap3A_69 {strides = array<i32>} : memref<3136x16xf32, #tpu.memory_space<vmem>>, vector<1x16xf32>,
      %mul3A_70 = arith.constant 4 : i32
      %mul3A_71 = arith.muli %scan3A_17, %mul3A_70 : i32
      %add3A_72 = arith.constant 3 : i32
      %add3A_73 = arith.addi %mul3A_71, %add3A_72 : i32
      %get3A_74 = arith.index_cast %add3A_73 : i32 to index
      %get3A_75 = arith.constant 0 : index
      %get3A_76 = tpu.vector_load %arg6[%get3A_74, %get3A_75] {strides = array<i32>} : memref<3136x16xf32, #tpu.memory_space<vmem>>, vector<1x16xf32>,
      %get3A_77 = vector.shape_cast %get3A_76 : vector<1x16xf32> to vector<16xf32>
      %get3A_78 = arith.index_cast %add3A_73 : i32 to index
      %get3A_79 = arith.constant 0 : index
      %get3A_80 = tpu.vector_load %arg7[%get3A_78, %get3A_79] {strides = array<i32>} : memref<3136x16xf32, #tpu.memory_space<vmem>>, vector<1x16xf32>,
      %get3A_81 = vector.shape_cast %get3A_80 : vector<1x16xf32> to vector<16xf32>
      %add3A_82 = arith.addf %get3A_77, %get3A_81 : vector<16xf32>
      %swap3A_83 = arith.index_cast %add3A_73 : i32 to index
      %swap3A_84 = arith.constant 0 : index
      %swap3A_85 = tpu.vector_load %arg6[%swap3A_83, %swap3A_84] {strides = array<i32>} : memref<3136x16xf32, #tpu.memory_space<vmem>>, vector<1x16xf32>,
      %swap3A_86 = vector.shape_cast %swap3A_85 : vector<1x16xf32> to vector<16xf32>
      %swap3A_87 = vector.shape_cast %add3A_82 : vector<16xf32> to vector<1x16xf32>
      tpu.vector_store %arg6[%swap3A_83, %swap3A_84], %swap3A_87 {strides = array<i32>} : memref<3136x16xf32, #tpu.memory_space<vmem>>, vector<1x16xf32>,
    }
    %scan3A_10 = arith.constant 784 : i32
    "tpu.region"() ({
      %run_scoped3A_17 = tpu.sem_alloc : memref<!tpu.dma_semaphore, #tpu.memory_space<semaphore_mem>>
      %dma_start3A = arith.constant 0 : i32
      %dma_start3A_18 = tpu.memref_slice %arg4[%mul3A_2, %dma_start3A] : memref<100352x16xf32, #tpu.memory_space<hbm>> -> memref<3136x16xf32, #tpu.memory_space<hbm>>
      %dma_start3A_19 = arith.constant 0 : i32
      %dma_start3A_20 = tpu.memref_slice %arg4[%mul3A_2, %dma_start3A_19] : memref<100352x16xf32, #tpu.memory_space<hbm>> -> memref<3136x16xf32, #tpu.memory_space<hbm>>
      tpu.enqueue_dma source(%arg6 : memref<3136x16xf32, #tpu.memory_space<vmem>>) target(%dma_start3A_20 : memref<3136x16xf32, #tpu.memory_space<hbm>>) target_semaphore(%run_scoped3A_17 : memref<!tpu.dma_semaphore, #tpu.memory_space<semaphore_mem>>)
      %dma_wait3A = arith.constant 0 : i32
      %dma_wait3A_21 = tpu.memref_slice %arg4[%mul3A_2, %dma_wait3A] : memref<100352x16xf32, #tpu.memory_space<hbm>> -> memref<3136x16xf32, #tpu.memory_space<hbm>>
      %dma_wait3A_22 = arith.constant 0 : i32
      %dma_wait3A_23 = tpu.memref_slice %arg4[%mul3A_2, %dma_wait3A_22] : memref<100352x16xf32, #tpu.memory_space<hbm>> -> memref<3136x16xf32, #tpu.memory_space<hbm>>
      tpu.wait_dma2 semaphore(%run_scoped3A_17 : memref<!tpu.dma_semaphore, #tpu.memory_space<semaphore_mem>>) src(%arg6 : memref<3136x16xf32, #tpu.memory_space<vmem>>) dst(%dma_wait3A_23 : memref<3136x16xf32, #tpu.memory_space<hbm>>)
      tpu.yield
    }) : () -> ()
    %scan3A_11 = arith.constant 0 : i32
    %scan3A_12 = arith.constant 0 : i32
    %scan3A_13 = arith.constant 196 : i32
    %scan3A_14 = arith.addi %scan3A_12, %scan3A_13 : i32
    %scan3A_15 = arith.constant 1 : i32
    scf.for %scan3A_17 = %scan3A_12 to %scan3A_14 step %scan3A_15  : i32 {
      %mul3A_18 = arith.constant 16 : i32
      %mul3A_19 = arith.muli %scan3A_17, %mul3A_18 : i32
      %get3A = arith.index_cast %mul3A_19 : i32 to index
      %get3A_20 = tpu.vector_load %arg8[%get3A] {strides = array<i32>} : memref<3136xf32, #tpu.memory_space<vmem>>, vector<16xf32>,
      %get3A_21 = vector.shape_cast %get3A_20 : vector<16xf32> to vector<16xf32>
      %get3A_22 = arith.index_cast %mul3A_19 : i32 to index
      %get3A_23 = tpu.vector_load %arg9[%get3A_22] {strides = array<i32>} : memref<3136xf32, #tpu.memory_space<vmem>>, vector<16xf32>,
      %get3A_24 = vector.shape_cast %get3A_23 : vector<16xf32> to vector<16xf32>
      %add3A_25 = arith.addf %get3A_21, %get3A_24 : vector<16xf32>
      %swap3A = arith.index_cast %mul3A_19 : i32 to index
      %swap3A_26 = tpu.vector_load %arg8[%swap3A] {strides = array<i32>} : memref<3136xf32, #tpu.memory_space<vmem>>, vector<16xf32>,
      %swap3A_27 = vector.shape_cast %swap3A_26 : vector<16xf32> to vector<16xf32>
      %swap3A_28 = vector.shape_cast %add3A_25 : vector<16xf32> to vector<16xf32>
      tpu.vector_store %arg8[%swap3A], %swap3A_28 {strides = array<i32>} : memref<3136xf32, #tpu.memory_space<vmem>>, vector<16xf32>,
    }
    %scan3A_16 = arith.constant 196 : i32
    "tpu.region"() ({
      %run_scoped3A_17 = tpu.sem_alloc : memref<!tpu.dma_semaphore, #tpu.memory_space<semaphore_mem>>
      %dma_start3A = tpu.memref_slice %arg5[%mul3A_2] : memref<100352xf32, #tpu.memory_space<hbm>> -> memref<3136xf32, #tpu.memory_space<hbm>>
      %dma_start3A_18 = tpu.memref_slice %arg5[%mul3A_2] : memref<100352xf32, #tpu.memory_space<hbm>> -> memref<3136xf32, #tpu.memory_space<hbm>>
      tpu.enqueue_dma source(%arg8 : memref<3136xf32, #tpu.memory_space<vmem>>) target(%dma_start3A_18 : memref<3136xf32, #tpu.memory_space<hbm>>) target_semaphore(%run_scoped3A_17 : memref<!tpu.dma_semaphore, #tpu.memory_space<semaphore_mem>>)
      %dma_wait3A = tpu.memref_slice %arg5[%mul3A_2] : memref<100352xf32, #tpu.memory_space<hbm>> -> memref<3136xf32, #tpu.memory_space<hbm>>
      %dma_wait3A_19 = tpu.memref_slice %arg5[%mul3A_2] : memref<100352xf32, #tpu.memory_space<hbm>> -> memref<3136xf32, #tpu.memory_space<hbm>>
      tpu.wait_dma2 semaphore(%run_scoped3A_17 : memref<!tpu.dma_semaphore, #tpu.memory_space<semaphore_mem>>) src(%arg8 : memref<3136xf32, #tpu.memory_space<vmem>>) dst(%dma_wait3A_19 : memref<3136xf32, #tpu.memory_space<hbm>>)
      tpu.yield
    }) : () -> ()
    return
  }
}

#map = affine_map<(d0, d1) -> (0, 0)>
#map1 = affine_map<(d0, d1) -> (0, 0, 0)>
module attributes {stable_mosaic.version = 14 : i64} {
  func.func @body(%arg0: i32, %arg1: i32, %arg2: memref<100352x16xf32, #tpu.memory_space<hbm>>, %arg3: memref<2x25000x128xi32, #tpu.memory_space<hbm>>, %arg4: memref<2x100352x16xf32, #tpu.memory_space<hbm>>, %arg5: memref<2x4x128xi32, #tpu.memory_space<vmem>>, %arg6: memref<2x4x128xi32, #tpu.memory_space<vmem>>, %arg7: memref<2x4x128x16xf32, #tpu.memory_space<vmem>>, %arg8: memref<128x16xf32, #tpu.memory_space<vmem>>, %arg9: memref<100352x16xf32, #tpu.memory_space<vmem_shared>>, %arg10: memref<!tpu.dma_semaphore, #tpu.memory_space<semaphore_mem>>, %arg11: memref<!tpu.dma_semaphore, #tpu.memory_space<semaphore_mem>>, %arg12: memref<!tpu.dma_semaphore, #tpu.memory_space<semaphore_mem>>) attributes {dimension_semantics = [#tpu.dimension_semantics<core_parallel>, #tpu.dimension_semantics<subcore_parallel>], iteration_bounds = array<i64: 2, 16>, scalar_prefetch = 0 : i64, scratch_operands = 8 : i64, tpu.core_type = #tpu.core_type<sc_vector_subcore>, window_params = [{transform_indices = #map}, {transform_indices = #map1}, {transform_indices = #map1}]} {
    %scan3A = arith.constant 0 : i32
    %scan3A_0 = arith.constant 0 : i32
    %scan3A_1 = arith.constant 128 : i32
    %scan3A_2 = arith.addi %scan3A_0, %scan3A_1 : i32
    %scan3A_3 = arith.constant 1 : i32
    scf.for %scan3A_128 = %scan3A_0 to %scan3A_2 step %scan3A_3  : i32 {
      %broadcast_in_dim3A = arith.constant 0.000000e+00 : f32
      %broadcast_in_dim3A_129 = vector.broadcast %broadcast_in_dim3A : f32 to vector<16xf32>
      %swap3A = arith.index_cast %scan3A_128 : i32 to index
      %swap3A_130 = arith.constant 0 : index
      %swap3A_131 = tpu.vector_load %arg8[%swap3A, %swap3A_130] {strides = array<i32>} : memref<128x16xf32, #tpu.memory_space<vmem>>, vector<1x16xf32>,
      %swap3A_132 = vector.shape_cast %swap3A_131 : vector<1x16xf32> to vector<16xf32>
      %swap3A_133 = vector.shape_cast %broadcast_in_dim3A_129 : vector<16xf32> to vector<1x16xf32>
      tpu.vector_store %arg8[%swap3A, %swap3A_130], %swap3A_133 {strides = array<i32>} : memref<128x16xf32, #tpu.memory_space<vmem>>, vector<1x16xf32>,
    }
    %scan3A_4 = arith.constant 128 : i32
    %scan3A_5 = arith.constant 0 : i32
    %scan3A_6 = arith.constant 0 : i32
    %scan3A_7 = arith.constant 49 : i32
    %scan3A_8 = arith.addi %scan3A_6, %scan3A_7 : i32
    %scan3A_9 = arith.constant 1 : i32
    scf.for %scan3A_128 = %scan3A_6 to %scan3A_8 step %scan3A_9  : i32 {
      %mul3A_129 = arith.constant 6272 : i32
      %mul3A_130 = arith.muli %arg1, %mul3A_129 : i32
      %mul3A_131 = arith.constant 128 : i32
      %mul3A_132 = arith.muli %scan3A_128, %mul3A_131 : i32
      %add3A_133 = arith.addi %mul3A_130, %mul3A_132 : i32
      "tpu.region"() ({
        %run_scoped3A = tpu.sem_alloc : memref<!tpu.dma_semaphore, #tpu.memory_space<semaphore_mem>>
        %dma_start3A_134 = arith.constant 0 : i32
        %dma_start3A_135 = tpu.memref_slice %arg9[%add3A_133, %dma_start3A_134] : memref<100352x16xf32, #tpu.memory_space<vmem_shared>> -> memref<128x16xf32, #tpu.memory_space<vmem_shared>>
        %dma_start3A_136 = arith.constant 0 : i32
        %dma_start3A_137 = tpu.memref_slice %arg9[%add3A_133, %dma_start3A_136] : memref<100352x16xf32, #tpu.memory_space<vmem_shared>> -> memref<128x16xf32, #tpu.memory_space<vmem_shared>>
        tpu.enqueue_dma source(%arg8 : memref<128x16xf32, #tpu.memory_space<vmem>>) target(%dma_start3A_137 : memref<128x16xf32, #tpu.memory_space<vmem_shared>>) target_semaphore(%run_scoped3A : memref<!tpu.dma_semaphore, #tpu.memory_space<semaphore_mem>>)
        %dma_wait3A_138 = arith.constant 0 : i32
        %dma_wait3A_139 = tpu.memref_slice %arg9[%add3A_133, %dma_wait3A_138] : memref<100352x16xf32, #tpu.memory_space<vmem_shared>> -> memref<128x16xf32, #tpu.memory_space<vmem_shared>>
        %dma_wait3A_140 = arith.constant 0 : i32
        %dma_wait3A_141 = tpu.memref_slice %arg9[%add3A_133, %dma_wait3A_140] : memref<100352x16xf32, #tpu.memory_space<vmem_shared>> -> memref<128x16xf32, #tpu.memory_space<vmem_shared>>
        tpu.wait_dma2 semaphore(%run_scoped3A : memref<!tpu.dma_semaphore, #tpu.memory_space<semaphore_mem>>) src(%arg8 : memref<128x16xf32, #tpu.memory_space<vmem>>) dst(%dma_wait3A_141 : memref<128x16xf32, #tpu.memory_space<vmem_shared>>)
        tpu.yield
      }) : () -> ()
    }
    %scan3A_10 = arith.constant 49 : i32
    %barrier3A = arith.constant 0 : index
    tpu.barrier barrier_id(%barrier3A)
    %mul3A = arith.constant 16 : i32
    %mul3A_11 = arith.muli %arg0, %mul3A : i32
    %add3A = arith.addi %mul3A_11, %arg1 : i32
    %mul3A_12 = arith.constant 781 : i32
    %mul3A_13 = arith.muli %mul3A_12, %add3A : i32
    %min3A = arith.constant 8 : i32
    %min3A_14 = arith.minsi %add3A, %min3A : i32
    %add3A_15 = arith.addi %mul3A_13, %min3A_14 : i32
    %lt3A = arith.constant 8 : i32
    %lt3A_16 = arith.cmpi slt, %add3A, %lt3A : i32
    %jit3A = arith.constant 1 : i32
    %jit3A_17 = arith.constant 0 : i32
    %select_n3A = arith.select %lt3A_16, %jit3A, %jit3A_17 : i32
    %add3A_18 = arith.constant 1 : i32
    %add3A_19 = arith.addi %add3A_18, %select_n3A : i32
    %add3A_20 = arith.constant 0 : i32
    %add3A_21 = arith.addi %add3A_15, %add3A_20 : i32
    %dma_start3A = arith.constant 0 : i32
    %dma_start3A_22 = arith.constant 0 : i32
    %dma_start3A_23 = arith.constant 0 : i32
    %dma_start3A_24 = arith.constant 0 : i32
    %dma_start3A_25 = tpu.memref_slice %arg5[%dma_start3A_22, %dma_start3A_23, %dma_start3A_24] : memref<2x4x128xi32, #tpu.memory_space<vmem>> -> memref<1x4x128xi32, #tpu.memory_space<vmem>>
    %dma_start3A_26 = tpu.memref_squeeze %dma_start3A_25 : memref<1x4x128xi32, #tpu.memory_space<vmem>> -> memref<4x128xi32, #tpu.memory_space<vmem>>
    %dma_start3A_27 = arith.constant 0 : i32
    %dma_start3A_28 = tpu.memref_slice %arg3[%dma_start3A, %add3A_21, %dma_start3A_27] : memref<2x25000x128xi32, #tpu.memory_space<hbm>> -> memref<1x4x128xi32, #tpu.memory_space<hbm>>
    %dma_start3A_29 = tpu.memref_squeeze %dma_start3A_28 : memref<1x4x128xi32, #tpu.memory_space<hbm>> -> memref<4x128xi32, #tpu.memory_space<hbm>>
    %dma_start3A_30 = arith.constant 0 : i32
    %dma_start3A_31 = arith.constant 0 : i32
    %dma_start3A_32 = tpu.memref_slice %arg5[%dma_start3A_22, %dma_start3A_30, %dma_start3A_31] : memref<2x4x128xi32, #tpu.memory_space<vmem>> -> memref<1x4x128xi32, #tpu.memory_space<vmem>>
    %dma_start3A_33 = tpu.memref_squeeze %dma_start3A_32 : memref<1x4x128xi32, #tpu.memory_space<vmem>> -> memref<4x128xi32, #tpu.memory_space<vmem>>
    %dma_start3A_34 = arith.constant 0 : i32
    %dma_start3A_35 = tpu.memref_slice %arg3[%dma_start3A, %add3A_21, %dma_start3A_34] : memref<2x25000x128xi32, #tpu.memory_space<hbm>> -> memref<1x4x128xi32, #tpu.memory_space<hbm>>
    %dma_start3A_36 = tpu.memref_squeeze %dma_start3A_35 : memref<1x4x128xi32, #tpu.memory_space<hbm>> -> memref<4x128xi32, #tpu.memory_space<hbm>>
    tpu.enqueue_dma source(%dma_start3A_36 : memref<4x128xi32, #tpu.memory_space<hbm>>) target(%dma_start3A_33 : memref<4x128xi32, #tpu.memory_space<vmem>>) target_semaphore(%arg10 : memref<!tpu.dma_semaphore, #tpu.memory_space<semaphore_mem>>)
    %dma_start3A_37 = arith.constant 1 : i32
    %dma_start3A_38 = arith.constant 0 : i32
    %dma_start3A_39 = arith.constant 0 : i32
    %dma_start3A_40 = arith.constant 0 : i32
    %dma_start3A_41 = tpu.memref_slice %arg6[%dma_start3A_38, %dma_start3A_39, %dma_start3A_40] : memref<2x4x128xi32, #tpu.memory_space<vmem>> -> memref<1x4x128xi32, #tpu.memory_space<vmem>>
    %dma_start3A_42 = tpu.memref_squeeze %dma_start3A_41 : memref<1x4x128xi32, #tpu.memory_space<vmem>> -> memref<4x128xi32, #tpu.memory_space<vmem>>
    %dma_start3A_43 = arith.constant 0 : i32
    %dma_start3A_44 = tpu.memref_slice %arg3[%dma_start3A_37, %add3A_21, %dma_start3A_43] : memref<2x25000x128xi32, #tpu.memory_space<hbm>> -> memref<1x4x128xi32, #tpu.memory_space<hbm>>
    %dma_start3A_45 = tpu.memref_squeeze %dma_start3A_44 : memref<1x4x128xi32, #tpu.memory_space<hbm>> -> memref<4x128xi32, #tpu.memory_space<hbm>>
    %dma_start3A_46 = arith.constant 0 : i32
    %dma_start3A_47 = arith.constant 0 : i32
    %dma_start3A_48 = tpu.memref_slice %arg6[%dma_start3A_38, %dma_start3A_46, %dma_start3A_47] : memref<2x4x128xi32, #tpu.memory_space<vmem>> -> memref<1x4x128xi32, #tpu.memory_space<vmem>>
    %dma_start3A_49 = tpu.memref_squeeze %dma_start3A_48 : memref<1x4x128xi32, #tpu.memory_space<vmem>> -> memref<4x128xi32, #tpu.memory_space<vmem>>
    %dma_start3A_50 = arith.constant 0 : i32
    %dma_start3A_51 = tpu.memref_slice %arg3[%dma_start3A_37, %add3A_21, %dma_start3A_50] : memref<2x25000x128xi32, #tpu.memory_space<hbm>> -> memref<1x4x128xi32, #tpu.memory_space<hbm>>
    %dma_start3A_52 = tpu.memref_squeeze %dma_start3A_51 : memref<1x4x128xi32, #tpu.memory_space<hbm>> -> memref<4x128xi32, #tpu.memory_space<hbm>>
    tpu.enqueue_dma source(%dma_start3A_52 : memref<4x128xi32, #tpu.memory_space<hbm>>) target(%dma_start3A_49 : memref<4x128xi32, #tpu.memory_space<vmem>>) target_semaphore(%arg10 : memref<!tpu.dma_semaphore, #tpu.memory_space<semaphore_mem>>)
    %scan3A_53 = arith.constant 0 : i32
    %scan3A_54 = arith.constant 0 : i32
    %scan3A_55 = arith.constant 195 : i32
    %scan3A_56 = arith.addi %scan3A_54, %scan3A_55 : i32
    %scan3A_57 = arith.constant 1 : i32
    scf.for %scan3A_128 = %scan3A_54 to %scan3A_56 step %scan3A_57  : i32 {
      %rem3A = arith.constant 2 : i32
      %rem3A_129 = arith.remsi %scan3A_128, %rem3A : i32
      %sub3A = arith.constant 1 : i32
      %sub3A_130 = arith.subi %sub3A, %rem3A_129 : i32
      %dma_wait3A_131 = arith.constant 0 : i32
      %dma_wait3A_132 = arith.constant 0 : i32
      %dma_wait3A_133 = arith.constant 0 : i32
      %dma_wait3A_134 = tpu.memref_slice %arg5[%rem3A_129, %dma_wait3A_132, %dma_wait3A_133] : memref<2x4x128xi32, #tpu.memory_space<vmem>> -> memref<1x4x128xi32, #tpu.memory_space<vmem>>
      %dma_wait3A_135 = tpu.memref_squeeze %dma_wait3A_134 : memref<1x4x128xi32, #tpu.memory_space<vmem>> -> memref<4x128xi32, #tpu.memory_space<vmem>>
      %dma_wait3A_136 = arith.constant 0 : i32
      %dma_wait3A_137 = arith.constant 0 : i32
      %dma_wait3A_138 = tpu.memref_slice %arg3[%dma_wait3A_131, %dma_wait3A_136, %dma_wait3A_137] : memref<2x25000x128xi32, #tpu.memory_space<hbm>> -> memref<1x4x128xi32, #tpu.memory_space<hbm>>
      %dma_wait3A_139 = tpu.memref_squeeze %dma_wait3A_138 : memref<1x4x128xi32, #tpu.memory_space<hbm>> -> memref<4x128xi32, #tpu.memory_space<hbm>>
      %dma_wait3A_140 = arith.constant 0 : i32
      %dma_wait3A_141 = arith.constant 0 : i32
      %dma_wait3A_142 = tpu.memref_slice %arg5[%rem3A_129, %dma_wait3A_140, %dma_wait3A_141] : memref<2x4x128xi32, #tpu.memory_space<vmem>> -> memref<1x4x128xi32, #tpu.memory_space<vmem>>
      %dma_wait3A_143 = tpu.memref_squeeze %dma_wait3A_142 : memref<1x4x128xi32, #tpu.memory_space<vmem>> -> memref<4x128xi32, #tpu.memory_space<vmem>>
      %dma_wait3A_144 = arith.constant 0 : i32
      %dma_wait3A_145 = arith.constant 0 : i32
      %dma_wait3A_146 = tpu.memref_slice %arg3[%dma_wait3A_131, %dma_wait3A_144, %dma_wait3A_145] : memref<2x25000x128xi32, #tpu.memory_space<hbm>> -> memref<1x4x128xi32, #tpu.memory_space<hbm>>
      %dma_wait3A_147 = tpu.memref_squeeze %dma_wait3A_146 : memref<1x4x128xi32, #tpu.memory_space<hbm>> -> memref<4x128xi32, #tpu.memory_space<hbm>>
      tpu.wait_dma2 semaphore(%arg10 : memref<!tpu.dma_semaphore, #tpu.memory_space<semaphore_mem>>) src(%dma_wait3A_147 : memref<4x128xi32, #tpu.memory_space<hbm>>) dst(%dma_wait3A_143 : memref<4x128xi32, #tpu.memory_space<vmem>>)
      %dma_wait3A_148 = arith.constant 1 : i32
      %dma_wait3A_149 = arith.constant 0 : i32
      %dma_wait3A_150 = arith.constant 0 : i32
      %dma_wait3A_151 = tpu.memref_slice %arg6[%rem3A_129, %dma_wait3A_149, %dma_wait3A_150] : memref<2x4x128xi32, #tpu.memory_space<vmem>> -> memref<1x4x128xi32, #tpu.memory_space<vmem>>
      %dma_wait3A_152 = tpu.memref_squeeze %dma_wait3A_151 : memref<1x4x128xi32, #tpu.memory_space<vmem>> -> memref<4x128xi32, #tpu.memory_space<vmem>>
      %dma_wait3A_153 = arith.constant 0 : i32
      %dma_wait3A_154 = arith.constant 0 : i32
      %dma_wait3A_155 = tpu.memref_slice %arg3[%dma_wait3A_148, %dma_wait3A_153, %dma_wait3A_154] : memref<2x25000x128xi32, #tpu.memory_space<hbm>> -> memref<1x4x128xi32, #tpu.memory_space<hbm>>
      %dma_wait3A_156 = tpu.memref_squeeze %dma_wait3A_155 : memref<1x4x128xi32, #tpu.memory_space<hbm>> -> memref<4x128xi32, #tpu.memory_space<hbm>>
      %dma_wait3A_157 = arith.constant 0 : i32
      %dma_wait3A_158 = arith.constant 0 : i32
      %dma_wait3A_159 = tpu.memref_slice %arg6[%rem3A_129, %dma_wait3A_157, %dma_wait3A_158] : memref<2x4x128xi32, #tpu.memory_space<vmem>> -> memref<1x4x128xi32, #tpu.memory_space<vmem>>
      %dma_wait3A_160 = tpu.memref_squeeze %dma_wait3A_159 : memref<1x4x128xi32, #tpu.memory_space<vmem>> -> memref<4x128xi32, #tpu.memory_space<vmem>>
      %dma_wait3A_161 = arith.constant 0 : i32
      %dma_wait3A_162 = arith.constant 0 : i32
      %dma_wait3A_163 = tpu.memref_slice %arg3[%dma_wait3A_148, %dma_wait3A_161, %dma_wait3A_162] : memref<2x25000x128xi32, #tpu.memory_space<hbm>> -> memref<1x4x128xi32, #tpu.memory_space<hbm>>
      %dma_wait3A_164 = tpu.memref_squeeze %dma_wait3A_163 : memref<1x4x128xi32, #tpu.memory_space<hbm>> -> memref<4x128xi32, #tpu.memory_space<hbm>>
      tpu.wait_dma2 semaphore(%arg10 : memref<!tpu.dma_semaphore, #tpu.memory_space<semaphore_mem>>) src(%dma_wait3A_164 : memref<4x128xi32, #tpu.memory_space<hbm>>) dst(%dma_wait3A_160 : memref<4x128xi32, #tpu.memory_space<vmem>>)
      %dma_start3A_165 = arith.constant 0 : i32
      %dma_start3A_166 = arith.constant 0 : i32
      %dma_start3A_167 = arith.constant 0 : i32
      %dma_start3A_168 = arith.constant 0 : i32
      %dma_start3A_169 = tpu.memref_slice %arg7[%rem3A_129, %dma_start3A_166, %dma_start3A_167, %dma_start3A_168] : memref<2x4x128x16xf32, #tpu.memory_space<vmem>> -> memref<1x1x128x16xf32, #tpu.memory_space<vmem>>
      %dma_start3A_170 = tpu.memref_squeeze %dma_start3A_169 : memref<1x1x128x16xf32, #tpu.memory_space<vmem>> -> memref<128x16xf32, #tpu.memory_space<vmem>>
      %dma_start3A_171 = arith.constant 0 : i32
      %dma_start3A_172 = tpu.memref_slice %arg5[%rem3A_129, %dma_start3A_165, %dma_start3A_171] : memref<2x4x128xi32, #tpu.memory_space<vmem>> -> memref<1x1x128xi32, #tpu.memory_space<vmem>>
      %dma_start3A_173 = tpu.memref_squeeze %dma_start3A_172 : memref<1x1x128xi32, #tpu.memory_space<vmem>> -> memref<128xi32, #tpu.memory_space<vmem>>
      %dma_start3A_174 = arith.constant 0 : i32
      %dma_start3A_175 = arith.constant 0 : i32
      %dma_start3A_176 = tpu.memref_slice %arg2[%dma_start3A_174, %dma_start3A_175] : memref<100352x16xf32, #tpu.memory_space<hbm>> -> memref<100352x16xf32, #tpu.memory_space<hbm>>
      tpu.enqueue_indirect_dma source(%dma_start3A_176 : memref<100352x16xf32, #tpu.memory_space<hbm>>) target(%dma_start3A_170 : memref<128x16xf32, #tpu.memory_space<vmem>>) offsets(%dma_start3A_173 : memref<128xi32, #tpu.memory_space<vmem>>) semaphore(%arg11 : memref<!tpu.dma_semaphore, #tpu.memory_space<semaphore_mem>>)
      %dma_start3A_177 = arith.constant 1 : i32
      %dma_start3A_178 = arith.constant 1 : i32
      %dma_start3A_179 = arith.constant 0 : i32
      %dma_start3A_180 = arith.constant 0 : i32
      %dma_start3A_181 = tpu.memref_slice %arg7[%rem3A_129, %dma_start3A_178, %dma_start3A_179, %dma_start3A_180] : memref<2x4x128x16xf32, #tpu.memory_space<vmem>> -> memref<1x1x128x16xf32, #tpu.memory_space<vmem>>
      %dma_start3A_182 = tpu.memref_squeeze %dma_start3A_181 : memref<1x1x128x16xf32, #tpu.memory_space<vmem>> -> memref<128x16xf32, #tpu.memory_space<vmem>>
      %dma_start3A_183 = arith.constant 0 : i32
      %dma_start3A_184 = tpu.memref_slice %arg5[%rem3A_129, %dma_start3A_177, %dma_start3A_183] : memref<2x4x128xi32, #tpu.memory_space<vmem>> -> memref<1x1x128xi32, #tpu.memory_space<vmem>>
      %dma_start3A_185 = tpu.memref_squeeze %dma_start3A_184 : memref<1x1x128xi32, #tpu.memory_space<vmem>> -> memref<128xi32, #tpu.memory_space<vmem>>
      %dma_start3A_186 = arith.constant 0 : i32
      %dma_start3A_187 = arith.constant 0 : i32
      %dma_start3A_188 = tpu.memref_slice %arg2[%dma_start3A_186, %dma_start3A_187] : memref<100352x16xf32, #tpu.memory_space<hbm>> -> memref<100352x16xf32, #tpu.memory_space<hbm>>
      tpu.enqueue_indirect_dma source(%dma_start3A_188 : memref<100352x16xf32, #tpu.memory_space<hbm>>) target(%dma_start3A_182 : memref<128x16xf32, #tpu.memory_space<vmem>>) offsets(%dma_start3A_185 : memref<128xi32, #tpu.memory_space<vmem>>) semaphore(%arg11 : memref<!tpu.dma_semaphore, #tpu.memory_space<semaphore_mem>>)
      %dma_start3A_189 = arith.constant 2 : i32
      %dma_start3A_190 = arith.constant 2 : i32
      %dma_start3A_191 = arith.constant 0 : i32
      %dma_start3A_192 = arith.constant 0 : i32
      %dma_start3A_193 = tpu.memref_slice %arg7[%rem3A_129, %dma_start3A_190, %dma_start3A_191, %dma_start3A_192] : memref<2x4x128x16xf32, #tpu.memory_space<vmem>> -> memref<1x1x128x16xf32, #tpu.memory_space<vmem>>
      %dma_start3A_194 = tpu.memref_squeeze %dma_start3A_193 : memref<1x1x128x16xf32, #tpu.memory_space<vmem>> -> memref<128x16xf32, #tpu.memory_space<vmem>>
      %dma_start3A_195 = arith.constant 0 : i32
      %dma_start3A_196 = tpu.memref_slice %arg5[%rem3A_129, %dma_start3A_189, %dma_start3A_195] : memref<2x4x128xi32, #tpu.memory_space<vmem>> -> memref<1x1x128xi32, #tpu.memory_space<vmem>>
      %dma_start3A_197 = tpu.memref_squeeze %dma_start3A_196 : memref<1x1x128xi32, #tpu.memory_space<vmem>> -> memref<128xi32, #tpu.memory_space<vmem>>
      %dma_start3A_198 = arith.constant 0 : i32
      %dma_start3A_199 = arith.constant 0 : i32
      %dma_start3A_200 = tpu.memref_slice %arg2[%dma_start3A_198, %dma_start3A_199] : memref<100352x16xf32, #tpu.memory_space<hbm>> -> memref<100352x16xf32, #tpu.memory_space<hbm>>
      tpu.enqueue_indirect_dma source(%dma_start3A_200 : memref<100352x16xf32, #tpu.memory_space<hbm>>) target(%dma_start3A_194 : memref<128x16xf32, #tpu.memory_space<vmem>>) offsets(%dma_start3A_197 : memref<128xi32, #tpu.memory_space<vmem>>) semaphore(%arg11 : memref<!tpu.dma_semaphore, #tpu.memory_space<semaphore_mem>>)
      %dma_start3A_201 = arith.constant 3 : i32
      %dma_start3A_202 = arith.constant 3 : i32
      %dma_start3A_203 = arith.constant 0 : i32
      %dma_start3A_204 = arith.constant 0 : i32
      %dma_start3A_205 = tpu.memref_slice %arg7[%rem3A_129, %dma_start3A_202, %dma_start3A_203, %dma_start3A_204] : memref<2x4x128x16xf32, #tpu.memory_space<vmem>> -> memref<1x1x128x16xf32, #tpu.memory_space<vmem>>
      %dma_start3A_206 = tpu.memref_squeeze %dma_start3A_205 : memref<1x1x128x16xf32, #tpu.memory_space<vmem>> -> memref<128x16xf32, #tpu.memory_space<vmem>>
      %dma_start3A_207 = arith.constant 0 : i32
      %dma_start3A_208 = tpu.memref_slice %arg5[%rem3A_129, %dma_start3A_201, %dma_start3A_207] : memref<2x4x128xi32, #tpu.memory_space<vmem>> -> memref<1x1x128xi32, #tpu.memory_space<vmem>>
      %dma_start3A_209 = tpu.memref_squeeze %dma_start3A_208 : memref<1x1x128xi32, #tpu.memory_space<vmem>> -> memref<128xi32, #tpu.memory_space<vmem>>
      %dma_start3A_210 = arith.constant 0 : i32
      %dma_start3A_211 = arith.constant 0 : i32
      %dma_start3A_212 = tpu.memref_slice %arg2[%dma_start3A_210, %dma_start3A_211] : memref<100352x16xf32, #tpu.memory_space<hbm>> -> memref<100352x16xf32, #tpu.memory_space<hbm>>
      tpu.enqueue_indirect_dma source(%dma_start3A_212 : memref<100352x16xf32, #tpu.memory_space<hbm>>) target(%dma_start3A_206 : memref<128x16xf32, #tpu.memory_space<vmem>>) offsets(%dma_start3A_209 : memref<128xi32, #tpu.memory_space<vmem>>) semaphore(%arg11 : memref<!tpu.dma_semaphore, #tpu.memory_space<semaphore_mem>>)
      %gt3A = arith.constant 0 : i32
      %gt3A_213 = arith.cmpi sgt, %scan3A_128, %gt3A : i32
      %convert_element_type3A = arith.extui %gt3A_213 : i1 to i32
      %cond3A = arith.constant 0 : i32
      %cond3A_214 = arith.cmpi ne, %convert_element_type3A, %cond3A : i32
      scf.if %cond3A_214 {
        %dma_wait3A_318 = arith.constant 0 : i32
        %dma_wait3A_319 = arith.constant 0 : i32
        %dma_wait3A_320 = arith.constant 0 : i32
        %dma_wait3A_321 = arith.constant 0 : i32
        %dma_wait3A_322 = tpu.memref_slice %arg7[%sub3A_130, %dma_wait3A_318, %dma_wait3A_320, %dma_wait3A_321] : memref<2x4x128x16xf32, #tpu.memory_space<vmem>> -> memref<1x1x128x16xf32, #tpu.memory_space<vmem>>
        %dma_wait3A_323 = tpu.memref_squeeze %dma_wait3A_322 : memref<1x1x128x16xf32, #tpu.memory_space<vmem>> -> memref<128x16xf32, #tpu.memory_space<vmem>>
        %dma_wait3A_324 = arith.constant 0 : i32
        %dma_wait3A_325 = tpu.memref_slice %arg6[%sub3A_130, %dma_wait3A_319, %dma_wait3A_324] : memref<2x4x128xi32, #tpu.memory_space<vmem>> -> memref<1x1x128xi32, #tpu.memory_space<vmem>>
        %dma_wait3A_326 = tpu.memref_squeeze %dma_wait3A_325 : memref<1x1x128xi32, #tpu.memory_space<vmem>> -> memref<128xi32, #tpu.memory_space<vmem>>
        %dma_wait3A_327 = arith.constant 0 : i32
        %dma_wait3A_328 = arith.constant 0 : i32
        %dma_wait3A_329 = tpu.memref_slice %arg9[%dma_wait3A_327, %dma_wait3A_328] : memref<100352x16xf32, #tpu.memory_space<vmem_shared>> -> memref<100352x16xf32, #tpu.memory_space<vmem_shared>>
        tpu.wait_indirect_dma semaphore(%arg12 : memref<!tpu.dma_semaphore, #tpu.memory_space<semaphore_mem>>) src(%dma_wait3A_323 : memref<128x16xf32, #tpu.memory_space<vmem>>) dst(%dma_wait3A_329 : memref<100352x16xf32, #tpu.memory_space<vmem_shared>>)
        %dma_wait3A_330 = arith.constant 1 : i32
        %dma_wait3A_331 = arith.constant 1 : i32
        %dma_wait3A_332 = arith.constant 0 : i32
        %dma_wait3A_333 = arith.constant 0 : i32
        %dma_wait3A_334 = tpu.memref_slice %arg7[%sub3A_130, %dma_wait3A_330, %dma_wait3A_332, %dma_wait3A_333] : memref<2x4x128x16xf32, #tpu.memory_space<vmem>> -> memref<1x1x128x16xf32, #tpu.memory_space<vmem>>
        %dma_wait3A_335 = tpu.memref_squeeze %dma_wait3A_334 : memref<1x1x128x16xf32, #tpu.memory_space<vmem>> -> memref<128x16xf32, #tpu.memory_space<vmem>>
        %dma_wait3A_336 = arith.constant 0 : i32
        %dma_wait3A_337 = tpu.memref_slice %arg6[%sub3A_130, %dma_wait3A_331, %dma_wait3A_336] : memref<2x4x128xi32, #tpu.memory_space<vmem>> -> memref<1x1x128xi32, #tpu.memory_space<vmem>>
        %dma_wait3A_338 = tpu.memref_squeeze %dma_wait3A_337 : memref<1x1x128xi32, #tpu.memory_space<vmem>> -> memref<128xi32, #tpu.memory_space<vmem>>
        %dma_wait3A_339 = arith.constant 0 : i32
        %dma_wait3A_340 = arith.constant 0 : i32
        %dma_wait3A_341 = tpu.memref_slice %arg9[%dma_wait3A_339, %dma_wait3A_340] : memref<100352x16xf32, #tpu.memory_space<vmem_shared>> -> memref<100352x16xf32, #tpu.memory_space<vmem_shared>>
        tpu.wait_indirect_dma semaphore(%arg12 : memref<!tpu.dma_semaphore, #tpu.memory_space<semaphore_mem>>) src(%dma_wait3A_335 : memref<128x16xf32, #tpu.memory_space<vmem>>) dst(%dma_wait3A_341 : memref<100352x16xf32, #tpu.memory_space<vmem_shared>>)
        %dma_wait3A_342 = arith.constant 2 : i32
        %dma_wait3A_343 = arith.constant 2 : i32
        %dma_wait3A_344 = arith.constant 0 : i32
        %dma_wait3A_345 = arith.constant 0 : i32
        %dma_wait3A_346 = tpu.memref_slice %arg7[%sub3A_130, %dma_wait3A_342, %dma_wait3A_344, %dma_wait3A_345] : memref<2x4x128x16xf32, #tpu.memory_space<vmem>> -> memref<1x1x128x16xf32, #tpu.memory_space<vmem>>
        %dma_wait3A_347 = tpu.memref_squeeze %dma_wait3A_346 : memref<1x1x128x16xf32, #tpu.memory_space<vmem>> -> memref<128x16xf32, #tpu.memory_space<vmem>>
        %dma_wait3A_348 = arith.constant 0 : i32
        %dma_wait3A_349 = tpu.memref_slice %arg6[%sub3A_130, %dma_wait3A_343, %dma_wait3A_348] : memref<2x4x128xi32, #tpu.memory_space<vmem>> -> memref<1x1x128xi32, #tpu.memory_space<vmem>>
        %dma_wait3A_350 = tpu.memref_squeeze %dma_wait3A_349 : memref<1x1x128xi32, #tpu.memory_space<vmem>> -> memref<128xi32, #tpu.memory_space<vmem>>
        %dma_wait3A_351 = arith.constant 0 : i32
        %dma_wait3A_352 = arith.constant 0 : i32
        %dma_wait3A_353 = tpu.memref_slice %arg9[%dma_wait3A_351, %dma_wait3A_352] : memref<100352x16xf32, #tpu.memory_space<vmem_shared>> -> memref<100352x16xf32, #tpu.memory_space<vmem_shared>>
        tpu.wait_indirect_dma semaphore(%arg12 : memref<!tpu.dma_semaphore, #tpu.memory_space<semaphore_mem>>) src(%dma_wait3A_347 : memref<128x16xf32, #tpu.memory_space<vmem>>) dst(%dma_wait3A_353 : memref<100352x16xf32, #tpu.memory_space<vmem_shared>>)
        %dma_wait3A_354 = arith.constant 3 : i32
        %dma_wait3A_355 = arith.constant 3 : i32
        %dma_wait3A_356 = arith.constant 0 : i32
        %dma_wait3A_357 = arith.constant 0 : i32
        %dma_wait3A_358 = tpu.memref_slice %arg7[%sub3A_130, %dma_wait3A_354, %dma_wait3A_356, %dma_wait3A_357] : memref<2x4x128x16xf32, #tpu.memory_space<vmem>> -> memref<1x1x128x16xf32, #tpu.memory_space<vmem>>
        %dma_wait3A_359 = tpu.memref_squeeze %dma_wait3A_358 : memref<1x1x128x16xf32, #tpu.memory_space<vmem>> -> memref<128x16xf32, #tpu.memory_space<vmem>>
        %dma_wait3A_360 = arith.constant 0 : i32
        %dma_wait3A_361 = tpu.memref_slice %arg6[%sub3A_130, %dma_wait3A_355, %dma_wait3A_360] : memref<2x4x128xi32, #tpu.memory_space<vmem>> -> memref<1x1x128xi32, #tpu.memory_space<vmem>>
        %dma_wait3A_362 = tpu.memref_squeeze %dma_wait3A_361 : memref<1x1x128xi32, #tpu.memory_space<vmem>> -> memref<128xi32, #tpu.memory_space<vmem>>
        %dma_wait3A_363 = arith.constant 0 : i32
        %dma_wait3A_364 = arith.constant 0 : i32
        %dma_wait3A_365 = tpu.memref_slice %arg9[%dma_wait3A_363, %dma_wait3A_364] : memref<100352x16xf32, #tpu.memory_space<vmem_shared>> -> memref<100352x16xf32, #tpu.memory_space<vmem_shared>>
        tpu.wait_indirect_dma semaphore(%arg12 : memref<!tpu.dma_semaphore, #tpu.memory_space<semaphore_mem>>) src(%dma_wait3A_359 : memref<128x16xf32, #tpu.memory_space<vmem>>) dst(%dma_wait3A_365 : memref<100352x16xf32, #tpu.memory_space<vmem_shared>>)
      } else {
      }
      %add3A_215 = arith.constant 1 : i32
      %add3A_216 = arith.addi %scan3A_128, %add3A_215 : i32
      %lt3A_217 = arith.constant 195 : i32
      %lt3A_218 = arith.cmpi slt, %add3A_216, %lt3A_217 : i32
      %convert_element_type3A_219 = arith.extui %lt3A_218 : i1 to i32
      %cond3A_220 = arith.constant 0 : i32
      %cond3A_221 = arith.cmpi ne, %convert_element_type3A_219, %cond3A_220 : i32
      scf.if %cond3A_221 {
        %add3A_318 = arith.constant 1 : i32
        %add3A_319 = arith.addi %scan3A_128, %add3A_318 : i32
        %mul3A_320 = arith.constant 4 : i32
        %mul3A_321 = arith.muli %add3A_319, %mul3A_320 : i32
        %add3A_322 = arith.addi %add3A_15, %mul3A_321 : i32
        %dma_start3A_323 = arith.constant 0 : i32
        %dma_start3A_324 = arith.constant 0 : i32
        %dma_start3A_325 = arith.constant 0 : i32
        %dma_start3A_326 = tpu.memref_slice %arg5[%sub3A_130, %dma_start3A_324, %dma_start3A_325] : memref<2x4x128xi32, #tpu.memory_space<vmem>> -> memref<1x4x128xi32, #tpu.memory_space<vmem>>
        %dma_start3A_327 = tpu.memref_squeeze %dma_start3A_326 : memref<1x4x128xi32, #tpu.memory_space<vmem>> -> memref<4x128xi32, #tpu.memory_space<vmem>>
        %dma_start3A_328 = arith.constant 0 : i32
        %dma_start3A_329 = tpu.memref_slice %arg3[%dma_start3A_323, %add3A_322, %dma_start3A_328] : memref<2x25000x128xi32, #tpu.memory_space<hbm>> -> memref<1x4x128xi32, #tpu.memory_space<hbm>>
        %dma_start3A_330 = tpu.memref_squeeze %dma_start3A_329 : memref<1x4x128xi32, #tpu.memory_space<hbm>> -> memref<4x128xi32, #tpu.memory_space<hbm>>
        %dma_start3A_331 = arith.constant 0 : i32
        %dma_start3A_332 = arith.constant 0 : i32
        %dma_start3A_333 = tpu.memref_slice %arg5[%sub3A_130, %dma_start3A_331, %dma_start3A_332] : memref<2x4x128xi32, #tpu.memory_space<vmem>> -> memref<1x4x128xi32, #tpu.memory_space<vmem>>
        %dma_start3A_334 = tpu.memref_squeeze %dma_start3A_333 : memref<1x4x128xi32, #tpu.memory_space<vmem>> -> memref<4x128xi32, #tpu.memory_space<vmem>>
        %dma_start3A_335 = arith.constant 0 : i32
        %dma_start3A_336 = tpu.memref_slice %arg3[%dma_start3A_323, %add3A_322, %dma_start3A_335] : memref<2x25000x128xi32, #tpu.memory_space<hbm>> -> memref<1x4x128xi32, #tpu.memory_space<hbm>>
        %dma_start3A_337 = tpu.memref_squeeze %dma_start3A_336 : memref<1x4x128xi32, #tpu.memory_space<hbm>> -> memref<4x128xi32, #tpu.memory_space<hbm>>
        tpu.enqueue_dma source(%dma_start3A_337 : memref<4x128xi32, #tpu.memory_space<hbm>>) target(%dma_start3A_334 : memref<4x128xi32, #tpu.memory_space<vmem>>) target_semaphore(%arg10 : memref<!tpu.dma_semaphore, #tpu.memory_space<semaphore_mem>>)
        %dma_start3A_338 = arith.constant 1 : i32
        %dma_start3A_339 = arith.constant 0 : i32
        %dma_start3A_340 = arith.constant 0 : i32
        %dma_start3A_341 = tpu.memref_slice %arg6[%sub3A_130, %dma_start3A_339, %dma_start3A_340] : memref<2x4x128xi32, #tpu.memory_space<vmem>> -> memref<1x4x128xi32, #tpu.memory_space<vmem>>
        %dma_start3A_342 = tpu.memref_squeeze %dma_start3A_341 : memref<1x4x128xi32, #tpu.memory_space<vmem>> -> memref<4x128xi32, #tpu.memory_space<vmem>>
        %dma_start3A_343 = arith.constant 0 : i32
        %dma_start3A_344 = tpu.memref_slice %arg3[%dma_start3A_338, %add3A_322, %dma_start3A_343] : memref<2x25000x128xi32, #tpu.memory_space<hbm>> -> memref<1x4x128xi32, #tpu.memory_space<hbm>>
        %dma_start3A_345 = tpu.memref_squeeze %dma_start3A_344 : memref<1x4x128xi32, #tpu.memory_space<hbm>> -> memref<4x128xi32, #tpu.memory_space<hbm>>
        %dma_start3A_346 = arith.constant 0 : i32
        %dma_start3A_347 = arith.constant 0 : i32
        %dma_start3A_348 = tpu.memref_slice %arg6[%sub3A_130, %dma_start3A_346, %dma_start3A_347] : memref<2x4x128xi32, #tpu.memory_space<vmem>> -> memref<1x4x128xi32, #tpu.memory_space<vmem>>
        %dma_start3A_349 = tpu.memref_squeeze %dma_start3A_348 : memref<1x4x128xi32, #tpu.memory_space<vmem>> -> memref<4x128xi32, #tpu.memory_space<vmem>>
        %dma_start3A_350 = arith.constant 0 : i32
        %dma_start3A_351 = tpu.memref_slice %arg3[%dma_start3A_338, %add3A_322, %dma_start3A_350] : memref<2x25000x128xi32, #tpu.memory_space<hbm>> -> memref<1x4x128xi32, #tpu.memory_space<hbm>>
        %dma_start3A_352 = tpu.memref_squeeze %dma_start3A_351 : memref<1x4x128xi32, #tpu.memory_space<hbm>> -> memref<4x128xi32, #tpu.memory_space<hbm>>
        tpu.enqueue_dma source(%dma_start3A_352 : memref<4x128xi32, #tpu.memory_space<hbm>>) target(%dma_start3A_349 : memref<4x128xi32, #tpu.memory_space<vmem>>) target_semaphore(%arg10 : memref<!tpu.dma_semaphore, #tpu.memory_space<semaphore_mem>>)
      } else {
      }
      %dma_wait3A_222 = arith.constant 0 : i32
      %dma_wait3A_223 = arith.constant 0 : i32
      %dma_wait3A_224 = arith.constant 0 : i32
      %dma_wait3A_225 = arith.constant 0 : i32
      %dma_wait3A_226 = tpu.memref_slice %arg7[%rem3A_129, %dma_wait3A_223, %dma_wait3A_224, %dma_wait3A_225] : memref<2x4x128x16xf32, #tpu.memory_space<vmem>> -> memref<1x1x128x16xf32, #tpu.memory_space<vmem>>
      %dma_wait3A_227 = tpu.memref_squeeze %dma_wait3A_226 : memref<1x1x128x16xf32, #tpu.memory_space<vmem>> -> memref<128x16xf32, #tpu.memory_space<vmem>>
      %dma_wait3A_228 = arith.constant 0 : i32
      %dma_wait3A_229 = tpu.memref_slice %arg5[%rem3A_129, %dma_wait3A_222, %dma_wait3A_228] : memref<2x4x128xi32, #tpu.memory_space<vmem>> -> memref<1x1x128xi32, #tpu.memory_space<vmem>>
      %dma_wait3A_230 = tpu.memref_squeeze %dma_wait3A_229 : memref<1x1x128xi32, #tpu.memory_space<vmem>> -> memref<128xi32, #tpu.memory_space<vmem>>
      %dma_wait3A_231 = arith.constant 0 : i32
      %dma_wait3A_232 = arith.constant 0 : i32
      %dma_wait3A_233 = tpu.memref_slice %arg2[%dma_wait3A_231, %dma_wait3A_232] : memref<100352x16xf32, #tpu.memory_space<hbm>> -> memref<100352x16xf32, #tpu.memory_space<hbm>>
      tpu.wait_indirect_dma semaphore(%arg11 : memref<!tpu.dma_semaphore, #tpu.memory_space<semaphore_mem>>) src(%dma_wait3A_233 : memref<100352x16xf32, #tpu.memory_space<hbm>>) dst(%dma_wait3A_227 : memref<128x16xf32, #tpu.memory_space<vmem>>)
      %dma_wait3A_234 = arith.constant 1 : i32
      %dma_wait3A_235 = arith.constant 1 : i32
      %dma_wait3A_236 = arith.constant 0 : i32
      %dma_wait3A_237 = arith.constant 0 : i32
      %dma_wait3A_238 = tpu.memref_slice %arg7[%rem3A_129, %dma_wait3A_235, %dma_wait3A_236, %dma_wait3A_237] : memref<2x4x128x16xf32, #tpu.memory_space<vmem>> -> memref<1x1x128x16xf32, #tpu.memory_space<vmem>>
      %dma_wait3A_239 = tpu.memref_squeeze %dma_wait3A_238 : memref<1x1x128x16xf32, #tpu.memory_space<vmem>> -> memref<128x16xf32, #tpu.memory_space<vmem>>
      %dma_wait3A_240 = arith.constant 0 : i32
      %dma_wait3A_241 = tpu.memref_slice %arg5[%rem3A_129, %dma_wait3A_234, %dma_wait3A_240] : memref<2x4x128xi32, #tpu.memory_space<vmem>> -> memref<1x1x128xi32, #tpu.memory_space<vmem>>
      %dma_wait3A_242 = tpu.memref_squeeze %dma_wait3A_241 : memref<1x1x128xi32, #tpu.memory_space<vmem>> -> memref<128xi32, #tpu.memory_space<vmem>>
      %dma_wait3A_243 = arith.constant 0 : i32
      %dma_wait3A_244 = arith.constant 0 : i32
      %dma_wait3A_245 = tpu.memref_slice %arg2[%dma_wait3A_243, %dma_wait3A_244] : memref<100352x16xf32, #tpu.memory_space<hbm>> -> memref<100352x16xf32, #tpu.memory_space<hbm>>
      tpu.wait_indirect_dma semaphore(%arg11 : memref<!tpu.dma_semaphore, #tpu.memory_space<semaphore_mem>>) src(%dma_wait3A_245 : memref<100352x16xf32, #tpu.memory_space<hbm>>) dst(%dma_wait3A_239 : memref<128x16xf32, #tpu.memory_space<vmem>>)
      %dma_wait3A_246 = arith.constant 2 : i32
      %dma_wait3A_247 = arith.constant 2 : i32
      %dma_wait3A_248 = arith.constant 0 : i32
      %dma_wait3A_249 = arith.constant 0 : i32
      %dma_wait3A_250 = tpu.memref_slice %arg7[%rem3A_129, %dma_wait3A_247, %dma_wait3A_248, %dma_wait3A_249] : memref<2x4x128x16xf32, #tpu.memory_space<vmem>> -> memref<1x1x128x16xf32, #tpu.memory_space<vmem>>
      %dma_wait3A_251 = tpu.memref_squeeze %dma_wait3A_250 : memref<1x1x128x16xf32, #tpu.memory_space<vmem>> -> memref<128x16xf32, #tpu.memory_space<vmem>>
      %dma_wait3A_252 = arith.constant 0 : i32
      %dma_wait3A_253 = tpu.memref_slice %arg5[%rem3A_129, %dma_wait3A_246, %dma_wait3A_252] : memref<2x4x128xi32, #tpu.memory_space<vmem>> -> memref<1x1x128xi32, #tpu.memory_space<vmem>>
      %dma_wait3A_254 = tpu.memref_squeeze %dma_wait3A_253 : memref<1x1x128xi32, #tpu.memory_space<vmem>> -> memref<128xi32, #tpu.memory_space<vmem>>
      %dma_wait3A_255 = arith.constant 0 : i32
      %dma_wait3A_256 = arith.constant 0 : i32
      %dma_wait3A_257 = tpu.memref_slice %arg2[%dma_wait3A_255, %dma_wait3A_256] : memref<100352x16xf32, #tpu.memory_space<hbm>> -> memref<100352x16xf32, #tpu.memory_space<hbm>>
      tpu.wait_indirect_dma semaphore(%arg11 : memref<!tpu.dma_semaphore, #tpu.memory_space<semaphore_mem>>) src(%dma_wait3A_257 : memref<100352x16xf32, #tpu.memory_space<hbm>>) dst(%dma_wait3A_251 : memref<128x16xf32, #tpu.memory_space<vmem>>)
      %dma_wait3A_258 = arith.constant 3 : i32
      %dma_wait3A_259 = arith.constant 3 : i32
      %dma_wait3A_260 = arith.constant 0 : i32
      %dma_wait3A_261 = arith.constant 0 : i32
      %dma_wait3A_262 = tpu.memref_slice %arg7[%rem3A_129, %dma_wait3A_259, %dma_wait3A_260, %dma_wait3A_261] : memref<2x4x128x16xf32, #tpu.memory_space<vmem>> -> memref<1x1x128x16xf32, #tpu.memory_space<vmem>>
      %dma_wait3A_263 = tpu.memref_squeeze %dma_wait3A_262 : memref<1x1x128x16xf32, #tpu.memory_space<vmem>> -> memref<128x16xf32, #tpu.memory_space<vmem>>
      %dma_wait3A_264 = arith.constant 0 : i32
      %dma_wait3A_265 = tpu.memref_slice %arg5[%rem3A_129, %dma_wait3A_258, %dma_wait3A_264] : memref<2x4x128xi32, #tpu.memory_space<vmem>> -> memref<1x1x128xi32, #tpu.memory_space<vmem>>
      %dma_wait3A_266 = tpu.memref_squeeze %dma_wait3A_265 : memref<1x1x128xi32, #tpu.memory_space<vmem>> -> memref<128xi32, #tpu.memory_space<vmem>>
      %dma_wait3A_267 = arith.constant 0 : i32
      %dma_wait3A_268 = arith.constant 0 : i32
      %dma_wait3A_269 = tpu.memref_slice %arg2[%dma_wait3A_267, %dma_wait3A_268] : memref<100352x16xf32, #tpu.memory_space<hbm>> -> memref<100352x16xf32, #tpu.memory_space<hbm>>
      tpu.wait_indirect_dma semaphore(%arg11 : memref<!tpu.dma_semaphore, #tpu.memory_space<semaphore_mem>>) src(%dma_wait3A_269 : memref<100352x16xf32, #tpu.memory_space<hbm>>) dst(%dma_wait3A_263 : memref<128x16xf32, #tpu.memory_space<vmem>>)
      %dma_start3A_270 = arith.constant 0 : i32
      %dma_start3A_271 = arith.constant 0 : i32
      %dma_start3A_272 = arith.constant 0 : i32
      %dma_start3A_273 = arith.constant 0 : i32
      %dma_start3A_274 = tpu.memref_slice %arg7[%rem3A_129, %dma_start3A_270, %dma_start3A_272, %dma_start3A_273] : memref<2x4x128x16xf32, #tpu.memory_space<vmem>> -> memref<1x1x128x16xf32, #tpu.memory_space<vmem>>
      %dma_start3A_275 = tpu.memref_squeeze %dma_start3A_274 : memref<1x1x128x16xf32, #tpu.memory_space<vmem>> -> memref<128x16xf32, #tpu.memory_space<vmem>>
      %dma_start3A_276 = arith.constant 0 : i32
      %dma_start3A_277 = tpu.memref_slice %arg6[%rem3A_129, %dma_start3A_271, %dma_start3A_276] : memref<2x4x128xi32, #tpu.memory_space<vmem>> -> memref<1x1x128xi32, #tpu.memory_space<vmem>>
      %dma_start3A_278 = tpu.memref_squeeze %dma_start3A_277 : memref<1x1x128xi32, #tpu.memory_space<vmem>> -> memref<128xi32, #tpu.memory_space<vmem>>
      %dma_start3A_279 = arith.constant 0 : i32
      %dma_start3A_280 = arith.constant 0 : i32
      %dma_start3A_281 = tpu.memref_slice %arg9[%dma_start3A_279, %dma_start3A_280] : memref<100352x16xf32, #tpu.memory_space<vmem_shared>> -> memref<100352x16xf32, #tpu.memory_space<vmem_shared>>
      tpu.enqueue_indirect_dma source(%dma_start3A_275 : memref<128x16xf32, #tpu.memory_space<vmem>>) target(%dma_start3A_281 : memref<100352x16xf32, #tpu.memory_space<vmem_shared>>) offsets(%dma_start3A_278 : memref<128xi32, #tpu.memory_space<vmem>>) semaphore(%arg12 : memref<!tpu.dma_semaphore, #tpu.memory_space<semaphore_mem>>) {add = true}
      %dma_start3A_282 = arith.constant 1 : i32
      %dma_start3A_283 = arith.constant 1 : i32
      %dma_start3A_284 = arith.constant 0 : i32
      %dma_start3A_285 = arith.constant 0 : i32
      %dma_start3A_286 = tpu.memref_slice %arg7[%rem3A_129, %dma_start3A_282, %dma_start3A_284, %dma_start3A_285] : memref<2x4x128x16xf32, #tpu.memory_space<vmem>> -> memref<1x1x128x16xf32, #tpu.memory_space<vmem>>
      %dma_start3A_287 = tpu.memref_squeeze %dma_start3A_286 : memref<1x1x128x16xf32, #tpu.memory_space<vmem>> -> memref<128x16xf32, #tpu.memory_space<vmem>>
      %dma_start3A_288 = arith.constant 0 : i32
      %dma_start3A_289 = tpu.memref_slice %arg6[%rem3A_129, %dma_start3A_283, %dma_start3A_288] : memref<2x4x128xi32, #tpu.memory_space<vmem>> -> memref<1x1x128xi32, #tpu.memory_space<vmem>>
      %dma_start3A_290 = tpu.memref_squeeze %dma_start3A_289 : memref<1x1x128xi32, #tpu.memory_space<vmem>> -> memref<128xi32, #tpu.memory_space<vmem>>
      %dma_start3A_291 = arith.constant 0 : i32
      %dma_start3A_292 = arith.constant 0 : i32
      %dma_start3A_293 = tpu.memref_slice %arg9[%dma_start3A_291, %dma_start3A_292] : memref<100352x16xf32, #tpu.memory_space<vmem_shared>> -> memref<100352x16xf32, #tpu.memory_space<vmem_shared>>
      tpu.enqueue_indirect_dma source(%dma_start3A_287 : memref<128x16xf32, #tpu.memory_space<vmem>>) target(%dma_start3A_293 : memref<100352x16xf32, #tpu.memory_space<vmem_shared>>) offsets(%dma_start3A_290 : memref<128xi32, #tpu.memory_space<vmem>>) semaphore(%arg12 : memref<!tpu.dma_semaphore, #tpu.memory_space<semaphore_mem>>) {add = true}
      %dma_start3A_294 = arith.constant 2 : i32
      %dma_start3A_295 = arith.constant 2 : i32
      %dma_start3A_296 = arith.constant 0 : i32
      %dma_start3A_297 = arith.constant 0 : i32
      %dma_start3A_298 = tpu.memref_slice %arg7[%rem3A_129, %dma_start3A_294, %dma_start3A_296, %dma_start3A_297] : memref<2x4x128x16xf32, #tpu.memory_space<vmem>> -> memref<1x1x128x16xf32, #tpu.memory_space<vmem>>
      %dma_start3A_299 = tpu.memref_squeeze %dma_start3A_298 : memref<1x1x128x16xf32, #tpu.memory_space<vmem>> -> memref<128x16xf32, #tpu.memory_space<vmem>>
      %dma_start3A_300 = arith.constant 0 : i32
      %dma_start3A_301 = tpu.memref_slice %arg6[%rem3A_129, %dma_start3A_295, %dma_start3A_300] : memref<2x4x128xi32, #tpu.memory_space<vmem>> -> memref<1x1x128xi32, #tpu.memory_space<vmem>>
      %dma_start3A_302 = tpu.memref_squeeze %dma_start3A_301 : memref<1x1x128xi32, #tpu.memory_space<vmem>> -> memref<128xi32, #tpu.memory_space<vmem>>
      %dma_start3A_303 = arith.constant 0 : i32
      %dma_start3A_304 = arith.constant 0 : i32
      %dma_start3A_305 = tpu.memref_slice %arg9[%dma_start3A_303, %dma_start3A_304] : memref<100352x16xf32, #tpu.memory_space<vmem_shared>> -> memref<100352x16xf32, #tpu.memory_space<vmem_shared>>
      tpu.enqueue_indirect_dma source(%dma_start3A_299 : memref<128x16xf32, #tpu.memory_space<vmem>>) target(%dma_start3A_305 : memref<100352x16xf32, #tpu.memory_space<vmem_shared>>) offsets(%dma_start3A_302 : memref<128xi32, #tpu.memory_space<vmem>>) semaphore(%arg12 : memref<!tpu.dma_semaphore, #tpu.memory_space<semaphore_mem>>) {add = true}
      %dma_start3A_306 = arith.constant 3 : i32
      %dma_start3A_307 = arith.constant 3 : i32
      %dma_start3A_308 = arith.constant 0 : i32
      %dma_start3A_309 = arith.constant 0 : i32
      %dma_start3A_310 = tpu.memref_slice %arg7[%rem3A_129, %dma_start3A_306, %dma_start3A_308, %dma_start3A_309] : memref<2x4x128x16xf32, #tpu.memory_space<vmem>> -> memref<1x1x128x16xf32, #tpu.memory_space<vmem>>
      %dma_start3A_311 = tpu.memref_squeeze %dma_start3A_310 : memref<1x1x128x16xf32, #tpu.memory_space<vmem>> -> memref<128x16xf32, #tpu.memory_space<vmem>>
      %dma_start3A_312 = arith.constant 0 : i32
      %dma_start3A_313 = tpu.memref_slice %arg6[%rem3A_129, %dma_start3A_307, %dma_start3A_312] : memref<2x4x128xi32, #tpu.memory_space<vmem>> -> memref<1x1x128xi32, #tpu.memory_space<vmem>>
      %dma_start3A_314 = tpu.memref_squeeze %dma_start3A_313 : memref<1x1x128xi32, #tpu.memory_space<vmem>> -> memref<128xi32, #tpu.memory_space<vmem>>
      %dma_start3A_315 = arith.constant 0 : i32
      %dma_start3A_316 = arith.constant 0 : i32
      %dma_start3A_317 = tpu.memref_slice %arg9[%dma_start3A_315, %dma_start3A_316] : memref<100352x16xf32, #tpu.memory_space<vmem_shared>> -> memref<100352x16xf32, #tpu.memory_space<vmem_shared>>
      tpu.enqueue_indirect_dma source(%dma_start3A_311 : memref<128x16xf32, #tpu.memory_space<vmem>>) target(%dma_start3A_317 : memref<100352x16xf32, #tpu.memory_space<vmem_shared>>) offsets(%dma_start3A_314 : memref<128xi32, #tpu.memory_space<vmem>>) semaphore(%arg12 : memref<!tpu.dma_semaphore, #tpu.memory_space<semaphore_mem>>) {add = true}
    }
    %scan3A_58 = arith.constant 195 : i32
    %dma_wait3A = arith.constant 0 : i32
    %dma_wait3A_59 = arith.constant 0 : i32
    %dma_wait3A_60 = arith.constant 0 : i32
    %dma_wait3A_61 = arith.constant 0 : i32
    %dma_wait3A_62 = arith.constant 0 : i32
    %dma_wait3A_63 = arith.constant 0 : i32
    %dma_wait3A_64 = tpu.memref_slice %arg7[%dma_wait3A, %dma_wait3A_59, %dma_wait3A_62, %dma_wait3A_63] : memref<2x4x128x16xf32, #tpu.memory_space<vmem>> -> memref<1x1x128x16xf32, #tpu.memory_space<vmem>>
    %dma_wait3A_65 = tpu.memref_squeeze %dma_wait3A_64 : memref<1x1x128x16xf32, #tpu.memory_space<vmem>> -> memref<128x16xf32, #tpu.memory_space<vmem>>
    %dma_wait3A_66 = arith.constant 0 : i32
    %dma_wait3A_67 = tpu.memref_slice %arg6[%dma_wait3A_60, %dma_wait3A_61, %dma_wait3A_66] : memref<2x4x128xi32, #tpu.memory_space<vmem>> -> memref<1x1x128xi32, #tpu.memory_space<vmem>>
    %dma_wait3A_68 = tpu.memref_squeeze %dma_wait3A_67 : memref<1x1x128xi32, #tpu.memory_space<vmem>> -> memref<128xi32, #tpu.memory_space<vmem>>
    %dma_wait3A_69 = arith.constant 0 : i32
    %dma_wait3A_70 = arith.constant 0 : i32
    %dma_wait3A_71 = tpu.memref_slice %arg9[%dma_wait3A_69, %dma_wait3A_70] : memref<100352x16xf32, #tpu.memory_space<vmem_shared>> -> memref<100352x16xf32, #tpu.memory_space<vmem_shared>>
    tpu.wait_indirect_dma semaphore(%arg12 : memref<!tpu.dma_semaphore, #tpu.memory_space<semaphore_mem>>) src(%dma_wait3A_65 : memref<128x16xf32, #tpu.memory_space<vmem>>) dst(%dma_wait3A_71 : memref<100352x16xf32, #tpu.memory_space<vmem_shared>>)
    %dma_wait3A_72 = arith.constant 0 : i32
    %dma_wait3A_73 = arith.constant 1 : i32
    %dma_wait3A_74 = arith.constant 0 : i32
    %dma_wait3A_75 = arith.constant 1 : i32
    %dma_wait3A_76 = arith.constant 0 : i32
    %dma_wait3A_77 = arith.constant 0 : i32
    %dma_wait3A_78 = tpu.memref_slice %arg7[%dma_wait3A_72, %dma_wait3A_73, %dma_wait3A_76, %dma_wait3A_77] : memref<2x4x128x16xf32, #tpu.memory_space<vmem>> -> memref<1x1x128x16xf32, #tpu.memory_space<vmem>>
    %dma_wait3A_79 = tpu.memref_squeeze %dma_wait3A_78 : memref<1x1x128x16xf32, #tpu.memory_space<vmem>> -> memref<128x16xf32, #tpu.memory_space<vmem>>
    %dma_wait3A_80 = arith.constant 0 : i32
    %dma_wait3A_81 = tpu.memref_slice %arg6[%dma_wait3A_74, %dma_wait3A_75, %dma_wait3A_80] : memref<2x4x128xi32, #tpu.memory_space<vmem>> -> memref<1x1x128xi32, #tpu.memory_space<vmem>>
    %dma_wait3A_82 = tpu.memref_squeeze %dma_wait3A_81 : memref<1x1x128xi32, #tpu.memory_space<vmem>> -> memref<128xi32, #tpu.memory_space<vmem>>
    %dma_wait3A_83 = arith.constant 0 : i32
    %dma_wait3A_84 = arith.constant 0 : i32
    %dma_wait3A_85 = tpu.memref_slice %arg9[%dma_wait3A_83, %dma_wait3A_84] : memref<100352x16xf32, #tpu.memory_space<vmem_shared>> -> memref<100352x16xf32, #tpu.memory_space<vmem_shared>>
    tpu.wait_indirect_dma semaphore(%arg12 : memref<!tpu.dma_semaphore, #tpu.memory_space<semaphore_mem>>) src(%dma_wait3A_79 : memref<128x16xf32, #tpu.memory_space<vmem>>) dst(%dma_wait3A_85 : memref<100352x16xf32, #tpu.memory_space<vmem_shared>>)
    %dma_wait3A_86 = arith.constant 0 : i32
    %dma_wait3A_87 = arith.constant 2 : i32
    %dma_wait3A_88 = arith.constant 0 : i32
    %dma_wait3A_89 = arith.constant 2 : i32
    %dma_wait3A_90 = arith.constant 0 : i32
    %dma_wait3A_91 = arith.constant 0 : i32
    %dma_wait3A_92 = tpu.memref_slice %arg7[%dma_wait3A_86, %dma_wait3A_87, %dma_wait3A_90, %dma_wait3A_91] : memref<2x4x128x16xf32, #tpu.memory_space<vmem>> -> memref<1x1x128x16xf32, #tpu.memory_space<vmem>>
    %dma_wait3A_93 = tpu.memref_squeeze %dma_wait3A_92 : memref<1x1x128x16xf32, #tpu.memory_space<vmem>> -> memref<128x16xf32, #tpu.memory_space<vmem>>
    %dma_wait3A_94 = arith.constant 0 : i32
    %dma_wait3A_95 = tpu.memref_slice %arg6[%dma_wait3A_88, %dma_wait3A_89, %dma_wait3A_94] : memref<2x4x128xi32, #tpu.memory_space<vmem>> -> memref<1x1x128xi32, #tpu.memory_space<vmem>>
    %dma_wait3A_96 = tpu.memref_squeeze %dma_wait3A_95 : memref<1x1x128xi32, #tpu.memory_space<vmem>> -> memref<128xi32, #tpu.memory_space<vmem>>
    %dma_wait3A_97 = arith.constant 0 : i32
    %dma_wait3A_98 = arith.constant 0 : i32
    %dma_wait3A_99 = tpu.memref_slice %arg9[%dma_wait3A_97, %dma_wait3A_98] : memref<100352x16xf32, #tpu.memory_space<vmem_shared>> -> memref<100352x16xf32, #tpu.memory_space<vmem_shared>>
    tpu.wait_indirect_dma semaphore(%arg12 : memref<!tpu.dma_semaphore, #tpu.memory_space<semaphore_mem>>) src(%dma_wait3A_93 : memref<128x16xf32, #tpu.memory_space<vmem>>) dst(%dma_wait3A_99 : memref<100352x16xf32, #tpu.memory_space<vmem_shared>>)
    %dma_wait3A_100 = arith.constant 0 : i32
    %dma_wait3A_101 = arith.constant 3 : i32
    %dma_wait3A_102 = arith.constant 0 : i32
    %dma_wait3A_103 = arith.constant 3 : i32
    %dma_wait3A_104 = arith.constant 0 : i32
    %dma_wait3A_105 = arith.constant 0 : i32
    %dma_wait3A_106 = tpu.memref_slice %arg7[%dma_wait3A_100, %dma_wait3A_101, %dma_wait3A_104, %dma_wait3A_105] : memref<2x4x128x16xf32, #tpu.memory_space<vmem>> -> memref<1x1x128x16xf32, #tpu.memory_space<vmem>>
    %dma_wait3A_107 = tpu.memref_squeeze %dma_wait3A_106 : memref<1x1x128x16xf32, #tpu.memory_space<vmem>> -> memref<128x16xf32, #tpu.memory_space<vmem>>
    %dma_wait3A_108 = arith.constant 0 : i32
    %dma_wait3A_109 = tpu.memref_slice %arg6[%dma_wait3A_102, %dma_wait3A_103, %dma_wait3A_108] : memref<2x4x128xi32, #tpu.memory_space<vmem>> -> memref<1x1x128xi32, #tpu.memory_space<vmem>>
    %dma_wait3A_110 = tpu.memref_squeeze %dma_wait3A_109 : memref<1x1x128xi32, #tpu.memory_space<vmem>> -> memref<128xi32, #tpu.memory_space<vmem>>
    %dma_wait3A_111 = arith.constant 0 : i32
    %dma_wait3A_112 = arith.constant 0 : i32
    %dma_wait3A_113 = tpu.memref_slice %arg9[%dma_wait3A_111, %dma_wait3A_112] : memref<100352x16xf32, #tpu.memory_space<vmem_shared>> -> memref<100352x16xf32, #tpu.memory_space<vmem_shared>>
    tpu.wait_indirect_dma semaphore(%arg12 : memref<!tpu.dma_semaphore, #tpu.memory_space<semaphore_mem>>) src(%dma_wait3A_107 : memref<128x16xf32, #tpu.memory_space<vmem>>) dst(%dma_wait3A_113 : memref<100352x16xf32, #tpu.memory_space<vmem_shared>>)
    %while3A = arith.constant 0 : i32
    %while3A_114 = arith.constant 0 : i32
    %while3A_115 = arith.subi %add3A_19, %while3A_114 : i32
    %while3A_116 = arith.addi %while3A_114, %while3A_115 : i32
    %while3A_117 = arith.constant 1 : i32
    %while3A_118 = arith.divsi %while3A_115, %while3A_117 : i32
    %while3A_119 = arith.muli %while3A_118, %while3A_117 : i32
    %while3A_120 = arith.addi %while3A_114, %while3A_119 : i32
    %while3A_121 = arith.constant 1 : i32
    scf.for %while3A_128 = %while3A_114 to %while3A_120 step %while3A_121  : i32 {
      %add3A_129 = arith.constant 780 : i32
      %add3A_130 = arith.addi %add3A_15, %add3A_129 : i32
      %add3A_131 = arith.addi %add3A_130, %while3A_128 : i32
      %run_scoped3A = arith.constant 0 : i32
      %run_scoped3A_132 = arith.constant 0 : i32
      "tpu.region"() ({
        %run_scoped3A_167 = tpu.sem_alloc : memref<!tpu.dma_semaphore, #tpu.memory_space<semaphore_mem>>
        %dma_start3A_168 = arith.constant 0 : i32
        %dma_start3A_169 = arith.constant 0 : i32
        %dma_start3A_170 = tpu.memref_slice %arg5[%run_scoped3A_132, %dma_start3A_168, %dma_start3A_169] : memref<2x4x128xi32, #tpu.memory_space<vmem>> -> memref<1x1x128xi32, #tpu.memory_space<vmem>>
        %dma_start3A_171 = tpu.memref_squeeze %dma_start3A_170 : memref<1x1x128xi32, #tpu.memory_space<vmem>> -> memref<1x128xi32, #tpu.memory_space<vmem>>
        %dma_start3A_172 = arith.constant 0 : i32
        %dma_start3A_173 = tpu.memref_slice %arg3[%run_scoped3A, %add3A_131, %dma_start3A_172] : memref<2x25000x128xi32, #tpu.memory_space<hbm>> -> memref<1x1x128xi32, #tpu.memory_space<hbm>>
        %dma_start3A_174 = tpu.memref_squeeze %dma_start3A_173 : memref<1x1x128xi32, #tpu.memory_space<hbm>> -> memref<1x128xi32, #tpu.memory_space<hbm>>
        %dma_start3A_175 = arith.constant 0 : i32
        %dma_start3A_176 = arith.constant 0 : i32
        %dma_start3A_177 = tpu.memref_slice %arg5[%run_scoped3A_132, %dma_start3A_175, %dma_start3A_176] : memref<2x4x128xi32, #tpu.memory_space<vmem>> -> memref<1x1x128xi32, #tpu.memory_space<vmem>>
        %dma_start3A_178 = tpu.memref_squeeze %dma_start3A_177 : memref<1x1x128xi32, #tpu.memory_space<vmem>> -> memref<1x128xi32, #tpu.memory_space<vmem>>
        %dma_start3A_179 = arith.constant 0 : i32
        %dma_start3A_180 = tpu.memref_slice %arg3[%run_scoped3A, %add3A_131, %dma_start3A_179] : memref<2x25000x128xi32, #tpu.memory_space<hbm>> -> memref<1x1x128xi32, #tpu.memory_space<hbm>>
        %dma_start3A_181 = tpu.memref_squeeze %dma_start3A_180 : memref<1x1x128xi32, #tpu.memory_space<hbm>> -> memref<1x128xi32, #tpu.memory_space<hbm>>
        tpu.enqueue_dma source(%dma_start3A_181 : memref<1x128xi32, #tpu.memory_space<hbm>>) target(%dma_start3A_178 : memref<1x128xi32, #tpu.memory_space<vmem>>) target_semaphore(%run_scoped3A_167 : memref<!tpu.dma_semaphore, #tpu.memory_space<semaphore_mem>>)
        %dma_wait3A_182 = arith.constant 0 : i32
        %dma_wait3A_183 = arith.constant 0 : i32
        %dma_wait3A_184 = tpu.memref_slice %arg5[%run_scoped3A_132, %dma_wait3A_182, %dma_wait3A_183] : memref<2x4x128xi32, #tpu.memory_space<vmem>> -> memref<1x1x128xi32, #tpu.memory_space<vmem>>
        %dma_wait3A_185 = tpu.memref_squeeze %dma_wait3A_184 : memref<1x1x128xi32, #tpu.memory_space<vmem>> -> memref<1x128xi32, #tpu.memory_space<vmem>>
        %dma_wait3A_186 = arith.constant 0 : i32
        %dma_wait3A_187 = tpu.memref_slice %arg3[%run_scoped3A, %add3A_131, %dma_wait3A_186] : memref<2x25000x128xi32, #tpu.memory_space<hbm>> -> memref<1x1x128xi32, #tpu.memory_space<hbm>>
        %dma_wait3A_188 = tpu.memref_squeeze %dma_wait3A_187 : memref<1x1x128xi32, #tpu.memory_space<hbm>> -> memref<1x128xi32, #tpu.memory_space<hbm>>
        %dma_wait3A_189 = arith.constant 0 : i32
        %dma_wait3A_190 = arith.constant 0 : i32
        %dma_wait3A_191 = tpu.memref_slice %arg5[%run_scoped3A_132, %dma_wait3A_189, %dma_wait3A_190] : memref<2x4x128xi32, #tpu.memory_space<vmem>> -> memref<1x1x128xi32, #tpu.memory_space<vmem>>
        %dma_wait3A_192 = tpu.memref_squeeze %dma_wait3A_191 : memref<1x1x128xi32, #tpu.memory_space<vmem>> -> memref<1x128xi32, #tpu.memory_space<vmem>>
        %dma_wait3A_193 = arith.constant 0 : i32
        %dma_wait3A_194 = tpu.memref_slice %arg3[%run_scoped3A, %add3A_131, %dma_wait3A_193] : memref<2x25000x128xi32, #tpu.memory_space<hbm>> -> memref<1x1x128xi32, #tpu.memory_space<hbm>>
        %dma_wait3A_195 = tpu.memref_squeeze %dma_wait3A_194 : memref<1x1x128xi32, #tpu.memory_space<hbm>> -> memref<1x128xi32, #tpu.memory_space<hbm>>
        tpu.wait_dma2 semaphore(%run_scoped3A_167 : memref<!tpu.dma_semaphore, #tpu.memory_space<semaphore_mem>>) src(%dma_wait3A_195 : memref<1x128xi32, #tpu.memory_space<hbm>>) dst(%dma_wait3A_192 : memref<1x128xi32, #tpu.memory_space<vmem>>)
        tpu.yield
      }) : () -> ()
      %run_scoped3A_133 = arith.constant 1 : i32
      %run_scoped3A_134 = arith.constant 0 : i32
      "tpu.region"() ({
        %run_scoped3A_167 = tpu.sem_alloc : memref<!tpu.dma_semaphore, #tpu.memory_space<semaphore_mem>>
        %dma_start3A_168 = arith.constant 0 : i32
        %dma_start3A_169 = arith.constant 0 : i32
        %dma_start3A_170 = tpu.memref_slice %arg6[%run_scoped3A_134, %dma_start3A_168, %dma_start3A_169] : memref<2x4x128xi32, #tpu.memory_space<vmem>> -> memref<1x1x128xi32, #tpu.memory_space<vmem>>
        %dma_start3A_171 = tpu.memref_squeeze %dma_start3A_170 : memref<1x1x128xi32, #tpu.memory_space<vmem>> -> memref<1x128xi32, #tpu.memory_space<vmem>>
        %dma_start3A_172 = arith.constant 0 : i32
        %dma_start3A_173 = tpu.memref_slice %arg3[%run_scoped3A_133, %add3A_131, %dma_start3A_172] : memref<2x25000x128xi32, #tpu.memory_space<hbm>> -> memref<1x1x128xi32, #tpu.memory_space<hbm>>
        %dma_start3A_174 = tpu.memref_squeeze %dma_start3A_173 : memref<1x1x128xi32, #tpu.memory_space<hbm>> -> memref<1x128xi32, #tpu.memory_space<hbm>>
        %dma_start3A_175 = arith.constant 0 : i32
        %dma_start3A_176 = arith.constant 0 : i32
        %dma_start3A_177 = tpu.memref_slice %arg6[%run_scoped3A_134, %dma_start3A_175, %dma_start3A_176] : memref<2x4x128xi32, #tpu.memory_space<vmem>> -> memref<1x1x128xi32, #tpu.memory_space<vmem>>
        %dma_start3A_178 = tpu.memref_squeeze %dma_start3A_177 : memref<1x1x128xi32, #tpu.memory_space<vmem>> -> memref<1x128xi32, #tpu.memory_space<vmem>>
        %dma_start3A_179 = arith.constant 0 : i32
        %dma_start3A_180 = tpu.memref_slice %arg3[%run_scoped3A_133, %add3A_131, %dma_start3A_179] : memref<2x25000x128xi32, #tpu.memory_space<hbm>> -> memref<1x1x128xi32, #tpu.memory_space<hbm>>
        %dma_start3A_181 = tpu.memref_squeeze %dma_start3A_180 : memref<1x1x128xi32, #tpu.memory_space<hbm>> -> memref<1x128xi32, #tpu.memory_space<hbm>>
        tpu.enqueue_dma source(%dma_start3A_181 : memref<1x128xi32, #tpu.memory_space<hbm>>) target(%dma_start3A_178 : memref<1x128xi32, #tpu.memory_space<vmem>>) target_semaphore(%run_scoped3A_167 : memref<!tpu.dma_semaphore, #tpu.memory_space<semaphore_mem>>)
        %dma_wait3A_182 = arith.constant 0 : i32
        %dma_wait3A_183 = arith.constant 0 : i32
        %dma_wait3A_184 = tpu.memref_slice %arg6[%run_scoped3A_134, %dma_wait3A_182, %dma_wait3A_183] : memref<2x4x128xi32, #tpu.memory_space<vmem>> -> memref<1x1x128xi32, #tpu.memory_space<vmem>>
        %dma_wait3A_185 = tpu.memref_squeeze %dma_wait3A_184 : memref<1x1x128xi32, #tpu.memory_space<vmem>> -> memref<1x128xi32, #tpu.memory_space<vmem>>
        %dma_wait3A_186 = arith.constant 0 : i32
        %dma_wait3A_187 = tpu.memref_slice %arg3[%run_scoped3A_133, %add3A_131, %dma_wait3A_186] : memref<2x25000x128xi32, #tpu.memory_space<hbm>> -> memref<1x1x128xi32, #tpu.memory_space<hbm>>
        %dma_wait3A_188 = tpu.memref_squeeze %dma_wait3A_187 : memref<1x1x128xi32, #tpu.memory_space<hbm>> -> memref<1x128xi32, #tpu.memory_space<hbm>>
        %dma_wait3A_189 = arith.constant 0 : i32
        %dma_wait3A_190 = arith.constant 0 : i32
        %dma_wait3A_191 = tpu.memref_slice %arg6[%run_scoped3A_134, %dma_wait3A_189, %dma_wait3A_190] : memref<2x4x128xi32, #tpu.memory_space<vmem>> -> memref<1x1x128xi32, #tpu.memory_space<vmem>>
        %dma_wait3A_192 = tpu.memref_squeeze %dma_wait3A_191 : memref<1x1x128xi32, #tpu.memory_space<vmem>> -> memref<1x128xi32, #tpu.memory_space<vmem>>
        %dma_wait3A_193 = arith.constant 0 : i32
        %dma_wait3A_194 = tpu.memref_slice %arg3[%run_scoped3A_133, %add3A_131, %dma_wait3A_193] : memref<2x25000x128xi32, #tpu.memory_space<hbm>> -> memref<1x1x128xi32, #tpu.memory_space<hbm>>
        %dma_wait3A_195 = tpu.memref_squeeze %dma_wait3A_194 : memref<1x1x128xi32, #tpu.memory_space<hbm>> -> memref<1x128xi32, #tpu.memory_space<hbm>>
        tpu.wait_dma2 semaphore(%run_scoped3A_167 : memref<!tpu.dma_semaphore, #tpu.memory_space<semaphore_mem>>) src(%dma_wait3A_195 : memref<1x128xi32, #tpu.memory_space<hbm>>) dst(%dma_wait3A_192 : memref<1x128xi32, #tpu.memory_space<vmem>>)
        tpu.yield
      }) : () -> ()
      %dma_start3A_135 = arith.constant 0 : i32
      %dma_start3A_136 = arith.constant 0 : i32
      %dma_start3A_137 = arith.constant 0 : i32
      %dma_start3A_138 = arith.constant 0 : i32
      %dma_start3A_139 = arith.constant 0 : i32
      %dma_start3A_140 = arith.constant 0 : i32
      %dma_start3A_141 = tpu.memref_slice %arg7[%dma_start3A_137, %dma_start3A_138, %dma_start3A_139, %dma_start3A_140] : memref<2x4x128x16xf32, #tpu.memory_space<vmem>> -> memref<1x1x128x16xf32, #tpu.memory_space<vmem>>
      %dma_start3A_142 = tpu.memref_squeeze %dma_start3A_141 : memref<1x1x128x16xf32, #tpu.memory_space<vmem>> -> memref<128x16xf32, #tpu.memory_space<vmem>>
      %dma_start3A_143 = arith.constant 0 : i32
      %dma_start3A_144 = tpu.memref_slice %arg5[%dma_start3A_135, %dma_start3A_136, %dma_start3A_143] : memref<2x4x128xi32, #tpu.memory_space<vmem>> -> memref<1x1x128xi32, #tpu.memory_space<vmem>>
      %dma_start3A_145 = tpu.memref_squeeze %dma_start3A_144 : memref<1x1x128xi32, #tpu.memory_space<vmem>> -> memref<128xi32, #tpu.memory_space<vmem>>
      %dma_start3A_146 = arith.constant 0 : i32
      %dma_start3A_147 = arith.constant 0 : i32
      %dma_start3A_148 = tpu.memref_slice %arg2[%dma_start3A_146, %dma_start3A_147] : memref<100352x16xf32, #tpu.memory_space<hbm>> -> memref<100352x16xf32, #tpu.memory_space<hbm>>
      tpu.enqueue_indirect_dma source(%dma_start3A_148 : memref<100352x16xf32, #tpu.memory_space<hbm>>) target(%dma_start3A_142 : memref<128x16xf32, #tpu.memory_space<vmem>>) offsets(%dma_start3A_145 : memref<128xi32, #tpu.memory_space<vmem>>) semaphore(%arg11 : memref<!tpu.dma_semaphore, #tpu.memory_space<semaphore_mem>>)
      %dma_wait3A_149 = arith.constant 0 : i32
      %dma_wait3A_150 = arith.constant 0 : i32
      %dma_wait3A_151 = arith.constant 0 : i32
      %dma_wait3A_152 = arith.constant 0 : i32
      %dma_wait3A_153 = arith.constant 0 : i32
      %dma_wait3A_154 = arith.constant 0 : i32
      %dma_wait3A_155 = tpu.memref_slice %arg7[%dma_wait3A_151, %dma_wait3A_152, %dma_wait3A_153, %dma_wait3A_154] : memref<2x4x128x16xf32, #tpu.memory_space<vmem>> -> memref<1x1x128x16xf32, #tpu.memory_space<vmem>>
      %dma_wait3A_156 = tpu.memref_squeeze %dma_wait3A_155 : memref<1x1x128x16xf32, #tpu.memory_space<vmem>> -> memref<128x16xf32, #tpu.memory_space<vmem>>
      %dma_wait3A_157 = arith.constant 0 : i32
      %dma_wait3A_158 = tpu.memref_slice %arg5[%dma_wait3A_149, %dma_wait3A_150, %dma_wait3A_157] : memref<2x4x128xi32, #tpu.memory_space<vmem>> -> memref<1x1x128xi32, #tpu.memory_space<vmem>>
      %dma_wait3A_159 = tpu.memref_squeeze %dma_wait3A_158 : memref<1x1x128xi32, #tpu.memory_space<vmem>> -> memref<128xi32, #tpu.memory_space<vmem>>
      %dma_wait3A_160 = arith.constant 0 : i32
      %dma_wait3A_161 = arith.constant 0 : i32
      %dma_wait3A_162 = tpu.memref_slice %arg2[%dma_wait3A_160, %dma_wait3A_161] : memref<100352x16xf32, #tpu.memory_space<hbm>> -> memref<100352x16xf32, #tpu.memory_space<hbm>>
      tpu.wait_indirect_dma semaphore(%arg11 : memref<!tpu.dma_semaphore, #tpu.memory_space<semaphore_mem>>) src(%dma_wait3A_162 : memref<100352x16xf32, #tpu.memory_space<hbm>>) dst(%dma_wait3A_156 : memref<128x16xf32, #tpu.memory_space<vmem>>)
      %run_scoped3A_163 = arith.constant 0 : i32
      %run_scoped3A_164 = arith.constant 0 : i32
      %run_scoped3A_165 = arith.constant 0 : i32
      %run_scoped3A_166 = arith.constant 0 : i32
      "tpu.region"() ({
        %run_scoped3A_167 = tpu.sem_alloc : memref<!tpu.dma_semaphore, #tpu.memory_space<semaphore_mem>>
        %dma_start3A_168 = arith.constant 0 : i32
        %dma_start3A_169 = arith.constant 0 : i32
        %dma_start3A_170 = tpu.memref_slice %arg7[%run_scoped3A_163, %run_scoped3A_164, %dma_start3A_168, %dma_start3A_169] : memref<2x4x128x16xf32, #tpu.memory_space<vmem>> -> memref<1x1x128x16xf32, #tpu.memory_space<vmem>>
        %dma_start3A_171 = tpu.memref_squeeze %dma_start3A_170 : memref<1x1x128x16xf32, #tpu.memory_space<vmem>> -> memref<128x16xf32, #tpu.memory_space<vmem>>
        %dma_start3A_172 = arith.constant 0 : i32
        %dma_start3A_173 = tpu.memref_slice %arg6[%run_scoped3A_165, %run_scoped3A_166, %dma_start3A_172] : memref<2x4x128xi32, #tpu.memory_space<vmem>> -> memref<1x1x128xi32, #tpu.memory_space<vmem>>
        %dma_start3A_174 = tpu.memref_squeeze %dma_start3A_173 : memref<1x1x128xi32, #tpu.memory_space<vmem>> -> memref<128xi32, #tpu.memory_space<vmem>>
        %dma_start3A_175 = arith.constant 0 : i32
        %dma_start3A_176 = arith.constant 0 : i32
        %dma_start3A_177 = tpu.memref_slice %arg9[%dma_start3A_175, %dma_start3A_176] : memref<100352x16xf32, #tpu.memory_space<vmem_shared>> -> memref<100352x16xf32, #tpu.memory_space<vmem_shared>>
        tpu.enqueue_indirect_dma source(%dma_start3A_171 : memref<128x16xf32, #tpu.memory_space<vmem>>) target(%dma_start3A_177 : memref<100352x16xf32, #tpu.memory_space<vmem_shared>>) offsets(%dma_start3A_174 : memref<128xi32, #tpu.memory_space<vmem>>) semaphore(%run_scoped3A_167 : memref<!tpu.dma_semaphore, #tpu.memory_space<semaphore_mem>>) {add = true}
        %dma_wait3A_178 = arith.constant 0 : i32
        %dma_wait3A_179 = arith.constant 0 : i32
        %dma_wait3A_180 = tpu.memref_slice %arg7[%run_scoped3A_163, %run_scoped3A_164, %dma_wait3A_178, %dma_wait3A_179] : memref<2x4x128x16xf32, #tpu.memory_space<vmem>> -> memref<1x1x128x16xf32, #tpu.memory_space<vmem>>
        %dma_wait3A_181 = tpu.memref_squeeze %dma_wait3A_180 : memref<1x1x128x16xf32, #tpu.memory_space<vmem>> -> memref<128x16xf32, #tpu.memory_space<vmem>>
        %dma_wait3A_182 = arith.constant 0 : i32
        %dma_wait3A_183 = tpu.memref_slice %arg6[%run_scoped3A_165, %run_scoped3A_166, %dma_wait3A_182] : memref<2x4x128xi32, #tpu.memory_space<vmem>> -> memref<1x1x128xi32, #tpu.memory_space<vmem>>
        %dma_wait3A_184 = tpu.memref_squeeze %dma_wait3A_183 : memref<1x1x128xi32, #tpu.memory_space<vmem>> -> memref<128xi32, #tpu.memory_space<vmem>>
        %dma_wait3A_185 = arith.constant 0 : i32
        %dma_wait3A_186 = arith.constant 0 : i32
        %dma_wait3A_187 = tpu.memref_slice %arg9[%dma_wait3A_185, %dma_wait3A_186] : memref<100352x16xf32, #tpu.memory_space<vmem_shared>> -> memref<100352x16xf32, #tpu.memory_space<vmem_shared>>
        tpu.wait_indirect_dma semaphore(%run_scoped3A_167 : memref<!tpu.dma_semaphore, #tpu.memory_space<semaphore_mem>>) src(%dma_wait3A_181 : memref<128x16xf32, #tpu.memory_space<vmem>>) dst(%dma_wait3A_187 : memref<100352x16xf32, #tpu.memory_space<vmem_shared>>)
        tpu.yield
      }) : () -> ()
    }
    %while3A_122 = arith.constant 1 : i32
    scf.for %while3A_128 = %while3A_120 to %while3A_116 step %while3A_122  : i32 {
      %add3A_129 = arith.constant 780 : i32
      %add3A_130 = arith.addi %add3A_15, %add3A_129 : i32
      %add3A_131 = arith.addi %add3A_130, %while3A_128 : i32
      %run_scoped3A = arith.constant 0 : i32
      %run_scoped3A_132 = arith.constant 0 : i32
      "tpu.region"() ({
        %run_scoped3A_167 = tpu.sem_alloc : memref<!tpu.dma_semaphore, #tpu.memory_space<semaphore_mem>>
        %dma_start3A_168 = arith.constant 0 : i32
        %dma_start3A_169 = arith.constant 0 : i32
        %dma_start3A_170 = tpu.memref_slice %arg5[%run_scoped3A_132, %dma_start3A_168, %dma_start3A_169] : memref<2x4x128xi32, #tpu.memory_space<vmem>> -> memref<1x1x128xi32, #tpu.memory_space<vmem>>
        %dma_start3A_171 = tpu.memref_squeeze %dma_start3A_170 : memref<1x1x128xi32, #tpu.memory_space<vmem>> -> memref<1x128xi32, #tpu.memory_space<vmem>>
        %dma_start3A_172 = arith.constant 0 : i32
        %dma_start3A_173 = tpu.memref_slice %arg3[%run_scoped3A, %add3A_131, %dma_start3A_172] : memref<2x25000x128xi32, #tpu.memory_space<hbm>> -> memref<1x1x128xi32, #tpu.memory_space<hbm>>
        %dma_start3A_174 = tpu.memref_squeeze %dma_start3A_173 : memref<1x1x128xi32, #tpu.memory_space<hbm>> -> memref<1x128xi32, #tpu.memory_space<hbm>>
        %dma_start3A_175 = arith.constant 0 : i32
        %dma_start3A_176 = arith.constant 0 : i32
        %dma_start3A_177 = tpu.memref_slice %arg5[%run_scoped3A_132, %dma_start3A_175, %dma_start3A_176] : memref<2x4x128xi32, #tpu.memory_space<vmem>> -> memref<1x1x128xi32, #tpu.memory_space<vmem>>
        %dma_start3A_178 = tpu.memref_squeeze %dma_start3A_177 : memref<1x1x128xi32, #tpu.memory_space<vmem>> -> memref<1x128xi32, #tpu.memory_space<vmem>>
        %dma_start3A_179 = arith.constant 0 : i32
        %dma_start3A_180 = tpu.memref_slice %arg3[%run_scoped3A, %add3A_131, %dma_start3A_179] : memref<2x25000x128xi32, #tpu.memory_space<hbm>> -> memref<1x1x128xi32, #tpu.memory_space<hbm>>
        %dma_start3A_181 = tpu.memref_squeeze %dma_start3A_180 : memref<1x1x128xi32, #tpu.memory_space<hbm>> -> memref<1x128xi32, #tpu.memory_space<hbm>>
        tpu.enqueue_dma source(%dma_start3A_181 : memref<1x128xi32, #tpu.memory_space<hbm>>) target(%dma_start3A_178 : memref<1x128xi32, #tpu.memory_space<vmem>>) target_semaphore(%run_scoped3A_167 : memref<!tpu.dma_semaphore, #tpu.memory_space<semaphore_mem>>)
        %dma_wait3A_182 = arith.constant 0 : i32
        %dma_wait3A_183 = arith.constant 0 : i32
        %dma_wait3A_184 = tpu.memref_slice %arg5[%run_scoped3A_132, %dma_wait3A_182, %dma_wait3A_183] : memref<2x4x128xi32, #tpu.memory_space<vmem>> -> memref<1x1x128xi32, #tpu.memory_space<vmem>>
        %dma_wait3A_185 = tpu.memref_squeeze %dma_wait3A_184 : memref<1x1x128xi32, #tpu.memory_space<vmem>> -> memref<1x128xi32, #tpu.memory_space<vmem>>
        %dma_wait3A_186 = arith.constant 0 : i32
        %dma_wait3A_187 = tpu.memref_slice %arg3[%run_scoped3A, %add3A_131, %dma_wait3A_186] : memref<2x25000x128xi32, #tpu.memory_space<hbm>> -> memref<1x1x128xi32, #tpu.memory_space<hbm>>
        %dma_wait3A_188 = tpu.memref_squeeze %dma_wait3A_187 : memref<1x1x128xi32, #tpu.memory_space<hbm>> -> memref<1x128xi32, #tpu.memory_space<hbm>>
        %dma_wait3A_189 = arith.constant 0 : i32
        %dma_wait3A_190 = arith.constant 0 : i32
        %dma_wait3A_191 = tpu.memref_slice %arg5[%run_scoped3A_132, %dma_wait3A_189, %dma_wait3A_190] : memref<2x4x128xi32, #tpu.memory_space<vmem>> -> memref<1x1x128xi32, #tpu.memory_space<vmem>>
        %dma_wait3A_192 = tpu.memref_squeeze %dma_wait3A_191 : memref<1x1x128xi32, #tpu.memory_space<vmem>> -> memref<1x128xi32, #tpu.memory_space<vmem>>
        %dma_wait3A_193 = arith.constant 0 : i32
        %dma_wait3A_194 = tpu.memref_slice %arg3[%run_scoped3A, %add3A_131, %dma_wait3A_193] : memref<2x25000x128xi32, #tpu.memory_space<hbm>> -> memref<1x1x128xi32, #tpu.memory_space<hbm>>
        %dma_wait3A_195 = tpu.memref_squeeze %dma_wait3A_194 : memref<1x1x128xi32, #tpu.memory_space<hbm>> -> memref<1x128xi32, #tpu.memory_space<hbm>>
        tpu.wait_dma2 semaphore(%run_scoped3A_167 : memref<!tpu.dma_semaphore, #tpu.memory_space<semaphore_mem>>) src(%dma_wait3A_195 : memref<1x128xi32, #tpu.memory_space<hbm>>) dst(%dma_wait3A_192 : memref<1x128xi32, #tpu.memory_space<vmem>>)
        tpu.yield
      }) : () -> ()
      %run_scoped3A_133 = arith.constant 1 : i32
      %run_scoped3A_134 = arith.constant 0 : i32
      "tpu.region"() ({
        %run_scoped3A_167 = tpu.sem_alloc : memref<!tpu.dma_semaphore, #tpu.memory_space<semaphore_mem>>
        %dma_start3A_168 = arith.constant 0 : i32
        %dma_start3A_169 = arith.constant 0 : i32
        %dma_start3A_170 = tpu.memref_slice %arg6[%run_scoped3A_134, %dma_start3A_168, %dma_start3A_169] : memref<2x4x128xi32, #tpu.memory_space<vmem>> -> memref<1x1x128xi32, #tpu.memory_space<vmem>>
        %dma_start3A_171 = tpu.memref_squeeze %dma_start3A_170 : memref<1x1x128xi32, #tpu.memory_space<vmem>> -> memref<1x128xi32, #tpu.memory_space<vmem>>
        %dma_start3A_172 = arith.constant 0 : i32
        %dma_start3A_173 = tpu.memref_slice %arg3[%run_scoped3A_133, %add3A_131, %dma_start3A_172] : memref<2x25000x128xi32, #tpu.memory_space<hbm>> -> memref<1x1x128xi32, #tpu.memory_space<hbm>>
        %dma_start3A_174 = tpu.memref_squeeze %dma_start3A_173 : memref<1x1x128xi32, #tpu.memory_space<hbm>> -> memref<1x128xi32, #tpu.memory_space<hbm>>
        %dma_start3A_175 = arith.constant 0 : i32
        %dma_start3A_176 = arith.constant 0 : i32
        %dma_start3A_177 = tpu.memref_slice %arg6[%run_scoped3A_134, %dma_start3A_175, %dma_start3A_176] : memref<2x4x128xi32, #tpu.memory_space<vmem>> -> memref<1x1x128xi32, #tpu.memory_space<vmem>>
        %dma_start3A_178 = tpu.memref_squeeze %dma_start3A_177 : memref<1x1x128xi32, #tpu.memory_space<vmem>> -> memref<1x128xi32, #tpu.memory_space<vmem>>
        %dma_start3A_179 = arith.constant 0 : i32
        %dma_start3A_180 = tpu.memref_slice %arg3[%run_scoped3A_133, %add3A_131, %dma_start3A_179] : memref<2x25000x128xi32, #tpu.memory_space<hbm>> -> memref<1x1x128xi32, #tpu.memory_space<hbm>>
        %dma_start3A_181 = tpu.memref_squeeze %dma_start3A_180 : memref<1x1x128xi32, #tpu.memory_space<hbm>> -> memref<1x128xi32, #tpu.memory_space<hbm>>
        tpu.enqueue_dma source(%dma_start3A_181 : memref<1x128xi32, #tpu.memory_space<hbm>>) target(%dma_start3A_178 : memref<1x128xi32, #tpu.memory_space<vmem>>) target_semaphore(%run_scoped3A_167 : memref<!tpu.dma_semaphore, #tpu.memory_space<semaphore_mem>>)
        %dma_wait3A_182 = arith.constant 0 : i32
        %dma_wait3A_183 = arith.constant 0 : i32
        %dma_wait3A_184 = tpu.memref_slice %arg6[%run_scoped3A_134, %dma_wait3A_182, %dma_wait3A_183] : memref<2x4x128xi32, #tpu.memory_space<vmem>> -> memref<1x1x128xi32, #tpu.memory_space<vmem>>
        %dma_wait3A_185 = tpu.memref_squeeze %dma_wait3A_184 : memref<1x1x128xi32, #tpu.memory_space<vmem>> -> memref<1x128xi32, #tpu.memory_space<vmem>>
        %dma_wait3A_186 = arith.constant 0 : i32
        %dma_wait3A_187 = tpu.memref_slice %arg3[%run_scoped3A_133, %add3A_131, %dma_wait3A_186] : memref<2x25000x128xi32, #tpu.memory_space<hbm>> -> memref<1x1x128xi32, #tpu.memory_space<hbm>>
        %dma_wait3A_188 = tpu.memref_squeeze %dma_wait3A_187 : memref<1x1x128xi32, #tpu.memory_space<hbm>> -> memref<1x128xi32, #tpu.memory_space<hbm>>
        %dma_wait3A_189 = arith.constant 0 : i32
        %dma_wait3A_190 = arith.constant 0 : i32
        %dma_wait3A_191 = tpu.memref_slice %arg6[%run_scoped3A_134, %dma_wait3A_189, %dma_wait3A_190] : memref<2x4x128xi32, #tpu.memory_space<vmem>> -> memref<1x1x128xi32, #tpu.memory_space<vmem>>
        %dma_wait3A_192 = tpu.memref_squeeze %dma_wait3A_191 : memref<1x1x128xi32, #tpu.memory_space<vmem>> -> memref<1x128xi32, #tpu.memory_space<vmem>>
        %dma_wait3A_193 = arith.constant 0 : i32
        %dma_wait3A_194 = tpu.memref_slice %arg3[%run_scoped3A_133, %add3A_131, %dma_wait3A_193] : memref<2x25000x128xi32, #tpu.memory_space<hbm>> -> memref<1x1x128xi32, #tpu.memory_space<hbm>>
        %dma_wait3A_195 = tpu.memref_squeeze %dma_wait3A_194 : memref<1x1x128xi32, #tpu.memory_space<hbm>> -> memref<1x128xi32, #tpu.memory_space<hbm>>
        tpu.wait_dma2 semaphore(%run_scoped3A_167 : memref<!tpu.dma_semaphore, #tpu.memory_space<semaphore_mem>>) src(%dma_wait3A_195 : memref<1x128xi32, #tpu.memory_space<hbm>>) dst(%dma_wait3A_192 : memref<1x128xi32, #tpu.memory_space<vmem>>)
        tpu.yield
      }) : () -> ()
      %dma_start3A_135 = arith.constant 0 : i32
      %dma_start3A_136 = arith.constant 0 : i32
      %dma_start3A_137 = arith.constant 0 : i32
      %dma_start3A_138 = arith.constant 0 : i32
      %dma_start3A_139 = arith.constant 0 : i32
      %dma_start3A_140 = arith.constant 0 : i32
      %dma_start3A_141 = tpu.memref_slice %arg7[%dma_start3A_137, %dma_start3A_138, %dma_start3A_139, %dma_start3A_140] : memref<2x4x128x16xf32, #tpu.memory_space<vmem>> -> memref<1x1x128x16xf32, #tpu.memory_space<vmem>>
      %dma_start3A_142 = tpu.memref_squeeze %dma_start3A_141 : memref<1x1x128x16xf32, #tpu.memory_space<vmem>> -> memref<128x16xf32, #tpu.memory_space<vmem>>
      %dma_start3A_143 = arith.constant 0 : i32
      %dma_start3A_144 = tpu.memref_slice %arg5[%dma_start3A_135, %dma_start3A_136, %dma_start3A_143] : memref<2x4x128xi32, #tpu.memory_space<vmem>> -> memref<1x1x128xi32, #tpu.memory_space<vmem>>
      %dma_start3A_145 = tpu.memref_squeeze %dma_start3A_144 : memref<1x1x128xi32, #tpu.memory_space<vmem>> -> memref<128xi32, #tpu.memory_space<vmem>>
      %dma_start3A_146 = arith.constant 0 : i32
      %dma_start3A_147 = arith.constant 0 : i32
      %dma_start3A_148 = tpu.memref_slice %arg2[%dma_start3A_146, %dma_start3A_147] : memref<100352x16xf32, #tpu.memory_space<hbm>> -> memref<100352x16xf32, #tpu.memory_space<hbm>>
      tpu.enqueue_indirect_dma source(%dma_start3A_148 : memref<100352x16xf32, #tpu.memory_space<hbm>>) target(%dma_start3A_142 : memref<128x16xf32, #tpu.memory_space<vmem>>) offsets(%dma_start3A_145 : memref<128xi32, #tpu.memory_space<vmem>>) semaphore(%arg11 : memref<!tpu.dma_semaphore, #tpu.memory_space<semaphore_mem>>)
      %dma_wait3A_149 = arith.constant 0 : i32
      %dma_wait3A_150 = arith.constant 0 : i32
      %dma_wait3A_151 = arith.constant 0 : i32
      %dma_wait3A_152 = arith.constant 0 : i32
      %dma_wait3A_153 = arith.constant 0 : i32
      %dma_wait3A_154 = arith.constant 0 : i32
      %dma_wait3A_155 = tpu.memref_slice %arg7[%dma_wait3A_151, %dma_wait3A_152, %dma_wait3A_153, %dma_wait3A_154] : memref<2x4x128x16xf32, #tpu.memory_space<vmem>> -> memref<1x1x128x16xf32, #tpu.memory_space<vmem>>
      %dma_wait3A_156 = tpu.memref_squeeze %dma_wait3A_155 : memref<1x1x128x16xf32, #tpu.memory_space<vmem>> -> memref<128x16xf32, #tpu.memory_space<vmem>>
      %dma_wait3A_157 = arith.constant 0 : i32
      %dma_wait3A_158 = tpu.memref_slice %arg5[%dma_wait3A_149, %dma_wait3A_150, %dma_wait3A_157] : memref<2x4x128xi32, #tpu.memory_space<vmem>> -> memref<1x1x128xi32, #tpu.memory_space<vmem>>
      %dma_wait3A_159 = tpu.memref_squeeze %dma_wait3A_158 : memref<1x1x128xi32, #tpu.memory_space<vmem>> -> memref<128xi32, #tpu.memory_space<vmem>>
      %dma_wait3A_160 = arith.constant 0 : i32
      %dma_wait3A_161 = arith.constant 0 : i32
      %dma_wait3A_162 = tpu.memref_slice %arg2[%dma_wait3A_160, %dma_wait3A_161] : memref<100352x16xf32, #tpu.memory_space<hbm>> -> memref<100352x16xf32, #tpu.memory_space<hbm>>
      tpu.wait_indirect_dma semaphore(%arg11 : memref<!tpu.dma_semaphore, #tpu.memory_space<semaphore_mem>>) src(%dma_wait3A_162 : memref<100352x16xf32, #tpu.memory_space<hbm>>) dst(%dma_wait3A_156 : memref<128x16xf32, #tpu.memory_space<vmem>>)
      %run_scoped3A_163 = arith.constant 0 : i32
      %run_scoped3A_164 = arith.constant 0 : i32
      %run_scoped3A_165 = arith.constant 0 : i32
      %run_scoped3A_166 = arith.constant 0 : i32
      "tpu.region"() ({
        %run_scoped3A_167 = tpu.sem_alloc : memref<!tpu.dma_semaphore, #tpu.memory_space<semaphore_mem>>
        %dma_start3A_168 = arith.constant 0 : i32
        %dma_start3A_169 = arith.constant 0 : i32
        %dma_start3A_170 = tpu.memref_slice %arg7[%run_scoped3A_163, %run_scoped3A_164, %dma_start3A_168, %dma_start3A_169] : memref<2x4x128x16xf32, #tpu.memory_space<vmem>> -> memref<1x1x128x16xf32, #tpu.memory_space<vmem>>
        %dma_start3A_171 = tpu.memref_squeeze %dma_start3A_170 : memref<1x1x128x16xf32, #tpu.memory_space<vmem>> -> memref<128x16xf32, #tpu.memory_space<vmem>>
        %dma_start3A_172 = arith.constant 0 : i32
        %dma_start3A_173 = tpu.memref_slice %arg6[%run_scoped3A_165, %run_scoped3A_166, %dma_start3A_172] : memref<2x4x128xi32, #tpu.memory_space<vmem>> -> memref<1x1x128xi32, #tpu.memory_space<vmem>>
        %dma_start3A_174 = tpu.memref_squeeze %dma_start3A_173 : memref<1x1x128xi32, #tpu.memory_space<vmem>> -> memref<128xi32, #tpu.memory_space<vmem>>
        %dma_start3A_175 = arith.constant 0 : i32
        %dma_start3A_176 = arith.constant 0 : i32
        %dma_start3A_177 = tpu.memref_slice %arg9[%dma_start3A_175, %dma_start3A_176] : memref<100352x16xf32, #tpu.memory_space<vmem_shared>> -> memref<100352x16xf32, #tpu.memory_space<vmem_shared>>
        tpu.enqueue_indirect_dma source(%dma_start3A_171 : memref<128x16xf32, #tpu.memory_space<vmem>>) target(%dma_start3A_177 : memref<100352x16xf32, #tpu.memory_space<vmem_shared>>) offsets(%dma_start3A_174 : memref<128xi32, #tpu.memory_space<vmem>>) semaphore(%run_scoped3A_167 : memref<!tpu.dma_semaphore, #tpu.memory_space<semaphore_mem>>) {add = true}
        %dma_wait3A_178 = arith.constant 0 : i32
        %dma_wait3A_179 = arith.constant 0 : i32
        %dma_wait3A_180 = tpu.memref_slice %arg7[%run_scoped3A_163, %run_scoped3A_164, %dma_wait3A_178, %dma_wait3A_179] : memref<2x4x128x16xf32, #tpu.memory_space<vmem>> -> memref<1x1x128x16xf32, #tpu.memory_space<vmem>>
        %dma_wait3A_181 = tpu.memref_squeeze %dma_wait3A_180 : memref<1x1x128x16xf32, #tpu.memory_space<vmem>> -> memref<128x16xf32, #tpu.memory_space<vmem>>
        %dma_wait3A_182 = arith.constant 0 : i32
        %dma_wait3A_183 = tpu.memref_slice %arg6[%run_scoped3A_165, %run_scoped3A_166, %dma_wait3A_182] : memref<2x4x128xi32, #tpu.memory_space<vmem>> -> memref<1x1x128xi32, #tpu.memory_space<vmem>>
        %dma_wait3A_184 = tpu.memref_squeeze %dma_wait3A_183 : memref<1x1x128xi32, #tpu.memory_space<vmem>> -> memref<128xi32, #tpu.memory_space<vmem>>
        %dma_wait3A_185 = arith.constant 0 : i32
        %dma_wait3A_186 = arith.constant 0 : i32
        %dma_wait3A_187 = tpu.memref_slice %arg9[%dma_wait3A_185, %dma_wait3A_186] : memref<100352x16xf32, #tpu.memory_space<vmem_shared>> -> memref<100352x16xf32, #tpu.memory_space<vmem_shared>>
        tpu.wait_indirect_dma semaphore(%run_scoped3A_167 : memref<!tpu.dma_semaphore, #tpu.memory_space<semaphore_mem>>) src(%dma_wait3A_181 : memref<128x16xf32, #tpu.memory_space<vmem>>) dst(%dma_wait3A_187 : memref<100352x16xf32, #tpu.memory_space<vmem_shared>>)
        tpu.yield
      }) : () -> ()
    }
    %barrier3A_123 = arith.constant 0 : index
    tpu.barrier barrier_id(%barrier3A_123)
    %mul3A_124 = arith.constant 6272 : i32
    %mul3A_125 = arith.muli %arg1, %mul3A_124 : i32
    %mul3A_126 = arith.constant 6272 : i32
    %mul3A_127 = arith.muli %arg1, %mul3A_126 : i32
    "tpu.region"() ({
      %run_scoped3A = tpu.sem_alloc : memref<!tpu.dma_semaphore, #tpu.memory_space<semaphore_mem>>
      %dma_start3A_128 = arith.constant 0 : i32
      %dma_start3A_129 = tpu.memref_slice %arg4[%arg0, %mul3A_127, %dma_start3A_128] : memref<2x100352x16xf32, #tpu.memory_space<hbm>> -> memref<1x6272x16xf32, #tpu.memory_space<hbm>>
      %dma_start3A_130 = tpu.memref_squeeze %dma_start3A_129 : memref<1x6272x16xf32, #tpu.memory_space<hbm>> -> memref<6272x16xf32, #tpu.memory_space<hbm>>
      %dma_start3A_131 = arith.constant 0 : i32
      %dma_start3A_132 = tpu.memref_slice %arg9[%mul3A_125, %dma_start3A_131] : memref<100352x16xf32, #tpu.memory_space<vmem_shared>> -> memref<6272x16xf32, #tpu.memory_space<vmem_shared>>
      tpu.enqueue_dma source(%dma_start3A_132 : memref<6272x16xf32, #tpu.memory_space<vmem_shared>>) target(%dma_start3A_130 : memref<6272x16xf32, #tpu.memory_space<hbm>>) target_semaphore(%run_scoped3A : memref<!tpu.dma_semaphore, #tpu.memory_space<semaphore_mem>>)
      %dma_wait3A_133 = arith.constant 0 : i32
      %dma_wait3A_134 = tpu.memref_slice %arg4[%arg0, %mul3A_127, %dma_wait3A_133] : memref<2x100352x16xf32, #tpu.memory_space<hbm>> -> memref<1x6272x16xf32, #tpu.memory_space<hbm>>
      %dma_wait3A_135 = tpu.memref_squeeze %dma_wait3A_134 : memref<1x6272x16xf32, #tpu.memory_space<hbm>> -> memref<6272x16xf32, #tpu.memory_space<hbm>>
      %dma_wait3A_136 = arith.constant 0 : i32
      %dma_wait3A_137 = tpu.memref_slice %arg9[%mul3A_125, %dma_wait3A_136] : memref<100352x16xf32, #tpu.memory_space<vmem_shared>> -> memref<6272x16xf32, #tpu.memory_space<vmem_shared>>
      tpu.wait_dma2 semaphore(%run_scoped3A : memref<!tpu.dma_semaphore, #tpu.memory_space<semaphore_mem>>) src(%dma_wait3A_137 : memref<6272x16xf32, #tpu.memory_space<vmem_shared>>) dst(%dma_wait3A_135 : memref<6272x16xf32, #tpu.memory_space<hbm>>)
      tpu.yield
    }) : () -> ()
    return
  }
}

#map = affine_map<(d0, d1) -> (0, 0)>
#map1 = affine_map<(d0, d1) -> (0, 0, 0)>
module attributes {stable_mosaic.version = 14 : i64} {
  func.func @body(%arg0: i32, %arg1: i32, %arg2: memref<100000x16xf32, #tpu.memory_space<hbm>>, %arg3: memref<2x25000x128xi32, #tpu.memory_space<hbm>>, %arg4: memref<2x100352x16xf32, #tpu.memory_space<hbm>>, %arg5: memref<2x100352xf32, #tpu.memory_space<hbm>>, %arg6: memref<2x4x128xi32, #tpu.memory_space<vmem>>, %arg7: memref<2x4x128xi32, #tpu.memory_space<vmem>>, %arg8: memref<2x4x128x16xf32, #tpu.memory_space<vmem>>, %arg9: memref<128x16xf32, #tpu.memory_space<vmem>>, %arg10: memref<100352x16xf32, #tpu.memory_space<vmem_shared>>, %arg11: memref<!tpu.dma_semaphore, #tpu.memory_space<semaphore_mem>>, %arg12: memref<!tpu.dma_semaphore, #tpu.memory_space<semaphore_mem>>, %arg13: memref<!tpu.dma_semaphore, #tpu.memory_space<semaphore_mem>>, %arg14: memref<128xf32, #tpu.memory_space<vmem>>, %arg15: memref<128xf32, #tpu.memory_space<vmem>>, %arg16: memref<100352xf32, #tpu.memory_space<vmem_shared>>, %arg17: memref<!tpu.dma_semaphore, #tpu.memory_space<semaphore_mem>>) attributes {dimension_semantics = [#tpu.dimension_semantics<core_parallel>, #tpu.dimension_semantics<subcore_parallel>], iteration_bounds = array<i64: 2, 16>, scalar_prefetch = 0 : i64, scratch_operands = 12 : i64, tpu.core_type = #tpu.core_type<sc_vector_subcore>, window_params = [{transform_indices = #map}, {transform_indices = #map1}, {transform_indices = #map1}, {transform_indices = #map}]} {
    %scan3A = arith.constant 0 : i32
    %scan3A_0 = arith.constant 0 : i32
    %scan3A_1 = arith.constant 128 : i32
    %scan3A_2 = arith.addi %scan3A_0, %scan3A_1 : i32
    %scan3A_3 = arith.constant 1 : i32
    scf.for %scan3A_254 = %scan3A_0 to %scan3A_2 step %scan3A_3  : i32 {
      %broadcast_in_dim3A_255 = arith.constant 0.000000e+00 : f32
      %broadcast_in_dim3A_256 = vector.broadcast %broadcast_in_dim3A_255 : f32 to vector<16xf32>
      %swap3A_257 = arith.index_cast %scan3A_254 : i32 to index
      %swap3A_258 = arith.constant 0 : index
      %swap3A_259 = tpu.vector_load %arg9[%swap3A_257, %swap3A_258] {strides = array<i32>} : memref<128x16xf32, #tpu.memory_space<vmem>>, vector<1x16xf32>,
      %swap3A_260 = vector.shape_cast %swap3A_259 : vector<1x16xf32> to vector<16xf32>
      %swap3A_261 = vector.shape_cast %broadcast_in_dim3A_256 : vector<16xf32> to vector<1x16xf32>
      tpu.vector_store %arg9[%swap3A_257, %swap3A_258], %swap3A_261 {strides = array<i32>} : memref<128x16xf32, #tpu.memory_space<vmem>>, vector<1x16xf32>,
    }
    %scan3A_4 = arith.constant 128 : i32
    %broadcast_in_dim3A = arith.constant 1.000000e+00 : f32
    %broadcast_in_dim3A_5 = vector.broadcast %broadcast_in_dim3A : f32 to vector<16xf32>
    %swap3A = arith.constant 0 : index
    %swap3A_6 = tpu.vector_load %arg14[%swap3A] {strides = array<i32>} : memref<128xf32, #tpu.memory_space<vmem>>, vector<16xf32>,
    %swap3A_7 = vector.shape_cast %swap3A_6 : vector<16xf32> to vector<16xf32>
    %swap3A_8 = vector.shape_cast %broadcast_in_dim3A_5 : vector<16xf32> to vector<16xf32>
    tpu.vector_store %arg14[%swap3A], %swap3A_8 {strides = array<i32>} : memref<128xf32, #tpu.memory_space<vmem>>, vector<16xf32>,
    %broadcast_in_dim3A_9 = arith.constant 0.000000e+00 : f32
    %broadcast_in_dim3A_10 = vector.broadcast %broadcast_in_dim3A_9 : f32 to vector<16xf32>
    %swap3A_11 = arith.constant 0 : index
    %swap3A_12 = tpu.vector_load %arg15[%swap3A_11] {strides = array<i32>} : memref<128xf32, #tpu.memory_space<vmem>>, vector<16xf32>,
    %swap3A_13 = vector.shape_cast %swap3A_12 : vector<16xf32> to vector<16xf32>
    %swap3A_14 = vector.shape_cast %broadcast_in_dim3A_10 : vector<16xf32> to vector<16xf32>
    tpu.vector_store %arg15[%swap3A_11], %swap3A_14 {strides = array<i32>} : memref<128xf32, #tpu.memory_space<vmem>>, vector<16xf32>,
    %broadcast_in_dim3A_15 = arith.constant 1.000000e+00 : f32
    %broadcast_in_dim3A_16 = vector.broadcast %broadcast_in_dim3A_15 : f32 to vector<16xf32>
    %swap3A_17 = arith.constant 16 : index
    %swap3A_18 = tpu.vector_load %arg14[%swap3A_17] {strides = array<i32>} : memref<128xf32, #tpu.memory_space<vmem>>, vector<16xf32>,
    %swap3A_19 = vector.shape_cast %swap3A_18 : vector<16xf32> to vector<16xf32>
    %swap3A_20 = vector.shape_cast %broadcast_in_dim3A_16 : vector<16xf32> to vector<16xf32>
    tpu.vector_store %arg14[%swap3A_17], %swap3A_20 {strides = array<i32>} : memref<128xf32, #tpu.memory_space<vmem>>, vector<16xf32>,
    %broadcast_in_dim3A_21 = arith.constant 0.000000e+00 : f32
    %broadcast_in_dim3A_22 = vector.broadcast %broadcast_in_dim3A_21 : f32 to vector<16xf32>
    %swap3A_23 = arith.constant 16 : index
    %swap3A_24 = tpu.vector_load %arg15[%swap3A_23] {strides = array<i32>} : memref<128xf32, #tpu.memory_space<vmem>>, vector<16xf32>,
    %swap3A_25 = vector.shape_cast %swap3A_24 : vector<16xf32> to vector<16xf32>
    %swap3A_26 = vector.shape_cast %broadcast_in_dim3A_22 : vector<16xf32> to vector<16xf32>
    tpu.vector_store %arg15[%swap3A_23], %swap3A_26 {strides = array<i32>} : memref<128xf32, #tpu.memory_space<vmem>>, vector<16xf32>,
    %broadcast_in_dim3A_27 = arith.constant 1.000000e+00 : f32
    %broadcast_in_dim3A_28 = vector.broadcast %broadcast_in_dim3A_27 : f32 to vector<16xf32>
    %swap3A_29 = arith.constant 32 : index
    %swap3A_30 = tpu.vector_load %arg14[%swap3A_29] {strides = array<i32>} : memref<128xf32, #tpu.memory_space<vmem>>, vector<16xf32>,
    %swap3A_31 = vector.shape_cast %swap3A_30 : vector<16xf32> to vector<16xf32>
    %swap3A_32 = vector.shape_cast %broadcast_in_dim3A_28 : vector<16xf32> to vector<16xf32>
    tpu.vector_store %arg14[%swap3A_29], %swap3A_32 {strides = array<i32>} : memref<128xf32, #tpu.memory_space<vmem>>, vector<16xf32>,
    %broadcast_in_dim3A_33 = arith.constant 0.000000e+00 : f32
    %broadcast_in_dim3A_34 = vector.broadcast %broadcast_in_dim3A_33 : f32 to vector<16xf32>
    %swap3A_35 = arith.constant 32 : index
    %swap3A_36 = tpu.vector_load %arg15[%swap3A_35] {strides = array<i32>} : memref<128xf32, #tpu.memory_space<vmem>>, vector<16xf32>,
    %swap3A_37 = vector.shape_cast %swap3A_36 : vector<16xf32> to vector<16xf32>
    %swap3A_38 = vector.shape_cast %broadcast_in_dim3A_34 : vector<16xf32> to vector<16xf32>
    tpu.vector_store %arg15[%swap3A_35], %swap3A_38 {strides = array<i32>} : memref<128xf32, #tpu.memory_space<vmem>>, vector<16xf32>,
    %broadcast_in_dim3A_39 = arith.constant 1.000000e+00 : f32
    %broadcast_in_dim3A_40 = vector.broadcast %broadcast_in_dim3A_39 : f32 to vector<16xf32>
    %swap3A_41 = arith.constant 48 : index
    %swap3A_42 = tpu.vector_load %arg14[%swap3A_41] {strides = array<i32>} : memref<128xf32, #tpu.memory_space<vmem>>, vector<16xf32>,
    %swap3A_43 = vector.shape_cast %swap3A_42 : vector<16xf32> to vector<16xf32>
    %swap3A_44 = vector.shape_cast %broadcast_in_dim3A_40 : vector<16xf32> to vector<16xf32>
    tpu.vector_store %arg14[%swap3A_41], %swap3A_44 {strides = array<i32>} : memref<128xf32, #tpu.memory_space<vmem>>, vector<16xf32>,
    %broadcast_in_dim3A_45 = arith.constant 0.000000e+00 : f32
    %broadcast_in_dim3A_46 = vector.broadcast %broadcast_in_dim3A_45 : f32 to vector<16xf32>
    %swap3A_47 = arith.constant 48 : index
    %swap3A_48 = tpu.vector_load %arg15[%swap3A_47] {strides = array<i32>} : memref<128xf32, #tpu.memory_space<vmem>>, vector<16xf32>,
    %swap3A_49 = vector.shape_cast %swap3A_48 : vector<16xf32> to vector<16xf32>
    %swap3A_50 = vector.shape_cast %broadcast_in_dim3A_46 : vector<16xf32> to vector<16xf32>
    tpu.vector_store %arg15[%swap3A_47], %swap3A_50 {strides = array<i32>} : memref<128xf32, #tpu.memory_space<vmem>>, vector<16xf32>,
    %broadcast_in_dim3A_51 = arith.constant 1.000000e+00 : f32
    %broadcast_in_dim3A_52 = vector.broadcast %broadcast_in_dim3A_51 : f32 to vector<16xf32>
    %swap3A_53 = arith.constant 64 : index
    %swap3A_54 = tpu.vector_load %arg14[%swap3A_53] {strides = array<i32>} : memref<128xf32, #tpu.memory_space<vmem>>, vector<16xf32>,
    %swap3A_55 = vector.shape_cast %swap3A_54 : vector<16xf32> to vector<16xf32>
    %swap3A_56 = vector.shape_cast %broadcast_in_dim3A_52 : vector<16xf32> to vector<16xf32>
    tpu.vector_store %arg14[%swap3A_53], %swap3A_56 {strides = array<i32>} : memref<128xf32, #tpu.memory_space<vmem>>, vector<16xf32>,
    %broadcast_in_dim3A_57 = arith.constant 0.000000e+00 : f32
    %broadcast_in_dim3A_58 = vector.broadcast %broadcast_in_dim3A_57 : f32 to vector<16xf32>
    %swap3A_59 = arith.constant 64 : index
    %swap3A_60 = tpu.vector_load %arg15[%swap3A_59] {strides = array<i32>} : memref<128xf32, #tpu.memory_space<vmem>>, vector<16xf32>,
    %swap3A_61 = vector.shape_cast %swap3A_60 : vector<16xf32> to vector<16xf32>
    %swap3A_62 = vector.shape_cast %broadcast_in_dim3A_58 : vector<16xf32> to vector<16xf32>
    tpu.vector_store %arg15[%swap3A_59], %swap3A_62 {strides = array<i32>} : memref<128xf32, #tpu.memory_space<vmem>>, vector<16xf32>,
    %broadcast_in_dim3A_63 = arith.constant 1.000000e+00 : f32
    %broadcast_in_dim3A_64 = vector.broadcast %broadcast_in_dim3A_63 : f32 to vector<16xf32>
    %swap3A_65 = arith.constant 80 : index
    %swap3A_66 = tpu.vector_load %arg14[%swap3A_65] {strides = array<i32>} : memref<128xf32, #tpu.memory_space<vmem>>, vector<16xf32>,
    %swap3A_67 = vector.shape_cast %swap3A_66 : vector<16xf32> to vector<16xf32>
    %swap3A_68 = vector.shape_cast %broadcast_in_dim3A_64 : vector<16xf32> to vector<16xf32>
    tpu.vector_store %arg14[%swap3A_65], %swap3A_68 {strides = array<i32>} : memref<128xf32, #tpu.memory_space<vmem>>, vector<16xf32>,
    %broadcast_in_dim3A_69 = arith.constant 0.000000e+00 : f32
    %broadcast_in_dim3A_70 = vector.broadcast %broadcast_in_dim3A_69 : f32 to vector<16xf32>
    %swap3A_71 = arith.constant 80 : index
    %swap3A_72 = tpu.vector_load %arg15[%swap3A_71] {strides = array<i32>} : memref<128xf32, #tpu.memory_space<vmem>>, vector<16xf32>,
    %swap3A_73 = vector.shape_cast %swap3A_72 : vector<16xf32> to vector<16xf32>
    %swap3A_74 = vector.shape_cast %broadcast_in_dim3A_70 : vector<16xf32> to vector<16xf32>
    tpu.vector_store %arg15[%swap3A_71], %swap3A_74 {strides = array<i32>} : memref<128xf32, #tpu.memory_space<vmem>>, vector<16xf32>,
    %broadcast_in_dim3A_75 = arith.constant 1.000000e+00 : f32
    %broadcast_in_dim3A_76 = vector.broadcast %broadcast_in_dim3A_75 : f32 to vector<16xf32>
    %swap3A_77 = arith.constant 96 : index
    %swap3A_78 = tpu.vector_load %arg14[%swap3A_77] {strides = array<i32>} : memref<128xf32, #tpu.memory_space<vmem>>, vector<16xf32>,
    %swap3A_79 = vector.shape_cast %swap3A_78 : vector<16xf32> to vector<16xf32>
    %swap3A_80 = vector.shape_cast %broadcast_in_dim3A_76 : vector<16xf32> to vector<16xf32>
    tpu.vector_store %arg14[%swap3A_77], %swap3A_80 {strides = array<i32>} : memref<128xf32, #tpu.memory_space<vmem>>, vector<16xf32>,
    %broadcast_in_dim3A_81 = arith.constant 0.000000e+00 : f32
    %broadcast_in_dim3A_82 = vector.broadcast %broadcast_in_dim3A_81 : f32 to vector<16xf32>
    %swap3A_83 = arith.constant 96 : index
    %swap3A_84 = tpu.vector_load %arg15[%swap3A_83] {strides = array<i32>} : memref<128xf32, #tpu.memory_space<vmem>>, vector<16xf32>,
    %swap3A_85 = vector.shape_cast %swap3A_84 : vector<16xf32> to vector<16xf32>
    %swap3A_86 = vector.shape_cast %broadcast_in_dim3A_82 : vector<16xf32> to vector<16xf32>
    tpu.vector_store %arg15[%swap3A_83], %swap3A_86 {strides = array<i32>} : memref<128xf32, #tpu.memory_space<vmem>>, vector<16xf32>,
    %broadcast_in_dim3A_87 = arith.constant 1.000000e+00 : f32
    %broadcast_in_dim3A_88 = vector.broadcast %broadcast_in_dim3A_87 : f32 to vector<16xf32>
    %swap3A_89 = arith.constant 112 : index
    %swap3A_90 = tpu.vector_load %arg14[%swap3A_89] {strides = array<i32>} : memref<128xf32, #tpu.memory_space<vmem>>, vector<16xf32>,
    %swap3A_91 = vector.shape_cast %swap3A_90 : vector<16xf32> to vector<16xf32>
    %swap3A_92 = vector.shape_cast %broadcast_in_dim3A_88 : vector<16xf32> to vector<16xf32>
    tpu.vector_store %arg14[%swap3A_89], %swap3A_92 {strides = array<i32>} : memref<128xf32, #tpu.memory_space<vmem>>, vector<16xf32>,
    %broadcast_in_dim3A_93 = arith.constant 0.000000e+00 : f32
    %broadcast_in_dim3A_94 = vector.broadcast %broadcast_in_dim3A_93 : f32 to vector<16xf32>
    %swap3A_95 = arith.constant 112 : index
    %swap3A_96 = tpu.vector_load %arg15[%swap3A_95] {strides = array<i32>} : memref<128xf32, #tpu.memory_space<vmem>>, vector<16xf32>,
    %swap3A_97 = vector.shape_cast %swap3A_96 : vector<16xf32> to vector<16xf32>
    %swap3A_98 = vector.shape_cast %broadcast_in_dim3A_94 : vector<16xf32> to vector<16xf32>
    tpu.vector_store %arg15[%swap3A_95], %swap3A_98 {strides = array<i32>} : memref<128xf32, #tpu.memory_space<vmem>>, vector<16xf32>,
    %scan3A_99 = arith.constant 0 : i32
    %scan3A_100 = arith.constant 0 : i32
    %scan3A_101 = arith.constant 49 : i32
    %scan3A_102 = arith.addi %scan3A_100, %scan3A_101 : i32
    %scan3A_103 = arith.constant 1 : i32
    scf.for %scan3A_254 = %scan3A_100 to %scan3A_102 step %scan3A_103  : i32 {
      %mul3A_255 = arith.constant 6272 : i32
      %mul3A_256 = arith.muli %arg1, %mul3A_255 : i32
      %mul3A_257 = arith.constant 128 : i32
      %mul3A_258 = arith.muli %scan3A_254, %mul3A_257 : i32
      %add3A_259 = arith.addi %mul3A_256, %mul3A_258 : i32
      "tpu.region"() ({
        %run_scoped3A = tpu.sem_alloc : memref<!tpu.dma_semaphore, #tpu.memory_space<semaphore_mem>>
        %dma_start3A_260 = arith.constant 0 : i32
        %dma_start3A_261 = tpu.memref_slice %arg10[%add3A_259, %dma_start3A_260] : memref<100352x16xf32, #tpu.memory_space<vmem_shared>> -> memref<128x16xf32, #tpu.memory_space<vmem_shared>>
        %dma_start3A_262 = arith.constant 0 : i32
        %dma_start3A_263 = tpu.memref_slice %arg10[%add3A_259, %dma_start3A_262] : memref<100352x16xf32, #tpu.memory_space<vmem_shared>> -> memref<128x16xf32, #tpu.memory_space<vmem_shared>>
        tpu.enqueue_dma source(%arg9 : memref<128x16xf32, #tpu.memory_space<vmem>>) target(%dma_start3A_263 : memref<128x16xf32, #tpu.memory_space<vmem_shared>>) target_semaphore(%run_scoped3A : memref<!tpu.dma_semaphore, #tpu.memory_space<semaphore_mem>>)
        %dma_wait3A_264 = arith.constant 0 : i32
        %dma_wait3A_265 = tpu.memref_slice %arg10[%add3A_259, %dma_wait3A_264] : memref<100352x16xf32, #tpu.memory_space<vmem_shared>> -> memref<128x16xf32, #tpu.memory_space<vmem_shared>>
        %dma_wait3A_266 = arith.constant 0 : i32
        %dma_wait3A_267 = tpu.memref_slice %arg10[%add3A_259, %dma_wait3A_266] : memref<100352x16xf32, #tpu.memory_space<vmem_shared>> -> memref<128x16xf32, #tpu.memory_space<vmem_shared>>
        tpu.wait_dma2 semaphore(%run_scoped3A : memref<!tpu.dma_semaphore, #tpu.memory_space<semaphore_mem>>) src(%arg9 : memref<128x16xf32, #tpu.memory_space<vmem>>) dst(%dma_wait3A_267 : memref<128x16xf32, #tpu.memory_space<vmem_shared>>)
        tpu.yield
      }) : () -> ()
      "tpu.region"() ({
        %run_scoped3A = tpu.sem_alloc : memref<!tpu.dma_semaphore, #tpu.memory_space<semaphore_mem>>
        %dma_start3A_260 = tpu.memref_slice %arg16[%add3A_259] : memref<100352xf32, #tpu.memory_space<vmem_shared>> -> memref<128xf32, #tpu.memory_space<vmem_shared>>
        %dma_start3A_261 = tpu.memref_slice %arg16[%add3A_259] : memref<100352xf32, #tpu.memory_space<vmem_shared>> -> memref<128xf32, #tpu.memory_space<vmem_shared>>
        tpu.enqueue_dma source(%arg15 : memref<128xf32, #tpu.memory_space<vmem>>) target(%dma_start3A_261 : memref<128xf32, #tpu.memory_space<vmem_shared>>) target_semaphore(%run_scoped3A : memref<!tpu.dma_semaphore, #tpu.memory_space<semaphore_mem>>)
        %dma_wait3A_262 = tpu.memref_slice %arg16[%add3A_259] : memref<100352xf32, #tpu.memory_space<vmem_shared>> -> memref<128xf32, #tpu.memory_space<vmem_shared>>
        %dma_wait3A_263 = tpu.memref_slice %arg16[%add3A_259] : memref<100352xf32, #tpu.memory_space<vmem_shared>> -> memref<128xf32, #tpu.memory_space<vmem_shared>>
        tpu.wait_dma2 semaphore(%run_scoped3A : memref<!tpu.dma_semaphore, #tpu.memory_space<semaphore_mem>>) src(%arg15 : memref<128xf32, #tpu.memory_space<vmem>>) dst(%dma_wait3A_263 : memref<128xf32, #tpu.memory_space<vmem_shared>>)
        tpu.yield
      }) : () -> ()
    }
    %scan3A_104 = arith.constant 49 : i32
    %barrier3A = arith.constant 0 : index
    tpu.barrier barrier_id(%barrier3A)
    %mul3A = arith.constant 16 : i32
    %mul3A_105 = arith.muli %arg0, %mul3A : i32
    %add3A = arith.addi %mul3A_105, %arg1 : i32
    %mul3A_106 = arith.constant 781 : i32
    %mul3A_107 = arith.muli %mul3A_106, %add3A : i32
    %min3A = arith.constant 8 : i32
    %min3A_108 = arith.minsi %add3A, %min3A : i32
    %add3A_109 = arith.addi %mul3A_107, %min3A_108 : i32
    %lt3A = arith.constant 8 : i32
    %lt3A_110 = arith.cmpi slt, %add3A, %lt3A : i32
    %jit3A = arith.constant 1 : i32
    %jit3A_111 = arith.constant 0 : i32
    %select_n3A = arith.select %lt3A_110, %jit3A, %jit3A_111 : i32
    %add3A_112 = arith.constant 1 : i32
    %add3A_113 = arith.addi %add3A_112, %select_n3A : i32
    %add3A_114 = arith.constant 0 : i32
    %add3A_115 = arith.addi %add3A_109, %add3A_114 : i32
    %dma_start3A = arith.constant 0 : i32
    %dma_start3A_116 = arith.constant 0 : i32
    %dma_start3A_117 = arith.constant 0 : i32
    %dma_start3A_118 = arith.constant 0 : i32
    %dma_start3A_119 = tpu.memref_slice %arg6[%dma_start3A_116, %dma_start3A_117, %dma_start3A_118] : memref<2x4x128xi32, #tpu.memory_space<vmem>> -> memref<1x4x128xi32, #tpu.memory_space<vmem>>
    %dma_start3A_120 = tpu.memref_squeeze %dma_start3A_119 : memref<1x4x128xi32, #tpu.memory_space<vmem>> -> memref<4x128xi32, #tpu.memory_space<vmem>>
    %dma_start3A_121 = arith.constant 0 : i32
    %dma_start3A_122 = tpu.memref_slice %arg3[%dma_start3A, %add3A_115, %dma_start3A_121] : memref<2x25000x128xi32, #tpu.memory_space<hbm>> -> memref<1x4x128xi32, #tpu.memory_space<hbm>>
    %dma_start3A_123 = tpu.memref_squeeze %dma_start3A_122 : memref<1x4x128xi32, #tpu.memory_space<hbm>> -> memref<4x128xi32, #tpu.memory_space<hbm>>
    %dma_start3A_124 = arith.constant 0 : i32
    %dma_start3A_125 = arith.constant 0 : i32
    %dma_start3A_126 = tpu.memref_slice %arg6[%dma_start3A_116, %dma_start3A_124, %dma_start3A_125] : memref<2x4x128xi32, #tpu.memory_space<vmem>> -> memref<1x4x128xi32, #tpu.memory_space<vmem>>
    %dma_start3A_127 = tpu.memref_squeeze %dma_start3A_126 : memref<1x4x128xi32, #tpu.memory_space<vmem>> -> memref<4x128xi32, #tpu.memory_space<vmem>>
    %dma_start3A_128 = arith.constant 0 : i32
    %dma_start3A_129 = tpu.memref_slice %arg3[%dma_start3A, %add3A_115, %dma_start3A_128] : memref<2x25000x128xi32, #tpu.memory_space<hbm>> -> memref<1x4x128xi32, #tpu.memory_space<hbm>>
    %dma_start3A_130 = tpu.memref_squeeze %dma_start3A_129 : memref<1x4x128xi32, #tpu.memory_space<hbm>> -> memref<4x128xi32, #tpu.memory_space<hbm>>
    tpu.enqueue_dma source(%dma_start3A_130 : memref<4x128xi32, #tpu.memory_space<hbm>>) target(%dma_start3A_127 : memref<4x128xi32, #tpu.memory_space<vmem>>) target_semaphore(%arg11 : memref<!tpu.dma_semaphore, #tpu.memory_space<semaphore_mem>>)
    %dma_start3A_131 = arith.constant 1 : i32
    %dma_start3A_132 = arith.constant 0 : i32
    %dma_start3A_133 = arith.constant 0 : i32
    %dma_start3A_134 = arith.constant 0 : i32
    %dma_start3A_135 = tpu.memref_slice %arg7[%dma_start3A_132, %dma_start3A_133, %dma_start3A_134] : memref<2x4x128xi32, #tpu.memory_space<vmem>> -> memref<1x4x128xi32, #tpu.memory_space<vmem>>
    %dma_start3A_136 = tpu.memref_squeeze %dma_start3A_135 : memref<1x4x128xi32, #tpu.memory_space<vmem>> -> memref<4x128xi32, #tpu.memory_space<vmem>>
    %dma_start3A_137 = arith.constant 0 : i32
    %dma_start3A_138 = tpu.memref_slice %arg3[%dma_start3A_131, %add3A_115, %dma_start3A_137] : memref<2x25000x128xi32, #tpu.memory_space<hbm>> -> memref<1x4x128xi32, #tpu.memory_space<hbm>>
    %dma_start3A_139 = tpu.memref_squeeze %dma_start3A_138 : memref<1x4x128xi32, #tpu.memory_space<hbm>> -> memref<4x128xi32, #tpu.memory_space<hbm>>
    %dma_start3A_140 = arith.constant 0 : i32
    %dma_start3A_141 = arith.constant 0 : i32
    %dma_start3A_142 = tpu.memref_slice %arg7[%dma_start3A_132, %dma_start3A_140, %dma_start3A_141] : memref<2x4x128xi32, #tpu.memory_space<vmem>> -> memref<1x4x128xi32, #tpu.memory_space<vmem>>
    %dma_start3A_143 = tpu.memref_squeeze %dma_start3A_142 : memref<1x4x128xi32, #tpu.memory_space<vmem>> -> memref<4x128xi32, #tpu.memory_space<vmem>>
    %dma_start3A_144 = arith.constant 0 : i32
    %dma_start3A_145 = tpu.memref_slice %arg3[%dma_start3A_131, %add3A_115, %dma_start3A_144] : memref<2x25000x128xi32, #tpu.memory_space<hbm>> -> memref<1x4x128xi32, #tpu.memory_space<hbm>>
    %dma_start3A_146 = tpu.memref_squeeze %dma_start3A_145 : memref<1x4x128xi32, #tpu.memory_space<hbm>> -> memref<4x128xi32, #tpu.memory_space<hbm>>
    tpu.enqueue_dma source(%dma_start3A_146 : memref<4x128xi32, #tpu.memory_space<hbm>>) target(%dma_start3A_143 : memref<4x128xi32, #tpu.memory_space<vmem>>) target_semaphore(%arg11 : memref<!tpu.dma_semaphore, #tpu.memory_space<semaphore_mem>>)
    %scan3A_147 = arith.constant 0 : i32
    %scan3A_148 = arith.constant 0 : i32
    %scan3A_149 = arith.constant 195 : i32
    %scan3A_150 = arith.addi %scan3A_148, %scan3A_149 : i32
    %scan3A_151 = arith.constant 1 : i32
    scf.for %scan3A_254 = %scan3A_148 to %scan3A_150 step %scan3A_151  : i32 {
      %rem3A = arith.constant 2 : i32
      %rem3A_255 = arith.remsi %scan3A_254, %rem3A : i32
      %sub3A = arith.constant 1 : i32
      %sub3A_256 = arith.subi %sub3A, %rem3A_255 : i32
      %dma_wait3A_257 = arith.constant 0 : i32
      %dma_wait3A_258 = arith.constant 0 : i32
      %dma_wait3A_259 = arith.constant 0 : i32
      %dma_wait3A_260 = tpu.memref_slice %arg6[%rem3A_255, %dma_wait3A_258, %dma_wait3A_259] : memref<2x4x128xi32, #tpu.memory_space<vmem>> -> memref<1x4x128xi32, #tpu.memory_space<vmem>>
      %dma_wait3A_261 = tpu.memref_squeeze %dma_wait3A_260 : memref<1x4x128xi32, #tpu.memory_space<vmem>> -> memref<4x128xi32, #tpu.memory_space<vmem>>
      %dma_wait3A_262 = arith.constant 0 : i32
      %dma_wait3A_263 = arith.constant 0 : i32
      %dma_wait3A_264 = tpu.memref_slice %arg3[%dma_wait3A_257, %dma_wait3A_262, %dma_wait3A_263] : memref<2x25000x128xi32, #tpu.memory_space<hbm>> -> memref<1x4x128xi32, #tpu.memory_space<hbm>>
      %dma_wait3A_265 = tpu.memref_squeeze %dma_wait3A_264 : memref<1x4x128xi32, #tpu.memory_space<hbm>> -> memref<4x128xi32, #tpu.memory_space<hbm>>
      %dma_wait3A_266 = arith.constant 0 : i32
      %dma_wait3A_267 = arith.constant 0 : i32
      %dma_wait3A_268 = tpu.memref_slice %arg6[%rem3A_255, %dma_wait3A_266, %dma_wait3A_267] : memref<2x4x128xi32, #tpu.memory_space<vmem>> -> memref<1x4x128xi32, #tpu.memory_space<vmem>>
      %dma_wait3A_269 = tpu.memref_squeeze %dma_wait3A_268 : memref<1x4x128xi32, #tpu.memory_space<vmem>> -> memref<4x128xi32, #tpu.memory_space<vmem>>
      %dma_wait3A_270 = arith.constant 0 : i32
      %dma_wait3A_271 = arith.constant 0 : i32
      %dma_wait3A_272 = tpu.memref_slice %arg3[%dma_wait3A_257, %dma_wait3A_270, %dma_wait3A_271] : memref<2x25000x128xi32, #tpu.memory_space<hbm>> -> memref<1x4x128xi32, #tpu.memory_space<hbm>>
      %dma_wait3A_273 = tpu.memref_squeeze %dma_wait3A_272 : memref<1x4x128xi32, #tpu.memory_space<hbm>> -> memref<4x128xi32, #tpu.memory_space<hbm>>
      tpu.wait_dma2 semaphore(%arg11 : memref<!tpu.dma_semaphore, #tpu.memory_space<semaphore_mem>>) src(%dma_wait3A_273 : memref<4x128xi32, #tpu.memory_space<hbm>>) dst(%dma_wait3A_269 : memref<4x128xi32, #tpu.memory_space<vmem>>)
      %dma_wait3A_274 = arith.constant 1 : i32
      %dma_wait3A_275 = arith.constant 0 : i32
      %dma_wait3A_276 = arith.constant 0 : i32
      %dma_wait3A_277 = tpu.memref_slice %arg7[%rem3A_255, %dma_wait3A_275, %dma_wait3A_276] : memref<2x4x128xi32, #tpu.memory_space<vmem>> -> memref<1x4x128xi32, #tpu.memory_space<vmem>>
      %dma_wait3A_278 = tpu.memref_squeeze %dma_wait3A_277 : memref<1x4x128xi32, #tpu.memory_space<vmem>> -> memref<4x128xi32, #tpu.memory_space<vmem>>
      %dma_wait3A_279 = arith.constant 0 : i32
      %dma_wait3A_280 = arith.constant 0 : i32
      %dma_wait3A_281 = tpu.memref_slice %arg3[%dma_wait3A_274, %dma_wait3A_279, %dma_wait3A_280] : memref<2x25000x128xi32, #tpu.memory_space<hbm>> -> memref<1x4x128xi32, #tpu.memory_space<hbm>>
      %dma_wait3A_282 = tpu.memref_squeeze %dma_wait3A_281 : memref<1x4x128xi32, #tpu.memory_space<hbm>> -> memref<4x128xi32, #tpu.memory_space<hbm>>
      %dma_wait3A_283 = arith.constant 0 : i32
      %dma_wait3A_284 = arith.constant 0 : i32
      %dma_wait3A_285 = tpu.memref_slice %arg7[%rem3A_255, %dma_wait3A_283, %dma_wait3A_284] : memref<2x4x128xi32, #tpu.memory_space<vmem>> -> memref<1x4x128xi32, #tpu.memory_space<vmem>>
      %dma_wait3A_286 = tpu.memref_squeeze %dma_wait3A_285 : memref<1x4x128xi32, #tpu.memory_space<vmem>> -> memref<4x128xi32, #tpu.memory_space<vmem>>
      %dma_wait3A_287 = arith.constant 0 : i32
      %dma_wait3A_288 = arith.constant 0 : i32
      %dma_wait3A_289 = tpu.memref_slice %arg3[%dma_wait3A_274, %dma_wait3A_287, %dma_wait3A_288] : memref<2x25000x128xi32, #tpu.memory_space<hbm>> -> memref<1x4x128xi32, #tpu.memory_space<hbm>>
      %dma_wait3A_290 = tpu.memref_squeeze %dma_wait3A_289 : memref<1x4x128xi32, #tpu.memory_space<hbm>> -> memref<4x128xi32, #tpu.memory_space<hbm>>
      tpu.wait_dma2 semaphore(%arg11 : memref<!tpu.dma_semaphore, #tpu.memory_space<semaphore_mem>>) src(%dma_wait3A_290 : memref<4x128xi32, #tpu.memory_space<hbm>>) dst(%dma_wait3A_286 : memref<4x128xi32, #tpu.memory_space<vmem>>)
      %dma_start3A_291 = arith.constant 0 : i32
      %dma_start3A_292 = arith.constant 0 : i32
      %dma_start3A_293 = arith.constant 0 : i32
      %dma_start3A_294 = arith.constant 0 : i32
      %dma_start3A_295 = tpu.memref_slice %arg8[%rem3A_255, %dma_start3A_292, %dma_start3A_293, %dma_start3A_294] : memref<2x4x128x16xf32, #tpu.memory_space<vmem>> -> memref<1x1x128x16xf32, #tpu.memory_space<vmem>>
      %dma_start3A_296 = tpu.memref_squeeze %dma_start3A_295 : memref<1x1x128x16xf32, #tpu.memory_space<vmem>> -> memref<128x16xf32, #tpu.memory_space<vmem>>
      %dma_start3A_297 = arith.constant 0 : i32
      %dma_start3A_298 = tpu.memref_slice %arg6[%rem3A_255, %dma_start3A_291, %dma_start3A_297] : memref<2x4x128xi32, #tpu.memory_space<vmem>> -> memref<1x1x128xi32, #tpu.memory_space<vmem>>
      %dma_start3A_299 = tpu.memref_squeeze %dma_start3A_298 : memref<1x1x128xi32, #tpu.memory_space<vmem>> -> memref<128xi32, #tpu.memory_space<vmem>>
      %dma_start3A_300 = arith.constant 0 : i32
      %dma_start3A_301 = arith.constant 0 : i32
      %dma_start3A_302 = tpu.memref_slice %arg2[%dma_start3A_300, %dma_start3A_301] : memref<100000x16xf32, #tpu.memory_space<hbm>> -> memref<100000x16xf32, #tpu.memory_space<hbm>>
      tpu.enqueue_indirect_dma source(%dma_start3A_302 : memref<100000x16xf32, #tpu.memory_space<hbm>>) target(%dma_start3A_296 : memref<128x16xf32, #tpu.memory_space<vmem>>) offsets(%dma_start3A_299 : memref<128xi32, #tpu.memory_space<vmem>>) semaphore(%arg12 : memref<!tpu.dma_semaphore, #tpu.memory_space<semaphore_mem>>)
      %dma_start3A_303 = arith.constant 1 : i32
      %dma_start3A_304 = arith.constant 1 : i32
      %dma_start3A_305 = arith.constant 0 : i32
      %dma_start3A_306 = arith.constant 0 : i32
      %dma_start3A_307 = tpu.memref_slice %arg8[%rem3A_255, %dma_start3A_304, %dma_start3A_305, %dma_start3A_306] : memref<2x4x128x16xf32, #tpu.memory_space<vmem>> -> memref<1x1x128x16xf32, #tpu.memory_space<vmem>>
      %dma_start3A_308 = tpu.memref_squeeze %dma_start3A_307 : memref<1x1x128x16xf32, #tpu.memory_space<vmem>> -> memref<128x16xf32, #tpu.memory_space<vmem>>
      %dma_start3A_309 = arith.constant 0 : i32
      %dma_start3A_310 = tpu.memref_slice %arg6[%rem3A_255, %dma_start3A_303, %dma_start3A_309] : memref<2x4x128xi32, #tpu.memory_space<vmem>> -> memref<1x1x128xi32, #tpu.memory_space<vmem>>
      %dma_start3A_311 = tpu.memref_squeeze %dma_start3A_310 : memref<1x1x128xi32, #tpu.memory_space<vmem>> -> memref<128xi32, #tpu.memory_space<vmem>>
      %dma_start3A_312 = arith.constant 0 : i32
      %dma_start3A_313 = arith.constant 0 : i32
      %dma_start3A_314 = tpu.memref_slice %arg2[%dma_start3A_312, %dma_start3A_313] : memref<100000x16xf32, #tpu.memory_space<hbm>> -> memref<100000x16xf32, #tpu.memory_space<hbm>>
      tpu.enqueue_indirect_dma source(%dma_start3A_314 : memref<100000x16xf32, #tpu.memory_space<hbm>>) target(%dma_start3A_308 : memref<128x16xf32, #tpu.memory_space<vmem>>) offsets(%dma_start3A_311 : memref<128xi32, #tpu.memory_space<vmem>>) semaphore(%arg12 : memref<!tpu.dma_semaphore, #tpu.memory_space<semaphore_mem>>)
      %dma_start3A_315 = arith.constant 2 : i32
      %dma_start3A_316 = arith.constant 2 : i32
      %dma_start3A_317 = arith.constant 0 : i32
      %dma_start3A_318 = arith.constant 0 : i32
      %dma_start3A_319 = tpu.memref_slice %arg8[%rem3A_255, %dma_start3A_316, %dma_start3A_317, %dma_start3A_318] : memref<2x4x128x16xf32, #tpu.memory_space<vmem>> -> memref<1x1x128x16xf32, #tpu.memory_space<vmem>>
      %dma_start3A_320 = tpu.memref_squeeze %dma_start3A_319 : memref<1x1x128x16xf32, #tpu.memory_space<vmem>> -> memref<128x16xf32, #tpu.memory_space<vmem>>
      %dma_start3A_321 = arith.constant 0 : i32
      %dma_start3A_322 = tpu.memref_slice %arg6[%rem3A_255, %dma_start3A_315, %dma_start3A_321] : memref<2x4x128xi32, #tpu.memory_space<vmem>> -> memref<1x1x128xi32, #tpu.memory_space<vmem>>
      %dma_start3A_323 = tpu.memref_squeeze %dma_start3A_322 : memref<1x1x128xi32, #tpu.memory_space<vmem>> -> memref<128xi32, #tpu.memory_space<vmem>>
      %dma_start3A_324 = arith.constant 0 : i32
      %dma_start3A_325 = arith.constant 0 : i32
      %dma_start3A_326 = tpu.memref_slice %arg2[%dma_start3A_324, %dma_start3A_325] : memref<100000x16xf32, #tpu.memory_space<hbm>> -> memref<100000x16xf32, #tpu.memory_space<hbm>>
      tpu.enqueue_indirect_dma source(%dma_start3A_326 : memref<100000x16xf32, #tpu.memory_space<hbm>>) target(%dma_start3A_320 : memref<128x16xf32, #tpu.memory_space<vmem>>) offsets(%dma_start3A_323 : memref<128xi32, #tpu.memory_space<vmem>>) semaphore(%arg12 : memref<!tpu.dma_semaphore, #tpu.memory_space<semaphore_mem>>)
      %dma_start3A_327 = arith.constant 3 : i32
      %dma_start3A_328 = arith.constant 3 : i32
      %dma_start3A_329 = arith.constant 0 : i32
      %dma_start3A_330 = arith.constant 0 : i32
      %dma_start3A_331 = tpu.memref_slice %arg8[%rem3A_255, %dma_start3A_328, %dma_start3A_329, %dma_start3A_330] : memref<2x4x128x16xf32, #tpu.memory_space<vmem>> -> memref<1x1x128x16xf32, #tpu.memory_space<vmem>>
      %dma_start3A_332 = tpu.memref_squeeze %dma_start3A_331 : memref<1x1x128x16xf32, #tpu.memory_space<vmem>> -> memref<128x16xf32, #tpu.memory_space<vmem>>
      %dma_start3A_333 = arith.constant 0 : i32
      %dma_start3A_334 = tpu.memref_slice %arg6[%rem3A_255, %dma_start3A_327, %dma_start3A_333] : memref<2x4x128xi32, #tpu.memory_space<vmem>> -> memref<1x1x128xi32, #tpu.memory_space<vmem>>
      %dma_start3A_335 = tpu.memref_squeeze %dma_start3A_334 : memref<1x1x128xi32, #tpu.memory_space<vmem>> -> memref<128xi32, #tpu.memory_space<vmem>>
      %dma_start3A_336 = arith.constant 0 : i32
      %dma_start3A_337 = arith.constant 0 : i32
      %dma_start3A_338 = tpu.memref_slice %arg2[%dma_start3A_336, %dma_start3A_337] : memref<100000x16xf32, #tpu.memory_space<hbm>> -> memref<100000x16xf32, #tpu.memory_space<hbm>>
      tpu.enqueue_indirect_dma source(%dma_start3A_338 : memref<100000x16xf32, #tpu.memory_space<hbm>>) target(%dma_start3A_332 : memref<128x16xf32, #tpu.memory_space<vmem>>) offsets(%dma_start3A_335 : memref<128xi32, #tpu.memory_space<vmem>>) semaphore(%arg12 : memref<!tpu.dma_semaphore, #tpu.memory_space<semaphore_mem>>)
      %gt3A = arith.constant 0 : i32
      %gt3A_339 = arith.cmpi sgt, %scan3A_254, %gt3A : i32
      %convert_element_type3A = arith.extui %gt3A_339 : i1 to i32
      %cond3A = arith.constant 0 : i32
      %cond3A_340 = arith.cmpi ne, %convert_element_type3A, %cond3A : i32
      scf.if %cond3A_340 {
        %dma_wait3A_468 = arith.constant 0 : i32
        %dma_wait3A_469 = arith.constant 0 : i32
        %dma_wait3A_470 = arith.constant 0 : i32
        %dma_wait3A_471 = arith.constant 0 : i32
        %dma_wait3A_472 = tpu.memref_slice %arg8[%sub3A_256, %dma_wait3A_468, %dma_wait3A_470, %dma_wait3A_471] : memref<2x4x128x16xf32, #tpu.memory_space<vmem>> -> memref<1x1x128x16xf32, #tpu.memory_space<vmem>>
        %dma_wait3A_473 = tpu.memref_squeeze %dma_wait3A_472 : memref<1x1x128x16xf32, #tpu.memory_space<vmem>> -> memref<128x16xf32, #tpu.memory_space<vmem>>
        %dma_wait3A_474 = arith.constant 0 : i32
        %dma_wait3A_475 = tpu.memref_slice %arg7[%sub3A_256, %dma_wait3A_469, %dma_wait3A_474] : memref<2x4x128xi32, #tpu.memory_space<vmem>> -> memref<1x1x128xi32, #tpu.memory_space<vmem>>
        %dma_wait3A_476 = tpu.memref_squeeze %dma_wait3A_475 : memref<1x1x128xi32, #tpu.memory_space<vmem>> -> memref<128xi32, #tpu.memory_space<vmem>>
        %dma_wait3A_477 = arith.constant 0 : i32
        %dma_wait3A_478 = arith.constant 0 : i32
        %dma_wait3A_479 = tpu.memref_slice %arg10[%dma_wait3A_477, %dma_wait3A_478] : memref<100352x16xf32, #tpu.memory_space<vmem_shared>> -> memref<100352x16xf32, #tpu.memory_space<vmem_shared>>
        tpu.wait_indirect_dma semaphore(%arg13 : memref<!tpu.dma_semaphore, #tpu.memory_space<semaphore_mem>>) src(%dma_wait3A_473 : memref<128x16xf32, #tpu.memory_space<vmem>>) dst(%dma_wait3A_479 : memref<100352x16xf32, #tpu.memory_space<vmem_shared>>)
        %dma_wait3A_480 = arith.constant 1 : i32
        %dma_wait3A_481 = arith.constant 1 : i32
        %dma_wait3A_482 = arith.constant 0 : i32
        %dma_wait3A_483 = arith.constant 0 : i32
        %dma_wait3A_484 = tpu.memref_slice %arg8[%sub3A_256, %dma_wait3A_480, %dma_wait3A_482, %dma_wait3A_483] : memref<2x4x128x16xf32, #tpu.memory_space<vmem>> -> memref<1x1x128x16xf32, #tpu.memory_space<vmem>>
        %dma_wait3A_485 = tpu.memref_squeeze %dma_wait3A_484 : memref<1x1x128x16xf32, #tpu.memory_space<vmem>> -> memref<128x16xf32, #tpu.memory_space<vmem>>
        %dma_wait3A_486 = arith.constant 0 : i32
        %dma_wait3A_487 = tpu.memref_slice %arg7[%sub3A_256, %dma_wait3A_481, %dma_wait3A_486] : memref<2x4x128xi32, #tpu.memory_space<vmem>> -> memref<1x1x128xi32, #tpu.memory_space<vmem>>
        %dma_wait3A_488 = tpu.memref_squeeze %dma_wait3A_487 : memref<1x1x128xi32, #tpu.memory_space<vmem>> -> memref<128xi32, #tpu.memory_space<vmem>>
        %dma_wait3A_489 = arith.constant 0 : i32
        %dma_wait3A_490 = arith.constant 0 : i32
        %dma_wait3A_491 = tpu.memref_slice %arg10[%dma_wait3A_489, %dma_wait3A_490] : memref<100352x16xf32, #tpu.memory_space<vmem_shared>> -> memref<100352x16xf32, #tpu.memory_space<vmem_shared>>
        tpu.wait_indirect_dma semaphore(%arg13 : memref<!tpu.dma_semaphore, #tpu.memory_space<semaphore_mem>>) src(%dma_wait3A_485 : memref<128x16xf32, #tpu.memory_space<vmem>>) dst(%dma_wait3A_491 : memref<100352x16xf32, #tpu.memory_space<vmem_shared>>)
        %dma_wait3A_492 = arith.constant 2 : i32
        %dma_wait3A_493 = arith.constant 2 : i32
        %dma_wait3A_494 = arith.constant 0 : i32
        %dma_wait3A_495 = arith.constant 0 : i32
        %dma_wait3A_496 = tpu.memref_slice %arg8[%sub3A_256, %dma_wait3A_492, %dma_wait3A_494, %dma_wait3A_495] : memref<2x4x128x16xf32, #tpu.memory_space<vmem>> -> memref<1x1x128x16xf32, #tpu.memory_space<vmem>>
        %dma_wait3A_497 = tpu.memref_squeeze %dma_wait3A_496 : memref<1x1x128x16xf32, #tpu.memory_space<vmem>> -> memref<128x16xf32, #tpu.memory_space<vmem>>
        %dma_wait3A_498 = arith.constant 0 : i32
        %dma_wait3A_499 = tpu.memref_slice %arg7[%sub3A_256, %dma_wait3A_493, %dma_wait3A_498] : memref<2x4x128xi32, #tpu.memory_space<vmem>> -> memref<1x1x128xi32, #tpu.memory_space<vmem>>
        %dma_wait3A_500 = tpu.memref_squeeze %dma_wait3A_499 : memref<1x1x128xi32, #tpu.memory_space<vmem>> -> memref<128xi32, #tpu.memory_space<vmem>>
        %dma_wait3A_501 = arith.constant 0 : i32
        %dma_wait3A_502 = arith.constant 0 : i32
        %dma_wait3A_503 = tpu.memref_slice %arg10[%dma_wait3A_501, %dma_wait3A_502] : memref<100352x16xf32, #tpu.memory_space<vmem_shared>> -> memref<100352x16xf32, #tpu.memory_space<vmem_shared>>
        tpu.wait_indirect_dma semaphore(%arg13 : memref<!tpu.dma_semaphore, #tpu.memory_space<semaphore_mem>>) src(%dma_wait3A_497 : memref<128x16xf32, #tpu.memory_space<vmem>>) dst(%dma_wait3A_503 : memref<100352x16xf32, #tpu.memory_space<vmem_shared>>)
        %dma_wait3A_504 = arith.constant 3 : i32
        %dma_wait3A_505 = arith.constant 3 : i32
        %dma_wait3A_506 = arith.constant 0 : i32
        %dma_wait3A_507 = arith.constant 0 : i32
        %dma_wait3A_508 = tpu.memref_slice %arg8[%sub3A_256, %dma_wait3A_504, %dma_wait3A_506, %dma_wait3A_507] : memref<2x4x128x16xf32, #tpu.memory_space<vmem>> -> memref<1x1x128x16xf32, #tpu.memory_space<vmem>>
        %dma_wait3A_509 = tpu.memref_squeeze %dma_wait3A_508 : memref<1x1x128x16xf32, #tpu.memory_space<vmem>> -> memref<128x16xf32, #tpu.memory_space<vmem>>
        %dma_wait3A_510 = arith.constant 0 : i32
        %dma_wait3A_511 = tpu.memref_slice %arg7[%sub3A_256, %dma_wait3A_505, %dma_wait3A_510] : memref<2x4x128xi32, #tpu.memory_space<vmem>> -> memref<1x1x128xi32, #tpu.memory_space<vmem>>
        %dma_wait3A_512 = tpu.memref_squeeze %dma_wait3A_511 : memref<1x1x128xi32, #tpu.memory_space<vmem>> -> memref<128xi32, #tpu.memory_space<vmem>>
        %dma_wait3A_513 = arith.constant 0 : i32
        %dma_wait3A_514 = arith.constant 0 : i32
        %dma_wait3A_515 = tpu.memref_slice %arg10[%dma_wait3A_513, %dma_wait3A_514] : memref<100352x16xf32, #tpu.memory_space<vmem_shared>> -> memref<100352x16xf32, #tpu.memory_space<vmem_shared>>
        tpu.wait_indirect_dma semaphore(%arg13 : memref<!tpu.dma_semaphore, #tpu.memory_space<semaphore_mem>>) src(%dma_wait3A_509 : memref<128x16xf32, #tpu.memory_space<vmem>>) dst(%dma_wait3A_515 : memref<100352x16xf32, #tpu.memory_space<vmem_shared>>)
        %dma_wait3A_516 = arith.constant 0 : i32
        %dma_wait3A_517 = arith.constant 0 : i32
        %dma_wait3A_518 = tpu.memref_slice %arg7[%sub3A_256, %dma_wait3A_516, %dma_wait3A_517] : memref<2x4x128xi32, #tpu.memory_space<vmem>> -> memref<1x1x128xi32, #tpu.memory_space<vmem>>
        %dma_wait3A_519 = tpu.memref_squeeze %dma_wait3A_518 : memref<1x1x128xi32, #tpu.memory_space<vmem>> -> memref<128xi32, #tpu.memory_space<vmem>>
        %dma_wait3A_520 = arith.constant 0 : i32
        %dma_wait3A_521 = tpu.memref_slice %arg16[%dma_wait3A_520] : memref<100352xf32, #tpu.memory_space<vmem_shared>> -> memref<100352xf32, #tpu.memory_space<vmem_shared>>
        tpu.wait_indirect_dma semaphore(%arg17 : memref<!tpu.dma_semaphore, #tpu.memory_space<semaphore_mem>>) src(%arg14 : memref<128xf32, #tpu.memory_space<vmem>>) dst(%dma_wait3A_521 : memref<100352xf32, #tpu.memory_space<vmem_shared>>)
        %dma_wait3A_522 = arith.constant 1 : i32
        %dma_wait3A_523 = arith.constant 0 : i32
        %dma_wait3A_524 = tpu.memref_slice %arg7[%sub3A_256, %dma_wait3A_522, %dma_wait3A_523] : memref<2x4x128xi32, #tpu.memory_space<vmem>> -> memref<1x1x128xi32, #tpu.memory_space<vmem>>
        %dma_wait3A_525 = tpu.memref_squeeze %dma_wait3A_524 : memref<1x1x128xi32, #tpu.memory_space<vmem>> -> memref<128xi32, #tpu.memory_space<vmem>>
        %dma_wait3A_526 = arith.constant 0 : i32
        %dma_wait3A_527 = tpu.memref_slice %arg16[%dma_wait3A_526] : memref<100352xf32, #tpu.memory_space<vmem_shared>> -> memref<100352xf32, #tpu.memory_space<vmem_shared>>
        tpu.wait_indirect_dma semaphore(%arg17 : memref<!tpu.dma_semaphore, #tpu.memory_space<semaphore_mem>>) src(%arg14 : memref<128xf32, #tpu.memory_space<vmem>>) dst(%dma_wait3A_527 : memref<100352xf32, #tpu.memory_space<vmem_shared>>)
        %dma_wait3A_528 = arith.constant 2 : i32
        %dma_wait3A_529 = arith.constant 0 : i32
        %dma_wait3A_530 = tpu.memref_slice %arg7[%sub3A_256, %dma_wait3A_528, %dma_wait3A_529] : memref<2x4x128xi32, #tpu.memory_space<vmem>> -> memref<1x1x128xi32, #tpu.memory_space<vmem>>
        %dma_wait3A_531 = tpu.memref_squeeze %dma_wait3A_530 : memref<1x1x128xi32, #tpu.memory_space<vmem>> -> memref<128xi32, #tpu.memory_space<vmem>>
        %dma_wait3A_532 = arith.constant 0 : i32
        %dma_wait3A_533 = tpu.memref_slice %arg16[%dma_wait3A_532] : memref<100352xf32, #tpu.memory_space<vmem_shared>> -> memref<100352xf32, #tpu.memory_space<vmem_shared>>
        tpu.wait_indirect_dma semaphore(%arg17 : memref<!tpu.dma_semaphore, #tpu.memory_space<semaphore_mem>>) src(%arg14 : memref<128xf32, #tpu.memory_space<vmem>>) dst(%dma_wait3A_533 : memref<100352xf32, #tpu.memory_space<vmem_shared>>)
        %dma_wait3A_534 = arith.constant 3 : i32
        %dma_wait3A_535 = arith.constant 0 : i32
        %dma_wait3A_536 = tpu.memref_slice %arg7[%sub3A_256, %dma_wait3A_534, %dma_wait3A_535] : memref<2x4x128xi32, #tpu.memory_space<vmem>> -> memref<1x1x128xi32, #tpu.memory_space<vmem>>
        %dma_wait3A_537 = tpu.memref_squeeze %dma_wait3A_536 : memref<1x1x128xi32, #tpu.memory_space<vmem>> -> memref<128xi32, #tpu.memory_space<vmem>>
        %dma_wait3A_538 = arith.constant 0 : i32
        %dma_wait3A_539 = tpu.memref_slice %arg16[%dma_wait3A_538] : memref<100352xf32, #tpu.memory_space<vmem_shared>> -> memref<100352xf32, #tpu.memory_space<vmem_shared>>
        tpu.wait_indirect_dma semaphore(%arg17 : memref<!tpu.dma_semaphore, #tpu.memory_space<semaphore_mem>>) src(%arg14 : memref<128xf32, #tpu.memory_space<vmem>>) dst(%dma_wait3A_539 : memref<100352xf32, #tpu.memory_space<vmem_shared>>)
      } else {
      }
      %add3A_341 = arith.constant 1 : i32
      %add3A_342 = arith.addi %scan3A_254, %add3A_341 : i32
      %lt3A_343 = arith.constant 195 : i32
      %lt3A_344 = arith.cmpi slt, %add3A_342, %lt3A_343 : i32
      %convert_element_type3A_345 = arith.extui %lt3A_344 : i1 to i32
      %cond3A_346 = arith.constant 0 : i32
      %cond3A_347 = arith.cmpi ne, %convert_element_type3A_345, %cond3A_346 : i32
      scf.if %cond3A_347 {
        %add3A_468 = arith.constant 1 : i32
        %add3A_469 = arith.addi %scan3A_254, %add3A_468 : i32
        %mul3A_470 = arith.constant 4 : i32
        %mul3A_471 = arith.muli %add3A_469, %mul3A_470 : i32
        %add3A_472 = arith.addi %add3A_109, %mul3A_471 : i32
        %dma_start3A_473 = arith.constant 0 : i32
        %dma_start3A_474 = arith.constant 0 : i32
        %dma_start3A_475 = arith.constant 0 : i32
        %dma_start3A_476 = tpu.memref_slice %arg6[%sub3A_256, %dma_start3A_474, %dma_start3A_475] : memref<2x4x128xi32, #tpu.memory_space<vmem>> -> memref<1x4x128xi32, #tpu.memory_space<vmem>>
        %dma_start3A_477 = tpu.memref_squeeze %dma_start3A_476 : memref<1x4x128xi32, #tpu.memory_space<vmem>> -> memref<4x128xi32, #tpu.memory_space<vmem>>
        %dma_start3A_478 = arith.constant 0 : i32
        %dma_start3A_479 = tpu.memref_slice %arg3[%dma_start3A_473, %add3A_472, %dma_start3A_478] : memref<2x25000x128xi32, #tpu.memory_space<hbm>> -> memref<1x4x128xi32, #tpu.memory_space<hbm>>
        %dma_start3A_480 = tpu.memref_squeeze %dma_start3A_479 : memref<1x4x128xi32, #tpu.memory_space<hbm>> -> memref<4x128xi32, #tpu.memory_space<hbm>>
        %dma_start3A_481 = arith.constant 0 : i32
        %dma_start3A_482 = arith.constant 0 : i32
        %dma_start3A_483 = tpu.memref_slice %arg6[%sub3A_256, %dma_start3A_481, %dma_start3A_482] : memref<2x4x128xi32, #tpu.memory_space<vmem>> -> memref<1x4x128xi32, #tpu.memory_space<vmem>>
        %dma_start3A_484 = tpu.memref_squeeze %dma_start3A_483 : memref<1x4x128xi32, #tpu.memory_space<vmem>> -> memref<4x128xi32, #tpu.memory_space<vmem>>
        %dma_start3A_485 = arith.constant 0 : i32
        %dma_start3A_486 = tpu.memref_slice %arg3[%dma_start3A_473, %add3A_472, %dma_start3A_485] : memref<2x25000x128xi32, #tpu.memory_space<hbm>> -> memref<1x4x128xi32, #tpu.memory_space<hbm>>
        %dma_start3A_487 = tpu.memref_squeeze %dma_start3A_486 : memref<1x4x128xi32, #tpu.memory_space<hbm>> -> memref<4x128xi32, #tpu.memory_space<hbm>>
        tpu.enqueue_dma source(%dma_start3A_487 : memref<4x128xi32, #tpu.memory_space<hbm>>) target(%dma_start3A_484 : memref<4x128xi32, #tpu.memory_space<vmem>>) target_semaphore(%arg11 : memref<!tpu.dma_semaphore, #tpu.memory_space<semaphore_mem>>)
        %dma_start3A_488 = arith.constant 1 : i32
        %dma_start3A_489 = arith.constant 0 : i32
        %dma_start3A_490 = arith.constant 0 : i32
        %dma_start3A_491 = tpu.memref_slice %arg7[%sub3A_256, %dma_start3A_489, %dma_start3A_490] : memref<2x4x128xi32, #tpu.memory_space<vmem>> -> memref<1x4x128xi32, #tpu.memory_space<vmem>>
        %dma_start3A_492 = tpu.memref_squeeze %dma_start3A_491 : memref<1x4x128xi32, #tpu.memory_space<vmem>> -> memref<4x128xi32, #tpu.memory_space<vmem>>
        %dma_start3A_493 = arith.constant 0 : i32
        %dma_start3A_494 = tpu.memref_slice %arg3[%dma_start3A_488, %add3A_472, %dma_start3A_493] : memref<2x25000x128xi32, #tpu.memory_space<hbm>> -> memref<1x4x128xi32, #tpu.memory_space<hbm>>
        %dma_start3A_495 = tpu.memref_squeeze %dma_start3A_494 : memref<1x4x128xi32, #tpu.memory_space<hbm>> -> memref<4x128xi32, #tpu.memory_space<hbm>>
        %dma_start3A_496 = arith.constant 0 : i32
        %dma_start3A_497 = arith.constant 0 : i32
        %dma_start3A_498 = tpu.memref_slice %arg7[%sub3A_256, %dma_start3A_496, %dma_start3A_497] : memref<2x4x128xi32, #tpu.memory_space<vmem>> -> memref<1x4x128xi32, #tpu.memory_space<vmem>>
        %dma_start3A_499 = tpu.memref_squeeze %dma_start3A_498 : memref<1x4x128xi32, #tpu.memory_space<vmem>> -> memref<4x128xi32, #tpu.memory_space<vmem>>
        %dma_start3A_500 = arith.constant 0 : i32
        %dma_start3A_501 = tpu.memref_slice %arg3[%dma_start3A_488, %add3A_472, %dma_start3A_500] : memref<2x25000x128xi32, #tpu.memory_space<hbm>> -> memref<1x4x128xi32, #tpu.memory_space<hbm>>
        %dma_start3A_502 = tpu.memref_squeeze %dma_start3A_501 : memref<1x4x128xi32, #tpu.memory_space<hbm>> -> memref<4x128xi32, #tpu.memory_space<hbm>>
        tpu.enqueue_dma source(%dma_start3A_502 : memref<4x128xi32, #tpu.memory_space<hbm>>) target(%dma_start3A_499 : memref<4x128xi32, #tpu.memory_space<vmem>>) target_semaphore(%arg11 : memref<!tpu.dma_semaphore, #tpu.memory_space<semaphore_mem>>)
      } else {
      }
      %dma_wait3A_348 = arith.constant 0 : i32
      %dma_wait3A_349 = arith.constant 0 : i32
      %dma_wait3A_350 = arith.constant 0 : i32
      %dma_wait3A_351 = arith.constant 0 : i32
      %dma_wait3A_352 = tpu.memref_slice %arg8[%rem3A_255, %dma_wait3A_349, %dma_wait3A_350, %dma_wait3A_351] : memref<2x4x128x16xf32, #tpu.memory_space<vmem>> -> memref<1x1x128x16xf32, #tpu.memory_space<vmem>>
      %dma_wait3A_353 = tpu.memref_squeeze %dma_wait3A_352 : memref<1x1x128x16xf32, #tpu.memory_space<vmem>> -> memref<128x16xf32, #tpu.memory_space<vmem>>
      %dma_wait3A_354 = arith.constant 0 : i32
      %dma_wait3A_355 = tpu.memref_slice %arg6[%rem3A_255, %dma_wait3A_348, %dma_wait3A_354] : memref<2x4x128xi32, #tpu.memory_space<vmem>> -> memref<1x1x128xi32, #tpu.memory_space<vmem>>
      %dma_wait3A_356 = tpu.memref_squeeze %dma_wait3A_355 : memref<1x1x128xi32, #tpu.memory_space<vmem>> -> memref<128xi32, #tpu.memory_space<vmem>>
      %dma_wait3A_357 = arith.constant 0 : i32
      %dma_wait3A_358 = arith.constant 0 : i32
      %dma_wait3A_359 = tpu.memref_slice %arg2[%dma_wait3A_357, %dma_wait3A_358] : memref<100000x16xf32, #tpu.memory_space<hbm>> -> memref<100000x16xf32, #tpu.memory_space<hbm>>
      tpu.wait_indirect_dma semaphore(%arg12 : memref<!tpu.dma_semaphore, #tpu.memory_space<semaphore_mem>>) src(%dma_wait3A_359 : memref<100000x16xf32, #tpu.memory_space<hbm>>) dst(%dma_wait3A_353 : memref<128x16xf32, #tpu.memory_space<vmem>>)
      %dma_wait3A_360 = arith.constant 1 : i32
      %dma_wait3A_361 = arith.constant 1 : i32
      %dma_wait3A_362 = arith.constant 0 : i32
      %dma_wait3A_363 = arith.constant 0 : i32
      %dma_wait3A_364 = tpu.memref_slice %arg8[%rem3A_255, %dma_wait3A_361, %dma_wait3A_362, %dma_wait3A_363] : memref<2x4x128x16xf32, #tpu.memory_space<vmem>> -> memref<1x1x128x16xf32, #tpu.memory_space<vmem>>
      %dma_wait3A_365 = tpu.memref_squeeze %dma_wait3A_364 : memref<1x1x128x16xf32, #tpu.memory_space<vmem>> -> memref<128x16xf32, #tpu.memory_space<vmem>>
      %dma_wait3A_366 = arith.constant 0 : i32
      %dma_wait3A_367 = tpu.memref_slice %arg6[%rem3A_255, %dma_wait3A_360, %dma_wait3A_366] : memref<2x4x128xi32, #tpu.memory_space<vmem>> -> memref<1x1x128xi32, #tpu.memory_space<vmem>>
      %dma_wait3A_368 = tpu.memref_squeeze %dma_wait3A_367 : memref<1x1x128xi32, #tpu.memory_space<vmem>> -> memref<128xi32, #tpu.memory_space<vmem>>
      %dma_wait3A_369 = arith.constant 0 : i32
      %dma_wait3A_370 = arith.constant 0 : i32
      %dma_wait3A_371 = tpu.memref_slice %arg2[%dma_wait3A_369, %dma_wait3A_370] : memref<100000x16xf32, #tpu.memory_space<hbm>> -> memref<100000x16xf32, #tpu.memory_space<hbm>>
      tpu.wait_indirect_dma semaphore(%arg12 : memref<!tpu.dma_semaphore, #tpu.memory_space<semaphore_mem>>) src(%dma_wait3A_371 : memref<100000x16xf32, #tpu.memory_space<hbm>>) dst(%dma_wait3A_365 : memref<128x16xf32, #tpu.memory_space<vmem>>)
      %dma_wait3A_372 = arith.constant 2 : i32
      %dma_wait3A_373 = arith.constant 2 : i32
      %dma_wait3A_374 = arith.constant 0 : i32
      %dma_wait3A_375 = arith.constant 0 : i32
      %dma_wait3A_376 = tpu.memref_slice %arg8[%rem3A_255, %dma_wait3A_373, %dma_wait3A_374, %dma_wait3A_375] : memref<2x4x128x16xf32, #tpu.memory_space<vmem>> -> memref<1x1x128x16xf32, #tpu.memory_space<vmem>>
      %dma_wait3A_377 = tpu.memref_squeeze %dma_wait3A_376 : memref<1x1x128x16xf32, #tpu.memory_space<vmem>> -> memref<128x16xf32, #tpu.memory_space<vmem>>
      %dma_wait3A_378 = arith.constant 0 : i32
      %dma_wait3A_379 = tpu.memref_slice %arg6[%rem3A_255, %dma_wait3A_372, %dma_wait3A_378] : memref<2x4x128xi32, #tpu.memory_space<vmem>> -> memref<1x1x128xi32, #tpu.memory_space<vmem>>
      %dma_wait3A_380 = tpu.memref_squeeze %dma_wait3A_379 : memref<1x1x128xi32, #tpu.memory_space<vmem>> -> memref<128xi32, #tpu.memory_space<vmem>>
      %dma_wait3A_381 = arith.constant 0 : i32
      %dma_wait3A_382 = arith.constant 0 : i32
      %dma_wait3A_383 = tpu.memref_slice %arg2[%dma_wait3A_381, %dma_wait3A_382] : memref<100000x16xf32, #tpu.memory_space<hbm>> -> memref<100000x16xf32, #tpu.memory_space<hbm>>
      tpu.wait_indirect_dma semaphore(%arg12 : memref<!tpu.dma_semaphore, #tpu.memory_space<semaphore_mem>>) src(%dma_wait3A_383 : memref<100000x16xf32, #tpu.memory_space<hbm>>) dst(%dma_wait3A_377 : memref<128x16xf32, #tpu.memory_space<vmem>>)
      %dma_wait3A_384 = arith.constant 3 : i32
      %dma_wait3A_385 = arith.constant 3 : i32
      %dma_wait3A_386 = arith.constant 0 : i32
      %dma_wait3A_387 = arith.constant 0 : i32
      %dma_wait3A_388 = tpu.memref_slice %arg8[%rem3A_255, %dma_wait3A_385, %dma_wait3A_386, %dma_wait3A_387] : memref<2x4x128x16xf32, #tpu.memory_space<vmem>> -> memref<1x1x128x16xf32, #tpu.memory_space<vmem>>
      %dma_wait3A_389 = tpu.memref_squeeze %dma_wait3A_388 : memref<1x1x128x16xf32, #tpu.memory_space<vmem>> -> memref<128x16xf32, #tpu.memory_space<vmem>>
      %dma_wait3A_390 = arith.constant 0 : i32
      %dma_wait3A_391 = tpu.memref_slice %arg6[%rem3A_255, %dma_wait3A_384, %dma_wait3A_390] : memref<2x4x128xi32, #tpu.memory_space<vmem>> -> memref<1x1x128xi32, #tpu.memory_space<vmem>>
      %dma_wait3A_392 = tpu.memref_squeeze %dma_wait3A_391 : memref<1x1x128xi32, #tpu.memory_space<vmem>> -> memref<128xi32, #tpu.memory_space<vmem>>
      %dma_wait3A_393 = arith.constant 0 : i32
      %dma_wait3A_394 = arith.constant 0 : i32
      %dma_wait3A_395 = tpu.memref_slice %arg2[%dma_wait3A_393, %dma_wait3A_394] : memref<100000x16xf32, #tpu.memory_space<hbm>> -> memref<100000x16xf32, #tpu.memory_space<hbm>>
      tpu.wait_indirect_dma semaphore(%arg12 : memref<!tpu.dma_semaphore, #tpu.memory_space<semaphore_mem>>) src(%dma_wait3A_395 : memref<100000x16xf32, #tpu.memory_space<hbm>>) dst(%dma_wait3A_389 : memref<128x16xf32, #tpu.memory_space<vmem>>)
      %dma_start3A_396 = arith.constant 0 : i32
      %dma_start3A_397 = arith.constant 0 : i32
      %dma_start3A_398 = arith.constant 0 : i32
      %dma_start3A_399 = arith.constant 0 : i32
      %dma_start3A_400 = tpu.memref_slice %arg8[%rem3A_255, %dma_start3A_396, %dma_start3A_398, %dma_start3A_399] : memref<2x4x128x16xf32, #tpu.memory_space<vmem>> -> memref<1x1x128x16xf32, #tpu.memory_space<vmem>>
      %dma_start3A_401 = tpu.memref_squeeze %dma_start3A_400 : memref<1x1x128x16xf32, #tpu.memory_space<vmem>> -> memref<128x16xf32, #tpu.memory_space<vmem>>
      %dma_start3A_402 = arith.constant 0 : i32
      %dma_start3A_403 = tpu.memref_slice %arg7[%rem3A_255, %dma_start3A_397, %dma_start3A_402] : memref<2x4x128xi32, #tpu.memory_space<vmem>> -> memref<1x1x128xi32, #tpu.memory_space<vmem>>
      %dma_start3A_404 = tpu.memref_squeeze %dma_start3A_403 : memref<1x1x128xi32, #tpu.memory_space<vmem>> -> memref<128xi32, #tpu.memory_space<vmem>>
      %dma_start3A_405 = arith.constant 0 : i32
      %dma_start3A_406 = arith.constant 0 : i32
      %dma_start3A_407 = tpu.memref_slice %arg10[%dma_start3A_405, %dma_start3A_406] : memref<100352x16xf32, #tpu.memory_space<vmem_shared>> -> memref<100352x16xf32, #tpu.memory_space<vmem_shared>>
      tpu.enqueue_indirect_dma source(%dma_start3A_401 : memref<128x16xf32, #tpu.memory_space<vmem>>) target(%dma_start3A_407 : memref<100352x16xf32, #tpu.memory_space<vmem_shared>>) offsets(%dma_start3A_404 : memref<128xi32, #tpu.memory_space<vmem>>) semaphore(%arg13 : memref<!tpu.dma_semaphore, #tpu.memory_space<semaphore_mem>>) {add = true}
      %dma_start3A_408 = arith.constant 1 : i32
      %dma_start3A_409 = arith.constant 1 : i32
      %dma_start3A_410 = arith.constant 0 : i32
      %dma_start3A_411 = arith.constant 0 : i32
      %dma_start3A_412 = tpu.memref_slice %arg8[%rem3A_255, %dma_start3A_408, %dma_start3A_410, %dma_start3A_411] : memref<2x4x128x16xf32, #tpu.memory_space<vmem>> -> memref<1x1x128x16xf32, #tpu.memory_space<vmem>>
      %dma_start3A_413 = tpu.memref_squeeze %dma_start3A_412 : memref<1x1x128x16xf32, #tpu.memory_space<vmem>> -> memref<128x16xf32, #tpu.memory_space<vmem>>
      %dma_start3A_414 = arith.constant 0 : i32
      %dma_start3A_415 = tpu.memref_slice %arg7[%rem3A_255, %dma_start3A_409, %dma_start3A_414] : memref<2x4x128xi32, #tpu.memory_space<vmem>> -> memref<1x1x128xi32, #tpu.memory_space<vmem>>
      %dma_start3A_416 = tpu.memref_squeeze %dma_start3A_415 : memref<1x1x128xi32, #tpu.memory_space<vmem>> -> memref<128xi32, #tpu.memory_space<vmem>>
      %dma_start3A_417 = arith.constant 0 : i32
      %dma_start3A_418 = arith.constant 0 : i32
      %dma_start3A_419 = tpu.memref_slice %arg10[%dma_start3A_417, %dma_start3A_418] : memref<100352x16xf32, #tpu.memory_space<vmem_shared>> -> memref<100352x16xf32, #tpu.memory_space<vmem_shared>>
      tpu.enqueue_indirect_dma source(%dma_start3A_413 : memref<128x16xf32, #tpu.memory_space<vmem>>) target(%dma_start3A_419 : memref<100352x16xf32, #tpu.memory_space<vmem_shared>>) offsets(%dma_start3A_416 : memref<128xi32, #tpu.memory_space<vmem>>) semaphore(%arg13 : memref<!tpu.dma_semaphore, #tpu.memory_space<semaphore_mem>>) {add = true}
      %dma_start3A_420 = arith.constant 2 : i32
      %dma_start3A_421 = arith.constant 2 : i32
      %dma_start3A_422 = arith.constant 0 : i32
      %dma_start3A_423 = arith.constant 0 : i32
      %dma_start3A_424 = tpu.memref_slice %arg8[%rem3A_255, %dma_start3A_420, %dma_start3A_422, %dma_start3A_423] : memref<2x4x128x16xf32, #tpu.memory_space<vmem>> -> memref<1x1x128x16xf32, #tpu.memory_space<vmem>>
      %dma_start3A_425 = tpu.memref_squeeze %dma_start3A_424 : memref<1x1x128x16xf32, #tpu.memory_space<vmem>> -> memref<128x16xf32, #tpu.memory_space<vmem>>
      %dma_start3A_426 = arith.constant 0 : i32
      %dma_start3A_427 = tpu.memref_slice %arg7[%rem3A_255, %dma_start3A_421, %dma_start3A_426] : memref<2x4x128xi32, #tpu.memory_space<vmem>> -> memref<1x1x128xi32, #tpu.memory_space<vmem>>
      %dma_start3A_428 = tpu.memref_squeeze %dma_start3A_427 : memref<1x1x128xi32, #tpu.memory_space<vmem>> -> memref<128xi32, #tpu.memory_space<vmem>>
      %dma_start3A_429 = arith.constant 0 : i32
      %dma_start3A_430 = arith.constant 0 : i32
      %dma_start3A_431 = tpu.memref_slice %arg10[%dma_start3A_429, %dma_start3A_430] : memref<100352x16xf32, #tpu.memory_space<vmem_shared>> -> memref<100352x16xf32, #tpu.memory_space<vmem_shared>>
      tpu.enqueue_indirect_dma source(%dma_start3A_425 : memref<128x16xf32, #tpu.memory_space<vmem>>) target(%dma_start3A_431 : memref<100352x16xf32, #tpu.memory_space<vmem_shared>>) offsets(%dma_start3A_428 : memref<128xi32, #tpu.memory_space<vmem>>) semaphore(%arg13 : memref<!tpu.dma_semaphore, #tpu.memory_space<semaphore_mem>>) {add = true}
      %dma_start3A_432 = arith.constant 3 : i32
      %dma_start3A_433 = arith.constant 3 : i32
      %dma_start3A_434 = arith.constant 0 : i32
      %dma_start3A_435 = arith.constant 0 : i32
      %dma_start3A_436 = tpu.memref_slice %arg8[%rem3A_255, %dma_start3A_432, %dma_start3A_434, %dma_start3A_435] : memref<2x4x128x16xf32, #tpu.memory_space<vmem>> -> memref<1x1x128x16xf32, #tpu.memory_space<vmem>>
      %dma_start3A_437 = tpu.memref_squeeze %dma_start3A_436 : memref<1x1x128x16xf32, #tpu.memory_space<vmem>> -> memref<128x16xf32, #tpu.memory_space<vmem>>
      %dma_start3A_438 = arith.constant 0 : i32
      %dma_start3A_439 = tpu.memref_slice %arg7[%rem3A_255, %dma_start3A_433, %dma_start3A_438] : memref<2x4x128xi32, #tpu.memory_space<vmem>> -> memref<1x1x128xi32, #tpu.memory_space<vmem>>
      %dma_start3A_440 = tpu.memref_squeeze %dma_start3A_439 : memref<1x1x128xi32, #tpu.memory_space<vmem>> -> memref<128xi32, #tpu.memory_space<vmem>>
      %dma_start3A_441 = arith.constant 0 : i32
      %dma_start3A_442 = arith.constant 0 : i32
      %dma_start3A_443 = tpu.memref_slice %arg10[%dma_start3A_441, %dma_start3A_442] : memref<100352x16xf32, #tpu.memory_space<vmem_shared>> -> memref<100352x16xf32, #tpu.memory_space<vmem_shared>>
      tpu.enqueue_indirect_dma source(%dma_start3A_437 : memref<128x16xf32, #tpu.memory_space<vmem>>) target(%dma_start3A_443 : memref<100352x16xf32, #tpu.memory_space<vmem_shared>>) offsets(%dma_start3A_440 : memref<128xi32, #tpu.memory_space<vmem>>) semaphore(%arg13 : memref<!tpu.dma_semaphore, #tpu.memory_space<semaphore_mem>>) {add = true}
      %dma_start3A_444 = arith.constant 0 : i32
      %dma_start3A_445 = arith.constant 0 : i32
      %dma_start3A_446 = tpu.memref_slice %arg7[%rem3A_255, %dma_start3A_444, %dma_start3A_445] : memref<2x4x128xi32, #tpu.memory_space<vmem>> -> memref<1x1x128xi32, #tpu.memory_space<vmem>>
      %dma_start3A_447 = tpu.memref_squeeze %dma_start3A_446 : memref<1x1x128xi32, #tpu.memory_space<vmem>> -> memref<128xi32, #tpu.memory_space<vmem>>
      %dma_start3A_448 = arith.constant 0 : i32
      %dma_start3A_449 = tpu.memref_slice %arg16[%dma_start3A_448] : memref<100352xf32, #tpu.memory_space<vmem_shared>> -> memref<100352xf32, #tpu.memory_space<vmem_shared>>
      tpu.enqueue_indirect_dma source(%arg14 : memref<128xf32, #tpu.memory_space<vmem>>) target(%dma_start3A_449 : memref<100352xf32, #tpu.memory_space<vmem_shared>>) offsets(%dma_start3A_447 : memref<128xi32, #tpu.memory_space<vmem>>) semaphore(%arg17 : memref<!tpu.dma_semaphore, #tpu.memory_space<semaphore_mem>>) {add = true}
      %dma_start3A_450 = arith.constant 1 : i32
      %dma_start3A_451 = arith.constant 0 : i32
      %dma_start3A_452 = tpu.memref_slice %arg7[%rem3A_255, %dma_start3A_450, %dma_start3A_451] : memref<2x4x128xi32, #tpu.memory_space<vmem>> -> memref<1x1x128xi32, #tpu.memory_space<vmem>>
      %dma_start3A_453 = tpu.memref_squeeze %dma_start3A_452 : memref<1x1x128xi32, #tpu.memory_space<vmem>> -> memref<128xi32, #tpu.memory_space<vmem>>
      %dma_start3A_454 = arith.constant 0 : i32
      %dma_start3A_455 = tpu.memref_slice %arg16[%dma_start3A_454] : memref<100352xf32, #tpu.memory_space<vmem_shared>> -> memref<100352xf32, #tpu.memory_space<vmem_shared>>
      tpu.enqueue_indirect_dma source(%arg14 : memref<128xf32, #tpu.memory_space<vmem>>) target(%dma_start3A_455 : memref<100352xf32, #tpu.memory_space<vmem_shared>>) offsets(%dma_start3A_453 : memref<128xi32, #tpu.memory_space<vmem>>) semaphore(%arg17 : memref<!tpu.dma_semaphore, #tpu.memory_space<semaphore_mem>>) {add = true}
      %dma_start3A_456 = arith.constant 2 : i32
      %dma_start3A_457 = arith.constant 0 : i32
      %dma_start3A_458 = tpu.memref_slice %arg7[%rem3A_255, %dma_start3A_456, %dma_start3A_457] : memref<2x4x128xi32, #tpu.memory_space<vmem>> -> memref<1x1x128xi32, #tpu.memory_space<vmem>>
      %dma_start3A_459 = tpu.memref_squeeze %dma_start3A_458 : memref<1x1x128xi32, #tpu.memory_space<vmem>> -> memref<128xi32, #tpu.memory_space<vmem>>
      %dma_start3A_460 = arith.constant 0 : i32
      %dma_start3A_461 = tpu.memref_slice %arg16[%dma_start3A_460] : memref<100352xf32, #tpu.memory_space<vmem_shared>> -> memref<100352xf32, #tpu.memory_space<vmem_shared>>
      tpu.enqueue_indirect_dma source(%arg14 : memref<128xf32, #tpu.memory_space<vmem>>) target(%dma_start3A_461 : memref<100352xf32, #tpu.memory_space<vmem_shared>>) offsets(%dma_start3A_459 : memref<128xi32, #tpu.memory_space<vmem>>) semaphore(%arg17 : memref<!tpu.dma_semaphore, #tpu.memory_space<semaphore_mem>>) {add = true}
      %dma_start3A_462 = arith.constant 3 : i32
      %dma_start3A_463 = arith.constant 0 : i32
      %dma_start3A_464 = tpu.memref_slice %arg7[%rem3A_255, %dma_start3A_462, %dma_start3A_463] : memref<2x4x128xi32, #tpu.memory_space<vmem>> -> memref<1x1x128xi32, #tpu.memory_space<vmem>>
      %dma_start3A_465 = tpu.memref_squeeze %dma_start3A_464 : memref<1x1x128xi32, #tpu.memory_space<vmem>> -> memref<128xi32, #tpu.memory_space<vmem>>
      %dma_start3A_466 = arith.constant 0 : i32
      %dma_start3A_467 = tpu.memref_slice %arg16[%dma_start3A_466] : memref<100352xf32, #tpu.memory_space<vmem_shared>> -> memref<100352xf32, #tpu.memory_space<vmem_shared>>
      tpu.enqueue_indirect_dma source(%arg14 : memref<128xf32, #tpu.memory_space<vmem>>) target(%dma_start3A_467 : memref<100352xf32, #tpu.memory_space<vmem_shared>>) offsets(%dma_start3A_465 : memref<128xi32, #tpu.memory_space<vmem>>) semaphore(%arg17 : memref<!tpu.dma_semaphore, #tpu.memory_space<semaphore_mem>>) {add = true}
    }
    %scan3A_152 = arith.constant 195 : i32
    %dma_wait3A = arith.constant 0 : i32
    %dma_wait3A_153 = arith.constant 0 : i32
    %dma_wait3A_154 = arith.constant 0 : i32
    %dma_wait3A_155 = arith.constant 0 : i32
    %dma_wait3A_156 = arith.constant 0 : i32
    %dma_wait3A_157 = arith.constant 0 : i32
    %dma_wait3A_158 = tpu.memref_slice %arg8[%dma_wait3A, %dma_wait3A_153, %dma_wait3A_156, %dma_wait3A_157] : memref<2x4x128x16xf32, #tpu.memory_space<vmem>> -> memref<1x1x128x16xf32, #tpu.memory_space<vmem>>
    %dma_wait3A_159 = tpu.memref_squeeze %dma_wait3A_158 : memref<1x1x128x16xf32, #tpu.memory_space<vmem>> -> memref<128x16xf32, #tpu.memory_space<vmem>>
    %dma_wait3A_160 = arith.constant 0 : i32
    %dma_wait3A_161 = tpu.memref_slice %arg7[%dma_wait3A_154, %dma_wait3A_155, %dma_wait3A_160] : memref<2x4x128xi32, #tpu.memory_space<vmem>> -> memref<1x1x128xi32, #tpu.memory_space<vmem>>
    %dma_wait3A_162 = tpu.memref_squeeze %dma_wait3A_161 : memref<1x1x128xi32, #tpu.memory_space<vmem>> -> memref<128xi32, #tpu.memory_space<vmem>>
    %dma_wait3A_163 = arith.constant 0 : i32
    %dma_wait3A_164 = arith.constant 0 : i32
    %dma_wait3A_165 = tpu.memref_slice %arg10[%dma_wait3A_163, %dma_wait3A_164] : memref<100352x16xf32, #tpu.memory_space<vmem_shared>> -> memref<100352x16xf32, #tpu.memory_space<vmem_shared>>
    tpu.wait_indirect_dma semaphore(%arg13 : memref<!tpu.dma_semaphore, #tpu.memory_space<semaphore_mem>>) src(%dma_wait3A_159 : memref<128x16xf32, #tpu.memory_space<vmem>>) dst(%dma_wait3A_165 : memref<100352x16xf32, #tpu.memory_space<vmem_shared>>)
    %dma_wait3A_166 = arith.constant 0 : i32
    %dma_wait3A_167 = arith.constant 1 : i32
    %dma_wait3A_168 = arith.constant 0 : i32
    %dma_wait3A_169 = arith.constant 1 : i32
    %dma_wait3A_170 = arith.constant 0 : i32
    %dma_wait3A_171 = arith.constant 0 : i32
    %dma_wait3A_172 = tpu.memref_slice %arg8[%dma_wait3A_166, %dma_wait3A_167, %dma_wait3A_170, %dma_wait3A_171] : memref<2x4x128x16xf32, #tpu.memory_space<vmem>> -> memref<1x1x128x16xf32, #tpu.memory_space<vmem>>
    %dma_wait3A_173 = tpu.memref_squeeze %dma_wait3A_172 : memref<1x1x128x16xf32, #tpu.memory_space<vmem>> -> memref<128x16xf32, #tpu.memory_space<vmem>>
    %dma_wait3A_174 = arith.constant 0 : i32
    %dma_wait3A_175 = tpu.memref_slice %arg7[%dma_wait3A_168, %dma_wait3A_169, %dma_wait3A_174] : memref<2x4x128xi32, #tpu.memory_space<vmem>> -> memref<1x1x128xi32, #tpu.memory_space<vmem>>
    %dma_wait3A_176 = tpu.memref_squeeze %dma_wait3A_175 : memref<1x1x128xi32, #tpu.memory_space<vmem>> -> memref<128xi32, #tpu.memory_space<vmem>>
    %dma_wait3A_177 = arith.constant 0 : i32
    %dma_wait3A_178 = arith.constant 0 : i32
    %dma_wait3A_179 = tpu.memref_slice %arg10[%dma_wait3A_177, %dma_wait3A_178] : memref<100352x16xf32, #tpu.memory_space<vmem_shared>> -> memref<100352x16xf32, #tpu.memory_space<vmem_shared>>
    tpu.wait_indirect_dma semaphore(%arg13 : memref<!tpu.dma_semaphore, #tpu.memory_space<semaphore_mem>>) src(%dma_wait3A_173 : memref<128x16xf32, #tpu.memory_space<vmem>>) dst(%dma_wait3A_179 : memref<100352x16xf32, #tpu.memory_space<vmem_shared>>)
    %dma_wait3A_180 = arith.constant 0 : i32
    %dma_wait3A_181 = arith.constant 2 : i32
    %dma_wait3A_182 = arith.constant 0 : i32
    %dma_wait3A_183 = arith.constant 2 : i32
    %dma_wait3A_184 = arith.constant 0 : i32
    %dma_wait3A_185 = arith.constant 0 : i32
    %dma_wait3A_186 = tpu.memref_slice %arg8[%dma_wait3A_180, %dma_wait3A_181, %dma_wait3A_184, %dma_wait3A_185] : memref<2x4x128x16xf32, #tpu.memory_space<vmem>> -> memref<1x1x128x16xf32, #tpu.memory_space<vmem>>
    %dma_wait3A_187 = tpu.memref_squeeze %dma_wait3A_186 : memref<1x1x128x16xf32, #tpu.memory_space<vmem>> -> memref<128x16xf32, #tpu.memory_space<vmem>>
    %dma_wait3A_188 = arith.constant 0 : i32
    %dma_wait3A_189 = tpu.memref_slice %arg7[%dma_wait3A_182, %dma_wait3A_183, %dma_wait3A_188] : memref<2x4x128xi32, #tpu.memory_space<vmem>> -> memref<1x1x128xi32, #tpu.memory_space<vmem>>
    %dma_wait3A_190 = tpu.memref_squeeze %dma_wait3A_189 : memref<1x1x128xi32, #tpu.memory_space<vmem>> -> memref<128xi32, #tpu.memory_space<vmem>>
    %dma_wait3A_191 = arith.constant 0 : i32
    %dma_wait3A_192 = arith.constant 0 : i32
    %dma_wait3A_193 = tpu.memref_slice %arg10[%dma_wait3A_191, %dma_wait3A_192] : memref<100352x16xf32, #tpu.memory_space<vmem_shared>> -> memref<100352x16xf32, #tpu.memory_space<vmem_shared>>
    tpu.wait_indirect_dma semaphore(%arg13 : memref<!tpu.dma_semaphore, #tpu.memory_space<semaphore_mem>>) src(%dma_wait3A_187 : memref<128x16xf32, #tpu.memory_space<vmem>>) dst(%dma_wait3A_193 : memref<100352x16xf32, #tpu.memory_space<vmem_shared>>)
    %dma_wait3A_194 = arith.constant 0 : i32
    %dma_wait3A_195 = arith.constant 3 : i32
    %dma_wait3A_196 = arith.constant 0 : i32
    %dma_wait3A_197 = arith.constant 3 : i32
    %dma_wait3A_198 = arith.constant 0 : i32
    %dma_wait3A_199 = arith.constant 0 : i32
    %dma_wait3A_200 = tpu.memref_slice %arg8[%dma_wait3A_194, %dma_wait3A_195, %dma_wait3A_198, %dma_wait3A_199] : memref<2x4x128x16xf32, #tpu.memory_space<vmem>> -> memref<1x1x128x16xf32, #tpu.memory_space<vmem>>
    %dma_wait3A_201 = tpu.memref_squeeze %dma_wait3A_200 : memref<1x1x128x16xf32, #tpu.memory_space<vmem>> -> memref<128x16xf32, #tpu.memory_space<vmem>>
    %dma_wait3A_202 = arith.constant 0 : i32
    %dma_wait3A_203 = tpu.memref_slice %arg7[%dma_wait3A_196, %dma_wait3A_197, %dma_wait3A_202] : memref<2x4x128xi32, #tpu.memory_space<vmem>> -> memref<1x1x128xi32, #tpu.memory_space<vmem>>
    %dma_wait3A_204 = tpu.memref_squeeze %dma_wait3A_203 : memref<1x1x128xi32, #tpu.memory_space<vmem>> -> memref<128xi32, #tpu.memory_space<vmem>>
    %dma_wait3A_205 = arith.constant 0 : i32
    %dma_wait3A_206 = arith.constant 0 : i32
    %dma_wait3A_207 = tpu.memref_slice %arg10[%dma_wait3A_205, %dma_wait3A_206] : memref<100352x16xf32, #tpu.memory_space<vmem_shared>> -> memref<100352x16xf32, #tpu.memory_space<vmem_shared>>
    tpu.wait_indirect_dma semaphore(%arg13 : memref<!tpu.dma_semaphore, #tpu.memory_space<semaphore_mem>>) src(%dma_wait3A_201 : memref<128x16xf32, #tpu.memory_space<vmem>>) dst(%dma_wait3A_207 : memref<100352x16xf32, #tpu.memory_space<vmem_shared>>)
    %dma_wait3A_208 = arith.constant 0 : i32
    %dma_wait3A_209 = arith.constant 0 : i32
    %dma_wait3A_210 = arith.constant 0 : i32
    %dma_wait3A_211 = tpu.memref_slice %arg7[%dma_wait3A_208, %dma_wait3A_209, %dma_wait3A_210] : memref<2x4x128xi32, #tpu.memory_space<vmem>> -> memref<1x1x128xi32, #tpu.memory_space<vmem>>
    %dma_wait3A_212 = tpu.memref_squeeze %dma_wait3A_211 : memref<1x1x128xi32, #tpu.memory_space<vmem>> -> memref<128xi32, #tpu.memory_space<vmem>>
    %dma_wait3A_213 = arith.constant 0 : i32
    %dma_wait3A_214 = tpu.memref_slice %arg16[%dma_wait3A_213] : memref<100352xf32, #tpu.memory_space<vmem_shared>> -> memref<100352xf32, #tpu.memory_space<vmem_shared>>
    tpu.wait_indirect_dma semaphore(%arg17 : memref<!tpu.dma_semaphore, #tpu.memory_space<semaphore_mem>>) src(%arg14 : memref<128xf32, #tpu.memory_space<vmem>>) dst(%dma_wait3A_214 : memref<100352xf32, #tpu.memory_space<vmem_shared>>)
    %dma_wait3A_215 = arith.constant 0 : i32
    %dma_wait3A_216 = arith.constant 1 : i32
    %dma_wait3A_217 = arith.constant 0 : i32
    %dma_wait3A_218 = tpu.memref_slice %arg7[%dma_wait3A_215, %dma_wait3A_216, %dma_wait3A_217] : memref<2x4x128xi32, #tpu.memory_space<vmem>> -> memref<1x1x128xi32, #tpu.memory_space<vmem>>
    %dma_wait3A_219 = tpu.memref_squeeze %dma_wait3A_218 : memref<1x1x128xi32, #tpu.memory_space<vmem>> -> memref<128xi32, #tpu.memory_space<vmem>>
    %dma_wait3A_220 = arith.constant 0 : i32
    %dma_wait3A_221 = tpu.memref_slice %arg16[%dma_wait3A_220] : memref<100352xf32, #tpu.memory_space<vmem_shared>> -> memref<100352xf32, #tpu.memory_space<vmem_shared>>
    tpu.wait_indirect_dma semaphore(%arg17 : memref<!tpu.dma_semaphore, #tpu.memory_space<semaphore_mem>>) src(%arg14 : memref<128xf32, #tpu.memory_space<vmem>>) dst(%dma_wait3A_221 : memref<100352xf32, #tpu.memory_space<vmem_shared>>)
    %dma_wait3A_222 = arith.constant 0 : i32
    %dma_wait3A_223 = arith.constant 2 : i32
    %dma_wait3A_224 = arith.constant 0 : i32
    %dma_wait3A_225 = tpu.memref_slice %arg7[%dma_wait3A_222, %dma_wait3A_223, %dma_wait3A_224] : memref<2x4x128xi32, #tpu.memory_space<vmem>> -> memref<1x1x128xi32, #tpu.memory_space<vmem>>
    %dma_wait3A_226 = tpu.memref_squeeze %dma_wait3A_225 : memref<1x1x128xi32, #tpu.memory_space<vmem>> -> memref<128xi32, #tpu.memory_space<vmem>>
    %dma_wait3A_227 = arith.constant 0 : i32
    %dma_wait3A_228 = tpu.memref_slice %arg16[%dma_wait3A_227] : memref<100352xf32, #tpu.memory_space<vmem_shared>> -> memref<100352xf32, #tpu.memory_space<vmem_shared>>
    tpu.wait_indirect_dma semaphore(%arg17 : memref<!tpu.dma_semaphore, #tpu.memory_space<semaphore_mem>>) src(%arg14 : memref<128xf32, #tpu.memory_space<vmem>>) dst(%dma_wait3A_228 : memref<100352xf32, #tpu.memory_space<vmem_shared>>)
    %dma_wait3A_229 = arith.constant 0 : i32
    %dma_wait3A_230 = arith.constant 3 : i32
    %dma_wait3A_231 = arith.constant 0 : i32
    %dma_wait3A_232 = tpu.memref_slice %arg7[%dma_wait3A_229, %dma_wait3A_230, %dma_wait3A_231] : memref<2x4x128xi32, #tpu.memory_space<vmem>> -> memref<1x1x128xi32, #tpu.memory_space<vmem>>
    %dma_wait3A_233 = tpu.memref_squeeze %dma_wait3A_232 : memref<1x1x128xi32, #tpu.memory_space<vmem>> -> memref<128xi32, #tpu.memory_space<vmem>>
    %dma_wait3A_234 = arith.constant 0 : i32
    %dma_wait3A_235 = tpu.memref_slice %arg16[%dma_wait3A_234] : memref<100352xf32, #tpu.memory_space<vmem_shared>> -> memref<100352xf32, #tpu.memory_space<vmem_shared>>
    tpu.wait_indirect_dma semaphore(%arg17 : memref<!tpu.dma_semaphore, #tpu.memory_space<semaphore_mem>>) src(%arg14 : memref<128xf32, #tpu.memory_space<vmem>>) dst(%dma_wait3A_235 : memref<100352xf32, #tpu.memory_space<vmem_shared>>)
    %while3A = arith.constant 0 : i32
    %while3A_236 = arith.constant 0 : i32
    %while3A_237 = arith.subi %add3A_113, %while3A_236 : i32
    %while3A_238 = arith.addi %while3A_236, %while3A_237 : i32
    %while3A_239 = arith.constant 1 : i32
    %while3A_240 = arith.divsi %while3A_237, %while3A_239 : i32
    %while3A_241 = arith.muli %while3A_240, %while3A_239 : i32
    %while3A_242 = arith.addi %while3A_236, %while3A_241 : i32
    %while3A_243 = arith.constant 1 : i32
    scf.for %while3A_254 = %while3A_236 to %while3A_242 step %while3A_243  : i32 {
      %add3A_255 = arith.constant 780 : i32
      %add3A_256 = arith.addi %add3A_109, %add3A_255 : i32
      %add3A_257 = arith.addi %add3A_256, %while3A_254 : i32
      %run_scoped3A = arith.constant 0 : i32
      %run_scoped3A_258 = arith.constant 0 : i32
      "tpu.region"() ({
        %run_scoped3A_295 = tpu.sem_alloc : memref<!tpu.dma_semaphore, #tpu.memory_space<semaphore_mem>>
        %dma_start3A_296 = arith.constant 0 : i32
        %dma_start3A_297 = arith.constant 0 : i32
        %dma_start3A_298 = tpu.memref_slice %arg6[%run_scoped3A_258, %dma_start3A_296, %dma_start3A_297] : memref<2x4x128xi32, #tpu.memory_space<vmem>> -> memref<1x1x128xi32, #tpu.memory_space<vmem>>
        %dma_start3A_299 = tpu.memref_squeeze %dma_start3A_298 : memref<1x1x128xi32, #tpu.memory_space<vmem>> -> memref<1x128xi32, #tpu.memory_space<vmem>>
        %dma_start3A_300 = arith.constant 0 : i32
        %dma_start3A_301 = tpu.memref_slice %arg3[%run_scoped3A, %add3A_257, %dma_start3A_300] : memref<2x25000x128xi32, #tpu.memory_space<hbm>> -> memref<1x1x128xi32, #tpu.memory_space<hbm>>
        %dma_start3A_302 = tpu.memref_squeeze %dma_start3A_301 : memref<1x1x128xi32, #tpu.memory_space<hbm>> -> memref<1x128xi32, #tpu.memory_space<hbm>>
        %dma_start3A_303 = arith.constant 0 : i32
        %dma_start3A_304 = arith.constant 0 : i32
        %dma_start3A_305 = tpu.memref_slice %arg6[%run_scoped3A_258, %dma_start3A_303, %dma_start3A_304] : memref<2x4x128xi32, #tpu.memory_space<vmem>> -> memref<1x1x128xi32, #tpu.memory_space<vmem>>
        %dma_start3A_306 = tpu.memref_squeeze %dma_start3A_305 : memref<1x1x128xi32, #tpu.memory_space<vmem>> -> memref<1x128xi32, #tpu.memory_space<vmem>>
        %dma_start3A_307 = arith.constant 0 : i32
        %dma_start3A_308 = tpu.memref_slice %arg3[%run_scoped3A, %add3A_257, %dma_start3A_307] : memref<2x25000x128xi32, #tpu.memory_space<hbm>> -> memref<1x1x128xi32, #tpu.memory_space<hbm>>
        %dma_start3A_309 = tpu.memref_squeeze %dma_start3A_308 : memref<1x1x128xi32, #tpu.memory_space<hbm>> -> memref<1x128xi32, #tpu.memory_space<hbm>>
        tpu.enqueue_dma source(%dma_start3A_309 : memref<1x128xi32, #tpu.memory_space<hbm>>) target(%dma_start3A_306 : memref<1x128xi32, #tpu.memory_space<vmem>>) target_semaphore(%run_scoped3A_295 : memref<!tpu.dma_semaphore, #tpu.memory_space<semaphore_mem>>)
        %dma_wait3A_310 = arith.constant 0 : i32
        %dma_wait3A_311 = arith.constant 0 : i32
        %dma_wait3A_312 = tpu.memref_slice %arg6[%run_scoped3A_258, %dma_wait3A_310, %dma_wait3A_311] : memref<2x4x128xi32, #tpu.memory_space<vmem>> -> memref<1x1x128xi32, #tpu.memory_space<vmem>>
        %dma_wait3A_313 = tpu.memref_squeeze %dma_wait3A_312 : memref<1x1x128xi32, #tpu.memory_space<vmem>> -> memref<1x128xi32, #tpu.memory_space<vmem>>
        %dma_wait3A_314 = arith.constant 0 : i32
        %dma_wait3A_315 = tpu.memref_slice %arg3[%run_scoped3A, %add3A_257, %dma_wait3A_314] : memref<2x25000x128xi32, #tpu.memory_space<hbm>> -> memref<1x1x128xi32, #tpu.memory_space<hbm>>
        %dma_wait3A_316 = tpu.memref_squeeze %dma_wait3A_315 : memref<1x1x128xi32, #tpu.memory_space<hbm>> -> memref<1x128xi32, #tpu.memory_space<hbm>>
        %dma_wait3A_317 = arith.constant 0 : i32
        %dma_wait3A_318 = arith.constant 0 : i32
        %dma_wait3A_319 = tpu.memref_slice %arg6[%run_scoped3A_258, %dma_wait3A_317, %dma_wait3A_318] : memref<2x4x128xi32, #tpu.memory_space<vmem>> -> memref<1x1x128xi32, #tpu.memory_space<vmem>>
        %dma_wait3A_320 = tpu.memref_squeeze %dma_wait3A_319 : memref<1x1x128xi32, #tpu.memory_space<vmem>> -> memref<1x128xi32, #tpu.memory_space<vmem>>
        %dma_wait3A_321 = arith.constant 0 : i32
        %dma_wait3A_322 = tpu.memref_slice %arg3[%run_scoped3A, %add3A_257, %dma_wait3A_321] : memref<2x25000x128xi32, #tpu.memory_space<hbm>> -> memref<1x1x128xi32, #tpu.memory_space<hbm>>
        %dma_wait3A_323 = tpu.memref_squeeze %dma_wait3A_322 : memref<1x1x128xi32, #tpu.memory_space<hbm>> -> memref<1x128xi32, #tpu.memory_space<hbm>>
        tpu.wait_dma2 semaphore(%run_scoped3A_295 : memref<!tpu.dma_semaphore, #tpu.memory_space<semaphore_mem>>) src(%dma_wait3A_323 : memref<1x128xi32, #tpu.memory_space<hbm>>) dst(%dma_wait3A_320 : memref<1x128xi32, #tpu.memory_space<vmem>>)
        tpu.yield
      }) : () -> ()
      %run_scoped3A_259 = arith.constant 1 : i32
      %run_scoped3A_260 = arith.constant 0 : i32
      "tpu.region"() ({
        %run_scoped3A_295 = tpu.sem_alloc : memref<!tpu.dma_semaphore, #tpu.memory_space<semaphore_mem>>
        %dma_start3A_296 = arith.constant 0 : i32
        %dma_start3A_297 = arith.constant 0 : i32
        %dma_start3A_298 = tpu.memref_slice %arg7[%run_scoped3A_260, %dma_start3A_296, %dma_start3A_297] : memref<2x4x128xi32, #tpu.memory_space<vmem>> -> memref<1x1x128xi32, #tpu.memory_space<vmem>>
        %dma_start3A_299 = tpu.memref_squeeze %dma_start3A_298 : memref<1x1x128xi32, #tpu.memory_space<vmem>> -> memref<1x128xi32, #tpu.memory_space<vmem>>
        %dma_start3A_300 = arith.constant 0 : i32
        %dma_start3A_301 = tpu.memref_slice %arg3[%run_scoped3A_259, %add3A_257, %dma_start3A_300] : memref<2x25000x128xi32, #tpu.memory_space<hbm>> -> memref<1x1x128xi32, #tpu.memory_space<hbm>>
        %dma_start3A_302 = tpu.memref_squeeze %dma_start3A_301 : memref<1x1x128xi32, #tpu.memory_space<hbm>> -> memref<1x128xi32, #tpu.memory_space<hbm>>
        %dma_start3A_303 = arith.constant 0 : i32
        %dma_start3A_304 = arith.constant 0 : i32
        %dma_start3A_305 = tpu.memref_slice %arg7[%run_scoped3A_260, %dma_start3A_303, %dma_start3A_304] : memref<2x4x128xi32, #tpu.memory_space<vmem>> -> memref<1x1x128xi32, #tpu.memory_space<vmem>>
        %dma_start3A_306 = tpu.memref_squeeze %dma_start3A_305 : memref<1x1x128xi32, #tpu.memory_space<vmem>> -> memref<1x128xi32, #tpu.memory_space<vmem>>
        %dma_start3A_307 = arith.constant 0 : i32
        %dma_start3A_308 = tpu.memref_slice %arg3[%run_scoped3A_259, %add3A_257, %dma_start3A_307] : memref<2x25000x128xi32, #tpu.memory_space<hbm>> -> memref<1x1x128xi32, #tpu.memory_space<hbm>>
        %dma_start3A_309 = tpu.memref_squeeze %dma_start3A_308 : memref<1x1x128xi32, #tpu.memory_space<hbm>> -> memref<1x128xi32, #tpu.memory_space<hbm>>
        tpu.enqueue_dma source(%dma_start3A_309 : memref<1x128xi32, #tpu.memory_space<hbm>>) target(%dma_start3A_306 : memref<1x128xi32, #tpu.memory_space<vmem>>) target_semaphore(%run_scoped3A_295 : memref<!tpu.dma_semaphore, #tpu.memory_space<semaphore_mem>>)
        %dma_wait3A_310 = arith.constant 0 : i32
        %dma_wait3A_311 = arith.constant 0 : i32
        %dma_wait3A_312 = tpu.memref_slice %arg7[%run_scoped3A_260, %dma_wait3A_310, %dma_wait3A_311] : memref<2x4x128xi32, #tpu.memory_space<vmem>> -> memref<1x1x128xi32, #tpu.memory_space<vmem>>
        %dma_wait3A_313 = tpu.memref_squeeze %dma_wait3A_312 : memref<1x1x128xi32, #tpu.memory_space<vmem>> -> memref<1x128xi32, #tpu.memory_space<vmem>>
        %dma_wait3A_314 = arith.constant 0 : i32
        %dma_wait3A_315 = tpu.memref_slice %arg3[%run_scoped3A_259, %add3A_257, %dma_wait3A_314] : memref<2x25000x128xi32, #tpu.memory_space<hbm>> -> memref<1x1x128xi32, #tpu.memory_space<hbm>>
        %dma_wait3A_316 = tpu.memref_squeeze %dma_wait3A_315 : memref<1x1x128xi32, #tpu.memory_space<hbm>> -> memref<1x128xi32, #tpu.memory_space<hbm>>
        %dma_wait3A_317 = arith.constant 0 : i32
        %dma_wait3A_318 = arith.constant 0 : i32
        %dma_wait3A_319 = tpu.memref_slice %arg7[%run_scoped3A_260, %dma_wait3A_317, %dma_wait3A_318] : memref<2x4x128xi32, #tpu.memory_space<vmem>> -> memref<1x1x128xi32, #tpu.memory_space<vmem>>
        %dma_wait3A_320 = tpu.memref_squeeze %dma_wait3A_319 : memref<1x1x128xi32, #tpu.memory_space<vmem>> -> memref<1x128xi32, #tpu.memory_space<vmem>>
        %dma_wait3A_321 = arith.constant 0 : i32
        %dma_wait3A_322 = tpu.memref_slice %arg3[%run_scoped3A_259, %add3A_257, %dma_wait3A_321] : memref<2x25000x128xi32, #tpu.memory_space<hbm>> -> memref<1x1x128xi32, #tpu.memory_space<hbm>>
        %dma_wait3A_323 = tpu.memref_squeeze %dma_wait3A_322 : memref<1x1x128xi32, #tpu.memory_space<hbm>> -> memref<1x128xi32, #tpu.memory_space<hbm>>
        tpu.wait_dma2 semaphore(%run_scoped3A_295 : memref<!tpu.dma_semaphore, #tpu.memory_space<semaphore_mem>>) src(%dma_wait3A_323 : memref<1x128xi32, #tpu.memory_space<hbm>>) dst(%dma_wait3A_320 : memref<1x128xi32, #tpu.memory_space<vmem>>)
        tpu.yield
      }) : () -> ()
      %dma_start3A_261 = arith.constant 0 : i32
      %dma_start3A_262 = arith.constant 0 : i32
      %dma_start3A_263 = arith.constant 0 : i32
      %dma_start3A_264 = arith.constant 0 : i32
      %dma_start3A_265 = arith.constant 0 : i32
      %dma_start3A_266 = arith.constant 0 : i32
      %dma_start3A_267 = tpu.memref_slice %arg8[%dma_start3A_263, %dma_start3A_264, %dma_start3A_265, %dma_start3A_266] : memref<2x4x128x16xf32, #tpu.memory_space<vmem>> -> memref<1x1x128x16xf32, #tpu.memory_space<vmem>>
      %dma_start3A_268 = tpu.memref_squeeze %dma_start3A_267 : memref<1x1x128x16xf32, #tpu.memory_space<vmem>> -> memref<128x16xf32, #tpu.memory_space<vmem>>
      %dma_start3A_269 = arith.constant 0 : i32
      %dma_start3A_270 = tpu.memref_slice %arg6[%dma_start3A_261, %dma_start3A_262, %dma_start3A_269] : memref<2x4x128xi32, #tpu.memory_space<vmem>> -> memref<1x1x128xi32, #tpu.memory_space<vmem>>
      %dma_start3A_271 = tpu.memref_squeeze %dma_start3A_270 : memref<1x1x128xi32, #tpu.memory_space<vmem>> -> memref<128xi32, #tpu.memory_space<vmem>>
      %dma_start3A_272 = arith.constant 0 : i32
      %dma_start3A_273 = arith.constant 0 : i32
      %dma_start3A_274 = tpu.memref_slice %arg2[%dma_start3A_272, %dma_start3A_273] : memref<100000x16xf32, #tpu.memory_space<hbm>> -> memref<100000x16xf32, #tpu.memory_space<hbm>>
      tpu.enqueue_indirect_dma source(%dma_start3A_274 : memref<100000x16xf32, #tpu.memory_space<hbm>>) target(%dma_start3A_268 : memref<128x16xf32, #tpu.memory_space<vmem>>) offsets(%dma_start3A_271 : memref<128xi32, #tpu.memory_space<vmem>>) semaphore(%arg12 : memref<!tpu.dma_semaphore, #tpu.memory_space<semaphore_mem>>)
      %dma_wait3A_275 = arith.constant 0 : i32
      %dma_wait3A_276 = arith.constant 0 : i32
      %dma_wait3A_277 = arith.constant 0 : i32
      %dma_wait3A_278 = arith.constant 0 : i32
      %dma_wait3A_279 = arith.constant 0 : i32
      %dma_wait3A_280 = arith.constant 0 : i32
      %dma_wait3A_281 = tpu.memref_slice %arg8[%dma_wait3A_277, %dma_wait3A_278, %dma_wait3A_279, %dma_wait3A_280] : memref<2x4x128x16xf32, #tpu.memory_space<vmem>> -> memref<1x1x128x16xf32, #tpu.memory_space<vmem>>
      %dma_wait3A_282 = tpu.memref_squeeze %dma_wait3A_281 : memref<1x1x128x16xf32, #tpu.memory_space<vmem>> -> memref<128x16xf32, #tpu.memory_space<vmem>>
      %dma_wait3A_283 = arith.constant 0 : i32
      %dma_wait3A_284 = tpu.memref_slice %arg6[%dma_wait3A_275, %dma_wait3A_276, %dma_wait3A_283] : memref<2x4x128xi32, #tpu.memory_space<vmem>> -> memref<1x1x128xi32, #tpu.memory_space<vmem>>
      %dma_wait3A_285 = tpu.memref_squeeze %dma_wait3A_284 : memref<1x1x128xi32, #tpu.memory_space<vmem>> -> memref<128xi32, #tpu.memory_space<vmem>>
      %dma_wait3A_286 = arith.constant 0 : i32
      %dma_wait3A_287 = arith.constant 0 : i32
      %dma_wait3A_288 = tpu.memref_slice %arg2[%dma_wait3A_286, %dma_wait3A_287] : memref<100000x16xf32, #tpu.memory_space<hbm>> -> memref<100000x16xf32, #tpu.memory_space<hbm>>
      tpu.wait_indirect_dma semaphore(%arg12 : memref<!tpu.dma_semaphore, #tpu.memory_space<semaphore_mem>>) src(%dma_wait3A_288 : memref<100000x16xf32, #tpu.memory_space<hbm>>) dst(%dma_wait3A_282 : memref<128x16xf32, #tpu.memory_space<vmem>>)
      %run_scoped3A_289 = arith.constant 0 : i32
      %run_scoped3A_290 = arith.constant 0 : i32
      %run_scoped3A_291 = arith.constant 0 : i32
      %run_scoped3A_292 = arith.constant 0 : i32
      "tpu.region"() ({
        %run_scoped3A_295 = tpu.sem_alloc : memref<!tpu.dma_semaphore, #tpu.memory_space<semaphore_mem>>
        %dma_start3A_296 = arith.constant 0 : i32
        %dma_start3A_297 = arith.constant 0 : i32
        %dma_start3A_298 = tpu.memref_slice %arg8[%run_scoped3A_289, %run_scoped3A_290, %dma_start3A_296, %dma_start3A_297] : memref<2x4x128x16xf32, #tpu.memory_space<vmem>> -> memref<1x1x128x16xf32, #tpu.memory_space<vmem>>
        %dma_start3A_299 = tpu.memref_squeeze %dma_start3A_298 : memref<1x1x128x16xf32, #tpu.memory_space<vmem>> -> memref<128x16xf32, #tpu.memory_space<vmem>>
        %dma_start3A_300 = arith.constant 0 : i32
        %dma_start3A_301 = tpu.memref_slice %arg7[%run_scoped3A_291, %run_scoped3A_292, %dma_start3A_300] : memref<2x4x128xi32, #tpu.memory_space<vmem>> -> memref<1x1x128xi32, #tpu.memory_space<vmem>>
        %dma_start3A_302 = tpu.memref_squeeze %dma_start3A_301 : memref<1x1x128xi32, #tpu.memory_space<vmem>> -> memref<128xi32, #tpu.memory_space<vmem>>
        %dma_start3A_303 = arith.constant 0 : i32
        %dma_start3A_304 = arith.constant 0 : i32
        %dma_start3A_305 = tpu.memref_slice %arg10[%dma_start3A_303, %dma_start3A_304] : memref<100352x16xf32, #tpu.memory_space<vmem_shared>> -> memref<100352x16xf32, #tpu.memory_space<vmem_shared>>
        tpu.enqueue_indirect_dma source(%dma_start3A_299 : memref<128x16xf32, #tpu.memory_space<vmem>>) target(%dma_start3A_305 : memref<100352x16xf32, #tpu.memory_space<vmem_shared>>) offsets(%dma_start3A_302 : memref<128xi32, #tpu.memory_space<vmem>>) semaphore(%run_scoped3A_295 : memref<!tpu.dma_semaphore, #tpu.memory_space<semaphore_mem>>) {add = true}
        %dma_wait3A_306 = arith.constant 0 : i32
        %dma_wait3A_307 = arith.constant 0 : i32
        %dma_wait3A_308 = tpu.memref_slice %arg8[%run_scoped3A_289, %run_scoped3A_290, %dma_wait3A_306, %dma_wait3A_307] : memref<2x4x128x16xf32, #tpu.memory_space<vmem>> -> memref<1x1x128x16xf32, #tpu.memory_space<vmem>>
        %dma_wait3A_309 = tpu.memref_squeeze %dma_wait3A_308 : memref<1x1x128x16xf32, #tpu.memory_space<vmem>> -> memref<128x16xf32, #tpu.memory_space<vmem>>
        %dma_wait3A_310 = arith.constant 0 : i32
        %dma_wait3A_311 = tpu.memref_slice %arg7[%run_scoped3A_291, %run_scoped3A_292, %dma_wait3A_310] : memref<2x4x128xi32, #tpu.memory_space<vmem>> -> memref<1x1x128xi32, #tpu.memory_space<vmem>>
        %dma_wait3A_312 = tpu.memref_squeeze %dma_wait3A_311 : memref<1x1x128xi32, #tpu.memory_space<vmem>> -> memref<128xi32, #tpu.memory_space<vmem>>
        %dma_wait3A_313 = arith.constant 0 : i32
        %dma_wait3A_314 = arith.constant 0 : i32
        %dma_wait3A_315 = tpu.memref_slice %arg10[%dma_wait3A_313, %dma_wait3A_314] : memref<100352x16xf32, #tpu.memory_space<vmem_shared>> -> memref<100352x16xf32, #tpu.memory_space<vmem_shared>>
        tpu.wait_indirect_dma semaphore(%run_scoped3A_295 : memref<!tpu.dma_semaphore, #tpu.memory_space<semaphore_mem>>) src(%dma_wait3A_309 : memref<128x16xf32, #tpu.memory_space<vmem>>) dst(%dma_wait3A_315 : memref<100352x16xf32, #tpu.memory_space<vmem_shared>>)
        tpu.yield
      }) : () -> ()
      %run_scoped3A_293 = arith.constant 0 : i32
      %run_scoped3A_294 = arith.constant 0 : i32
      "tpu.region"() ({
        %run_scoped3A_295 = tpu.sem_alloc : memref<!tpu.dma_semaphore, #tpu.memory_space<semaphore_mem>>
        %dma_start3A_296 = arith.constant 0 : i32
        %dma_start3A_297 = tpu.memref_slice %arg7[%run_scoped3A_293, %run_scoped3A_294, %dma_start3A_296] : memref<2x4x128xi32, #tpu.memory_space<vmem>> -> memref<1x1x128xi32, #tpu.memory_space<vmem>>
        %dma_start3A_298 = tpu.memref_squeeze %dma_start3A_297 : memref<1x1x128xi32, #tpu.memory_space<vmem>> -> memref<128xi32, #tpu.memory_space<vmem>>
        %dma_start3A_299 = arith.constant 0 : i32
        %dma_start3A_300 = tpu.memref_slice %arg16[%dma_start3A_299] : memref<100352xf32, #tpu.memory_space<vmem_shared>> -> memref<100352xf32, #tpu.memory_space<vmem_shared>>
        tpu.enqueue_indirect_dma source(%arg14 : memref<128xf32, #tpu.memory_space<vmem>>) target(%dma_start3A_300 : memref<100352xf32, #tpu.memory_space<vmem_shared>>) offsets(%dma_start3A_298 : memref<128xi32, #tpu.memory_space<vmem>>) semaphore(%run_scoped3A_295 : memref<!tpu.dma_semaphore, #tpu.memory_space<semaphore_mem>>) {add = true}
        %dma_wait3A_301 = arith.constant 0 : i32
        %dma_wait3A_302 = tpu.memref_slice %arg7[%run_scoped3A_293, %run_scoped3A_294, %dma_wait3A_301] : memref<2x4x128xi32, #tpu.memory_space<vmem>> -> memref<1x1x128xi32, #tpu.memory_space<vmem>>
        %dma_wait3A_303 = tpu.memref_squeeze %dma_wait3A_302 : memref<1x1x128xi32, #tpu.memory_space<vmem>> -> memref<128xi32, #tpu.memory_space<vmem>>
        %dma_wait3A_304 = arith.constant 0 : i32
        %dma_wait3A_305 = tpu.memref_slice %arg16[%dma_wait3A_304] : memref<100352xf32, #tpu.memory_space<vmem_shared>> -> memref<100352xf32, #tpu.memory_space<vmem_shared>>
        tpu.wait_indirect_dma semaphore(%run_scoped3A_295 : memref<!tpu.dma_semaphore, #tpu.memory_space<semaphore_mem>>) src(%arg14 : memref<128xf32, #tpu.memory_space<vmem>>) dst(%dma_wait3A_305 : memref<100352xf32, #tpu.memory_space<vmem_shared>>)
        tpu.yield
      }) : () -> ()
    }
    %while3A_244 = arith.constant 1 : i32
    scf.for %while3A_254 = %while3A_242 to %while3A_238 step %while3A_244  : i32 {
      %add3A_255 = arith.constant 780 : i32
      %add3A_256 = arith.addi %add3A_109, %add3A_255 : i32
      %add3A_257 = arith.addi %add3A_256, %while3A_254 : i32
      %run_scoped3A = arith.constant 0 : i32
      %run_scoped3A_258 = arith.constant 0 : i32
      "tpu.region"() ({
        %run_scoped3A_295 = tpu.sem_alloc : memref<!tpu.dma_semaphore, #tpu.memory_space<semaphore_mem>>
        %dma_start3A_296 = arith.constant 0 : i32
        %dma_start3A_297 = arith.constant 0 : i32
        %dma_start3A_298 = tpu.memref_slice %arg6[%run_scoped3A_258, %dma_start3A_296, %dma_start3A_297] : memref<2x4x128xi32, #tpu.memory_space<vmem>> -> memref<1x1x128xi32, #tpu.memory_space<vmem>>
        %dma_start3A_299 = tpu.memref_squeeze %dma_start3A_298 : memref<1x1x128xi32, #tpu.memory_space<vmem>> -> memref<1x128xi32, #tpu.memory_space<vmem>>
        %dma_start3A_300 = arith.constant 0 : i32
        %dma_start3A_301 = tpu.memref_slice %arg3[%run_scoped3A, %add3A_257, %dma_start3A_300] : memref<2x25000x128xi32, #tpu.memory_space<hbm>> -> memref<1x1x128xi32, #tpu.memory_space<hbm>>
        %dma_start3A_302 = tpu.memref_squeeze %dma_start3A_301 : memref<1x1x128xi32, #tpu.memory_space<hbm>> -> memref<1x128xi32, #tpu.memory_space<hbm>>
        %dma_start3A_303 = arith.constant 0 : i32
        %dma_start3A_304 = arith.constant 0 : i32
        %dma_start3A_305 = tpu.memref_slice %arg6[%run_scoped3A_258, %dma_start3A_303, %dma_start3A_304] : memref<2x4x128xi32, #tpu.memory_space<vmem>> -> memref<1x1x128xi32, #tpu.memory_space<vmem>>
        %dma_start3A_306 = tpu.memref_squeeze %dma_start3A_305 : memref<1x1x128xi32, #tpu.memory_space<vmem>> -> memref<1x128xi32, #tpu.memory_space<vmem>>
        %dma_start3A_307 = arith.constant 0 : i32
        %dma_start3A_308 = tpu.memref_slice %arg3[%run_scoped3A, %add3A_257, %dma_start3A_307] : memref<2x25000x128xi32, #tpu.memory_space<hbm>> -> memref<1x1x128xi32, #tpu.memory_space<hbm>>
        %dma_start3A_309 = tpu.memref_squeeze %dma_start3A_308 : memref<1x1x128xi32, #tpu.memory_space<hbm>> -> memref<1x128xi32, #tpu.memory_space<hbm>>
        tpu.enqueue_dma source(%dma_start3A_309 : memref<1x128xi32, #tpu.memory_space<hbm>>) target(%dma_start3A_306 : memref<1x128xi32, #tpu.memory_space<vmem>>) target_semaphore(%run_scoped3A_295 : memref<!tpu.dma_semaphore, #tpu.memory_space<semaphore_mem>>)
        %dma_wait3A_310 = arith.constant 0 : i32
        %dma_wait3A_311 = arith.constant 0 : i32
        %dma_wait3A_312 = tpu.memref_slice %arg6[%run_scoped3A_258, %dma_wait3A_310, %dma_wait3A_311] : memref<2x4x128xi32, #tpu.memory_space<vmem>> -> memref<1x1x128xi32, #tpu.memory_space<vmem>>
        %dma_wait3A_313 = tpu.memref_squeeze %dma_wait3A_312 : memref<1x1x128xi32, #tpu.memory_space<vmem>> -> memref<1x128xi32, #tpu.memory_space<vmem>>
        %dma_wait3A_314 = arith.constant 0 : i32
        %dma_wait3A_315 = tpu.memref_slice %arg3[%run_scoped3A, %add3A_257, %dma_wait3A_314] : memref<2x25000x128xi32, #tpu.memory_space<hbm>> -> memref<1x1x128xi32, #tpu.memory_space<hbm>>
        %dma_wait3A_316 = tpu.memref_squeeze %dma_wait3A_315 : memref<1x1x128xi32, #tpu.memory_space<hbm>> -> memref<1x128xi32, #tpu.memory_space<hbm>>
        %dma_wait3A_317 = arith.constant 0 : i32
        %dma_wait3A_318 = arith.constant 0 : i32
        %dma_wait3A_319 = tpu.memref_slice %arg6[%run_scoped3A_258, %dma_wait3A_317, %dma_wait3A_318] : memref<2x4x128xi32, #tpu.memory_space<vmem>> -> memref<1x1x128xi32, #tpu.memory_space<vmem>>
        %dma_wait3A_320 = tpu.memref_squeeze %dma_wait3A_319 : memref<1x1x128xi32, #tpu.memory_space<vmem>> -> memref<1x128xi32, #tpu.memory_space<vmem>>
        %dma_wait3A_321 = arith.constant 0 : i32
        %dma_wait3A_322 = tpu.memref_slice %arg3[%run_scoped3A, %add3A_257, %dma_wait3A_321] : memref<2x25000x128xi32, #tpu.memory_space<hbm>> -> memref<1x1x128xi32, #tpu.memory_space<hbm>>
        %dma_wait3A_323 = tpu.memref_squeeze %dma_wait3A_322 : memref<1x1x128xi32, #tpu.memory_space<hbm>> -> memref<1x128xi32, #tpu.memory_space<hbm>>
        tpu.wait_dma2 semaphore(%run_scoped3A_295 : memref<!tpu.dma_semaphore, #tpu.memory_space<semaphore_mem>>) src(%dma_wait3A_323 : memref<1x128xi32, #tpu.memory_space<hbm>>) dst(%dma_wait3A_320 : memref<1x128xi32, #tpu.memory_space<vmem>>)
        tpu.yield
      }) : () -> ()
      %run_scoped3A_259 = arith.constant 1 : i32
      %run_scoped3A_260 = arith.constant 0 : i32
      "tpu.region"() ({
        %run_scoped3A_295 = tpu.sem_alloc : memref<!tpu.dma_semaphore, #tpu.memory_space<semaphore_mem>>
        %dma_start3A_296 = arith.constant 0 : i32
        %dma_start3A_297 = arith.constant 0 : i32
        %dma_start3A_298 = tpu.memref_slice %arg7[%run_scoped3A_260, %dma_start3A_296, %dma_start3A_297] : memref<2x4x128xi32, #tpu.memory_space<vmem>> -> memref<1x1x128xi32, #tpu.memory_space<vmem>>
        %dma_start3A_299 = tpu.memref_squeeze %dma_start3A_298 : memref<1x1x128xi32, #tpu.memory_space<vmem>> -> memref<1x128xi32, #tpu.memory_space<vmem>>
        %dma_start3A_300 = arith.constant 0 : i32
        %dma_start3A_301 = tpu.memref_slice %arg3[%run_scoped3A_259, %add3A_257, %dma_start3A_300] : memref<2x25000x128xi32, #tpu.memory_space<hbm>> -> memref<1x1x128xi32, #tpu.memory_space<hbm>>
        %dma_start3A_302 = tpu.memref_squeeze %dma_start3A_301 : memref<1x1x128xi32, #tpu.memory_space<hbm>> -> memref<1x128xi32, #tpu.memory_space<hbm>>
        %dma_start3A_303 = arith.constant 0 : i32
        %dma_start3A_304 = arith.constant 0 : i32
        %dma_start3A_305 = tpu.memref_slice %arg7[%run_scoped3A_260, %dma_start3A_303, %dma_start3A_304] : memref<2x4x128xi32, #tpu.memory_space<vmem>> -> memref<1x1x128xi32, #tpu.memory_space<vmem>>
        %dma_start3A_306 = tpu.memref_squeeze %dma_start3A_305 : memref<1x1x128xi32, #tpu.memory_space<vmem>> -> memref<1x128xi32, #tpu.memory_space<vmem>>
        %dma_start3A_307 = arith.constant 0 : i32
        %dma_start3A_308 = tpu.memref_slice %arg3[%run_scoped3A_259, %add3A_257, %dma_start3A_307] : memref<2x25000x128xi32, #tpu.memory_space<hbm>> -> memref<1x1x128xi32, #tpu.memory_space<hbm>>
        %dma_start3A_309 = tpu.memref_squeeze %dma_start3A_308 : memref<1x1x128xi32, #tpu.memory_space<hbm>> -> memref<1x128xi32, #tpu.memory_space<hbm>>
        tpu.enqueue_dma source(%dma_start3A_309 : memref<1x128xi32, #tpu.memory_space<hbm>>) target(%dma_start3A_306 : memref<1x128xi32, #tpu.memory_space<vmem>>) target_semaphore(%run_scoped3A_295 : memref<!tpu.dma_semaphore, #tpu.memory_space<semaphore_mem>>)
        %dma_wait3A_310 = arith.constant 0 : i32
        %dma_wait3A_311 = arith.constant 0 : i32
        %dma_wait3A_312 = tpu.memref_slice %arg7[%run_scoped3A_260, %dma_wait3A_310, %dma_wait3A_311] : memref<2x4x128xi32, #tpu.memory_space<vmem>> -> memref<1x1x128xi32, #tpu.memory_space<vmem>>
        %dma_wait3A_313 = tpu.memref_squeeze %dma_wait3A_312 : memref<1x1x128xi32, #tpu.memory_space<vmem>> -> memref<1x128xi32, #tpu.memory_space<vmem>>
        %dma_wait3A_314 = arith.constant 0 : i32
        %dma_wait3A_315 = tpu.memref_slice %arg3[%run_scoped3A_259, %add3A_257, %dma_wait3A_314] : memref<2x25000x128xi32, #tpu.memory_space<hbm>> -> memref<1x1x128xi32, #tpu.memory_space<hbm>>
        %dma_wait3A_316 = tpu.memref_squeeze %dma_wait3A_315 : memref<1x1x128xi32, #tpu.memory_space<hbm>> -> memref<1x128xi32, #tpu.memory_space<hbm>>
        %dma_wait3A_317 = arith.constant 0 : i32
        %dma_wait3A_318 = arith.constant 0 : i32
        %dma_wait3A_319 = tpu.memref_slice %arg7[%run_scoped3A_260, %dma_wait3A_317, %dma_wait3A_318] : memref<2x4x128xi32, #tpu.memory_space<vmem>> -> memref<1x1x128xi32, #tpu.memory_space<vmem>>
        %dma_wait3A_320 = tpu.memref_squeeze %dma_wait3A_319 : memref<1x1x128xi32, #tpu.memory_space<vmem>> -> memref<1x128xi32, #tpu.memory_space<vmem>>
        %dma_wait3A_321 = arith.constant 0 : i32
        %dma_wait3A_322 = tpu.memref_slice %arg3[%run_scoped3A_259, %add3A_257, %dma_wait3A_321] : memref<2x25000x128xi32, #tpu.memory_space<hbm>> -> memref<1x1x128xi32, #tpu.memory_space<hbm>>
        %dma_wait3A_323 = tpu.memref_squeeze %dma_wait3A_322 : memref<1x1x128xi32, #tpu.memory_space<hbm>> -> memref<1x128xi32, #tpu.memory_space<hbm>>
        tpu.wait_dma2 semaphore(%run_scoped3A_295 : memref<!tpu.dma_semaphore, #tpu.memory_space<semaphore_mem>>) src(%dma_wait3A_323 : memref<1x128xi32, #tpu.memory_space<hbm>>) dst(%dma_wait3A_320 : memref<1x128xi32, #tpu.memory_space<vmem>>)
        tpu.yield
      }) : () -> ()
      %dma_start3A_261 = arith.constant 0 : i32
      %dma_start3A_262 = arith.constant 0 : i32
      %dma_start3A_263 = arith.constant 0 : i32
      %dma_start3A_264 = arith.constant 0 : i32
      %dma_start3A_265 = arith.constant 0 : i32
      %dma_start3A_266 = arith.constant 0 : i32
      %dma_start3A_267 = tpu.memref_slice %arg8[%dma_start3A_263, %dma_start3A_264, %dma_start3A_265, %dma_start3A_266] : memref<2x4x128x16xf32, #tpu.memory_space<vmem>> -> memref<1x1x128x16xf32, #tpu.memory_space<vmem>>
      %dma_start3A_268 = tpu.memref_squeeze %dma_start3A_267 : memref<1x1x128x16xf32, #tpu.memory_space<vmem>> -> memref<128x16xf32, #tpu.memory_space<vmem>>
      %dma_start3A_269 = arith.constant 0 : i32
      %dma_start3A_270 = tpu.memref_slice %arg6[%dma_start3A_261, %dma_start3A_262, %dma_start3A_269] : memref<2x4x128xi32, #tpu.memory_space<vmem>> -> memref<1x1x128xi32, #tpu.memory_space<vmem>>
      %dma_start3A_271 = tpu.memref_squeeze %dma_start3A_270 : memref<1x1x128xi32, #tpu.memory_space<vmem>> -> memref<128xi32, #tpu.memory_space<vmem>>
      %dma_start3A_272 = arith.constant 0 : i32
      %dma_start3A_273 = arith.constant 0 : i32
      %dma_start3A_274 = tpu.memref_slice %arg2[%dma_start3A_272, %dma_start3A_273] : memref<100000x16xf32, #tpu.memory_space<hbm>> -> memref<100000x16xf32, #tpu.memory_space<hbm>>
      tpu.enqueue_indirect_dma source(%dma_start3A_274 : memref<100000x16xf32, #tpu.memory_space<hbm>>) target(%dma_start3A_268 : memref<128x16xf32, #tpu.memory_space<vmem>>) offsets(%dma_start3A_271 : memref<128xi32, #tpu.memory_space<vmem>>) semaphore(%arg12 : memref<!tpu.dma_semaphore, #tpu.memory_space<semaphore_mem>>)
      %dma_wait3A_275 = arith.constant 0 : i32
      %dma_wait3A_276 = arith.constant 0 : i32
      %dma_wait3A_277 = arith.constant 0 : i32
      %dma_wait3A_278 = arith.constant 0 : i32
      %dma_wait3A_279 = arith.constant 0 : i32
      %dma_wait3A_280 = arith.constant 0 : i32
      %dma_wait3A_281 = tpu.memref_slice %arg8[%dma_wait3A_277, %dma_wait3A_278, %dma_wait3A_279, %dma_wait3A_280] : memref<2x4x128x16xf32, #tpu.memory_space<vmem>> -> memref<1x1x128x16xf32, #tpu.memory_space<vmem>>
      %dma_wait3A_282 = tpu.memref_squeeze %dma_wait3A_281 : memref<1x1x128x16xf32, #tpu.memory_space<vmem>> -> memref<128x16xf32, #tpu.memory_space<vmem>>
      %dma_wait3A_283 = arith.constant 0 : i32
      %dma_wait3A_284 = tpu.memref_slice %arg6[%dma_wait3A_275, %dma_wait3A_276, %dma_wait3A_283] : memref<2x4x128xi32, #tpu.memory_space<vmem>> -> memref<1x1x128xi32, #tpu.memory_space<vmem>>
      %dma_wait3A_285 = tpu.memref_squeeze %dma_wait3A_284 : memref<1x1x128xi32, #tpu.memory_space<vmem>> -> memref<128xi32, #tpu.memory_space<vmem>>
      %dma_wait3A_286 = arith.constant 0 : i32
      %dma_wait3A_287 = arith.constant 0 : i32
      %dma_wait3A_288 = tpu.memref_slice %arg2[%dma_wait3A_286, %dma_wait3A_287] : memref<100000x16xf32, #tpu.memory_space<hbm>> -> memref<100000x16xf32, #tpu.memory_space<hbm>>
      tpu.wait_indirect_dma semaphore(%arg12 : memref<!tpu.dma_semaphore, #tpu.memory_space<semaphore_mem>>) src(%dma_wait3A_288 : memref<100000x16xf32, #tpu.memory_space<hbm>>) dst(%dma_wait3A_282 : memref<128x16xf32, #tpu.memory_space<vmem>>)
      %run_scoped3A_289 = arith.constant 0 : i32
      %run_scoped3A_290 = arith.constant 0 : i32
      %run_scoped3A_291 = arith.constant 0 : i32
      %run_scoped3A_292 = arith.constant 0 : i32
      "tpu.region"() ({
        %run_scoped3A_295 = tpu.sem_alloc : memref<!tpu.dma_semaphore, #tpu.memory_space<semaphore_mem>>
        %dma_start3A_296 = arith.constant 0 : i32
        %dma_start3A_297 = arith.constant 0 : i32
        %dma_start3A_298 = tpu.memref_slice %arg8[%run_scoped3A_289, %run_scoped3A_290, %dma_start3A_296, %dma_start3A_297] : memref<2x4x128x16xf32, #tpu.memory_space<vmem>> -> memref<1x1x128x16xf32, #tpu.memory_space<vmem>>
        %dma_start3A_299 = tpu.memref_squeeze %dma_start3A_298 : memref<1x1x128x16xf32, #tpu.memory_space<vmem>> -> memref<128x16xf32, #tpu.memory_space<vmem>>
        %dma_start3A_300 = arith.constant 0 : i32
        %dma_start3A_301 = tpu.memref_slice %arg7[%run_scoped3A_291, %run_scoped3A_292, %dma_start3A_300] : memref<2x4x128xi32, #tpu.memory_space<vmem>> -> memref<1x1x128xi32, #tpu.memory_space<vmem>>
        %dma_start3A_302 = tpu.memref_squeeze %dma_start3A_301 : memref<1x1x128xi32, #tpu.memory_space<vmem>> -> memref<128xi32, #tpu.memory_space<vmem>>
        %dma_start3A_303 = arith.constant 0 : i32
        %dma_start3A_304 = arith.constant 0 : i32
        %dma_start3A_305 = tpu.memref_slice %arg10[%dma_start3A_303, %dma_start3A_304] : memref<100352x16xf32, #tpu.memory_space<vmem_shared>> -> memref<100352x16xf32, #tpu.memory_space<vmem_shared>>
        tpu.enqueue_indirect_dma source(%dma_start3A_299 : memref<128x16xf32, #tpu.memory_space<vmem>>) target(%dma_start3A_305 : memref<100352x16xf32, #tpu.memory_space<vmem_shared>>) offsets(%dma_start3A_302 : memref<128xi32, #tpu.memory_space<vmem>>) semaphore(%run_scoped3A_295 : memref<!tpu.dma_semaphore, #tpu.memory_space<semaphore_mem>>) {add = true}
        %dma_wait3A_306 = arith.constant 0 : i32
        %dma_wait3A_307 = arith.constant 0 : i32
        %dma_wait3A_308 = tpu.memref_slice %arg8[%run_scoped3A_289, %run_scoped3A_290, %dma_wait3A_306, %dma_wait3A_307] : memref<2x4x128x16xf32, #tpu.memory_space<vmem>> -> memref<1x1x128x16xf32, #tpu.memory_space<vmem>>
        %dma_wait3A_309 = tpu.memref_squeeze %dma_wait3A_308 : memref<1x1x128x16xf32, #tpu.memory_space<vmem>> -> memref<128x16xf32, #tpu.memory_space<vmem>>
        %dma_wait3A_310 = arith.constant 0 : i32
        %dma_wait3A_311 = tpu.memref_slice %arg7[%run_scoped3A_291, %run_scoped3A_292, %dma_wait3A_310] : memref<2x4x128xi32, #tpu.memory_space<vmem>> -> memref<1x1x128xi32, #tpu.memory_space<vmem>>
        %dma_wait3A_312 = tpu.memref_squeeze %dma_wait3A_311 : memref<1x1x128xi32, #tpu.memory_space<vmem>> -> memref<128xi32, #tpu.memory_space<vmem>>
        %dma_wait3A_313 = arith.constant 0 : i32
        %dma_wait3A_314 = arith.constant 0 : i32
        %dma_wait3A_315 = tpu.memref_slice %arg10[%dma_wait3A_313, %dma_wait3A_314] : memref<100352x16xf32, #tpu.memory_space<vmem_shared>> -> memref<100352x16xf32, #tpu.memory_space<vmem_shared>>
        tpu.wait_indirect_dma semaphore(%run_scoped3A_295 : memref<!tpu.dma_semaphore, #tpu.memory_space<semaphore_mem>>) src(%dma_wait3A_309 : memref<128x16xf32, #tpu.memory_space<vmem>>) dst(%dma_wait3A_315 : memref<100352x16xf32, #tpu.memory_space<vmem_shared>>)
        tpu.yield
      }) : () -> ()
      %run_scoped3A_293 = arith.constant 0 : i32
      %run_scoped3A_294 = arith.constant 0 : i32
      "tpu.region"() ({
        %run_scoped3A_295 = tpu.sem_alloc : memref<!tpu.dma_semaphore, #tpu.memory_space<semaphore_mem>>
        %dma_start3A_296 = arith.constant 0 : i32
        %dma_start3A_297 = tpu.memref_slice %arg7[%run_scoped3A_293, %run_scoped3A_294, %dma_start3A_296] : memref<2x4x128xi32, #tpu.memory_space<vmem>> -> memref<1x1x128xi32, #tpu.memory_space<vmem>>
        %dma_start3A_298 = tpu.memref_squeeze %dma_start3A_297 : memref<1x1x128xi32, #tpu.memory_space<vmem>> -> memref<128xi32, #tpu.memory_space<vmem>>
        %dma_start3A_299 = arith.constant 0 : i32
        %dma_start3A_300 = tpu.memref_slice %arg16[%dma_start3A_299] : memref<100352xf32, #tpu.memory_space<vmem_shared>> -> memref<100352xf32, #tpu.memory_space<vmem_shared>>
        tpu.enqueue_indirect_dma source(%arg14 : memref<128xf32, #tpu.memory_space<vmem>>) target(%dma_start3A_300 : memref<100352xf32, #tpu.memory_space<vmem_shared>>) offsets(%dma_start3A_298 : memref<128xi32, #tpu.memory_space<vmem>>) semaphore(%run_scoped3A_295 : memref<!tpu.dma_semaphore, #tpu.memory_space<semaphore_mem>>) {add = true}
        %dma_wait3A_301 = arith.constant 0 : i32
        %dma_wait3A_302 = tpu.memref_slice %arg7[%run_scoped3A_293, %run_scoped3A_294, %dma_wait3A_301] : memref<2x4x128xi32, #tpu.memory_space<vmem>> -> memref<1x1x128xi32, #tpu.memory_space<vmem>>
        %dma_wait3A_303 = tpu.memref_squeeze %dma_wait3A_302 : memref<1x1x128xi32, #tpu.memory_space<vmem>> -> memref<128xi32, #tpu.memory_space<vmem>>
        %dma_wait3A_304 = arith.constant 0 : i32
        %dma_wait3A_305 = tpu.memref_slice %arg16[%dma_wait3A_304] : memref<100352xf32, #tpu.memory_space<vmem_shared>> -> memref<100352xf32, #tpu.memory_space<vmem_shared>>
        tpu.wait_indirect_dma semaphore(%run_scoped3A_295 : memref<!tpu.dma_semaphore, #tpu.memory_space<semaphore_mem>>) src(%arg14 : memref<128xf32, #tpu.memory_space<vmem>>) dst(%dma_wait3A_305 : memref<100352xf32, #tpu.memory_space<vmem_shared>>)
        tpu.yield
      }) : () -> ()
    }
    %barrier3A_245 = arith.constant 0 : index
    tpu.barrier barrier_id(%barrier3A_245)
    %mul3A_246 = arith.constant 6272 : i32
    %mul3A_247 = arith.muli %arg1, %mul3A_246 : i32
    %mul3A_248 = arith.constant 6272 : i32
    %mul3A_249 = arith.muli %arg1, %mul3A_248 : i32
    "tpu.region"() ({
      %run_scoped3A = tpu.sem_alloc : memref<!tpu.dma_semaphore, #tpu.memory_space<semaphore_mem>>
      %dma_start3A_254 = arith.constant 0 : i32
      %dma_start3A_255 = tpu.memref_slice %arg4[%arg0, %mul3A_249, %dma_start3A_254] : memref<2x100352x16xf32, #tpu.memory_space<hbm>> -> memref<1x6272x16xf32, #tpu.memory_space<hbm>>
      %dma_start3A_256 = tpu.memref_squeeze %dma_start3A_255 : memref<1x6272x16xf32, #tpu.memory_space<hbm>> -> memref<6272x16xf32, #tpu.memory_space<hbm>>
      %dma_start3A_257 = arith.constant 0 : i32
      %dma_start3A_258 = tpu.memref_slice %arg10[%mul3A_247, %dma_start3A_257] : memref<100352x16xf32, #tpu.memory_space<vmem_shared>> -> memref<6272x16xf32, #tpu.memory_space<vmem_shared>>
      tpu.enqueue_dma source(%dma_start3A_258 : memref<6272x16xf32, #tpu.memory_space<vmem_shared>>) target(%dma_start3A_256 : memref<6272x16xf32, #tpu.memory_space<hbm>>) target_semaphore(%run_scoped3A : memref<!tpu.dma_semaphore, #tpu.memory_space<semaphore_mem>>)
      %dma_wait3A_259 = arith.constant 0 : i32
      %dma_wait3A_260 = tpu.memref_slice %arg4[%arg0, %mul3A_249, %dma_wait3A_259] : memref<2x100352x16xf32, #tpu.memory_space<hbm>> -> memref<1x6272x16xf32, #tpu.memory_space<hbm>>
      %dma_wait3A_261 = tpu.memref_squeeze %dma_wait3A_260 : memref<1x6272x16xf32, #tpu.memory_space<hbm>> -> memref<6272x16xf32, #tpu.memory_space<hbm>>
      %dma_wait3A_262 = arith.constant 0 : i32
      %dma_wait3A_263 = tpu.memref_slice %arg10[%mul3A_247, %dma_wait3A_262] : memref<100352x16xf32, #tpu.memory_space<vmem_shared>> -> memref<6272x16xf32, #tpu.memory_space<vmem_shared>>
      tpu.wait_dma2 semaphore(%run_scoped3A : memref<!tpu.dma_semaphore, #tpu.memory_space<semaphore_mem>>) src(%dma_wait3A_263 : memref<6272x16xf32, #tpu.memory_space<vmem_shared>>) dst(%dma_wait3A_261 : memref<6272x16xf32, #tpu.memory_space<hbm>>)
      tpu.yield
    }) : () -> ()
    %mul3A_250 = arith.constant 6272 : i32
    %mul3A_251 = arith.muli %arg1, %mul3A_250 : i32
    %mul3A_252 = arith.constant 6272 : i32
    %mul3A_253 = arith.muli %arg1, %mul3A_252 : i32
    "tpu.region"() ({
      %run_scoped3A = tpu.sem_alloc : memref<!tpu.dma_semaphore, #tpu.memory_space<semaphore_mem>>
      %dma_start3A_254 = tpu.memref_slice %arg5[%arg0, %mul3A_253] : memref<2x100352xf32, #tpu.memory_space<hbm>> -> memref<1x6272xf32, #tpu.memory_space<hbm>>
      %dma_start3A_255 = tpu.memref_squeeze %dma_start3A_254 : memref<1x6272xf32, #tpu.memory_space<hbm>> -> memref<6272xf32, #tpu.memory_space<hbm>>
      %dma_start3A_256 = tpu.memref_slice %arg16[%mul3A_251] : memref<100352xf32, #tpu.memory_space<vmem_shared>> -> memref<6272xf32, #tpu.memory_space<vmem_shared>>
      tpu.enqueue_dma source(%dma_start3A_256 : memref<6272xf32, #tpu.memory_space<vmem_shared>>) target(%dma_start3A_255 : memref<6272xf32, #tpu.memory_space<hbm>>) target_semaphore(%run_scoped3A : memref<!tpu.dma_semaphore, #tpu.memory_space<semaphore_mem>>)
      %dma_wait3A_257 = tpu.memref_slice %arg5[%arg0, %mul3A_253] : memref<2x100352xf32, #tpu.memory_space<hbm>> -> memref<1x6272xf32, #tpu.memory_space<hbm>>
      %dma_wait3A_258 = tpu.memref_squeeze %dma_wait3A_257 : memref<1x6272xf32, #tpu.memory_space<hbm>> -> memref<6272xf32, #tpu.memory_space<hbm>>
      %dma_wait3A_259 = tpu.memref_slice %arg16[%mul3A_251] : memref<100352xf32, #tpu.memory_space<vmem_shared>> -> memref<6272xf32, #tpu.memory_space<vmem_shared>>
      tpu.wait_dma2 semaphore(%run_scoped3A : memref<!tpu.dma_semaphore, #tpu.memory_space<semaphore_mem>>) src(%dma_wait3A_259 : memref<6272xf32, #tpu.memory_space<vmem_shared>>) dst(%dma_wait3A_258 : memref<6272xf32, #tpu.memory_space<hbm>>)
      tpu.yield
    }) : () -> ()
    return
  }
}

module attributes {stable_mosaic.version = 14 : i64} {
  func.func @body(%arg0: i32, %arg1: memref<640x128xf32, #tpu.memory_space<vmem>>, %arg2: memref<640x128xf32, #tpu.memory_space<vmem>>, %arg3: memref<640x128xf32, #tpu.memory_space<vmem>>, %arg4: memref<640x8xf32, #tpu.memory_space<vmem>>, %arg5: memref<32x16xf32, #tpu.memory_space<vmem>>, %arg6: memref<32x16xf32, #tpu.memory_space<vmem>>, %arg7: memref<32xf32, #tpu.memory_space<vmem>>, %arg8: memref<64x32xf32, #tpu.memory_space<vmem>>, %arg9: memref<64x32xf32, #tpu.memory_space<vmem>>, %arg10: memref<64xf32, #tpu.memory_space<vmem>>, %arg11: memref<10x64xf32, #tpu.memory_space<vmem>>, %arg12: memref<10xf32, #tpu.memory_space<vmem>>, %arg13: memref<640x80xf32, #tpu.memory_space<vmem>>) attributes {dimension_semantics = [#tpu.dimension_semantics<arbitrary>], iteration_bounds = array<i64: 20>, scalar_prefetch = 0 : i64, scratch_operands = 0 : i64, tpu.core_type = #tpu.core_type<tc>, window_params = [{transform_indices = @transform_0, window_bounds = array<i64: 640, 128>}, {transform_indices = @transform_1, window_bounds = array<i64: 640, 128>}, {transform_indices = @transform_2, window_bounds = array<i64: 640, 128>}, {transform_indices = @transform_3, window_bounds = array<i64: 640, 8>}, {pipeline_mode = #tpu.pipeline_mode<synchronous>, transform_indices = @transform_4, window_bounds = array<i64: 32, 16>}, {pipeline_mode = #tpu.pipeline_mode<synchronous>, transform_indices = @transform_5, window_bounds = array<i64: 32, 16>}, {pipeline_mode = #tpu.pipeline_mode<synchronous>, transform_indices = @transform_6, window_bounds = array<i64: 32>}, {pipeline_mode = #tpu.pipeline_mode<synchronous>, transform_indices = @transform_7, window_bounds = array<i64: 64, 32>}, {pipeline_mode = #tpu.pipeline_mode<synchronous>, transform_indices = @transform_8, window_bounds = array<i64: 64, 32>}, {pipeline_mode = #tpu.pipeline_mode<synchronous>, transform_indices = @transform_9, window_bounds = array<i64: 64>}, {pipeline_mode = #tpu.pipeline_mode<synchronous>, transform_indices = @transform_10, window_bounds = array<i64: 10, 64>}, {pipeline_mode = #tpu.pipeline_mode<synchronous>, transform_indices = @transform_11, window_bounds = array<i64: 10>}, {transform_indices = @transform_12, window_bounds = array<i64: 640, 80>}]} {
    %get3A = arith.constant 0 : index
    %get3A_0 = arith.constant 0 : index
    %get3A_1 = vector.load %arg5[%get3A, %get3A_0] : memref<32x16xf32, #tpu.memory_space<vmem>>, vector<32x16xf32>
    %transpose3A = tpu.transpose %get3A_1, [1, 0] : vector<32x16xf32> -> vector<16x32xf32>
    %get3A_2 = arith.constant 0 : index
    %get3A_3 = arith.constant 0 : index
    %get3A_4 = vector.load %arg6[%get3A_2, %get3A_3] : memref<32x16xf32, #tpu.memory_space<vmem>>, vector<32x16xf32>
    %transpose3A_5 = tpu.transpose %get3A_4, [1, 0] : vector<32x16xf32> -> vector<16x32xf32>
    %get3A_6 = arith.constant 0 : index
    %get3A_7 = arith.constant 0 : index
    %get3A_8 = vector.load %arg8[%get3A_6, %get3A_7] : memref<64x32xf32, #tpu.memory_space<vmem>>, vector<64x32xf32>
    %transpose3A_9 = tpu.transpose %get3A_8, [1, 0] : vector<64x32xf32> -> vector<32x64xf32>
    %get3A_10 = arith.constant 0 : index
    %get3A_11 = arith.constant 0 : index
    %get3A_12 = vector.load %arg11[%get3A_10, %get3A_11] : memref<10x64xf32, #tpu.memory_space<vmem>>, vector<10x64xf32>
    %transpose3A_13 = tpu.transpose %get3A_12, [1, 0] : vector<10x64xf32> -> vector<64x10xf32>
    %dot_general3A = arith.constant dense<0.000000e+00> : vector<32x10xf32>
    %dot_general3A_14 = tpu.matmul %transpose3A_9, %transpose3A_13, %dot_general3A {dimension_numbers = #tpu.dot_dimension_numbers<[1], [0], [0], [1], [0, 0, 1, 1], [], []>, transpose_lhs_hint = false} : vector<32x64xf32>, vector<64x10xf32>, vector<32x10xf32> -> vector<32x10xf32>
    %get3A_15 = arith.constant 0 : index
    %get3A_16 = arith.constant 0 : index
    %get3A_17 = vector.load %arg9[%get3A_15, %get3A_16] : memref<64x32xf32, #tpu.memory_space<vmem>>, vector<64x32xf32>
    %transpose3A_18 = tpu.transpose %get3A_17, [1, 0] : vector<64x32xf32> -> vector<32x64xf32>
    %get3A_19 = arith.constant 0 : index
    %get3A_20 = arith.constant 0 : index
    %get3A_21 = vector.load %arg11[%get3A_19, %get3A_20] : memref<10x64xf32, #tpu.memory_space<vmem>>, vector<10x64xf32>
    %transpose3A_22 = tpu.transpose %get3A_21, [1, 0] : vector<10x64xf32> -> vector<64x10xf32>
    %dot_general3A_23 = arith.constant dense<0.000000e+00> : vector<32x10xf32>
    %dot_general3A_24 = tpu.matmul %transpose3A_18, %transpose3A_22, %dot_general3A_23 {dimension_numbers = #tpu.dot_dimension_numbers<[1], [0], [0], [1], [0, 0, 1, 1], [], []>, transpose_lhs_hint = false} : vector<32x64xf32>, vector<64x10xf32>, vector<32x10xf32> -> vector<32x10xf32>
    %dot_general3A_25 = arith.constant dense<0.000000e+00> : vector<16x10xf32>
    %dot_general3A_26 = tpu.matmul %transpose3A_5, %dot_general3A_24, %dot_general3A_25 {dimension_numbers = #tpu.dot_dimension_numbers<[1], [0], [0], [1], [0, 0, 1, 1], [], []>, transpose_lhs_hint = false} : vector<16x32xf32>, vector<32x10xf32>, vector<16x10xf32> -> vector<16x10xf32>
    %dot_general3A_27 = arith.constant dense<0.000000e+00> : vector<16x10xf32>
    %dot_general3A_28 = tpu.matmul %transpose3A_5, %dot_general3A_14, %dot_general3A_27 {dimension_numbers = #tpu.dot_dimension_numbers<[1], [0], [0], [1], [0, 0, 1, 1], [], []>, transpose_lhs_hint = false} : vector<16x32xf32>, vector<32x10xf32>, vector<16x10xf32> -> vector<16x10xf32>
    %dot_general3A_29 = arith.constant dense<0.000000e+00> : vector<16x10xf32>
    %dot_general3A_30 = tpu.matmul %transpose3A, %dot_general3A_24, %dot_general3A_29 {dimension_numbers = #tpu.dot_dimension_numbers<[1], [0], [0], [1], [0, 0, 1, 1], [], []>, transpose_lhs_hint = false} : vector<16x32xf32>, vector<32x10xf32>, vector<16x10xf32> -> vector<16x10xf32>
    %add3A = arith.addf %dot_general3A_28, %dot_general3A_30 : vector<16x10xf32>
    %dot_general3A_31 = arith.constant dense<0.000000e+00> : vector<16x10xf32>
    %dot_general3A_32 = tpu.matmul %transpose3A, %dot_general3A_14, %dot_general3A_31 {dimension_numbers = #tpu.dot_dimension_numbers<[1], [0], [0], [1], [0, 0, 1, 1], [], []>, transpose_lhs_hint = false} : vector<16x32xf32>, vector<32x10xf32>, vector<16x10xf32> -> vector<16x10xf32>
    %get3A_33 = arith.constant 0 : index
    %get3A_34 = vector.load %arg7[%get3A_33] : memref<32xf32, #tpu.memory_space<vmem>>, vector<32xf32>
    %reshape3A = vector.shape_cast %get3A_34 : vector<32xf32> to vector<1x32xf32>
    %get3A_35 = arith.constant 0 : index
    %get3A_36 = vector.load %arg10[%get3A_35] : memref<64xf32, #tpu.memory_space<vmem>>, vector<64xf32>
    %reshape3A_37 = vector.shape_cast %get3A_36 : vector<64xf32> to vector<1x64xf32>
    %dot_general3A_38 = arith.constant dense<0.000000e+00> : vector<1x10xf32>
    %dot_general3A_39 = tpu.matmul %reshape3A, %dot_general3A_14, %dot_general3A_38 {dimension_numbers = #tpu.dot_dimension_numbers<[1], [0], [0], [1], [0, 0, 1, 1], [], []>, transpose_lhs_hint = false} : vector<1x32xf32>, vector<32x10xf32>, vector<1x10xf32> -> vector<1x10xf32>
    %get3A_40 = arith.constant 0 : index
    %get3A_41 = arith.constant 0 : index
    %get3A_42 = vector.load %arg9[%get3A_40, %get3A_41] : memref<64x32xf32, #tpu.memory_space<vmem>>, vector<64x32xf32>
    %transpose3A_43 = tpu.transpose %get3A_42, [1, 0] : vector<64x32xf32> -> vector<32x64xf32>
    %dot_general3A_44 = arith.constant dense<0.000000e+00> : vector<1x64xf32>
    %dot_general3A_45 = tpu.matmul %reshape3A, %transpose3A_43, %dot_general3A_44 {dimension_numbers = #tpu.dot_dimension_numbers<[1], [0], [0], [1], [0, 0, 1, 1], [], []>, transpose_lhs_hint = false} : vector<1x32xf32>, vector<32x64xf32>, vector<1x64xf32> -> vector<1x64xf32>
    %add3A_46 = arith.addf %dot_general3A_45, %reshape3A_37 : vector<1x64xf32>
    %get3A_47 = arith.constant 0 : index
    %get3A_48 = arith.constant 0 : index
    %get3A_49 = vector.load %arg11[%get3A_47, %get3A_48] : memref<10x64xf32, #tpu.memory_space<vmem>>, vector<10x64xf32>
    %transpose3A_50 = tpu.transpose %get3A_49, [1, 0] : vector<10x64xf32> -> vector<64x10xf32>
    %dot_general3A_51 = arith.constant dense<0.000000e+00> : vector<1x10xf32>
    %dot_general3A_52 = tpu.matmul %add3A_46, %transpose3A_50, %dot_general3A_51 {dimension_numbers = #tpu.dot_dimension_numbers<[1], [0], [0], [1], [0, 0, 1, 1], [], []>, transpose_lhs_hint = false} : vector<1x64xf32>, vector<64x10xf32>, vector<1x10xf32> -> vector<1x10xf32>
    %get3A_53 = arith.constant 0 : index
    %get3A_54 = vector.load %arg12[%get3A_53] : memref<10xf32, #tpu.memory_space<vmem>>, vector<10xf32>
    %reshape3A_55 = vector.shape_cast %get3A_54 : vector<10xf32> to vector<1x10xf32>
    %add3A_56 = arith.addf %dot_general3A_52, %reshape3A_55 : vector<1x10xf32>
    %tile3A = tpu.concatenate %dot_general3A_26, %dot_general3A_26, %dot_general3A_26, %dot_general3A_26, %dot_general3A_26, %dot_general3A_26, %dot_general3A_26, %dot_general3A_26 in 0 : vector<16x10xf32>, vector<16x10xf32>, vector<16x10xf32>, vector<16x10xf32>, vector<16x10xf32>, vector<16x10xf32>, vector<16x10xf32>, vector<16x10xf32> -> vector<128x10xf32>
    %tile3A_57 = tpu.concatenate %tile3A, %tile3A, %tile3A, %tile3A, %tile3A, %tile3A, %tile3A, %tile3A in 1 : vector<128x10xf32>, vector<128x10xf32>, vector<128x10xf32>, vector<128x10xf32>, vector<128x10xf32>, vector<128x10xf32>, vector<128x10xf32>, vector<128x10xf32> -> vector<128x80xf32>
    %iota3A = tpu.iota {dimensions = array<i32: 0>} : vector<128x80xi32>
    %jit3A = arith.constant 16 : i32
    %div3A = vector.broadcast %jit3A : i32 to vector<128x80xi32>
    %div3A_58 = arith.divsi %iota3A, %div3A : vector<128x80xi32>
    %sign3A = arith.constant 0 : i32
    %sign3A_59 = vector.broadcast %sign3A : i32 to vector<128x80xi32>
    %sign3A_60 = arith.cmpi sgt, %iota3A, %sign3A_59 : vector<128x80xi32>
    %sign3A_61 = arith.extui %sign3A_60 : vector<128x80xi1> to vector<128x80xi32>
    %sign3A_62 = arith.constant 0 : i32
    %sign3A_63 = vector.broadcast %sign3A_62 : i32 to vector<128x80xi32>
    %sign3A_64 = arith.cmpi slt, %iota3A, %sign3A_63 : vector<128x80xi32>
    %sign3A_65 = arith.extui %sign3A_64 : vector<128x80xi1> to vector<128x80xi32>
    %sign3A_66 = arith.subi %sign3A_61, %sign3A_65 : vector<128x80xi32>
    %sign3A_67 = arith.constant 0 : i32
    %sign3A_68 = arith.cmpi sgt, %jit3A, %sign3A_67 : i32
    %sign3A_69 = arith.extui %sign3A_68 : i1 to i32
    %sign3A_70 = arith.constant 0 : i32
    %sign3A_71 = arith.cmpi slt, %jit3A, %sign3A_70 : i32
    %sign3A_72 = arith.extui %sign3A_71 : i1 to i32
    %sign3A_73 = arith.subi %sign3A_69, %sign3A_72 : i32
    %ne3A = vector.broadcast %sign3A_73 : i32 to vector<128x80xi32>
    %ne3A_74 = arith.cmpi ne, %sign3A_66, %ne3A : vector<128x80xi32>
    %rem3A = vector.broadcast %jit3A : i32 to vector<128x80xi32>
    %rem3A_75 = arith.remsi %iota3A, %rem3A : vector<128x80xi32>
    %ne3A_76 = arith.constant 0 : i32
    %ne3A_77 = vector.broadcast %ne3A_76 : i32 to vector<128x80xi32>
    %ne3A_78 = arith.cmpi ne, %rem3A_75, %ne3A_77 : vector<128x80xi32>
    %and3A = arith.andi %ne3A_74, %ne3A_78 : vector<128x80xi1>
    %sub3A = arith.constant 1 : i32
    %sub3A_79 = vector.broadcast %sub3A : i32 to vector<128x80xi32>
    %sub3A_80 = arith.subi %div3A_58, %sub3A_79 : vector<128x80xi32>
    %select_n3A = arith.select %and3A, %sub3A_80, %div3A_58 : vector<128x80xi1>, vector<128x80xi32>
    %iota3A_81 = tpu.iota {dimensions = array<i32: 1>} : vector<128x80xi32>
    %jit3A_82 = arith.constant 10 : i32
    %div3A_83 = vector.broadcast %jit3A_82 : i32 to vector<128x80xi32>
    %div3A_84 = arith.divsi %iota3A_81, %div3A_83 : vector<128x80xi32>
    %sign3A_85 = arith.constant 0 : i32
    %sign3A_86 = vector.broadcast %sign3A_85 : i32 to vector<128x80xi32>
    %sign3A_87 = arith.cmpi sgt, %iota3A_81, %sign3A_86 : vector<128x80xi32>
    %sign3A_88 = arith.extui %sign3A_87 : vector<128x80xi1> to vector<128x80xi32>
    %sign3A_89 = arith.constant 0 : i32
    %sign3A_90 = vector.broadcast %sign3A_89 : i32 to vector<128x80xi32>
    %sign3A_91 = arith.cmpi slt, %iota3A_81, %sign3A_90 : vector<128x80xi32>
    %sign3A_92 = arith.extui %sign3A_91 : vector<128x80xi1> to vector<128x80xi32>
    %sign3A_93 = arith.subi %sign3A_88, %sign3A_92 : vector<128x80xi32>
    %sign3A_94 = arith.constant 0 : i32
    %sign3A_95 = arith.cmpi sgt, %jit3A_82, %sign3A_94 : i32
    %sign3A_96 = arith.extui %sign3A_95 : i1 to i32
    %sign3A_97 = arith.constant 0 : i32
    %sign3A_98 = arith.cmpi slt, %jit3A_82, %sign3A_97 : i32
    %sign3A_99 = arith.extui %sign3A_98 : i1 to i32
    %sign3A_100 = arith.subi %sign3A_96, %sign3A_99 : i32
    %ne3A_101 = vector.broadcast %sign3A_100 : i32 to vector<128x80xi32>
    %ne3A_102 = arith.cmpi ne, %sign3A_93, %ne3A_101 : vector<128x80xi32>
    %rem3A_103 = vector.broadcast %jit3A_82 : i32 to vector<128x80xi32>
    %rem3A_104 = arith.remsi %iota3A_81, %rem3A_103 : vector<128x80xi32>
    %ne3A_105 = arith.constant 0 : i32
    %ne3A_106 = vector.broadcast %ne3A_105 : i32 to vector<128x80xi32>
    %ne3A_107 = arith.cmpi ne, %rem3A_104, %ne3A_106 : vector<128x80xi32>
    %and3A_108 = arith.andi %ne3A_102, %ne3A_107 : vector<128x80xi1>
    %sub3A_109 = arith.constant 1 : i32
    %sub3A_110 = vector.broadcast %sub3A_109 : i32 to vector<128x80xi32>
    %sub3A_111 = arith.subi %div3A_84, %sub3A_110 : vector<128x80xi32>
    %select_n3A_112 = arith.select %and3A_108, %sub3A_111, %div3A_84 : vector<128x80xi1>, vector<128x80xi32>
    %eq3A = arith.cmpi eq, %select_n3A, %select_n3A_112 : vector<128x80xi32>
    %jit3A_113 = arith.constant 0.000000e+00 : f32
    %broadcast_in_dim3A = vector.broadcast %jit3A_113 : f32 to vector<128x80xf32>
    %select_n3A_114 = arith.select %eq3A, %tile3A_57, %broadcast_in_dim3A : vector<128x80xi1>, vector<128x80xf32>
    %tile3A_115 = tpu.concatenate %add3A, %add3A, %add3A, %add3A, %add3A, %add3A, %add3A, %add3A in 0 : vector<16x10xf32>, vector<16x10xf32>, vector<16x10xf32>, vector<16x10xf32>, vector<16x10xf32>, vector<16x10xf32>, vector<16x10xf32>, vector<16x10xf32> -> vector<128x10xf32>
    %tile3A_116 = tpu.concatenate %tile3A_115, %tile3A_115, %tile3A_115, %tile3A_115, %tile3A_115, %tile3A_115, %tile3A_115, %tile3A_115 in 1 : vector<128x10xf32>, vector<128x10xf32>, vector<128x10xf32>, vector<128x10xf32>, vector<128x10xf32>, vector<128x10xf32>, vector<128x10xf32>, vector<128x10xf32> -> vector<128x80xf32>
    %iota3A_117 = tpu.iota {dimensions = array<i32: 0>} : vector<128x80xi32>
    %jit3A_118 = arith.constant 16 : i32
    %div3A_119 = vector.broadcast %jit3A_118 : i32 to vector<128x80xi32>
    %div3A_120 = arith.divsi %iota3A_117, %div3A_119 : vector<128x80xi32>
    %sign3A_121 = arith.constant 0 : i32
    %sign3A_122 = vector.broadcast %sign3A_121 : i32 to vector<128x80xi32>
    %sign3A_123 = arith.cmpi sgt, %iota3A_117, %sign3A_122 : vector<128x80xi32>
    %sign3A_124 = arith.extui %sign3A_123 : vector<128x80xi1> to vector<128x80xi32>
    %sign3A_125 = arith.constant 0 : i32
    %sign3A_126 = vector.broadcast %sign3A_125 : i32 to vector<128x80xi32>
    %sign3A_127 = arith.cmpi slt, %iota3A_117, %sign3A_126 : vector<128x80xi32>
    %sign3A_128 = arith.extui %sign3A_127 : vector<128x80xi1> to vector<128x80xi32>
    %sign3A_129 = arith.subi %sign3A_124, %sign3A_128 : vector<128x80xi32>
    %sign3A_130 = arith.constant 0 : i32
    %sign3A_131 = arith.cmpi sgt, %jit3A_118, %sign3A_130 : i32
    %sign3A_132 = arith.extui %sign3A_131 : i1 to i32
    %sign3A_133 = arith.constant 0 : i32
    %sign3A_134 = arith.cmpi slt, %jit3A_118, %sign3A_133 : i32
    %sign3A_135 = arith.extui %sign3A_134 : i1 to i32
    %sign3A_136 = arith.subi %sign3A_132, %sign3A_135 : i32
    %ne3A_137 = vector.broadcast %sign3A_136 : i32 to vector<128x80xi32>
    %ne3A_138 = arith.cmpi ne, %sign3A_129, %ne3A_137 : vector<128x80xi32>
    %rem3A_139 = vector.broadcast %jit3A_118 : i32 to vector<128x80xi32>
    %rem3A_140 = arith.remsi %iota3A_117, %rem3A_139 : vector<128x80xi32>
    %ne3A_141 = arith.constant 0 : i32
    %ne3A_142 = vector.broadcast %ne3A_141 : i32 to vector<128x80xi32>
    %ne3A_143 = arith.cmpi ne, %rem3A_140, %ne3A_142 : vector<128x80xi32>
    %and3A_144 = arith.andi %ne3A_138, %ne3A_143 : vector<128x80xi1>
    %sub3A_145 = arith.constant 1 : i32
    %sub3A_146 = vector.broadcast %sub3A_145 : i32 to vector<128x80xi32>
    %sub3A_147 = arith.subi %div3A_120, %sub3A_146 : vector<128x80xi32>
    %select_n3A_148 = arith.select %and3A_144, %sub3A_147, %div3A_120 : vector<128x80xi1>, vector<128x80xi32>
    %iota3A_149 = tpu.iota {dimensions = array<i32: 1>} : vector<128x80xi32>
    %jit3A_150 = arith.constant 10 : i32
    %div3A_151 = vector.broadcast %jit3A_150 : i32 to vector<128x80xi32>
    %div3A_152 = arith.divsi %iota3A_149, %div3A_151 : vector<128x80xi32>
    %sign3A_153 = arith.constant 0 : i32
    %sign3A_154 = vector.broadcast %sign3A_153 : i32 to vector<128x80xi32>
    %sign3A_155 = arith.cmpi sgt, %iota3A_149, %sign3A_154 : vector<128x80xi32>
    %sign3A_156 = arith.extui %sign3A_155 : vector<128x80xi1> to vector<128x80xi32>
    %sign3A_157 = arith.constant 0 : i32
    %sign3A_158 = vector.broadcast %sign3A_157 : i32 to vector<128x80xi32>
    %sign3A_159 = arith.cmpi slt, %iota3A_149, %sign3A_158 : vector<128x80xi32>
    %sign3A_160 = arith.extui %sign3A_159 : vector<128x80xi1> to vector<128x80xi32>
    %sign3A_161 = arith.subi %sign3A_156, %sign3A_160 : vector<128x80xi32>
    %sign3A_162 = arith.constant 0 : i32
    %sign3A_163 = arith.cmpi sgt, %jit3A_150, %sign3A_162 : i32
    %sign3A_164 = arith.extui %sign3A_163 : i1 to i32
    %sign3A_165 = arith.constant 0 : i32
    %sign3A_166 = arith.cmpi slt, %jit3A_150, %sign3A_165 : i32
    %sign3A_167 = arith.extui %sign3A_166 : i1 to i32
    %sign3A_168 = arith.subi %sign3A_164, %sign3A_167 : i32
    %ne3A_169 = vector.broadcast %sign3A_168 : i32 to vector<128x80xi32>
    %ne3A_170 = arith.cmpi ne, %sign3A_161, %ne3A_169 : vector<128x80xi32>
    %rem3A_171 = vector.broadcast %jit3A_150 : i32 to vector<128x80xi32>
    %rem3A_172 = arith.remsi %iota3A_149, %rem3A_171 : vector<128x80xi32>
    %ne3A_173 = arith.constant 0 : i32
    %ne3A_174 = vector.broadcast %ne3A_173 : i32 to vector<128x80xi32>
    %ne3A_175 = arith.cmpi ne, %rem3A_172, %ne3A_174 : vector<128x80xi32>
    %and3A_176 = arith.andi %ne3A_170, %ne3A_175 : vector<128x80xi1>
    %sub3A_177 = arith.constant 1 : i32
    %sub3A_178 = vector.broadcast %sub3A_177 : i32 to vector<128x80xi32>
    %sub3A_179 = arith.subi %div3A_152, %sub3A_178 : vector<128x80xi32>
    %select_n3A_180 = arith.select %and3A_176, %sub3A_179, %div3A_152 : vector<128x80xi1>, vector<128x80xi32>
    %eq3A_181 = arith.cmpi eq, %select_n3A_148, %select_n3A_180 : vector<128x80xi32>
    %jit3A_182 = arith.constant 0.000000e+00 : f32
    %broadcast_in_dim3A_183 = vector.broadcast %jit3A_182 : f32 to vector<128x80xf32>
    %select_n3A_184 = arith.select %eq3A_181, %tile3A_116, %broadcast_in_dim3A_183 : vector<128x80xi1>, vector<128x80xf32>
    %tile3A_185 = tpu.concatenate %dot_general3A_32, %dot_general3A_32, %dot_general3A_32, %dot_general3A_32, %dot_general3A_32, %dot_general3A_32, %dot_general3A_32, %dot_general3A_32 in 0 : vector<16x10xf32>, vector<16x10xf32>, vector<16x10xf32>, vector<16x10xf32>, vector<16x10xf32>, vector<16x10xf32>, vector<16x10xf32>, vector<16x10xf32> -> vector<128x10xf32>
    %tile3A_186 = tpu.concatenate %tile3A_185, %tile3A_185, %tile3A_185, %tile3A_185, %tile3A_185, %tile3A_185, %tile3A_185, %tile3A_185 in 1 : vector<128x10xf32>, vector<128x10xf32>, vector<128x10xf32>, vector<128x10xf32>, vector<128x10xf32>, vector<128x10xf32>, vector<128x10xf32>, vector<128x10xf32> -> vector<128x80xf32>
    %iota3A_187 = tpu.iota {dimensions = array<i32: 0>} : vector<128x80xi32>
    %jit3A_188 = arith.constant 16 : i32
    %div3A_189 = vector.broadcast %jit3A_188 : i32 to vector<128x80xi32>
    %div3A_190 = arith.divsi %iota3A_187, %div3A_189 : vector<128x80xi32>
    %sign3A_191 = arith.constant 0 : i32
    %sign3A_192 = vector.broadcast %sign3A_191 : i32 to vector<128x80xi32>
    %sign3A_193 = arith.cmpi sgt, %iota3A_187, %sign3A_192 : vector<128x80xi32>
    %sign3A_194 = arith.extui %sign3A_193 : vector<128x80xi1> to vector<128x80xi32>
    %sign3A_195 = arith.constant 0 : i32
    %sign3A_196 = vector.broadcast %sign3A_195 : i32 to vector<128x80xi32>
    %sign3A_197 = arith.cmpi slt, %iota3A_187, %sign3A_196 : vector<128x80xi32>
    %sign3A_198 = arith.extui %sign3A_197 : vector<128x80xi1> to vector<128x80xi32>
    %sign3A_199 = arith.subi %sign3A_194, %sign3A_198 : vector<128x80xi32>
    %sign3A_200 = arith.constant 0 : i32
    %sign3A_201 = arith.cmpi sgt, %jit3A_188, %sign3A_200 : i32
    %sign3A_202 = arith.extui %sign3A_201 : i1 to i32
    %sign3A_203 = arith.constant 0 : i32
    %sign3A_204 = arith.cmpi slt, %jit3A_188, %sign3A_203 : i32
    %sign3A_205 = arith.extui %sign3A_204 : i1 to i32
    %sign3A_206 = arith.subi %sign3A_202, %sign3A_205 : i32
    %ne3A_207 = vector.broadcast %sign3A_206 : i32 to vector<128x80xi32>
    %ne3A_208 = arith.cmpi ne, %sign3A_199, %ne3A_207 : vector<128x80xi32>
    %rem3A_209 = vector.broadcast %jit3A_188 : i32 to vector<128x80xi32>
    %rem3A_210 = arith.remsi %iota3A_187, %rem3A_209 : vector<128x80xi32>
    %ne3A_211 = arith.constant 0 : i32
    %ne3A_212 = vector.broadcast %ne3A_211 : i32 to vector<128x80xi32>
    %ne3A_213 = arith.cmpi ne, %rem3A_210, %ne3A_212 : vector<128x80xi32>
    %and3A_214 = arith.andi %ne3A_208, %ne3A_213 : vector<128x80xi1>
    %sub3A_215 = arith.constant 1 : i32
    %sub3A_216 = vector.broadcast %sub3A_215 : i32 to vector<128x80xi32>
    %sub3A_217 = arith.subi %div3A_190, %sub3A_216 : vector<128x80xi32>
    %select_n3A_218 = arith.select %and3A_214, %sub3A_217, %div3A_190 : vector<128x80xi1>, vector<128x80xi32>
    %iota3A_219 = tpu.iota {dimensions = array<i32: 1>} : vector<128x80xi32>
    %jit3A_220 = arith.constant 10 : i32
    %div3A_221 = vector.broadcast %jit3A_220 : i32 to vector<128x80xi32>
    %div3A_222 = arith.divsi %iota3A_219, %div3A_221 : vector<128x80xi32>
    %sign3A_223 = arith.constant 0 : i32
    %sign3A_224 = vector.broadcast %sign3A_223 : i32 to vector<128x80xi32>
    %sign3A_225 = arith.cmpi sgt, %iota3A_219, %sign3A_224 : vector<128x80xi32>
    %sign3A_226 = arith.extui %sign3A_225 : vector<128x80xi1> to vector<128x80xi32>
    %sign3A_227 = arith.constant 0 : i32
    %sign3A_228 = vector.broadcast %sign3A_227 : i32 to vector<128x80xi32>
    %sign3A_229 = arith.cmpi slt, %iota3A_219, %sign3A_228 : vector<128x80xi32>
    %sign3A_230 = arith.extui %sign3A_229 : vector<128x80xi1> to vector<128x80xi32>
    %sign3A_231 = arith.subi %sign3A_226, %sign3A_230 : vector<128x80xi32>
    %sign3A_232 = arith.constant 0 : i32
    %sign3A_233 = arith.cmpi sgt, %jit3A_220, %sign3A_232 : i32
    %sign3A_234 = arith.extui %sign3A_233 : i1 to i32
    %sign3A_235 = arith.constant 0 : i32
    %sign3A_236 = arith.cmpi slt, %jit3A_220, %sign3A_235 : i32
    %sign3A_237 = arith.extui %sign3A_236 : i1 to i32
    %sign3A_238 = arith.subi %sign3A_234, %sign3A_237 : i32
    %ne3A_239 = vector.broadcast %sign3A_238 : i32 to vector<128x80xi32>
    %ne3A_240 = arith.cmpi ne, %sign3A_231, %ne3A_239 : vector<128x80xi32>
    %rem3A_241 = vector.broadcast %jit3A_220 : i32 to vector<128x80xi32>
    %rem3A_242 = arith.remsi %iota3A_219, %rem3A_241 : vector<128x80xi32>
    %ne3A_243 = arith.constant 0 : i32
    %ne3A_244 = vector.broadcast %ne3A_243 : i32 to vector<128x80xi32>
    %ne3A_245 = arith.cmpi ne, %rem3A_242, %ne3A_244 : vector<128x80xi32>
    %and3A_246 = arith.andi %ne3A_240, %ne3A_245 : vector<128x80xi1>
    %sub3A_247 = arith.constant 1 : i32
    %sub3A_248 = vector.broadcast %sub3A_247 : i32 to vector<128x80xi32>
    %sub3A_249 = arith.subi %div3A_222, %sub3A_248 : vector<128x80xi32>
    %select_n3A_250 = arith.select %and3A_246, %sub3A_249, %div3A_222 : vector<128x80xi1>, vector<128x80xi32>
    %eq3A_251 = arith.cmpi eq, %select_n3A_218, %select_n3A_250 : vector<128x80xi32>
    %jit3A_252 = arith.constant 0.000000e+00 : f32
    %broadcast_in_dim3A_253 = vector.broadcast %jit3A_252 : f32 to vector<128x80xf32>
    %select_n3A_254 = arith.select %eq3A_251, %tile3A_186, %broadcast_in_dim3A_253 : vector<128x80xi1>, vector<128x80xf32>
    %tile3A_255 = tpu.concatenate %dot_general3A_39, %dot_general3A_39, %dot_general3A_39, %dot_general3A_39, %dot_general3A_39, %dot_general3A_39, %dot_general3A_39, %dot_general3A_39 in 0 : vector<1x10xf32>, vector<1x10xf32>, vector<1x10xf32>, vector<1x10xf32>, vector<1x10xf32>, vector<1x10xf32>, vector<1x10xf32>, vector<1x10xf32> -> vector<8x10xf32>
    %tile3A_256 = tpu.concatenate %tile3A_255, %tile3A_255, %tile3A_255, %tile3A_255, %tile3A_255, %tile3A_255, %tile3A_255, %tile3A_255 in 1 : vector<8x10xf32>, vector<8x10xf32>, vector<8x10xf32>, vector<8x10xf32>, vector<8x10xf32>, vector<8x10xf32>, vector<8x10xf32>, vector<8x10xf32> -> vector<8x80xf32>
    %iota3A_257 = tpu.iota {dimensions = array<i32: 0>} : vector<8x80xi32>
    %jit3A_258 = arith.constant 1 : i32
    %div3A_259 = vector.broadcast %jit3A_258 : i32 to vector<8x80xi32>
    %div3A_260 = arith.divsi %iota3A_257, %div3A_259 : vector<8x80xi32>
    %sign3A_261 = arith.constant 0 : i32
    %sign3A_262 = vector.broadcast %sign3A_261 : i32 to vector<8x80xi32>
    %sign3A_263 = arith.cmpi sgt, %iota3A_257, %sign3A_262 : vector<8x80xi32>
    %sign3A_264 = arith.extui %sign3A_263 : vector<8x80xi1> to vector<8x80xi32>
    %sign3A_265 = arith.constant 0 : i32
    %sign3A_266 = vector.broadcast %sign3A_265 : i32 to vector<8x80xi32>
    %sign3A_267 = arith.cmpi slt, %iota3A_257, %sign3A_266 : vector<8x80xi32>
    %sign3A_268 = arith.extui %sign3A_267 : vector<8x80xi1> to vector<8x80xi32>
    %sign3A_269 = arith.subi %sign3A_264, %sign3A_268 : vector<8x80xi32>
    %sign3A_270 = arith.constant 0 : i32
    %sign3A_271 = arith.cmpi sgt, %jit3A_258, %sign3A_270 : i32
    %sign3A_272 = arith.extui %sign3A_271 : i1 to i32
    %sign3A_273 = arith.constant 0 : i32
    %sign3A_274 = arith.cmpi slt, %jit3A_258, %sign3A_273 : i32
    %sign3A_275 = arith.extui %sign3A_274 : i1 to i32
    %sign3A_276 = arith.subi %sign3A_272, %sign3A_275 : i32
    %ne3A_277 = vector.broadcast %sign3A_276 : i32 to vector<8x80xi32>
    %ne3A_278 = arith.cmpi ne, %sign3A_269, %ne3A_277 : vector<8x80xi32>
    %rem3A_279 = vector.broadcast %jit3A_258 : i32 to vector<8x80xi32>
    %rem3A_280 = arith.remsi %iota3A_257, %rem3A_279 : vector<8x80xi32>
    %ne3A_281 = arith.constant 0 : i32
    %ne3A_282 = vector.broadcast %ne3A_281 : i32 to vector<8x80xi32>
    %ne3A_283 = arith.cmpi ne, %rem3A_280, %ne3A_282 : vector<8x80xi32>
    %and3A_284 = arith.andi %ne3A_278, %ne3A_283 : vector<8x80xi1>
    %sub3A_285 = arith.constant 1 : i32
    %sub3A_286 = vector.broadcast %sub3A_285 : i32 to vector<8x80xi32>
    %sub3A_287 = arith.subi %div3A_260, %sub3A_286 : vector<8x80xi32>
    %select_n3A_288 = arith.select %and3A_284, %sub3A_287, %div3A_260 : vector<8x80xi1>, vector<8x80xi32>
    %iota3A_289 = tpu.iota {dimensions = array<i32: 1>} : vector<8x80xi32>
    %jit3A_290 = arith.constant 10 : i32
    %div3A_291 = vector.broadcast %jit3A_290 : i32 to vector<8x80xi32>
    %div3A_292 = arith.divsi %iota3A_289, %div3A_291 : vector<8x80xi32>
    %sign3A_293 = arith.constant 0 : i32
    %sign3A_294 = vector.broadcast %sign3A_293 : i32 to vector<8x80xi32>
    %sign3A_295 = arith.cmpi sgt, %iota3A_289, %sign3A_294 : vector<8x80xi32>
    %sign3A_296 = arith.extui %sign3A_295 : vector<8x80xi1> to vector<8x80xi32>
    %sign3A_297 = arith.constant 0 : i32
    %sign3A_298 = vector.broadcast %sign3A_297 : i32 to vector<8x80xi32>
    %sign3A_299 = arith.cmpi slt, %iota3A_289, %sign3A_298 : vector<8x80xi32>
    %sign3A_300 = arith.extui %sign3A_299 : vector<8x80xi1> to vector<8x80xi32>
    %sign3A_301 = arith.subi %sign3A_296, %sign3A_300 : vector<8x80xi32>
    %sign3A_302 = arith.constant 0 : i32
    %sign3A_303 = arith.cmpi sgt, %jit3A_290, %sign3A_302 : i32
    %sign3A_304 = arith.extui %sign3A_303 : i1 to i32
    %sign3A_305 = arith.constant 0 : i32
    %sign3A_306 = arith.cmpi slt, %jit3A_290, %sign3A_305 : i32
    %sign3A_307 = arith.extui %sign3A_306 : i1 to i32
    %sign3A_308 = arith.subi %sign3A_304, %sign3A_307 : i32
    %ne3A_309 = vector.broadcast %sign3A_308 : i32 to vector<8x80xi32>
    %ne3A_310 = arith.cmpi ne, %sign3A_301, %ne3A_309 : vector<8x80xi32>
    %rem3A_311 = vector.broadcast %jit3A_290 : i32 to vector<8x80xi32>
    %rem3A_312 = arith.remsi %iota3A_289, %rem3A_311 : vector<8x80xi32>
    %ne3A_313 = arith.constant 0 : i32
    %ne3A_314 = vector.broadcast %ne3A_313 : i32 to vector<8x80xi32>
    %ne3A_315 = arith.cmpi ne, %rem3A_312, %ne3A_314 : vector<8x80xi32>
    %and3A_316 = arith.andi %ne3A_310, %ne3A_315 : vector<8x80xi1>
    %sub3A_317 = arith.constant 1 : i32
    %sub3A_318 = vector.broadcast %sub3A_317 : i32 to vector<8x80xi32>
    %sub3A_319 = arith.subi %div3A_292, %sub3A_318 : vector<8x80xi32>
    %select_n3A_320 = arith.select %and3A_316, %sub3A_319, %div3A_292 : vector<8x80xi1>, vector<8x80xi32>
    %eq3A_321 = arith.cmpi eq, %select_n3A_288, %select_n3A_320 : vector<8x80xi32>
    %jit3A_322 = arith.constant 0.000000e+00 : f32
    %broadcast_in_dim3A_323 = vector.broadcast %jit3A_322 : f32 to vector<8x80xf32>
    %select_n3A_324 = arith.select %eq3A_321, %tile3A_256, %broadcast_in_dim3A_323 : vector<8x80xi1>, vector<8x80xf32>
    %get3A_325 = arith.constant 0 : index
    %get3A_326 = arith.constant 0 : index
    %get3A_327 = vector.load %arg3[%get3A_325, %get3A_326] : memref<640x128xf32, #tpu.memory_space<vmem>>, vector<640x128xf32>
    %dot_general3A_328 = arith.constant dense<0.000000e+00> : vector<640x80xf32>
    %dot_general3A_329 = tpu.matmul %get3A_327, %select_n3A_254, %dot_general3A_328 {dimension_numbers = #tpu.dot_dimension_numbers<[1], [0], [0], [1], [0, 0, 1, 1], [], []>, transpose_lhs_hint = false} : vector<640x128xf32>, vector<128x80xf32>, vector<640x80xf32> -> vector<640x80xf32>
    %get3A_330 = arith.constant 0 : index
    %get3A_331 = arith.constant 0 : index
    %get3A_332 = vector.load %arg2[%get3A_330, %get3A_331] : memref<640x128xf32, #tpu.memory_space<vmem>>, vector<640x128xf32>
    %dot_general3A_333 = arith.constant dense<0.000000e+00> : vector<640x80xf32>
    %dot_general3A_334 = tpu.matmul %get3A_332, %select_n3A_184, %dot_general3A_333 {dimension_numbers = #tpu.dot_dimension_numbers<[1], [0], [0], [1], [0, 0, 1, 1], [], []>, transpose_lhs_hint = false} : vector<640x128xf32>, vector<128x80xf32>, vector<640x80xf32> -> vector<640x80xf32>
    %add3A_335 = arith.addf %dot_general3A_329, %dot_general3A_334 : vector<640x80xf32>
    %get3A_336 = arith.constant 0 : index
    %get3A_337 = arith.constant 0 : index
    %get3A_338 = vector.load %arg1[%get3A_336, %get3A_337] : memref<640x128xf32, #tpu.memory_space<vmem>>, vector<640x128xf32>
    %dot_general3A_339 = arith.constant dense<0.000000e+00> : vector<640x80xf32>
    %dot_general3A_340 = tpu.matmul %get3A_338, %select_n3A_114, %dot_general3A_339 {dimension_numbers = #tpu.dot_dimension_numbers<[1], [0], [0], [1], [0, 0, 1, 1], [], []>, transpose_lhs_hint = false} : vector<640x128xf32>, vector<128x80xf32>, vector<640x80xf32> -> vector<640x80xf32>
    %add3A_341 = arith.addf %add3A_335, %dot_general3A_340 : vector<640x80xf32>
    %get3A_342 = arith.constant 0 : index
    %get3A_343 = arith.constant 0 : index
    %get3A_344 = vector.load %arg4[%get3A_342, %get3A_343] : memref<640x8xf32, #tpu.memory_space<vmem>>, vector<640x8xf32>
    %dot_general3A_345 = arith.constant dense<0.000000e+00> : vector<640x80xf32>
    %dot_general3A_346 = tpu.matmul %get3A_344, %select_n3A_324, %dot_general3A_345 {dimension_numbers = #tpu.dot_dimension_numbers<[1], [0], [0], [1], [0, 0, 1, 1], [], []>, transpose_lhs_hint = false} : vector<640x8xf32>, vector<8x80xf32>, vector<640x80xf32> -> vector<640x80xf32>
    %add3A_347 = arith.addf %add3A_341, %dot_general3A_346 : vector<640x80xf32>
    %tile3A_348 = tpu.concatenate %add3A_56, %add3A_56, %add3A_56, %add3A_56, %add3A_56, %add3A_56, %add3A_56, %add3A_56 in 1 : vector<1x10xf32>, vector<1x10xf32>, vector<1x10xf32>, vector<1x10xf32>, vector<1x10xf32>, vector<1x10xf32>, vector<1x10xf32>, vector<1x10xf32> -> vector<1x80xf32>
    %add3A_349 = vector.broadcast %tile3A_348 : vector<1x80xf32> to vector<640x80xf32>
    %add3A_350 = arith.addf %add3A_347, %add3A_349 : vector<640x80xf32>
    %swap3A = arith.constant 0 : index
    %swap3A_351 = arith.constant 0 : index
    %swap3A_352 = vector.load %arg13[%swap3A, %swap3A_351] : memref<640x80xf32, #tpu.memory_space<vmem>>, vector<640x80xf32>
    tpu.vector_store %arg13[%swap3A, %swap3A_351], %add3A_350 {strides = array<i32>} : memref<640x80xf32, #tpu.memory_space<vmem>>, vector<640x80xf32>,
    return
  }
  func.func @transform_0(%arg0: i32) -> (i32, i32) {
    %c0_i32 = arith.constant 0 : i32
    %c0_i32_0 = arith.constant 0 : i32
    return %arg0, %c0_i32 : i32, i32
  }
  func.func @transform_1(%arg0: i32) -> (i32, i32) {
    %c0_i32 = arith.constant 0 : i32
    %c0_i32_0 = arith.constant 0 : i32
    return %arg0, %c0_i32 : i32, i32
  }
  func.func @transform_2(%arg0: i32) -> (i32, i32) {
    %c0_i32 = arith.constant 0 : i32
    %c0_i32_0 = arith.constant 0 : i32
    return %arg0, %c0_i32 : i32, i32
  }
  func.func @transform_3(%arg0: i32) -> (i32, i32) {
    %c0_i32 = arith.constant 0 : i32
    %c0_i32_0 = arith.constant 0 : i32
    return %arg0, %c0_i32 : i32, i32
  }
  func.func @transform_4(%arg0: i32) -> (i32, i32) {
    %c0_i32 = arith.constant 0 : i32
    %c0_i32_0 = arith.constant 0 : i32
    %c0_i32_1 = arith.constant 0 : i32
    return %c0_i32, %c0_i32_0 : i32, i32
  }
  func.func @transform_5(%arg0: i32) -> (i32, i32) {
    %c0_i32 = arith.constant 0 : i32
    %c0_i32_0 = arith.constant 0 : i32
    %c0_i32_1 = arith.constant 0 : i32
    return %c0_i32, %c0_i32_0 : i32, i32
  }
  func.func @transform_6(%arg0: i32) -> i32 {
    %c0_i32 = arith.constant 0 : i32
    %c0_i32_0 = arith.constant 0 : i32
    return %c0_i32 : i32
  }
  func.func @transform_7(%arg0: i32) -> (i32, i32) {
    %c0_i32 = arith.constant 0 : i32
    %c0_i32_0 = arith.constant 0 : i32
    %c0_i32_1 = arith.constant 0 : i32
    return %c0_i32, %c0_i32_0 : i32, i32
  }
  func.func @transform_8(%arg0: i32) -> (i32, i32) {
    %c0_i32 = arith.constant 0 : i32
    %c0_i32_0 = arith.constant 0 : i32
    %c0_i32_1 = arith.constant 0 : i32
    return %c0_i32, %c0_i32_0 : i32, i32
  }
  func.func @transform_9(%arg0: i32) -> i32 {
    %c0_i32 = arith.constant 0 : i32
    %c0_i32_0 = arith.constant 0 : i32
    return %c0_i32 : i32
  }
  func.func @transform_10(%arg0: i32) -> (i32, i32) {
    %c0_i32 = arith.constant 0 : i32
    %c0_i32_0 = arith.constant 0 : i32
    %c0_i32_1 = arith.constant 0 : i32
    return %c0_i32, %c0_i32_0 : i32, i32
  }
  func.func @transform_11(%arg0: i32) -> i32 {
    %c0_i32 = arith.constant 0 : i32
    %c0_i32_0 = arith.constant 0 : i32
    return %c0_i32 : i32
  }
  func.func @transform_12(%arg0: i32) -> (i32, i32) {
    %c0_i32 = arith.constant 0 : i32
    %c0_i32_0 = arith.constant 0 : i32
    return %arg0, %c0_i32 : i32, i32
  }
}

</mosaic_0001>

<sc_bundles>
// kernel: kernel.10.cloned.1.call-start
scs
__scs_entry_jumppad:
0x0: {  	(pc) =	sbr.rel $0x88, $3  }
0x1: {  	(tag) =	ssettag $0x0;
	lr =	simm.s32 $0x1  }
0x2: {  	[smem:$0x3F97] =	sst lr;
	_ =	strace $0xD0000000  }
0x3: {  	_ = 	snop  }
0x4: {  	_ = 	snop  }
0x5: {  	_ = 	snop  }
0x6: {  	_ = 	snop  }
0x7: {  	_ = 	snop  }
__scs_overlays_trampoline_lowered:
0x8: {  	[smem:$0x3FA6] =	sst s0  }
0x9: {  	[smem:$0x3FA7] =	sst s1  }
0xa: {  	[smem:$0x3FA8] =	sst s2  }
0xb: {  	[smem:$0x3FA9] =	sst s3  }
0xc: {  	[smem:$0x3FAA] =	sst s4  }
0xd: {  	[smem:$0x3FAB] =	sst s5  }
0xe: {  	[smem:$0x3FAC] =	sst s6  }
0xf: {  	[smem:$0x3FAD] =	sst s7  }
0x10: {  	[smem:$0x3FAE] =	sst s8  }
0x11: {  	[smem:$0x3FAF] =	sst s9;
	s0 =	simm.s32 @!p0 $0x0  }
0x12: {  	s1 =	sld [smem:$0x3F95];
	s0 =	simm.s32 @p0 $0x1  }
0x13: {  	[smem:$0x3FB0] =	sst s0;
	s0 =	simm.s32 @!p1 $0x0  }
0x14: {  	s2 =	sld [smem:$0x3F94];
	s0 =	simm.s32 @p1 $0x1  }
0x15: {  	[smem:$0x3FB1] =	sst s0;
	s0 =	simm.s32 @!p2 $0x0  }
0x16: {  	s3 =	sld [smem:$0x3FDB];
	s0 =	simm.s32 @p2 $0x1  }
0x17: {  	s4 =	simm.s32 $0x1BF5;
	[smem:$0x3FB3] =	sst s0  }
0x18: {  	s0 =	sld [smem:$0x3F96];
	_ =	swait.ge [sflag:s4], $0x0  }
0x19: {  	s7 =	sld [smem:$0x3F97]  }
0x1a: {  	s8 =	sadd.s32 $0xFFFFE003, lr  }
0x1b: {  	s9 =	sadd.s32 $0xFFFFFEF7, lr;
	s5 =	simm.s32 $0xFFFFFFFF;
	p2 =	slt.u32 s8, $0xFFFFF086  }
0x1c: {  	p1 =	slt.u32 s9, $0xF7A;
	s5 =	simm.s32 @!p2 $0x0  }
0x1d: {  	s5 =	simm.s32 @p1 $0x1;
	p0 =	seq.s32 s7, s2  }
0x1e: {  	s7 =	smul.u32 @!p0 $0xF7A, s2;
	p2 =	seq.s32 @!p0 s5, $0x0  }
0x1f: {  	s9 =	smul.u32 $0xF7A, s1;
	s8 =	simm.s32 @!p0 $0x1BF5;
	p2 =	por !p2, p0  }
0x20: {  	[sflag:s8] =	ssyncset.s32 @!p0 $0xFFFFF086;
	s6 =	sadd.s32 @!p0 s3, s7;
	s7 =	simm.s32 @!p0 $0x108  }
0x21: {  	s3 =	sadd.s32 s3, s9;
	s6 =	sadd.s32 @!p0 $0x88, s6;
	s7 =	simm.s32 @p2 $0x1082  }
0x22: {  	[simem:s7], [sflag:s8] =	dma.local @!p0 [hbm:s6], $0xF7A  }
0x23: {  	s9 =	sor.u32 $0xD0000000, s2;
	s6 =	simm.s32 $0x108;
	_ =	swait.ge @!p0 [sflag:s8], $0x0  }
0x24: {  	s3 =	sadd.s32 $0x88, s3;
	s6 =	simm.s32 @!p1 $0x1082;
	[sflag:s4] =	ssyncset.s32 $0xFFFFF086  }
0x25: {  	[simem:s6], [sflag:s4] =	dma.local [hbm:s3], $0xF7A  }
0x26: {  	[smem:$0x3F97] =	sst s1;
	(tag) =	ssettag s2;
	_ =	strace s9  }
0x27: {  	s1 =	sld [smem:$0x3FA7]  }
0x28: {  	s2 =	sld [smem:$0x3FA8]  }
0x29: {  	s4 =	sld [smem:$0x3FAA]  }
0x2a: {  	p0 =	seq.s32 s5, $0x0;
	s5 =	sld [smem:$0x3FAB]  }
0x2b: {  	s6 =	sld [smem:$0x3FAC]  }
0x2c: {  	s7 =	sld [smem:$0x3FAD]  }
0x2d: {  	s3 =	simm.s32 $0x108;
	s8 =	sld [smem:$0x3FAE]  }
0x2e: {  	s3 =	simm.s32 @!p0 $0x1082;
	s9 =	sld [smem:$0x3FAF]  }
0x2f: {  	lr =	sadd.s32 s0, s3;
	s0 =	sld [smem:$0x3FA6]  }
0x30: {  	s3 =	sld [smem:$0x3FA9]  }
0x31: {  	[smem:$0x3FB2] =	sst s10  }
0x32: {  	s10 =	sld [smem:$0x3FB0];
	_ =	sdelay $0x3  }
0x33: {  	p0 =	seq.s32 s10, $0x1;
	s10 =	sld [smem:$0x3FB2];
	_ =	sdelay $0x3  }
0x34: {  	[smem:$0x3FB2] =	sst s10  }
0x35: {  	s10 =	sld [smem:$0x3FB1];
	_ =	sdelay $0x3  }
0x36: {  	p1 =	seq.s32 s10, $0x1;
	s10 =	sld [smem:$0x3FB2];
	_ =	sdelay $0x3  }
0x37: {  	[smem:$0x3FB2] =	sst s10  }
0x38: {  	s10 =	sld [smem:$0x3FB3]  }
0x39: {  	_ = 	snop;
	(pc) =	sbr.ind lr, $3  }
0x3a: {  	_ = 	snop  }
0x3b: {  	_ = 	snop  }
0x3c: {  	p2 =	seq.s32 s10, $0x1;
	s10 =	sld [smem:$0x3FB2]  }
0x3d: {  	_ =	shalt  }
0x3e: {  	_ =	shalt  }
0x3f: {  	_ =	shalt  }
0x40: {  	_ =	shalt  }
0x41: {  	_ =	shalt  }
0x42: {  	_ =	shalt  }
0x43: {  	_ =	shalt  }
0x44: {  	_ =	shalt  }
0x45: {  	_ =	shalt  }
0x46: {  	_ =	shalt  }
0x47: {  	_ =	shalt  }
0x48: {  	_ =	shalt  }
0x49: {  	_ =	shalt  }
0x4a: {  	_ =	shalt  }
0x4b: {  	_ =	shalt  }
0x4c: {  	_ =	shalt  }
0x4d: {  	_ =	shalt  }
0x4e: {  	_ =	shalt  }
0x4f: {  	_ =	shalt  }
0x50: {  	_ =	shalt  }
0x51: {  	_ =	shalt  }
0x52: {  	_ =	shalt  }
0x53: {  	_ =	shalt  }
0x54: {  	_ =	shalt  }
0x55: {  	_ =	shalt  }
0x56: {  	_ =	shalt  }
0x57: {  	_ =	shalt  }
0x58: {  	_ =	shalt  }
0x59: {  	_ =	shalt  }
0x5a: {  	_ =	shalt  }
0x5b: {  	_ =	shalt  }
0x5c: {  	_ =	shalt  }
0x5d: {  	_ =	shalt  }
0x5e: {  	_ =	shalt  }
0x5f: {  	_ =	shalt  }
0x60: {  	_ =	shalt  }
0x61: {  	_ =	shalt  }
0x62: {  	_ =	shalt  }
0x63: {  	_ =	shalt  }
0x64: {  	_ =	shalt  }
0x65: {  	_ =	shalt  }
0x66: {  	_ =	shalt  }
0x67: {  	_ =	shalt  }
0x68: {  	_ =	shalt  }
0x69: {  	_ =	shalt  }
0x6a: {  	_ =	shalt  }
0x6b: {  	_ =	shalt  }
0x6c: {  	_ =	shalt  }
0x6d: {  	_ =	shalt  }
0x6e: {  	_ =	shalt  }
0x6f: {  	_ =	shalt  }
0x70: {  	_ =	shalt  }
0x71: {  	_ =	shalt  }
0x72: {  	_ =	shalt  }
0x73: {  	_ =	shalt  }
0x74: {  	_ =	shalt  }
0x75: {  	_ =	shalt  }
0x76: {  	_ =	shalt  }
0x77: {  	_ =	shalt  }
0x78: {  	_ =	shalt  }
0x79: {  	_ =	shalt  }
0x7a: {  	_ =	shalt  }
0x7b: {  	_ =	shalt  }
0x7c: {  	_ =	shalt  }
0x7d: {  	_ =	shalt  }
0x7e: {  	_ =	shalt  }
0x7f: {  	_ =	shalt  }
0x80: {  	_ =	shalt  }
0x81: {  	_ =	shalt  }
0x82: {  	_ =	shalt  }
0x83: {  	_ =	shalt  }
0x84: {  	_ =	shalt  }
0x85: {  	_ =	shalt  }
0x86: {  	_ =	shalt  }
0x87: {  	_ =	shalt  }
.Lfunc_end0:
.L_simem_size_0:
called_computation.1_lowered:
.L_overlay_start_0:
0x88: {  	s2 =	sld [smem:$0x3FD9]  }
0x89: {  	s3 =	sld [smem:$0x3FFE];
	_ =	sdelay $0x1  }
0x8a: {  	s1 =	srdreg.scid  }
0x8b: {  	s0 =	sand.u32 $0x1, s1  }
0x8c: {  	s17 =	sshll.u32 s0, $0xA;
	s2 =	sadd.s32 s3, s2  }
0x8d: {  	s2 =	sadd.s32 s2, s17  }
0x8e: {  	[smem:$0x3FBE] =	sst s2  }
0x8f: {  	_ = 	snop  }
0x90: {  	s2 =	sld [smem:$0x3FD0];
	(tm) =	ssettm $0x1  }
0x91: {  	s18 =	sld [smem:$0x3FFB];
	_ =	sdelay $0x3  }
0x92: {  	_ =	strace s18  }
0x93: {  	s3 =	sld [smem:$0x3FFC];
	_ =	sdelay $0x3  }
0x94: {  	_ =	strace s3  }
0x95: {  	s3 =	sld [smem:$0x3FFD];
	_ =	sdelay $0x3  }
0x96: {  	_ =	strace s3  }
0x97: {  	_ =	strace $0x8FFFFFFF  }
0x98: {  	s19 =	sld [smem:$0x3FDB];
	_ =	sdelay $0x1  }
0x99: {  	s4 =	simm.s32 $_scs_section_size  }
0x9a: {  	s5 =	simm.s32 $_size__tile_overlayer_lowered;
	s6 =	simm.s32 $_tile_overlayer_lowered  }
0x9b: {  	s22 =	simm.s32 $0x1BFF;
	s21 =	sshll.u32 s6, $0x1;
	s3 =	sadd.s32 s4, s19  }
0x9c: {  	s7 =	simm.s32 $0x0;
	s20 =	sshll.u32 s5, $0x1;
	s5 =	sadd.s32 s21, s3  }
0x9d: {  	[timem:s7], [sflag:s22] =	dma.local [hbm:s5], s20  }
0x9e: {  	_ =	swait.ge [sflag:s22], s20  }
0x9f: {  	s4 =	ssub.s32 $0x0, s20;
	[sflag:s22] =	ssyncset.done $0x0  }
0xa0: {  	[sflag:s22] =	ssyncadd.s32 s4;
	_ =	sdelay $0x1  }
0xa1: {  	s23 =	simm.s32 $0x1B8B  }
0xa2: {  	_ =	swait.ge [sflag:s23], $0x1  }
0xa3: {  	[sflag:s23] =	ssyncset.done $0x0  }
0xa4: {  	s25 =	simm.s32 $0x1B8E;
	s24 =	sld [smem:$0x3FFE];
	[sflag:s23] =	ssyncadd.s32 $0xFFFFFFFF  }
0xa5: {  	s26 =	simm.s32 $execute0_lowered;
	[smem:$0x3FD2] =	sst s25  }
0xa6: {  	s5 =	sshll.u32 s26, $0x1;
	_ =	strace $0x80000049;
	[dreg:$0x1] =	wrdreg $0xFFFFFFFF  }
0xa7: {  	s28 =	simm.s32 $_size_execute0_lowered;
	s3 =	sadd.s32 s3, s5;
	[dreg:$0x0] =	wrdreg $0x0  }
0xa8: {  	s5 =	sshll.u32 s28, $0x1;
	[dreg:$0x2] =	wrdreg s3  }
0xa9: {  	[dreg:$0x3] =	wrdreg s5  }
0xaa: {  	[dreg:$0x4] =	wrdreg $0xC0  }
0xab: {  	_ =	task [dreg:s7], $0x5FFFF  }
0xac: {  	[dreg:$0x1] =	wrdreg $0xFFFFFFFF  }
0xad: {  	[dreg:$0x0] =	wrdreg $0x60  }
0xae: {  	[dreg:$0x2] =	wrdreg s24  }
0xaf: {  	[dreg:$0x3] =	wrdreg s2  }
0xb0: {  	[dreg:$0x4] =	wrdreg $0x9  }
0xb1: {  	_ =	task.clear_ibuf [dreg:s7], $0x5FFFF;
	_ =	strace $0x90000049  }
0xb2: {  	s29 =	simm.s32 $0x9;
	_ =	strace $0x8000004B  }
0xb3: {  	_ =	swait.ge [sflag:s29], $0x1  }
0xb4: {  	[sflag:s29] =	ssyncadd.s32 $0xFFFFFFFF  }
0xb5: {  	_ =	strace $0x9000004B  }
0xb6: {  	_ =	sfence  }
0xb7: {  	s30 =	sld [smem:$0x0];
	_ =	sdelay $0x2  }
0xb8: {  	s31 =	sshll.u32 s1, $0xD;
	s1 =	sshrl.u32 s1, $0x2  }
0xb9: {  	s3 =	sand.u32 $0x4000, s31;
	s1 =	sadd.s32 s1, s30  }
0xba: {  	s0 =	sor.u32 s3, s0;
	s1 =	sshll.u32 s1, $0x11  }
0xbb: {  	s0 =	sor.u32 s1, s0  }
0xbc: {  	s0 =	sadd.s32 $0x8F2B, s0  }
0xbd: {  	[sflag:s0] =	ssyncadd.remote.s32 $0x1  }
0xbe: {  	_ =	sfence.sel $0xFFFF  }
0xbf: {  	[dreg:$0x0] =	wrdreg $0xFFFFFFFF;
	(pc) =	sbr.abs _section_cstart, $3  }
0xc0: {  	[dreg:$0x1] =	wrdreg $0xFFFFFFFF  }
0xc1: {  	_ =	task.clear_ibuf [dreg:s7], $0x2FFFF;
	_ =	strace $0x9FFFFFFF  }
0xc2: {  	(tm) =	ssettm $0x7FFFFFFF  }
0xc3: {  	_ =	shalt  }
tec
execute0_lowered:
.L_overlay_start_1:
0x0: {  	(tag) =	ssettag $0x1  }
0x1: {  	s0 =	srdreg.scid;
	s4 =	rddreg [dreg:$0x0]  }
0x2: {  	s8 =	rddreg [dreg:$0x1];
	s2 =	simm.s32 $0x0;
	s3 =	sand.u32 $0x1, s0  }
0x3: {  	s11 =	simm.s32 $0xC400;
	s0 =	stileid.u32;
	s1 =	sshll.u32 s3, $0x4  }
0x4: {  	s12 =	simm.s32 $0x18800;
	s13 =	simm.s32 $0x19440;
	s5 =	sor.u32 s0, s1  }
0x5: {  	s14 =	simm.s32 $0x0;
	[smem:$0x7FF] =	sst s2;
	s6 =	smul.u32 $0xC400, s5  }
0x6: {  	s29 =	ssub.s32 $0x2, s3;
	s1 =	rddreg [dreg:$0x2];
	s5 =	smul.u32 $0xC40, s5  }
0x7: {  	_ =	strace $0x8000004A;
	s31 =	sshrl.u32 s29, $0x1;
	s6 =	sshrl.u32 s6, $0x3  }
0x8: {  	s10 =	ssub.s32 s29, s31;
	s9 =	sshrl.u32 s5, $0x3;
	s7 =	sadd.s32 s6, s4  }
0x9: {  	s30 =	sadd.s32 s9, s4;
	s8 =	sadd.s32 s8, s9;
	s3 =	sadd.s32 $0x24E800, s7  }
0xa: {  	s9 =	smax.u32 s10, $0x1;
	s4 =	sadd.s32 $0x27F800, s7;
	s5 =	sadd.s32 $0x2B0800, s30  }
0xb: {  	s10 =	simm.s32 $0x1;
	s6 =	sadd.s32 $0x2B3900, s30;
	s7 =	sadd.s32 $0x2B6A00, s7  }
.LBB2_1:
0xc: {  	[tilespmem:s2], [sflag:$0x1] =	stream.linear.gather [hbm4b:s3+s2], $0xC400, $0x38;
	[tilespmem:$0x1A080] =	vst v63  }
0xd: {  	_ =	swait.ge [sflag:s10], $0xC400  }
0xe: {  	[sflag:s10] =	ssyncset.done $0x0  }
0xf: {  	[sflag:s10] =	ssyncadd.s32 $0xFFFF3C00  }
0x10: {  	[tilespmem:s11], [sflag:$0x1] =	stream.linear.gather [hbm4b:s4+s2], $0xC400, $0x38;
	[tilespmem:$0x1A080] =	vst v63  }
0x11: {  	_ =	swait.ge [sflag:s10], $0xC400  }
0x12: {  	[sflag:s10] =	ssyncset.done $0x0  }
0x13: {  	[sflag:s10] =	ssyncadd.s32 $0xFFFF3C00  }
0x14: {  	[tilespmem:s12], [sflag:$0x1] =	stream.linear.gather [hbm4b:s5+s2], $0xC40, $0x38;
	[tilespmem:$0x1A080] =	vst v63  }
0x15: {  	_ =	swait.ge [sflag:s10], $0xC40  }
0x16: {  	[sflag:s10] =	ssyncset.done $0x0  }
0x17: {  	[sflag:s10] =	ssyncadd.s32 $0xFFFFF3C0  }
0x18: {  	[tilespmem:s13], [sflag:$0x1] =	stream.linear.gather [hbm4b:s6+s2], $0xC40, $0x38;
	[tilespmem:$0x1A080] =	vst v63  }
0x19: {  	_ =	swait.ge [sflag:s10], $0xC40  }
0x1a: {  	[sflag:s10] =	ssyncset.done $0x0  }
0x1b: {  	s15 =	simm.s32 $0x0;
	[sflag:s10] =	ssyncadd.s32 $0xFFFFF3C0  }
0x1c: {  	v5 =	vld [tilespmem:s15+$0xC400]  }
0x1d: {  	v6 =	vld [tilespmem:s15+$0xC410]  }
0x1e: {  	v1 =	vld [tilespmem:s15+$0xC420]  }
0x1f: {  	v0 =	vld [tilespmem:s15+$0xC430]  }
0x20: {  	v2 =	vld [tilespmem:s15+$0x0]  }
0x21: {  	v4 =	vld [tilespmem:s15+$0x10]  }
0x22: {  	s16 =	simm.s32 $0x100;
	v3 =	vld [tilespmem:s15+$0x20]  }
.LBB2_2:
0x23: {  	s17 =	sshra.s32 s16, $0x2;
	p0 =	sne.s32 s16, $0x30F00;
	v7 =	vld [tilespmem:s15+$0x30];
	v8 =	vmov v1  }
0x24: {  	v9 =	vld [tilespmem:s17+$0xC400];
	v10 =	vmov v0  }
0x25: {  	v11 =	vld [tilespmem:s17+$0xC410];
	v2 =	vadd.f32 v5, v2  }
.Ltmp0:
0x26: {  	v1 =	vld [tilespmem:s17+$0xC420];
	v4 =	vadd.f32 v6, v4;
	(pc) =	sbr.rel @p0 .LBB2_2-.Ltmp0, $4  }
0x27: {  	v0 =	vld [tilespmem:s17+$0xC430];
	[tilespmem:s15+$0x0] =	vst v2;
	v3 =	vadd.f32 v8, v3  }
0x28: {  	v2 =	vld [tilespmem:s17+$0x0];
	[tilespmem:s15+$0x10] =	vst v4;
	v7 =	vadd.f32 v10, v7  }
0x29: {  	v4 =	vld [tilespmem:s17+$0x10];
	[tilespmem:s15+$0x20] =	vst v3;
	v5 =	vmov v9  }
0x2a: {  	s16 =	sadd.s32 $0x100, s16;
	v3 =	vld [tilespmem:s17+$0x20];
	[tilespmem:s15+$0x30] =	vst v7;
	v6 =	vmov v11;
	s15 =	smov.u32 s17  }
0x2b: {  	v7 =	vld [tilespmem:s15+$0x30];
	_ =	sdelay $0x1  }
0x2c: {  	v2 =	vadd.f32 v5, v2  }
0x2d: {  	v4 =	vadd.f32 v6, v4  }
0x2e: {  	[tilespmem:s15+$0x0] =	vst v2;
	v1 =	vadd.f32 v1, v3  }
0x2f: {  	[tilespmem:s15+$0x10] =	vst v4;
	v0 =	vadd.f32 v0, v7  }
0x30: {  	[tilespmem:s15+$0x20] =	vst v1  }
0x31: {  	s31 =	simm.s32 $0x0;
	[tilespmem:s15+$0x30] =	vst v0  }
0x32: {  	[hbm4b:s7+s31] =	stream.linear.scatter [tilespmem:s31], [sflag:$0x1], $0xC400, $0x38;
	[tilespmem:$0x1A080] =	vst v63  }
0x33: {  	_ =	swait.ge [sflag:s10], $0xC400  }
0x34: {  	[sflag:s10] =	ssyncset.done $0x0  }
0x35: {  	s15 =	simm.s32 $0x0;
	[sflag:s10] =	ssyncadd.s32 $0xFFFF3C00  }
0x36: {  	s16 =	simm.s32 $0x40;
	v0 =	vld [tilespmem:s15+$0x19440]  }
.LBB2_4:
0x37: {  	p0 =	sne.s32 s16, $0x30C0;
	v1 =	vld [tilespmem:s15+$0x18800];
	_ =	sdelay $0x2  }
.Ltmp1:
0x38: {  	(pc) =	sbr.rel @p0 .LBB2_4-.Ltmp1, $4  }
0x39: {  	_ = 	snop  }
0x3a: {  	v1 =	vadd.f32 v0, v1  }
0x3b: {  	s17 =	sshra.s32 s16, $0x2  }
0x3c: {  	s16 =	sadd.s32 $0x40, s16;
	v0 =	vld [tilespmem:s17+$0x19440];
	[tilespmem:s15+$0x18800] =	vst v1;
	s15 =	smov.u32 s17  }
0x3d: {  	v1 =	vld [tilespmem:s15+$0x18800];
	_ =	sdelay $0x4  }
0x3e: {  	s14 =	sadd.s32 $0x1, s14;
	v0 =	vadd.f32 v0, v1  }
0x3f: {  	p0 =	sne.s32 s14, s9  }
.Ltmp2:
0x40: {  	[tilespmem:s15+$0x18800] =	vst v0;
	(pc) =	sbr.rel @p0 .LBB2_1-.Ltmp2, $4  }
0x41: {  	[hbm4b:s8+s2] =	stream.linear.scatter [tilespmem:s12], [sflag:$0x1], $0xC40, $0x38;
	[tilespmem:$0x1A080] =	vst v63  }
0x42: {  	_ =	swait.ge [sflag:s10], $0xC40  }
0x43: {  	[sflag:s10] =	ssyncset.done $0x0  }
0x44: {  	[sflag:s10] =	ssyncadd.s32 $0xFFFFF3C0  }
0x45: {  	_ =	sfence.sel $0x180000  }
0x46: {  	[bflag:$0x0] =	sbarrier.arrive $0xFFFF  }
0x47: {  	p0 =	sne.s32 s0, $0x0;
	_ =	strace $0x9000004A  }
0x48: {  	s0 =	sadd.s32 @!p0 $0x100000, s1;
	[bflag:$0x2] =	sbarrier.arrive $0xFFFF  }
0x49: {  	[sflag:s0] =	ssyncadd.tile.s32 @!p0 $0x1;
	_ =	shalt  }
.Lfunc_end2:
_tile_overlayer_lowered:
.L_overlay_start_2:
0x4a: {  	(tag) =	ssettag $0x2  }
0x4b: {  	s0 =	rddreg [dreg:$0x0];
	s2 =	stileid.u32  }
0x4c: {  	s1 =	rddreg [dreg:$0x1];
	p0 =	sne.s32 s2, $0x0  }
0x4d: {  	s3 =	rddreg [dreg:$0x2];
	[bflag:$0x3] =	sbarrier.arrive $0xFFFF;
	s2 =	simm.s32 @!p0 $0x1C01  }
0x4e: {  	[timem:s3], [sflag:s2] =	dma.local @!p0 [hbm:s0], s1  }
0x4f: {  	s0 =	simm.s32 @!p0 $0x1  }
0x50: {  	_ =	swait.ge @!p0 [sflag:s0], s1  }
0x51: {  	s1 =	ssub.s32 @!p0 $0x0, s1;
	[sflag:s0] =	ssyncset.done @!p0 $0x0  }
0x52: {  	[sflag:s0] =	ssyncadd.s32 @!p0 s1  }
0x53: {  	[bflag:$0x3] =	sbarrier.arrive $0xFFFF  }
0x54: {  	_ =	shalt  }

// kernel: kernel.13.cloned.1.call-start
scs
__scs_entry_jumppad:
0x0: {  	(pc) =	sbr.rel $0x88, $3  }
0x1: {  	(tag) =	ssettag $0x0;
	lr =	simm.s32 $0x1  }
0x2: {  	[smem:$0x3F97] =	sst lr;
	_ =	strace $0xD0000000  }
0x3: {  	_ = 	snop  }
0x4: {  	_ = 	snop  }
0x5: {  	_ = 	snop  }
0x6: {  	_ = 	snop  }
0x7: {  	_ = 	snop  }
__scs_overlays_trampoline_lowered:
0x8: {  	[smem:$0x3FA6] =	sst s0  }
0x9: {  	[smem:$0x3FA7] =	sst s1  }
0xa: {  	[smem:$0x3FA8] =	sst s2  }
0xb: {  	[smem:$0x3FA9] =	sst s3  }
0xc: {  	[smem:$0x3FAA] =	sst s4  }
0xd: {  	[smem:$0x3FAB] =	sst s5  }
0xe: {  	[smem:$0x3FAC] =	sst s6  }
0xf: {  	[smem:$0x3FAD] =	sst s7  }
0x10: {  	[smem:$0x3FAE] =	sst s8  }
0x11: {  	[smem:$0x3FAF] =	sst s9;
	s0 =	simm.s32 @!p0 $0x0  }
0x12: {  	s1 =	sld [smem:$0x3F95];
	s0 =	simm.s32 @p0 $0x1  }
0x13: {  	[smem:$0x3FB0] =	sst s0;
	s0 =	simm.s32 @!p1 $0x0  }
0x14: {  	s2 =	sld [smem:$0x3F94];
	s0 =	simm.s32 @p1 $0x1  }
0x15: {  	[smem:$0x3FB1] =	sst s0;
	s0 =	simm.s32 @!p2 $0x0  }
0x16: {  	s3 =	sld [smem:$0x3FDB];
	s0 =	simm.s32 @p2 $0x1  }
0x17: {  	s4 =	simm.s32 $0x1BF5;
	[smem:$0x3FB3] =	sst s0  }
0x18: {  	s0 =	sld [smem:$0x3F96];
	_ =	swait.ge [sflag:s4], $0x0  }
0x19: {  	s7 =	sld [smem:$0x3F97]  }
0x1a: {  	s8 =	sadd.s32 $0xFFFFE003, lr  }
0x1b: {  	s9 =	sadd.s32 $0xFFFFFEF7, lr;
	s5 =	simm.s32 $0xFFFFFFFF;
	p2 =	slt.u32 s8, $0xFFFFF086  }
0x1c: {  	p1 =	slt.u32 s9, $0xF7A;
	s5 =	simm.s32 @!p2 $0x0  }
0x1d: {  	s5 =	simm.s32 @p1 $0x1;
	p0 =	seq.s32 s7, s2  }
0x1e: {  	s7 =	smul.u32 @!p0 $0xF7A, s2;
	p2 =	seq.s32 @!p0 s5, $0x0  }
0x1f: {  	s9 =	smul.u32 $0xF7A, s1;
	s8 =	simm.s32 @!p0 $0x1BF5;
	p2 =	por !p2, p0  }
0x20: {  	[sflag:s8] =	ssyncset.s32 @!p0 $0xFFFFF086;
	s6 =	sadd.s32 @!p0 s3, s7;
	s7 =	simm.s32 @!p0 $0x108  }
0x21: {  	s3 =	sadd.s32 s3, s9;
	s6 =	sadd.s32 @!p0 $0x88, s6;
	s7 =	simm.s32 @p2 $0x1082  }
0x22: {  	[simem:s7], [sflag:s8] =	dma.local @!p0 [hbm:s6], $0xF7A  }
0x23: {  	s9 =	sor.u32 $0xD0000000, s2;
	s6 =	simm.s32 $0x108;
	_ =	swait.ge @!p0 [sflag:s8], $0x0  }
0x24: {  	s3 =	sadd.s32 $0x88, s3;
	s6 =	simm.s32 @!p1 $0x1082;
	[sflag:s4] =	ssyncset.s32 $0xFFFFF086  }
0x25: {  	[simem:s6], [sflag:s4] =	dma.local [hbm:s3], $0xF7A  }
0x26: {  	[smem:$0x3F97] =	sst s1;
	(tag) =	ssettag s2;
	_ =	strace s9  }
0x27: {  	s1 =	sld [smem:$0x3FA7]  }
0x28: {  	s2 =	sld [smem:$0x3FA8]  }
0x29: {  	s4 =	sld [smem:$0x3FAA]  }
0x2a: {  	p0 =	seq.s32 s5, $0x0;
	s5 =	sld [smem:$0x3FAB]  }
0x2b: {  	s6 =	sld [smem:$0x3FAC]  }
0x2c: {  	s7 =	sld [smem:$0x3FAD]  }
0x2d: {  	s3 =	simm.s32 $0x108;
	s8 =	sld [smem:$0x3FAE]  }
0x2e: {  	s3 =	simm.s32 @!p0 $0x1082;
	s9 =	sld [smem:$0x3FAF]  }
0x2f: {  	lr =	sadd.s32 s0, s3;
	s0 =	sld [smem:$0x3FA6]  }
0x30: {  	s3 =	sld [smem:$0x3FA9]  }
0x31: {  	[smem:$0x3FB2] =	sst s10  }
0x32: {  	s10 =	sld [smem:$0x3FB0];
	_ =	sdelay $0x3  }
0x33: {  	p0 =	seq.s32 s10, $0x1;
	s10 =	sld [smem:$0x3FB2];
	_ =	sdelay $0x3  }
0x34: {  	[smem:$0x3FB2] =	sst s10  }
0x35: {  	s10 =	sld [smem:$0x3FB1];
	_ =	sdelay $0x3  }
0x36: {  	p1 =	seq.s32 s10, $0x1;
	s10 =	sld [smem:$0x3FB2];
	_ =	sdelay $0x3  }
0x37: {  	[smem:$0x3FB2] =	sst s10  }
0x38: {  	s10 =	sld [smem:$0x3FB3]  }
0x39: {  	_ = 	snop;
	(pc) =	sbr.ind lr, $3  }
0x3a: {  	_ = 	snop  }
0x3b: {  	_ = 	snop  }
0x3c: {  	p2 =	seq.s32 s10, $0x1;
	s10 =	sld [smem:$0x3FB2]  }
0x3d: {  	_ =	shalt  }
0x3e: {  	_ =	shalt  }
0x3f: {  	_ =	shalt  }
0x40: {  	_ =	shalt  }
0x41: {  	_ =	shalt  }
0x42: {  	_ =	shalt  }
0x43: {  	_ =	shalt  }
0x44: {  	_ =	shalt  }
0x45: {  	_ =	shalt  }
0x46: {  	_ =	shalt  }
0x47: {  	_ =	shalt  }
0x48: {  	_ =	shalt  }
0x49: {  	_ =	shalt  }
0x4a: {  	_ =	shalt  }
0x4b: {  	_ =	shalt  }
0x4c: {  	_ =	shalt  }
0x4d: {  	_ =	shalt  }
0x4e: {  	_ =	shalt  }
0x4f: {  	_ =	shalt  }
0x50: {  	_ =	shalt  }
0x51: {  	_ =	shalt  }
0x52: {  	_ =	shalt  }
0x53: {  	_ =	shalt  }
0x54: {  	_ =	shalt  }
0x55: {  	_ =	shalt  }
0x56: {  	_ =	shalt  }
0x57: {  	_ =	shalt  }
0x58: {  	_ =	shalt  }
0x59: {  	_ =	shalt  }
0x5a: {  	_ =	shalt  }
0x5b: {  	_ =	shalt  }
0x5c: {  	_ =	shalt  }
0x5d: {  	_ =	shalt  }
0x5e: {  	_ =	shalt  }
0x5f: {  	_ =	shalt  }
0x60: {  	_ =	shalt  }
0x61: {  	_ =	shalt  }
0x62: {  	_ =	shalt  }
0x63: {  	_ =	shalt  }
0x64: {  	_ =	shalt  }
0x65: {  	_ =	shalt  }
0x66: {  	_ =	shalt  }
0x67: {  	_ =	shalt  }
0x68: {  	_ =	shalt  }
0x69: {  	_ =	shalt  }
0x6a: {  	_ =	shalt  }
0x6b: {  	_ =	shalt  }
0x6c: {  	_ =	shalt  }
0x6d: {  	_ =	shalt  }
0x6e: {  	_ =	shalt  }
0x6f: {  	_ =	shalt  }
0x70: {  	_ =	shalt  }
0x71: {  	_ =	shalt  }
0x72: {  	_ =	shalt  }
0x73: {  	_ =	shalt  }
0x74: {  	_ =	shalt  }
0x75: {  	_ =	shalt  }
0x76: {  	_ =	shalt  }
0x77: {  	_ =	shalt  }
0x78: {  	_ =	shalt  }
0x79: {  	_ =	shalt  }
0x7a: {  	_ =	shalt  }
0x7b: {  	_ =	shalt  }
0x7c: {  	_ =	shalt  }
0x7d: {  	_ =	shalt  }
0x7e: {  	_ =	shalt  }
0x7f: {  	_ =	shalt  }
0x80: {  	_ =	shalt  }
0x81: {  	_ =	shalt  }
0x82: {  	_ =	shalt  }
0x83: {  	_ =	shalt  }
0x84: {  	_ =	shalt  }
0x85: {  	_ =	shalt  }
0x86: {  	_ =	shalt  }
0x87: {  	_ =	shalt  }
.Lfunc_end0:
.L_simem_size_0:
called_computation.2_lowered:
.L_overlay_start_0:
0x88: {  	s2 =	sld [smem:$0x3FD9]  }
0x89: {  	s3 =	sld [smem:$0x3FFE];
	_ =	sdelay $0x1  }
0x8a: {  	s1 =	srdreg.scid  }
0x8b: {  	s0 =	sand.u32 $0x1, s1  }
0x8c: {  	s16 =	sshll.u32 s0, $0xA;
	s2 =	sadd.s32 s3, s2  }
0x8d: {  	s2 =	sadd.s32 s2, s16  }
0x8e: {  	[smem:$0x3FBE] =	sst s2  }
0x8f: {  	_ = 	snop  }
0x90: {  	(tm) =	ssettm $0x1  }
0x91: {  	s17 =	sld [smem:$0x3FFB];
	_ =	sdelay $0x3  }
0x92: {  	_ =	strace s17  }
0x93: {  	s2 =	sld [smem:$0x3FFC];
	_ =	sdelay $0x3  }
0x94: {  	_ =	strace s2  }
0x95: {  	s2 =	sld [smem:$0x3FFD];
	_ =	sdelay $0x3  }
0x96: {  	_ =	strace s2  }
0x97: {  	_ =	strace $0x8FFFFFFF  }
0x98: {  	s18 =	sld [smem:$0x3FDB];
	_ =	sdelay $0x1  }
0x99: {  	s19 =	simm.s32 $_scs_section_size  }
0x9a: {  	s4 =	simm.s32 $_size__tile_overlayer_lowered;
	s5 =	simm.s32 $_tile_overlayer_lowered  }
0x9b: {  	s22 =	simm.s32 $0x1BFF;
	s21 =	sshll.u32 s5, $0x1;
	s2 =	sadd.s32 s19, s18  }
0x9c: {  	s6 =	simm.s32 $0x0;
	s20 =	sshll.u32 s4, $0x1;
	s4 =	sadd.s32 s21, s2  }
0x9d: {  	[timem:s6], [sflag:s22] =	dma.local [hbm:s4], s20  }
0x9e: {  	_ =	swait.ge [sflag:s22], s20  }
0x9f: {  	s3 =	ssub.s32 $0x0, s20;
	[sflag:s22] =	ssyncset.done $0x0  }
0xa0: {  	[sflag:s22] =	ssyncadd.s32 s3;
	_ =	sdelay $0x1  }
0xa1: {  	s23 =	simm.s32 $0x1B8B  }
0xa2: {  	_ =	swait.ge [sflag:s23], $0x1  }
0xa3: {  	[sflag:s23] =	ssyncset.done $0x0  }
0xa4: {  	s25 =	simm.s32 $0x1B8E;
	s24 =	sld [smem:$0x3FFE];
	[sflag:s23] =	ssyncadd.s32 $0xFFFFFFFF  }
0xa5: {  	s26 =	simm.s32 $execute0_lowered;
	[smem:$0x3FD2] =	sst s25  }
0xa6: {  	s4 =	sshll.u32 s26, $0x1;
	_ =	strace $0x8000004C;
	[dreg:$0x1] =	wrdreg $0xFFFFFFFF  }
0xa7: {  	s28 =	simm.s32 $_size_execute0_lowered;
	s2 =	sadd.s32 s2, s4;
	[dreg:$0x0] =	wrdreg $0x0  }
0xa8: {  	s4 =	sshll.u32 s28, $0x1;
	[dreg:$0x2] =	wrdreg s2  }
0xa9: {  	[dreg:$0x3] =	wrdreg s4  }
0xaa: {  	[dreg:$0x4] =	wrdreg $0xC0  }
0xab: {  	_ =	task [dreg:s6], $0x5FFFF  }
0xac: {  	[dreg:$0x1] =	wrdreg $0xFFFFFFFF  }
0xad: {  	[dreg:$0x0] =	wrdreg $0x60  }
0xae: {  	[dreg:$0x2] =	wrdreg s24  }
0xaf: {  	[dreg:$0x3] =	wrdreg $0x50000  }
0xb0: {  	[dreg:$0x4] =	wrdreg $0x9  }
0xb1: {  	_ =	task.clear_ibuf [dreg:s6], $0x5FFFF;
	_ =	strace $0x9000004C  }
0xb2: {  	s29 =	simm.s32 $0x9;
	_ =	strace $0x8000004E  }
0xb3: {  	_ =	swait.ge [sflag:s29], $0x1  }
0xb4: {  	[sflag:s29] =	ssyncadd.s32 $0xFFFFFFFF  }
0xb5: {  	_ =	strace $0x9000004E  }
0xb6: {  	_ =	sfence  }
0xb7: {  	s30 =	sld [smem:$0x0];
	_ =	sdelay $0x2  }
0xb8: {  	s31 =	sshll.u32 s1, $0xD;
	s1 =	sshrl.u32 s1, $0x2  }
0xb9: {  	s3 =	sand.u32 $0x4000, s31;
	s1 =	sadd.s32 s1, s30  }
0xba: {  	s0 =	sor.u32 s3, s0;
	s1 =	sshll.u32 s1, $0x11  }
0xbb: {  	s0 =	sor.u32 s1, s0  }
0xbc: {  	s0 =	sadd.s32 $0x8F2B, s0  }
0xbd: {  	[sflag:s0] =	ssyncadd.remote.s32 $0x1  }
0xbe: {  	_ =	sfence.sel $0xFFFF  }
0xbf: {  	[dreg:$0x0] =	wrdreg $0xFFFFFFFF;
	(pc) =	sbr.abs _section_cstart, $3  }
0xc0: {  	[dreg:$0x1] =	wrdreg $0xFFFFFFFF  }
0xc1: {  	_ =	task.clear_ibuf [dreg:s6], $0x2FFFF;
	_ =	strace $0x9FFFFFFF  }
0xc2: {  	(tm) =	ssettm $0x7FFFFFFF  }
0xc3: {  	_ =	shalt  }
tec
execute0_lowered:
.L_overlay_start_1:
0x0: {  	(tag) =	ssettag $0x1  }
0x1: {  	s0 =	rddreg [dreg:$0x0]  }
0x2: {  	s1 =	rddreg [dreg:$0x1];
	s3 =	simm.s32 $0x0;
	s2 =	srdreg.scid  }
0x3: {  	s12 =	stileid.u32;
	s16 =	simm.s32 $0x4800;
	s17 =	simm.s32 $0x4  }
0x4: {  	s18 =	simm.s32 $0x400;
	s19 =	simm.s32 $0x1;
	s20 =	simm.s32 $0x80  }
0x5: {  	s21 =	simm.s32 $0x2;
	s22 =	simm.s32 $0x3;
	s23 =	simm.s32 $0x800  }
0x6: {  	[smem:$0x7FF] =	sst s3;
	s2 =	sand.u32 $0x1, s2;
	s9 =	smul.u32 $0x18800, s12  }
0x7: {  	s5 =	sadd.s32 $0x18B200, s0;
	s6 =	smul.u32 $0x188000, s2;
	s4 =	sshll.u32 s2, $0x4  }
0x8: {  	_ =	strace $0x8000004D;
	s2 =	ssub.s32 $0x2, s2;
	s10 =	sor.u32 s12, s4  }
0x9: {  	s4 =	sadd.s32 $0x2B6A00, s0;
	s24 =	sshrl.u32 s2, $0x1;
	s12 =	smul.u32 $0x62000, s12  }
0xa: {  	s30 =	sadd.s32 s9, s1;
	s7 =	smul.u32 $0x30D, s10;
	s6 =	sadd.s32 s9, s6  }
0xb: {  	s8 =	smin.u32 s10, $0x8;
	s2 =	ssub.s32 s2, s24;
	p0 =	sgt.u32 s10, $0x7  }
0xc: {  	s24 =	sshrl.u32 s30, $0x3;
	s11 =	sshrl.u32 s6, $0x3;
	s26 =	sshrl.u32 s12, $0x2  }
0xd: {  	s2 =	smax.u32 s2, $0x1;
	s7 =	sadd.s32 s8, s7;
	s0 =	sadd.s32 s11, s0  }
0xe: {  	[dreg:$0x5] =	wrdreg s2;
	s6 =	sshll.u32 s7, $0x7;
	s28 =	sshll.u32 s7, $0x4  }
.Ltmp0:
0xf: {  	s7 =	sadd.s32 s26, s1;
	s0 =	sadd.s32 $0x24E800, s0;
	(pc) =	sbr.rel .LBB2_1-.Ltmp0, $4  }
0x10: {  	s25 =	sshrl.u32 s6, $0x3;
	s8 =	sadd.s32 s5, s28;
	[dreg:$0x4] =	wrdreg s0  }
0x11: {  	s13 =	sadd.s32 s5, s25;
	s31 =	sadd.s32 $0x30C0, s8;
	s14 =	sadd.s32 $0x30D0, s8  }
0x12: {  	s15 =	sadd.s32 $0x64B50, s8;
	s29 =	sadd.s32 $0x61A80, s13;
	[dreg:$0x6] =	wrdreg s31  }
0x13: {  	v0 =	vimm.f32 $0.0e+00;
	s25 =	simm.s32 $0x0;
	s13 =	sadd.s32 $0x64B40, s8;
	[dreg:$0x3] =	wrdreg s29  }
.LBB2_9:
0x14: {  	_ =	swait.ge [sflag:s22], $0x800  }
0x15: {  	[sflag:s22] =	ssyncset.done $0x0  }
0x16: {  	[sflag:s22] =	ssyncadd.s32 $0xFFFFF800  }
0x17: {  	_ =	swait.ge [sflag:s22], $0x800  }
0x18: {  	[sflag:s22] =	ssyncset.done $0x0  }
0x19: {  	[sflag:s22] =	ssyncadd.s32 $0xFFFFF800  }
0x1a: {  	_ =	swait.ge [sflag:s22], $0x800  }
0x1b: {  	[sflag:s22] =	ssyncset.done $0x0  }
0x1c: {  	[sflag:s22] =	ssyncadd.s32 $0xFFFFF800  }
0x1d: {  	_ =	swait.ge [sflag:s22], $0x800  }
0x1e: {  	[sflag:s22] =	ssyncset.done $0x0  }
0x1f: {  	s0 =	rddreg [dreg:$0x6];
	[sflag:s22] =	ssyncadd.s32 $0xFFFFF800  }
0x20: {  	[tilespmem:s3], [sflag:$0x4] =	stream.linear.gather [hbm4b:s0+s3], $0x80, $0x38;
	[tilespmem:$0x1D800] =	vst v63  }
0x21: {  	_ =	swait.ge [sflag:s17], $0x80  }
0x22: {  	[sflag:s17] =	ssyncset.done $0x0  }
0x23: {  	[sflag:s17] =	ssyncadd.s32 $0xFFFFFF80  }
0x24: {  	[tilespmem:s18], [sflag:$0x4] =	stream.linear.gather [hbm4b:s13+s3], $0x80, $0x38;
	[tilespmem:$0x1D800] =	vst v63  }
0x25: {  	_ =	swait.ge [sflag:s17], $0x80  }
0x26: {  	[sflag:s17] =	ssyncset.done $0x0  }
0x27: {  	[sflag:s17] =	ssyncadd.s32 $0xFFFFFF80  }
0x28: {  	[tilespmem:s23], [sflag:$0x2] =	stream.indirect.gather [hbm4b:s4+s20], $0x10, s3, s20, $0xb8;
	[tilespmem:$0x1D800] =	vst v63  }
0x29: {  	_ =	swait.ge [sflag:s21], $0x800  }
0x2a: {  	[sflag:s21] =	ssyncset.done $0x0  }
0x2b: {  	[sflag:s21] =	ssyncadd.s32 $0xFFFFF800  }
0x2c: {  	[spmem:s1] =	stream.indirect.scatter.add.f32 [tilespmem:s23], [sflag:$0x4], $0x10, s18, s20, $0xb8;
	[tilespmem:$0x1D800] =	vst v63  }
0x2d: {  	_ =	swait.ge [sflag:s17], $0x800  }
0x2e: {  	[sflag:s17] =	ssyncset.done $0x0  }
0x2f: {  	s2 =	simm.s32 @!p0 $0x4;
	s0 =	simm.s32 @!p0 $0x0;
	[sflag:s17] =	ssyncadd.s32 $0xFFFFF800  }
0x30: {  	[tilespmem:s0], [sflag:$0x4] =	stream.linear.gather @!p0 [hbm4b:s14+s0], $0x80, $0x38;
	[tilespmem:$0x1D800] =	vst v63  }
0x31: {  	_ =	swait.ge @!p0 [sflag:s2], $0x80  }
0x32: {  	[sflag:s2] =	ssyncset.done @!p0 $0x0  }
0x33: {  	s9 =	simm.s32 @!p0 $0x400;
	[sflag:s2] =	ssyncadd.s32 @!p0 $0xFFFFFF80  }
0x34: {  	[tilespmem:s9], [sflag:$0x4] =	stream.linear.gather @!p0 [hbm4b:s15+s0], $0x80, $0x38;
	[tilespmem:$0x1D800] =	vst v63  }
0x35: {  	_ =	swait.ge @!p0 [sflag:s2], $0x80  }
0x36: {  	[sflag:s2] =	ssyncset.done @!p0 $0x0  }
0x37: {  	s10 =	simm.s32 @!p0 $0x80;
	s11 =	simm.s32 @!p0 $0x800;
	[sflag:s2] =	ssyncadd.s32 @!p0 $0xFFFFFF80  }
0x38: {  	[tilespmem:s11], [sflag:$0x2] =	stream.indirect.gather @!p0 [hbm4b:s4+s10], $0x10, s0, s10, $0xb8;
	[tilespmem:$0x1D800] =	vst v63  }
0x39: {  	s0 =	simm.s32 @!p0 $0x2  }
0x3a: {  	_ =	swait.ge @!p0 [sflag:s0], $0x800  }
0x3b: {  	[sflag:s0] =	ssyncset.done @!p0 $0x0  }
0x3c: {  	[sflag:s0] =	ssyncadd.s32 @!p0 $0xFFFFF800  }
0x3d: {  	[spmem:s1] =	stream.indirect.scatter.add.f32 @!p0 [tilespmem:s11], [sflag:$0x4], $0x10, s9, s10, $0xb8;
	[tilespmem:$0x1D800] =	vst v63  }
0x3e: {  	_ =	swait.ge @!p0 [sflag:s2], $0x800  }
0x3f: {  	[sflag:s2] =	ssyncset.done @!p0 $0x0  }
0x40: {  	s29 =	stileid.u32;
	[sflag:s2] =	ssyncadd.s32 @!p0 $0xFFFFF800  }
0x41: {  	s0 =	sshll.u32 s29, $0x6;
	[bflag:$0x0] =	sbarrier.arrive $0xFFFF  }
0x42: {  	s0 =	sor.u32 $0x1C04, s0;
	s30 =	rddreg [dreg:$0x4]  }
0x43: {  	[hbm:s30], [sflag:s0] =	dma.local [spmem:s24], $0x3100  }
0x44: {  	_ =	swait.ge [sflag:s17], $0x3100  }
0x45: {  	s25 =	sadd.s32 $0x1, s25;
	s31 =	rddreg [dreg:$0x5]  }
0x46: {  	p1 =	sne.s32 s25, s31  }
.Ltmp1:
0x47: {  	_ = 	snop;
	(pc) =	sbr.rel @!p1 .LBB2_10-.Ltmp1, $3  }
0x48: {  	_ =	sdelay $0x1  }
0x49: {  	[sflag:s17] =	ssyncset.done $0x0  }
0x4a: {  	[sflag:s17] =	ssyncadd.s32 $0xFFFFCF00  }
.LBB2_1:
0x4b: {  	s0 =	simm.s32 $0x0  }
.LBB2_2:
0x4c: {  	p1 =	sne.s32 s0, $0x1FC0  }
.Ltmp2:
0x4d: {  	_ = 	snop;
	(pc) =	sbr.rel @p1 .LBB2_2-.Ltmp2, $3  }
0x4e: {  	_ =	sdelay $0x1  }
0x4f: {  	s2 =	sshra.s32 s0, $0x2  }
0x50: {  	s0 =	sadd.s32 $0x40, s0;
	[tilespmem:s2+$0x4800] =	vst v0  }
0x51: {  	s0 =	sadd.s32 $0x0, s7  }
0x52: {  	[spmem:s0] =	stream.linear.scatter [tilespmem:s16], [sflag:$0x4], $0x800, $0x38;
	[tilespmem:$0x1D800] =	vst v63  }
0x53: {  	s0 =	simm.s32 $0x2000;
	_ =	swait.ge [sflag:s17], $0x800  }
.LBB2_4:
0x54: {  	s2 =	sshra.s32 s0, $0x2;
	[sflag:s17] =	ssyncset.done $0x0;
	p1 =	sne.s32 s0, $0x60000  }
.Ltmp3:
0x55: {  	s2 =	sadd.s32 s2, s7;
	[sflag:s17] =	ssyncadd.s32 $0xFFFFF800;
	(pc) =	sbr.rel @p1 .LBB2_4-.Ltmp3, $3  }
0x56: {  	[spmem:s2] =	stream.linear.scatter [tilespmem:s16], [sflag:$0x4], $0x800, $0x38;
	[tilespmem:$0x1D800] =	vst v63  }
0x57: {  	s0 =	sadd.s32 $0x2000, s0;
	_ =	sdelay $0x1  }
0x58: {  	_ =	swait.ge [sflag:s17], $0x800  }
0x59: {  	[sflag:s17] =	ssyncset.done $0x0  }
.Ltmp4:
0x5a: {  	[sflag:s17] =	ssyncadd.s32 $0xFFFFF800;
	(pc) =	sbr.rel .LBB2_6-.Ltmp4, $4  }
0x5b: {  	s10 =	simm.s32 $0x0;
	[bflag:$0x0] =	sbarrier.arrive $0xFFFF  }
0x5c: {  	[tilespmem:s10], [sflag:$0x1] =	stream.linear.gather [hbm4b:s8+s10], $0x200, $0x38;
	[tilespmem:$0x1D800] =	vst v63  }
0x5d: {  	s0 =	rddreg [dreg:$0x3]  }
0x5e: {  	[tilespmem:s18], [sflag:$0x1] =	stream.linear.gather [hbm4b:s0+s10], $0x200, $0x38;
	[tilespmem:$0x1D800] =	vst v63  }
.LBB2_8:
0x5f: {  	_ =	swait.ge [sflag:s21], $0x800  }
0x60: {  	[sflag:s21] =	ssyncset.done $0x0  }
0x61: {  	[sflag:s21] =	ssyncadd.s32 $0xFFFFF800  }
0x62: {  	_ =	swait.ge [sflag:s21], $0x800  }
0x63: {  	[sflag:s21] =	ssyncset.done $0x0  }
0x64: {  	[sflag:s21] =	ssyncadd.s32 $0xFFFFF800  }
0x65: {  	_ =	swait.ge [sflag:s21], $0x800  }
0x66: {  	[sflag:s21] =	ssyncset.done $0x0  }
0x67: {  	[sflag:s21] =	ssyncadd.s32 $0xFFFFF800  }
0x68: {  	_ =	swait.ge [sflag:s21], $0x800  }
0x69: {  	[sflag:s21] =	ssyncset.done $0x0  }
0x6a: {  	s10 =	sor.u32 $0x400, s29;
	[sflag:s21] =	ssyncadd.s32 $0xFFFFF800  }
0x6b: {  	[spmem:s1] =	stream.indirect.scatter.add.f32 [tilespmem:s26], [sflag:$0x3], $0x10, s10, s20, $0xb8;
	[tilespmem:$0x1D800] =	vst v63  }
0x6c: {  	s29 =	sor.u32 $0x400, s31;
	p1 =	slt.u32 s11, $0xC3  }
0x6d: {  	[spmem:s1] =	stream.indirect.scatter.add.f32 [tilespmem:s28], [sflag:$0x3], $0x10, s29, s20, $0xb8;
	[tilespmem:$0x1D800] =	vst v63  }
.Ltmp5:
0x6e: {  	_ = 	snop;
	(pc) =	sbr.rel @!p1 .LBB2_9-.Ltmp5, $4  }
0x6f: {  	s2 =	sor.u32 $0x400, s2  }
0x70: {  	[spmem:s1] =	stream.indirect.scatter.add.f32 [tilespmem:s30], [sflag:$0x3], $0x10, s2, s20, $0xb8;
	[tilespmem:$0x1D800] =	vst v63  }
0x71: {  	s31 =	sor.u32 $0x400, s9;
	s10 =	smov.u32 s11  }
0x72: {  	[spmem:s1] =	stream.indirect.scatter.add.f32 [tilespmem:s0], [sflag:$0x3], $0x10, s31, s20, $0xb8;
	[tilespmem:$0x1D800] =	vst v63  }
.LBB2_6:
0x73: {  	_ =	swait.ge [sflag:s19], $0x200  }
0x74: {  	[sflag:s19] =	ssyncset.done $0x0  }
0x75: {  	[sflag:s19] =	ssyncadd.s32 $0xFFFFFE00  }
0x76: {  	s0 =	sand.u32 $0x1, s10;
	_ =	swait.ge [sflag:s19], $0x200  }
0x77: {  	s9 =	sshll.u32 s0, $0xD;
	[sflag:s19] =	ssyncset.done $0x0  }
0x78: {  	s29 =	sshll.u32 s0, $0x9;
	s26 =	sor.u32 $0x800, s9;
	[sflag:s19] =	ssyncadd.s32 $0xFFFFFE00  }
0x79: {  	[tilespmem:s26], [sflag:$0x2] =	stream.indirect.gather [hbm4b:s4+s20], $0x10, s29, s20, $0xb8;
	[tilespmem:$0x1D800] =	vst v63  }
0x7a: {  	s28 =	sor.u32 $0x1000, s9;
	s31 =	sor.u32 $0x80, s29  }
0x7b: {  	[tilespmem:s28], [sflag:$0x2] =	stream.indirect.gather [hbm4b:s4+s20], $0x10, s31, s20, $0xb8;
	[tilespmem:$0x1D800] =	vst v63  }
0x7c: {  	p1 =	seq.s32 s10, $0x0;
	s30 =	sor.u32 $0x1800, s9;
	s2 =	sor.u32 $0x100, s29  }
0x7d: {  	[tilespmem:s30], [sflag:$0x2] =	stream.indirect.gather [hbm4b:s4+s20], $0x10, s2, s20, $0xb8;
	[tilespmem:$0x1D800] =	vst v63  }
0x7e: {  	s11 =	simm.s32 @!p1 $0x3;
	s0 =	sadd.s32 $0x2000, s9;
	s9 =	sor.u32 $0x180, s29  }
0x7f: {  	[tilespmem:s0], [sflag:$0x2] =	stream.indirect.gather [hbm4b:s4+s20], $0x10, s9, s20, $0xb8;
	[tilespmem:$0x1D800] =	vst v63  }
0x80: {  	_ =	swait.ge @!p1 [sflag:s11], $0x800  }
0x81: {  	[sflag:s11] =	ssyncset.done @!p1 $0x0  }
0x82: {  	[sflag:s11] =	ssyncadd.s32 @!p1 $0xFFFFF800  }
0x83: {  	_ =	swait.ge @!p1 [sflag:s11], $0x800  }
0x84: {  	[sflag:s11] =	ssyncset.done @!p1 $0x0  }
0x85: {  	p2 =	seq.s32 @!p1 s10, $0xC2;
	[sflag:s11] =	ssyncadd.s32 @!p1 $0xFFFFF800  }
0x86: {  	p2 =	por p1, !p2;
	_ =	swait.ge @!p1 [sflag:s11], $0x800  }
.Ltmp6:
0x87: {  	[sflag:s11] =	ssyncset.done @!p1 $0x0;
	(pc) =	sbr.rel @!p2 .LBB2_8-.Ltmp6, $4  }
0x88: {  	[sflag:s11] =	ssyncadd.s32 @!p1 $0xFFFFF800  }
0x89: {  	_ =	swait.ge @!p1 [sflag:s11], $0x800  }
0x8a: {  	[sflag:s11] =	ssyncset.done @!p1 $0x0  }
0x8b: {  	[sflag:s11] =	ssyncadd.s32 @!p1 $0xFFFFF800;
	s11 =	simm.s32 @!p1 $0xC3  }
0x8c: {  	s11 =	sadd.s32 @!p1 $0x1, s10  }
0x8d: {  	s11 =	simm.s32 @p1 $0x1  }
0x8e: {  	s12 =	sshll.u32 s11, $0x9  }
0x8f: {  	s10 =	sadd.s32 s6, s12  }
.Ltmp7:
0x90: {  	s10 =	sshrl.u32 s10, $0x3;
	(pc) =	sbr.rel .LBB2_8-.Ltmp7, $4  }
0x91: {  	s12 =	ssub.s32 $0x200, s29;
	s10 =	sadd.s32 s5, s10  }
0x92: {  	[tilespmem:s12], [sflag:$0x1] =	stream.linear.gather [hbm4b:s10+s3], $0x200, $0x38;
	[tilespmem:$0x1D800] =	vst v63  }
0x93: {  	s12 =	ssub.s32 $0x600, s29;
	s10 =	sadd.s32 $0x61A80, s10  }
0x94: {  	[tilespmem:s12], [sflag:$0x1] =	stream.linear.gather [hbm4b:s10+s3], $0x200, $0x38;
	[tilespmem:$0x1D800] =	vst v63  }
.LBB2_10:
0x95: {  	_ =	sfence.sel $0x180000  }
0x96: {  	[bflag:$0x0] =	sbarrier.arrive $0xFFFF  }
0x97: {  	_ =	strace $0x9000004D  }
0x98: {  	s0 =	stileid.u32;
	[bflag:$0x2] =	sbarrier.arrive $0xFFFF  }
0x99: {  	p0 =	sne.s32 s0, $0x0;
	s0 =	rddreg [dreg:$0x2]  }
0x9a: {  	s0 =	sadd.s32 @!p0 $0x100000, s0  }
0x9b: {  	[sflag:s0] =	ssyncadd.tile.s32 @!p0 $0x1;
	_ =	shalt  }
.Lfunc_end2:
_tile_overlayer_lowered:
.L_overlay_start_2:
0x9c: {  	(tag) =	ssettag $0x2  }
0x9d: {  	s0 =	rddreg [dreg:$0x0];
	s2 =	stileid.u32  }
0x9e: {  	s1 =	rddreg [dreg:$0x1];
	p0 =	sne.s32 s2, $0x0  }
0x9f: {  	s3 =	rddreg [dreg:$0x2];
	[bflag:$0x3] =	sbarrier.arrive $0xFFFF;
	s2 =	simm.s32 @!p0 $0x1C04  }
0xa0: {  	[timem:s3], [sflag:s2] =	dma.local @!p0 [hbm:s0], s1  }
0xa1: {  	s0 =	simm.s32 @!p0 $0x4  }
0xa2: {  	_ =	swait.ge @!p0 [sflag:s0], s1  }
0xa3: {  	s1 =	ssub.s32 @!p0 $0x0, s1;
	[sflag:s0] =	ssyncset.done @!p0 $0x0  }
0xa4: {  	[sflag:s0] =	ssyncadd.s32 @!p0 s1  }
0xa5: {  	[bflag:$0x3] =	sbarrier.arrive $0xFFFF  }
0xa6: {  	_ =	shalt  }

// kernel: kernel.16.cloned.1.call-start
scs
__scs_entry_jumppad:
0x0: {  	(pc) =	sbr.rel $0x88, $3  }
0x1: {  	(tag) =	ssettag $0x0;
	lr =	simm.s32 $0x1  }
0x2: {  	[smem:$0x3F97] =	sst lr;
	_ =	strace $0xD0000000  }
0x3: {  	_ = 	snop  }
0x4: {  	_ = 	snop  }
0x5: {  	_ = 	snop  }
0x6: {  	_ = 	snop  }
0x7: {  	_ = 	snop  }
__scs_overlays_trampoline_lowered:
0x8: {  	[smem:$0x3FA6] =	sst s0  }
0x9: {  	[smem:$0x3FA7] =	sst s1  }
0xa: {  	[smem:$0x3FA8] =	sst s2  }
0xb: {  	[smem:$0x3FA9] =	sst s3  }
0xc: {  	[smem:$0x3FAA] =	sst s4  }
0xd: {  	[smem:$0x3FAB] =	sst s5  }
0xe: {  	[smem:$0x3FAC] =	sst s6  }
0xf: {  	[smem:$0x3FAD] =	sst s7  }
0x10: {  	[smem:$0x3FAE] =	sst s8  }
0x11: {  	[smem:$0x3FAF] =	sst s9;
	s0 =	simm.s32 @!p0 $0x0  }
0x12: {  	s1 =	sld [smem:$0x3F95];
	s0 =	simm.s32 @p0 $0x1  }
0x13: {  	[smem:$0x3FB0] =	sst s0;
	s0 =	simm.s32 @!p1 $0x0  }
0x14: {  	s2 =	sld [smem:$0x3F94];
	s0 =	simm.s32 @p1 $0x1  }
0x15: {  	[smem:$0x3FB1] =	sst s0;
	s0 =	simm.s32 @!p2 $0x0  }
0x16: {  	s3 =	sld [smem:$0x3FDB];
	s0 =	simm.s32 @p2 $0x1  }
0x17: {  	s4 =	simm.s32 $0x1BF5;
	[smem:$0x3FB3] =	sst s0  }
0x18: {  	s0 =	sld [smem:$0x3F96];
	_ =	swait.ge [sflag:s4], $0x0  }
0x19: {  	s7 =	sld [smem:$0x3F97]  }
0x1a: {  	s8 =	sadd.s32 $0xFFFFE003, lr  }
0x1b: {  	s9 =	sadd.s32 $0xFFFFFEF7, lr;
	s5 =	simm.s32 $0xFFFFFFFF;
	p2 =	slt.u32 s8, $0xFFFFF086  }
0x1c: {  	p1 =	slt.u32 s9, $0xF7A;
	s5 =	simm.s32 @!p2 $0x0  }
0x1d: {  	s5 =	simm.s32 @p1 $0x1;
	p0 =	seq.s32 s7, s2  }
0x1e: {  	s7 =	smul.u32 @!p0 $0xF7A, s2;
	p2 =	seq.s32 @!p0 s5, $0x0  }
0x1f: {  	s9 =	smul.u32 $0xF7A, s1;
	s8 =	simm.s32 @!p0 $0x1BF5;
	p2 =	por !p2, p0  }
0x20: {  	[sflag:s8] =	ssyncset.s32 @!p0 $0xFFFFF086;
	s6 =	sadd.s32 @!p0 s3, s7;
	s7 =	simm.s32 @!p0 $0x108  }
0x21: {  	s3 =	sadd.s32 s3, s9;
	s6 =	sadd.s32 @!p0 $0x88, s6;
	s7 =	simm.s32 @p2 $0x1082  }
0x22: {  	[simem:s7], [sflag:s8] =	dma.local @!p0 [hbm:s6], $0xF7A  }
0x23: {  	s9 =	sor.u32 $0xD0000000, s2;
	s6 =	simm.s32 $0x108;
	_ =	swait.ge @!p0 [sflag:s8], $0x0  }
0x24: {  	s3 =	sadd.s32 $0x88, s3;
	s6 =	simm.s32 @!p1 $0x1082;
	[sflag:s4] =	ssyncset.s32 $0xFFFFF086  }
0x25: {  	[simem:s6], [sflag:s4] =	dma.local [hbm:s3], $0xF7A  }
0x26: {  	[smem:$0x3F97] =	sst s1;
	(tag) =	ssettag s2;
	_ =	strace s9  }
0x27: {  	s1 =	sld [smem:$0x3FA7]  }
0x28: {  	s2 =	sld [smem:$0x3FA8]  }
0x29: {  	s4 =	sld [smem:$0x3FAA]  }
0x2a: {  	p0 =	seq.s32 s5, $0x0;
	s5 =	sld [smem:$0x3FAB]  }
0x2b: {  	s6 =	sld [smem:$0x3FAC]  }
0x2c: {  	s7 =	sld [smem:$0x3FAD]  }
0x2d: {  	s3 =	simm.s32 $0x108;
	s8 =	sld [smem:$0x3FAE]  }
0x2e: {  	s3 =	simm.s32 @!p0 $0x1082;
	s9 =	sld [smem:$0x3FAF]  }
0x2f: {  	lr =	sadd.s32 s0, s3;
	s0 =	sld [smem:$0x3FA6]  }
0x30: {  	s3 =	sld [smem:$0x3FA9]  }
0x31: {  	[smem:$0x3FB2] =	sst s10  }
0x32: {  	s10 =	sld [smem:$0x3FB0];
	_ =	sdelay $0x3  }
0x33: {  	p0 =	seq.s32 s10, $0x1;
	s10 =	sld [smem:$0x3FB2];
	_ =	sdelay $0x3  }
0x34: {  	[smem:$0x3FB2] =	sst s10  }
0x35: {  	s10 =	sld [smem:$0x3FB1];
	_ =	sdelay $0x3  }
0x36: {  	p1 =	seq.s32 s10, $0x1;
	s10 =	sld [smem:$0x3FB2];
	_ =	sdelay $0x3  }
0x37: {  	[smem:$0x3FB2] =	sst s10  }
0x38: {  	s10 =	sld [smem:$0x3FB3]  }
0x39: {  	_ = 	snop;
	(pc) =	sbr.ind lr, $3  }
0x3a: {  	_ = 	snop  }
0x3b: {  	_ = 	snop  }
0x3c: {  	p2 =	seq.s32 s10, $0x1;
	s10 =	sld [smem:$0x3FB2]  }
0x3d: {  	_ =	shalt  }
0x3e: {  	_ =	shalt  }
0x3f: {  	_ =	shalt  }
0x40: {  	_ =	shalt  }
0x41: {  	_ =	shalt  }
0x42: {  	_ =	shalt  }
0x43: {  	_ =	shalt  }
0x44: {  	_ =	shalt  }
0x45: {  	_ =	shalt  }
0x46: {  	_ =	shalt  }
0x47: {  	_ =	shalt  }
0x48: {  	_ =	shalt  }
0x49: {  	_ =	shalt  }
0x4a: {  	_ =	shalt  }
0x4b: {  	_ =	shalt  }
0x4c: {  	_ =	shalt  }
0x4d: {  	_ =	shalt  }
0x4e: {  	_ =	shalt  }
0x4f: {  	_ =	shalt  }
0x50: {  	_ =	shalt  }
0x51: {  	_ =	shalt  }
0x52: {  	_ =	shalt  }
0x53: {  	_ =	shalt  }
0x54: {  	_ =	shalt  }
0x55: {  	_ =	shalt  }
0x56: {  	_ =	shalt  }
0x57: {  	_ =	shalt  }
0x58: {  	_ =	shalt  }
0x59: {  	_ =	shalt  }
0x5a: {  	_ =	shalt  }
0x5b: {  	_ =	shalt  }
0x5c: {  	_ =	shalt  }
0x5d: {  	_ =	shalt  }
0x5e: {  	_ =	shalt  }
0x5f: {  	_ =	shalt  }
0x60: {  	_ =	shalt  }
0x61: {  	_ =	shalt  }
0x62: {  	_ =	shalt  }
0x63: {  	_ =	shalt  }
0x64: {  	_ =	shalt  }
0x65: {  	_ =	shalt  }
0x66: {  	_ =	shalt  }
0x67: {  	_ =	shalt  }
0x68: {  	_ =	shalt  }
0x69: {  	_ =	shalt  }
0x6a: {  	_ =	shalt  }
0x6b: {  	_ =	shalt  }
0x6c: {  	_ =	shalt  }
0x6d: {  	_ =	shalt  }
0x6e: {  	_ =	shalt  }
0x6f: {  	_ =	shalt  }
0x70: {  	_ =	shalt  }
0x71: {  	_ =	shalt  }
0x72: {  	_ =	shalt  }
0x73: {  	_ =	shalt  }
0x74: {  	_ =	shalt  }
0x75: {  	_ =	shalt  }
0x76: {  	_ =	shalt  }
0x77: {  	_ =	shalt  }
0x78: {  	_ =	shalt  }
0x79: {  	_ =	shalt  }
0x7a: {  	_ =	shalt  }
0x7b: {  	_ =	shalt  }
0x7c: {  	_ =	shalt  }
0x7d: {  	_ =	shalt  }
0x7e: {  	_ =	shalt  }
0x7f: {  	_ =	shalt  }
0x80: {  	_ =	shalt  }
0x81: {  	_ =	shalt  }
0x82: {  	_ =	shalt  }
0x83: {  	_ =	shalt  }
0x84: {  	_ =	shalt  }
0x85: {  	_ =	shalt  }
0x86: {  	_ =	shalt  }
0x87: {  	_ =	shalt  }
.Lfunc_end0:
.L_simem_size_0:
called_computation.3_lowered:
.L_overlay_start_0:
0x88: {  	s2 =	sld [smem:$0x3FD9]  }
0x89: {  	s3 =	sld [smem:$0x3FFE];
	_ =	sdelay $0x1  }
0x8a: {  	s1 =	srdreg.scid  }
0x8b: {  	s0 =	sand.u32 $0x1, s1  }
0x8c: {  	s16 =	sshll.u32 s0, $0xA;
	s2 =	sadd.s32 s3, s2  }
0x8d: {  	s2 =	sadd.s32 s2, s16  }
0x8e: {  	[smem:$0x3FBE] =	sst s2  }
0x8f: {  	_ = 	snop  }
0x90: {  	(tm) =	ssettm $0x1  }
0x91: {  	s17 =	sld [smem:$0x3FFB];
	_ =	sdelay $0x3  }
0x92: {  	_ =	strace s17  }
0x93: {  	s2 =	sld [smem:$0x3FFC];
	_ =	sdelay $0x3  }
0x94: {  	_ =	strace s2  }
0x95: {  	s2 =	sld [smem:$0x3FFD];
	_ =	sdelay $0x3  }
0x96: {  	_ =	strace s2  }
0x97: {  	_ =	strace $0x8FFFFFFF  }
0x98: {  	s18 =	sld [smem:$0x3FDB];
	_ =	sdelay $0x1  }
0x99: {  	s19 =	simm.s32 $_scs_section_size  }
0x9a: {  	s4 =	simm.s32 $_size__tile_overlayer_lowered;
	s5 =	simm.s32 $_tile_overlayer_lowered  }
0x9b: {  	s22 =	simm.s32 $0x1BFF;
	s21 =	sshll.u32 s5, $0x1;
	s2 =	sadd.s32 s19, s18  }
0x9c: {  	s6 =	simm.s32 $0x0;
	s20 =	sshll.u32 s4, $0x1;
	s4 =	sadd.s32 s21, s2  }
0x9d: {  	[timem:s6], [sflag:s22] =	dma.local [hbm:s4], s20  }
0x9e: {  	_ =	swait.ge [sflag:s22], s20  }
0x9f: {  	s3 =	ssub.s32 $0x0, s20;
	[sflag:s22] =	ssyncset.done $0x0  }
0xa0: {  	[sflag:s22] =	ssyncadd.s32 s3;
	_ =	sdelay $0x1  }
0xa1: {  	s23 =	simm.s32 $0x1B8B  }
0xa2: {  	_ =	swait.ge [sflag:s23], $0x1  }
0xa3: {  	[sflag:s23] =	ssyncset.done $0x0  }
0xa4: {  	s25 =	simm.s32 $0x1B8E;
	s24 =	sld [smem:$0x3FFE];
	[sflag:s23] =	ssyncadd.s32 $0xFFFFFFFF  }
0xa5: {  	s26 =	simm.s32 $execute0_lowered;
	[smem:$0x3FD2] =	sst s25  }
0xa6: {  	s4 =	sshll.u32 s26, $0x1;
	_ =	strace $0x8000004F;
	[dreg:$0x1] =	wrdreg $0xFFFFFFFF  }
0xa7: {  	s28 =	simm.s32 $_size_execute0_lowered;
	s2 =	sadd.s32 s2, s4;
	[dreg:$0x0] =	wrdreg $0x0  }
0xa8: {  	s4 =	sshll.u32 s28, $0x1;
	[dreg:$0x2] =	wrdreg s2  }
0xa9: {  	[dreg:$0x3] =	wrdreg s4  }
0xaa: {  	[dreg:$0x4] =	wrdreg $0xC0  }
0xab: {  	_ =	task [dreg:s6], $0x5FFFF  }
0xac: {  	[dreg:$0x1] =	wrdreg $0xFFFFFFFF  }
0xad: {  	[dreg:$0x0] =	wrdreg $0x60  }
0xae: {  	[dreg:$0x2] =	wrdreg s24  }
0xaf: {  	[dreg:$0x3] =	wrdreg $0x9  }
0xb0: {  	_ =	task.clear_ibuf [dreg:s6], $0x4FFFF;
	_ =	strace $0x9000004F  }
0xb1: {  	s29 =	simm.s32 $0x9;
	_ =	strace $0x80000051  }
0xb2: {  	_ =	swait.ge [sflag:s29], $0x1  }
0xb3: {  	[sflag:s29] =	ssyncadd.s32 $0xFFFFFFFF  }
0xb4: {  	_ =	strace $0x90000051  }
0xb5: {  	_ =	sfence  }
0xb6: {  	s30 =	sld [smem:$0x0];
	_ =	sdelay $0x2  }
0xb7: {  	s31 =	sshll.u32 s1, $0xD;
	s1 =	sshrl.u32 s1, $0x2  }
0xb8: {  	s3 =	sand.u32 $0x4000, s31;
	s1 =	sadd.s32 s1, s30  }
0xb9: {  	s0 =	sor.u32 s3, s0;
	s1 =	sshll.u32 s1, $0x11  }
0xba: {  	s0 =	sor.u32 s1, s0  }
0xbb: {  	s0 =	sadd.s32 $0x8F2B, s0  }
0xbc: {  	[sflag:s0] =	ssyncadd.remote.s32 $0x1  }
0xbd: {  	_ =	sfence.sel $0xFFFF  }
0xbe: {  	[dreg:$0x0] =	wrdreg $0xFFFFFFFF;
	(pc) =	sbr.abs _section_cstart, $3  }
0xbf: {  	[dreg:$0x1] =	wrdreg $0xFFFFFFFF  }
0xc0: {  	_ =	task.clear_ibuf [dreg:s6], $0x2FFFF;
	_ =	strace $0x9FFFFFFF  }
0xc1: {  	(tm) =	ssettm $0x7FFFFFFF  }
tec
execute0_lowered:
.L_overlay_start_1:
0x0: {  	(tag) =	ssettag $0x1  }
0x1: {  	s0 =	srdreg.scid  }
0x2: {  	s3 =	sand.u32 $0x1, s0  }
0x3: {  	s0 =	stileid.u32;
	s1 =	sshll.u32 s3, $0x4  }
0x4: {  	s1 =	sor.u32 s0, s1  }
0x5: {  	s4 =	rddreg [dreg:$0x0];
	s2 =	simm.s32 $0x0;
	s5 =	smul.u32 $0xC400, s1  }
0x6: {  	s7 =	simm.s32 $0x1;
	s8 =	simm.s32 $0xC400;
	s9 =	simm.s32 $0x0  }
0x7: {  	[smem:$0x7FF] =	sst s2;
	s3 =	ssub.s32 $0x2, s3;
	s5 =	sshrl.u32 s5, $0x3  }
0x8: {  	s31 =	sshrl.u32 s3, $0x1;
	s1 =	rddreg [dreg:$0x1];
	s5 =	sadd.s32 s5, s4  }
0x9: {  	_ =	strace $0x80000050;
	s6 =	ssub.s32 s3, s31;
	s3 =	sadd.s32 $0x24E800, s5  }
0xa: {  	s6 =	smax.u32 s6, $0x1;
	s4 =	sadd.s32 $0x27F800, s5;
	s5 =	sadd.s32 $0x18B200, s5  }
.LBB2_1:
0xb: {  	[tilespmem:s2], [sflag:$0x1] =	stream.linear.gather [hbm4b:s3+s2], $0xC400, $0x38;
	[tilespmem:$0x18800] =	vst v63  }
0xc: {  	_ =	swait.ge [sflag:s7], $0xC400  }
0xd: {  	[sflag:s7] =	ssyncset.done $0x0  }
0xe: {  	[sflag:s7] =	ssyncadd.s32 $0xFFFF3C00  }
0xf: {  	[tilespmem:s8], [sflag:$0x1] =	stream.linear.gather [hbm4b:s4+s2], $0xC400, $0x38;
	[tilespmem:$0x18800] =	vst v63  }
0x10: {  	_ =	swait.ge [sflag:s7], $0xC400  }
0x11: {  	[sflag:s7] =	ssyncset.done $0x0  }
0x12: {  	s10 =	simm.s32 $0x0;
	[sflag:s7] =	ssyncadd.s32 $0xFFFF3C00  }
0x13: {  	v5 =	vld [tilespmem:s10+$0xC400]  }
0x14: {  	v6 =	vld [tilespmem:s10+$0xC410]  }
0x15: {  	v1 =	vld [tilespmem:s10+$0xC420]  }
0x16: {  	v0 =	vld [tilespmem:s10+$0xC430]  }
0x17: {  	v2 =	vld [tilespmem:s10+$0x0]  }
0x18: {  	v4 =	vld [tilespmem:s10+$0x10]  }
0x19: {  	s11 =	simm.s32 $0x100;
	v3 =	vld [tilespmem:s10+$0x20]  }
.LBB2_2:
0x1a: {  	s12 =	sshra.s32 s11, $0x2;
	p0 =	sne.s32 s11, $0x30F00;
	v7 =	vld [tilespmem:s10+$0x30];
	v8 =	vmov v1  }
0x1b: {  	v9 =	vld [tilespmem:s12+$0xC400];
	v10 =	vmov v0  }
0x1c: {  	v11 =	vld [tilespmem:s12+$0xC410];
	v2 =	vadd.f32 v5, v2  }
.Ltmp0:
0x1d: {  	v1 =	vld [tilespmem:s12+$0xC420];
	v4 =	vadd.f32 v6, v4;
	(pc) =	sbr.rel @p0 .LBB2_2-.Ltmp0, $4  }
0x1e: {  	v0 =	vld [tilespmem:s12+$0xC430];
	[tilespmem:s10+$0x0] =	vst v2;
	v3 =	vadd.f32 v8, v3  }
0x1f: {  	v2 =	vld [tilespmem:s12+$0x0];
	[tilespmem:s10+$0x10] =	vst v4;
	v7 =	vadd.f32 v10, v7  }
0x20: {  	v4 =	vld [tilespmem:s12+$0x10];
	[tilespmem:s10+$0x20] =	vst v3;
	v5 =	vmov v9  }
0x21: {  	s11 =	sadd.s32 $0x100, s11;
	v3 =	vld [tilespmem:s12+$0x20];
	[tilespmem:s10+$0x30] =	vst v7;
	v6 =	vmov v11;
	s10 =	smov.u32 s12  }
0x22: {  	v7 =	vld [tilespmem:s10+$0x30];
	_ =	sdelay $0x1  }
0x23: {  	v2 =	vadd.f32 v5, v2  }
0x24: {  	v4 =	vadd.f32 v6, v4  }
0x25: {  	[tilespmem:s10+$0x0] =	vst v2;
	v1 =	vadd.f32 v1, v3  }
0x26: {  	s9 =	sadd.s32 $0x1, s9;
	[tilespmem:s10+$0x10] =	vst v4;
	v0 =	vadd.f32 v0, v7  }
0x27: {  	p0 =	sne.s32 s9, s6;
	[tilespmem:s10+$0x20] =	vst v1  }
.Ltmp1:
0x28: {  	[tilespmem:s10+$0x30] =	vst v0;
	(pc) =	sbr.rel @p0 .LBB2_1-.Ltmp1, $4  }
0x29: {  	[hbm4b:s5+s2] =	stream.linear.scatter [tilespmem:s2], [sflag:$0x1], $0xC400, $0x38;
	[tilespmem:$0x18800] =	vst v63  }
0x2a: {  	_ =	swait.ge [sflag:s7], $0xC400  }
0x2b: {  	[sflag:s7] =	ssyncset.done $0x0  }
0x2c: {  	[sflag:s7] =	ssyncadd.s32 $0xFFFF3C00  }
0x2d: {  	_ =	sfence.sel $0x180000  }
0x2e: {  	[bflag:$0x0] =	sbarrier.arrive $0xFFFF  }
0x2f: {  	p0 =	sne.s32 s0, $0x0;
	_ =	strace $0x90000050  }
0x30: {  	s0 =	sadd.s32 @!p0 $0x100000, s1;
	[bflag:$0x2] =	sbarrier.arrive $0xFFFF  }
0x31: {  	[sflag:s0] =	ssyncadd.tile.s32 @!p0 $0x1;
	_ =	shalt  }
.Lfunc_end2:
_tile_overlayer_lowered:
.L_overlay_start_2:
0x32: {  	(tag) =	ssettag $0x2  }
0x33: {  	s0 =	rddreg [dreg:$0x0];
	s2 =	stileid.u32  }
0x34: {  	s1 =	rddreg [dreg:$0x1];
	p0 =	sne.s32 s2, $0x0  }
0x35: {  	s3 =	rddreg [dreg:$0x2];
	[bflag:$0x3] =	sbarrier.arrive $0xFFFF;
	s2 =	simm.s32 @!p0 $0x1C01  }
0x36: {  	[timem:s3], [sflag:s2] =	dma.local @!p0 [hbm:s0], s1  }
0x37: {  	s0 =	simm.s32 @!p0 $0x1  }
0x38: {  	_ =	swait.ge @!p0 [sflag:s0], s1  }
0x39: {  	s1 =	ssub.s32 @!p0 $0x0, s1;
	[sflag:s0] =	ssyncset.done @!p0 $0x0  }
0x3a: {  	[sflag:s0] =	ssyncadd.s32 @!p0 s1  }
0x3b: {  	[bflag:$0x3] =	sbarrier.arrive $0xFFFF  }
0x3c: {  	_ =	shalt  }

// kernel: kernel.7.cloned.1.call-start
scs
__scs_entry_jumppad:
0x0: {  	(pc) =	sbr.rel $0x88, $3  }
0x1: {  	(tag) =	ssettag $0x0;
	lr =	simm.s32 $0x1  }
0x2: {  	[smem:$0x3F97] =	sst lr;
	_ =	strace $0xD0000000  }
0x3: {  	_ = 	snop  }
0x4: {  	_ = 	snop  }
0x5: {  	_ = 	snop  }
0x6: {  	_ = 	snop  }
0x7: {  	_ = 	snop  }
__scs_overlays_trampoline_lowered:
0x8: {  	[smem:$0x3FA6] =	sst s0  }
0x9: {  	[smem:$0x3FA7] =	sst s1  }
0xa: {  	[smem:$0x3FA8] =	sst s2  }
0xb: {  	[smem:$0x3FA9] =	sst s3  }
0xc: {  	[smem:$0x3FAA] =	sst s4  }
0xd: {  	[smem:$0x3FAB] =	sst s5  }
0xe: {  	[smem:$0x3FAC] =	sst s6  }
0xf: {  	[smem:$0x3FAD] =	sst s7  }
0x10: {  	[smem:$0x3FAE] =	sst s8  }
0x11: {  	[smem:$0x3FAF] =	sst s9;
	s0 =	simm.s32 @!p0 $0x0  }
0x12: {  	s1 =	sld [smem:$0x3F95];
	s0 =	simm.s32 @p0 $0x1  }
0x13: {  	[smem:$0x3FB0] =	sst s0;
	s0 =	simm.s32 @!p1 $0x0  }
0x14: {  	s2 =	sld [smem:$0x3F94];
	s0 =	simm.s32 @p1 $0x1  }
0x15: {  	[smem:$0x3FB1] =	sst s0;
	s0 =	simm.s32 @!p2 $0x0  }
0x16: {  	s3 =	sld [smem:$0x3FDB];
	s0 =	simm.s32 @p2 $0x1  }
0x17: {  	s4 =	simm.s32 $0x1BF5;
	[smem:$0x3FB3] =	sst s0  }
0x18: {  	s0 =	sld [smem:$0x3F96];
	_ =	swait.ge [sflag:s4], $0x0  }
0x19: {  	s7 =	sld [smem:$0x3F97]  }
0x1a: {  	s8 =	sadd.s32 $0xFFFFE003, lr  }
0x1b: {  	s9 =	sadd.s32 $0xFFFFFEF7, lr;
	s5 =	simm.s32 $0xFFFFFFFF;
	p2 =	slt.u32 s8, $0xFFFFF086  }
0x1c: {  	p1 =	slt.u32 s9, $0xF7A;
	s5 =	simm.s32 @!p2 $0x0  }
0x1d: {  	s5 =	simm.s32 @p1 $0x1;
	p0 =	seq.s32 s7, s2  }
0x1e: {  	s7 =	smul.u32 @!p0 $0xF7A, s2;
	p2 =	seq.s32 @!p0 s5, $0x0  }
0x1f: {  	s9 =	smul.u32 $0xF7A, s1;
	s8 =	simm.s32 @!p0 $0x1BF5;
	p2 =	por !p2, p0  }
0x20: {  	[sflag:s8] =	ssyncset.s32 @!p0 $0xFFFFF086;
	s6 =	sadd.s32 @!p0 s3, s7;
	s7 =	simm.s32 @!p0 $0x108  }
0x21: {  	s3 =	sadd.s32 s3, s9;
	s6 =	sadd.s32 @!p0 $0x88, s6;
	s7 =	simm.s32 @p2 $0x1082  }
0x22: {  	[simem:s7], [sflag:s8] =	dma.local @!p0 [hbm:s6], $0xF7A  }
0x23: {  	s9 =	sor.u32 $0xD0000000, s2;
	s6 =	simm.s32 $0x108;
	_ =	swait.ge @!p0 [sflag:s8], $0x0  }
0x24: {  	s3 =	sadd.s32 $0x88, s3;
	s6 =	simm.s32 @!p1 $0x1082;
	[sflag:s4] =	ssyncset.s32 $0xFFFFF086  }
0x25: {  	[simem:s6], [sflag:s4] =	dma.local [hbm:s3], $0xF7A  }
0x26: {  	[smem:$0x3F97] =	sst s1;
	(tag) =	ssettag s2;
	_ =	strace s9  }
0x27: {  	s1 =	sld [smem:$0x3FA7]  }
0x28: {  	s2 =	sld [smem:$0x3FA8]  }
0x29: {  	s4 =	sld [smem:$0x3FAA]  }
0x2a: {  	p0 =	seq.s32 s5, $0x0;
	s5 =	sld [smem:$0x3FAB]  }
0x2b: {  	s6 =	sld [smem:$0x3FAC]  }
0x2c: {  	s7 =	sld [smem:$0x3FAD]  }
0x2d: {  	s3 =	simm.s32 $0x108;
	s8 =	sld [smem:$0x3FAE]  }
0x2e: {  	s3 =	simm.s32 @!p0 $0x1082;
	s9 =	sld [smem:$0x3FAF]  }
0x2f: {  	lr =	sadd.s32 s0, s3;
	s0 =	sld [smem:$0x3FA6]  }
0x30: {  	s3 =	sld [smem:$0x3FA9]  }
0x31: {  	[smem:$0x3FB2] =	sst s10  }
0x32: {  	s10 =	sld [smem:$0x3FB0];
	_ =	sdelay $0x3  }
0x33: {  	p0 =	seq.s32 s10, $0x1;
	s10 =	sld [smem:$0x3FB2];
	_ =	sdelay $0x3  }
0x34: {  	[smem:$0x3FB2] =	sst s10  }
0x35: {  	s10 =	sld [smem:$0x3FB1];
	_ =	sdelay $0x3  }
0x36: {  	p1 =	seq.s32 s10, $0x1;
	s10 =	sld [smem:$0x3FB2];
	_ =	sdelay $0x3  }
0x37: {  	[smem:$0x3FB2] =	sst s10  }
0x38: {  	s10 =	sld [smem:$0x3FB3]  }
0x39: {  	_ = 	snop;
	(pc) =	sbr.ind lr, $3  }
0x3a: {  	_ = 	snop  }
0x3b: {  	_ = 	snop  }
0x3c: {  	p2 =	seq.s32 s10, $0x1;
	s10 =	sld [smem:$0x3FB2]  }
0x3d: {  	_ =	shalt  }
0x3e: {  	_ =	shalt  }
0x3f: {  	_ =	shalt  }
0x40: {  	_ =	shalt  }
0x41: {  	_ =	shalt  }
0x42: {  	_ =	shalt  }
0x43: {  	_ =	shalt  }
0x44: {  	_ =	shalt  }
0x45: {  	_ =	shalt  }
0x46: {  	_ =	shalt  }
0x47: {  	_ =	shalt  }
0x48: {  	_ =	shalt  }
0x49: {  	_ =	shalt  }
0x4a: {  	_ =	shalt  }
0x4b: {  	_ =	shalt  }
0x4c: {  	_ =	shalt  }
0x4d: {  	_ =	shalt  }
0x4e: {  	_ =	shalt  }
0x4f: {  	_ =	shalt  }
0x50: {  	_ =	shalt  }
0x51: {  	_ =	shalt  }
0x52: {  	_ =	shalt  }
0x53: {  	_ =	shalt  }
0x54: {  	_ =	shalt  }
0x55: {  	_ =	shalt  }
0x56: {  	_ =	shalt  }
0x57: {  	_ =	shalt  }
0x58: {  	_ =	shalt  }
0x59: {  	_ =	shalt  }
0x5a: {  	_ =	shalt  }
0x5b: {  	_ =	shalt  }
0x5c: {  	_ =	shalt  }
0x5d: {  	_ =	shalt  }
0x5e: {  	_ =	shalt  }
0x5f: {  	_ =	shalt  }
0x60: {  	_ =	shalt  }
0x61: {  	_ =	shalt  }
0x62: {  	_ =	shalt  }
0x63: {  	_ =	shalt  }
0x64: {  	_ =	shalt  }
0x65: {  	_ =	shalt  }
0x66: {  	_ =	shalt  }
0x67: {  	_ =	shalt  }
0x68: {  	_ =	shalt  }
0x69: {  	_ =	shalt  }
0x6a: {  	_ =	shalt  }
0x6b: {  	_ =	shalt  }
0x6c: {  	_ =	shalt  }
0x6d: {  	_ =	shalt  }
0x6e: {  	_ =	shalt  }
0x6f: {  	_ =	shalt  }
0x70: {  	_ =	shalt  }
0x71: {  	_ =	shalt  }
0x72: {  	_ =	shalt  }
0x73: {  	_ =	shalt  }
0x74: {  	_ =	shalt  }
0x75: {  	_ =	shalt  }
0x76: {  	_ =	shalt  }
0x77: {  	_ =	shalt  }
0x78: {  	_ =	shalt  }
0x79: {  	_ =	shalt  }
0x7a: {  	_ =	shalt  }
0x7b: {  	_ =	shalt  }
0x7c: {  	_ =	shalt  }
0x7d: {  	_ =	shalt  }
0x7e: {  	_ =	shalt  }
0x7f: {  	_ =	shalt  }
0x80: {  	_ =	shalt  }
0x81: {  	_ =	shalt  }
0x82: {  	_ =	shalt  }
0x83: {  	_ =	shalt  }
0x84: {  	_ =	shalt  }
0x85: {  	_ =	shalt  }
0x86: {  	_ =	shalt  }
0x87: {  	_ =	shalt  }
.Lfunc_end0:
.L_simem_size_0:
called_computation_lowered:
.L_overlay_start_0:
0x88: {  	s2 =	sld [smem:$0x3FD9]  }
0x89: {  	s3 =	sld [smem:$0x3FFE];
	_ =	sdelay $0x1  }
0x8a: {  	s1 =	srdreg.scid  }
0x8b: {  	s0 =	sand.u32 $0x1, s1  }
0x8c: {  	s17 =	sshll.u32 s0, $0xA;
	s2 =	sadd.s32 s3, s2  }
0x8d: {  	s2 =	sadd.s32 s2, s17  }
0x8e: {  	[smem:$0x3FBE] =	sst s2  }
0x8f: {  	_ = 	snop  }
0x90: {  	s2 =	sld [smem:$0x3FD0];
	(tm) =	ssettm $0x1  }
0x91: {  	s18 =	sld [smem:$0x3FFB];
	_ =	sdelay $0x3  }
0x92: {  	_ =	strace s18  }
0x93: {  	s3 =	sld [smem:$0x3FFC];
	_ =	sdelay $0x3  }
0x94: {  	_ =	strace s3  }
0x95: {  	s3 =	sld [smem:$0x3FFD];
	_ =	sdelay $0x3  }
0x96: {  	_ =	strace s3  }
0x97: {  	_ =	strace $0x8FFFFFFF  }
0x98: {  	s19 =	sld [smem:$0x3FDB];
	_ =	sdelay $0x1  }
0x99: {  	s4 =	simm.s32 $_scs_section_size  }
0x9a: {  	s5 =	simm.s32 $_size__tile_overlayer_lowered;
	s6 =	simm.s32 $_tile_overlayer_lowered  }
0x9b: {  	s22 =	simm.s32 $0x1BFF;
	s21 =	sshll.u32 s6, $0x1;
	s3 =	sadd.s32 s4, s19  }
0x9c: {  	s7 =	simm.s32 $0x0;
	s20 =	sshll.u32 s5, $0x1;
	s5 =	sadd.s32 s21, s3  }
0x9d: {  	[timem:s7], [sflag:s22] =	dma.local [hbm:s5], s20  }
0x9e: {  	_ =	swait.ge [sflag:s22], s20  }
0x9f: {  	s4 =	ssub.s32 $0x0, s20;
	[sflag:s22] =	ssyncset.done $0x0  }
0xa0: {  	[sflag:s22] =	ssyncadd.s32 s4;
	_ =	sdelay $0x1  }
0xa1: {  	s23 =	simm.s32 $0x1B8B  }
0xa2: {  	_ =	swait.ge [sflag:s23], $0x1  }
0xa3: {  	[sflag:s23] =	ssyncset.done $0x0  }
0xa4: {  	s25 =	simm.s32 $0x1B8E;
	s24 =	sld [smem:$0x3FFE];
	[sflag:s23] =	ssyncadd.s32 $0xFFFFFFFF  }
0xa5: {  	s26 =	simm.s32 $execute0_lowered;
	[smem:$0x3FD2] =	sst s25  }
0xa6: {  	s5 =	sshll.u32 s26, $0x1;
	_ =	strace $0x80000046;
	[dreg:$0x1] =	wrdreg $0xFFFFFFFF  }
0xa7: {  	s28 =	simm.s32 $_size_execute0_lowered;
	s3 =	sadd.s32 s3, s5;
	[dreg:$0x0] =	wrdreg $0x0  }
0xa8: {  	s5 =	sshll.u32 s28, $0x1;
	[dreg:$0x2] =	wrdreg s3  }
0xa9: {  	[dreg:$0x3] =	wrdreg s5  }
0xaa: {  	[dreg:$0x4] =	wrdreg $0xC0  }
0xab: {  	_ =	task [dreg:s7], $0x5FFFF  }
0xac: {  	[dreg:$0x1] =	wrdreg $0xFFFFFFFF  }
0xad: {  	[dreg:$0x0] =	wrdreg $0x60  }
0xae: {  	[dreg:$0x2] =	wrdreg s2  }
0xaf: {  	[dreg:$0x3] =	wrdreg s24  }
0xb0: {  	[dreg:$0x4] =	wrdreg $0x50000  }
0xb1: {  	[dreg:$0x5] =	wrdreg $0x1D9000  }
0xb2: {  	[dreg:$0x6] =	wrdreg $0x9  }
0xb3: {  	_ =	task.clear_ibuf [dreg:s7], $0x7FFFF;
	_ =	strace $0x90000046  }
0xb4: {  	s29 =	simm.s32 $0x9;
	_ =	strace $0x80000048  }
0xb5: {  	_ =	swait.ge [sflag:s29], $0x1  }
0xb6: {  	[sflag:s29] =	ssyncadd.s32 $0xFFFFFFFF  }
0xb7: {  	_ =	strace $0x90000048  }
0xb8: {  	_ =	sfence  }
0xb9: {  	s30 =	sld [smem:$0x0];
	_ =	sdelay $0x2  }
0xba: {  	s31 =	sshll.u32 s1, $0xD;
	s1 =	sshrl.u32 s1, $0x2  }
0xbb: {  	s3 =	sand.u32 $0x4000, s31;
	s1 =	sadd.s32 s1, s30  }
0xbc: {  	s0 =	sor.u32 s3, s0;
	s1 =	sshll.u32 s1, $0x11  }
0xbd: {  	s0 =	sor.u32 s1, s0  }
0xbe: {  	s0 =	sadd.s32 $0x8F2B, s0  }
0xbf: {  	[sflag:s0] =	ssyncadd.remote.s32 $0x1  }
0xc0: {  	_ =	sfence.sel $0xFFFF  }
0xc1: {  	[dreg:$0x0] =	wrdreg $0xFFFFFFFF;
	(pc) =	sbr.abs _section_cstart, $3  }
0xc2: {  	[dreg:$0x1] =	wrdreg $0xFFFFFFFF  }
0xc3: {  	_ =	task.clear_ibuf [dreg:s7], $0x2FFFF;
	_ =	strace $0x9FFFFFFF  }
0xc4: {  	(tm) =	ssettm $0x7FFFFFFF  }
0xc5: {  	_ =	shalt  }
tec
execute0_lowered:
.L_overlay_start_1:
0x0: {  	(tag) =	ssettag $0x1  }
0x1: {  	s0 =	rddreg [dreg:$0x0]  }
0x2: {  	s1 =	rddreg [dreg:$0x1]  }
0x3: {  	s3 =	rddreg [dreg:$0x2];
	s2 =	srdreg.scid  }
0x4: {  	s4 =	rddreg [dreg:$0x3];
	s16 =	stileid.u32  }
0x5: {  	s5 =	simm.s32 $0x0;
	s19 =	simm.s32 $0x4800;
	s9 =	smul.u32 $0x18800, s16  }
0x6: {  	s28 =	simm.s32 $0x2;
	s29 =	simm.s32 $0x1D800;
	s10 =	smul.u32 $0x1880, s16  }
0x7: {  	s30 =	simm.s32 $0x3;
	s2 =	sand.u32 $0x1, s2;
	s20 =	smul.u32 $0x62000, s16  }
0x8: {  	s31 =	simm.s32 $0x4;
	[smem:$0x7FF] =	sst s5;
	s7 =	smul.u32 $0x188000, s2  }
0x9: {  	s6 =	sshll.u32 s2, $0x4;
	s8 =	smul.u32 $0x18800, s2;
	_ =	strace $0x80000047  }
0xa: {  	s2 =	ssub.s32 $0x2, s2;
	s11 =	sor.u32 s16, s6;
	s6 =	sadd.s32 $0x18B200, s1  }
0xb: {  	s14 =	sshrl.u32 s2, $0x1;
	s12 =	smul.u32 $0x30D, s11;
	s7 =	sadd.s32 s9, s7  }
0xc: {  	s13 =	smin.u32 s11, $0x8;
	s8 =	sadd.s32 s10, s8;
	s2 =	ssub.s32 s2, s14  }
0xd: {  	s9 =	sadd.s32 s9, s3;
	s14 =	smul.u32 $0x6200, s16;
	p0 =	sgt.u32 s11, $0x7  }
0xe: {  	s7 =	sshrl.u32 s7, $0x3;
	s8 =	sshrl.u32 s8, $0x3;
	s2 =	smax.u32 s2, $0x1  }
0xf: {  	s12 =	sadd.s32 s13, s12;
	s24 =	sadd.s32 s7, s1;
	s1 =	sadd.s32 s8, s1  }
0x10: {  	[dreg:$0x8] =	wrdreg s2;
	s2 =	simm.s32 $0x0;
	s7 =	sshll.u32 s12, $0x7  }
0x11: {  	s12 =	sshll.u32 s12, $0x4;
	s13 =	sadd.s32 $0x24E800, s24;
	s1 =	sadd.s32 $0x2B0800, s1  }
0x12: {  	s24 =	sshrl.u32 s14, $0x2;
	s25 =	sshrl.u32 s7, $0x3;
	[dreg:$0x6] =	wrdreg s13  }
0x13: {  	s8 =	sadd.s32 s6, s12;
	[dreg:$0x7] =	wrdreg s1;
	s17 =	sadd.s32 s24, s4  }
0x14: {  	s15 =	sadd.s32 s6, s25;
	s21 =	sadd.s32 $0x30C0, s8;
	s22 =	sadd.s32 $0x64B40, s8  }
0x15: {  	s23 =	sadd.s32 $0x30D0, s8;
	s25 =	sadd.s32 $0x64B50, s8;
	[dreg:$0x9] =	wrdreg s21  }
0x16: {  	s26 =	sadd.s32 $0x61A80, s15;
	s15 =	sadd.s32 s10, s4;
	[dreg:$0xa] =	wrdreg s22  }
.Ltmp0:
0x17: {  	[dreg:$0xb] =	wrdreg s23;
	s10 =	sshrl.u32 s20, $0x2;
	(pc) =	sbr.rel .LBB2_1-.Ltmp0, $4  }
0x18: {  	[dreg:$0xc] =	wrdreg s25;
	s20 =	simm.s32 $0x5;
	s21 =	simm.s32 $0x1D880  }
0x19: {  	s22 =	simm.s32 $0x400;
	[dreg:$0x5] =	wrdreg s26;
	s26 =	sshrl.u32 s9, $0x3  }
0x1a: {  	s23 =	simm.s32 $0x1;
	s1 =	sshrl.u32 s15, $0x3;
	[dreg:$0xd] =	wrdreg s26  }
0x1b: {  	v0 =	vimm.f32 $0.0e+00;
	v1 =	vimm.f32 $1.000000000e+00;
	s18 =	sadd.s32 s10, s3;
	[dreg:$0xe] =	wrdreg s1;
	s26 =	simm.s32 $0x80  }
.LBB2_9:
0x1c: {  	_ =	swait.ge [sflag:s30], $0x800  }
0x1d: {  	[sflag:s30] =	ssyncset.done $0x0  }
0x1e: {  	[sflag:s30] =	ssyncadd.s32 $0xFFFFF800  }
0x1f: {  	_ =	swait.ge [sflag:s30], $0x800  }
0x20: {  	[sflag:s30] =	ssyncset.done $0x0  }
0x21: {  	[sflag:s30] =	ssyncadd.s32 $0xFFFFF800  }
0x22: {  	_ =	swait.ge [sflag:s30], $0x800  }
0x23: {  	[sflag:s30] =	ssyncset.done $0x0  }
0x24: {  	[sflag:s30] =	ssyncadd.s32 $0xFFFFF800  }
0x25: {  	_ =	swait.ge [sflag:s30], $0x800  }
0x26: {  	[sflag:s30] =	ssyncset.done $0x0  }
0x27: {  	[sflag:s30] =	ssyncadd.s32 $0xFFFFF800  }
0x28: {  	_ =	swait.ge [sflag:s31], $0x80  }
0x29: {  	[sflag:s31] =	ssyncset.done $0x0  }
0x2a: {  	[sflag:s31] =	ssyncadd.s32 $0xFFFFFF80  }
0x2b: {  	_ =	swait.ge [sflag:s31], $0x80  }
0x2c: {  	[sflag:s31] =	ssyncset.done $0x0  }
0x2d: {  	[sflag:s31] =	ssyncadd.s32 $0xFFFFFF80  }
0x2e: {  	_ =	swait.ge [sflag:s31], $0x80  }
0x2f: {  	[sflag:s31] =	ssyncset.done $0x0  }
0x30: {  	[sflag:s31] =	ssyncadd.s32 $0xFFFFFF80  }
0x31: {  	_ =	swait.ge [sflag:s31], $0x80  }
0x32: {  	[sflag:s31] =	ssyncset.done $0x0  }
0x33: {  	s1 =	rddreg [dreg:$0x9];
	[sflag:s31] =	ssyncadd.s32 $0xFFFFFF80  }
0x34: {  	[tilespmem:s5], [sflag:$0x5] =	stream.linear.gather [hbm4b:s1+s5], $0x80, $0x38;
	[tilespmem:$0x1F180] =	vst v63  }
0x35: {  	_ =	swait.ge [sflag:s20], $0x80  }
0x36: {  	[sflag:s20] =	ssyncset.done $0x0  }
0x37: {  	s11 =	rddreg [dreg:$0xa];
	[sflag:s20] =	ssyncadd.s32 $0xFFFFFF80  }
0x38: {  	[tilespmem:s22], [sflag:$0x5] =	stream.linear.gather [hbm4b:s11+s5], $0x80, $0x38;
	[tilespmem:$0x1F180] =	vst v63  }
0x39: {  	_ =	swait.ge [sflag:s20], $0x80  }
0x3a: {  	[sflag:s20] =	ssyncset.done $0x0  }
0x3b: {  	s12 =	simm.s32 $0x800;
	[sflag:s20] =	ssyncadd.s32 $0xFFFFFF80  }
0x3c: {  	[tilespmem:s12], [sflag:$0x2] =	stream.indirect.gather [hbm4b:s0+s26], $0x10, s5, s26, $0xb8;
	[tilespmem:$0x1F180] =	vst v63  }
0x3d: {  	_ =	swait.ge [sflag:s28], $0x800  }
0x3e: {  	[sflag:s28] =	ssyncset.done $0x0  }
0x3f: {  	[sflag:s28] =	ssyncadd.s32 $0xFFFFF800  }
0x40: {  	[spmem:s3] =	stream.indirect.scatter.add.f32 [tilespmem:s12], [sflag:$0x5], $0x10, s22, s26, $0xb8;
	[tilespmem:$0x1F180] =	vst v63  }
0x41: {  	_ =	swait.ge [sflag:s20], $0x800  }
0x42: {  	[sflag:s20] =	ssyncset.done $0x0  }
0x43: {  	[sflag:s20] =	ssyncadd.s32 $0xFFFFF800  }
0x44: {  	[spmem:s4] =	stream.indirect.scatter.add.f32 [tilespmem:s29], [sflag:$0x5], $0x1, s22, s26, $0xb8;
	[tilespmem:$0x1F180] =	vst v63  }
0x45: {  	_ =	swait.ge [sflag:s20], $0x80  }
0x46: {  	[sflag:s20] =	ssyncset.done $0x0  }
0x47: {  	s1 =	simm.s32 @!p0 $0x0;
	s9 =	rddreg [dreg:$0xb];
	[sflag:s20] =	ssyncadd.s32 $0xFFFFFF80  }
0x48: {  	[tilespmem:s1], [sflag:$0x5] =	stream.linear.gather @!p0 [hbm4b:s9+s1], $0x80, $0x38;
	[tilespmem:$0x1F180] =	vst v63  }
0x49: {  	s9 =	simm.s32 @!p0 $0x5  }
0x4a: {  	_ =	swait.ge @!p0 [sflag:s9], $0x80  }
0x4b: {  	[sflag:s9] =	ssyncset.done @!p0 $0x0  }
0x4c: {  	s10 =	simm.s32 @!p0 $0x400;
	s11 =	rddreg [dreg:$0xc];
	[sflag:s9] =	ssyncadd.s32 @!p0 $0xFFFFFF80  }
0x4d: {  	[tilespmem:s10], [sflag:$0x5] =	stream.linear.gather @!p0 [hbm4b:s11+s1], $0x80, $0x38;
	[tilespmem:$0x1F180] =	vst v63  }
0x4e: {  	_ =	swait.ge @!p0 [sflag:s9], $0x80  }
0x4f: {  	[sflag:s9] =	ssyncset.done @!p0 $0x0  }
0x50: {  	s12 =	simm.s32 @!p0 $0x800;
	s11 =	simm.s32 @!p0 $0x80;
	[sflag:s9] =	ssyncadd.s32 @!p0 $0xFFFFFF80  }
0x51: {  	[tilespmem:s12], [sflag:$0x2] =	stream.indirect.gather @!p0 [hbm4b:s0+s11], $0x10, s1, s11, $0xb8;
	[tilespmem:$0x1F180] =	vst v63  }
0x52: {  	s1 =	simm.s32 @!p0 $0x2  }
0x53: {  	_ =	swait.ge @!p0 [sflag:s1], $0x800  }
0x54: {  	[sflag:s1] =	ssyncset.done @!p0 $0x0  }
0x55: {  	[sflag:s1] =	ssyncadd.s32 @!p0 $0xFFFFF800  }
0x56: {  	[spmem:s3] =	stream.indirect.scatter.add.f32 @!p0 [tilespmem:s12], [sflag:$0x5], $0x10, s10, s11, $0xb8;
	[tilespmem:$0x1F180] =	vst v63  }
0x57: {  	_ =	swait.ge @!p0 [sflag:s9], $0x800  }
0x58: {  	[sflag:s9] =	ssyncset.done @!p0 $0x0  }
0x59: {  	s1 =	simm.s32 @!p0 $0x1D800;
	[sflag:s9] =	ssyncadd.s32 @!p0 $0xFFFFF800  }
0x5a: {  	[spmem:s4] =	stream.indirect.scatter.add.f32 @!p0 [tilespmem:s1], [sflag:$0x5], $0x1, s10, s11, $0xb8;
	[tilespmem:$0x1F180] =	vst v63  }
0x5b: {  	_ =	swait.ge @!p0 [sflag:s9], $0x80  }
0x5c: {  	[sflag:s9] =	ssyncset.done @!p0 $0x0  }
0x5d: {  	[sflag:s9] =	ssyncadd.s32 @!p0 $0xFFFFFF80  }
0x5e: {  	s13 =	stileid.u32;
	[bflag:$0x0] =	sbarrier.arrive $0xFFFF  }
0x5f: {  	s1 =	sshll.u32 s13, $0x6;
	s14 =	rddreg [dreg:$0x6]  }
0x60: {  	s1 =	sor.u32 $0x1C05, s1;
	s15 =	rddreg [dreg:$0xd]  }
0x61: {  	[hbm:s14], [sflag:s1] =	dma.local [spmem:s15], $0x3100  }
0x62: {  	_ =	swait.ge [sflag:s20], $0x3100  }
0x63: {  	[sflag:s20] =	ssyncset.done $0x0;
	s16 =	rddreg [dreg:$0x7]  }
0x64: {  	s24 =	rddreg [dreg:$0xe];
	[sflag:s20] =	ssyncadd.s32 $0xFFFFCF00  }
0x65: {  	[hbm:s16], [sflag:s1] =	dma.local [spmem:s24], $0x310  }
0x66: {  	_ =	swait.ge [sflag:s20], $0x310  }
0x67: {  	s2 =	sadd.s32 $0x1, s2;
	s25 =	rddreg [dreg:$0x8]  }
0x68: {  	p1 =	sne.s32 s2, s25  }
.Ltmp1:
0x69: {  	_ = 	snop;
	(pc) =	sbr.rel @!p1 .LBB2_10-.Ltmp1, $3  }
0x6a: {  	_ =	sdelay $0x1  }
0x6b: {  	[sflag:s20] =	ssyncset.done $0x0  }
0x6c: {  	[sflag:s20] =	ssyncadd.s32 $0xFFFFFCF0  }
.LBB2_1:
0x6d: {  	s9 =	simm.s32 $0x40;
	s10 =	simm.s32 $0x0  }
.LBB2_2:
0x6e: {  	p1 =	sne.s32 s9, $0x1FC0;
	[tilespmem:s10+$0x4800] =	vst v0;
	s10 =	smov.u32 s9;
	s9 =	sadd.s32 $0x40, s9  }
.Ltmp2:
0x6f: {  	(pc) =	sbr.rel @p1 .LBB2_2-.Ltmp2, $2  }
0x70: {  	_ =	sdelay $0x2  }
0x71: {  	s10 =	sshra.s32 s10, $0x2  }
0x72: {  	[tilespmem:s10+$0x4800] =	vst v0  }
0x73: {  	[tilespmem:$0x1D800] =	vst v1  }
0x74: {  	[tilespmem:$0x1D880] =	vst v0  }
0x75: {  	[tilespmem:$0x1D810] =	vst v1  }
0x76: {  	[tilespmem:$0x1D890] =	vst v0  }
0x77: {  	[tilespmem:$0x1D820] =	vst v1  }
0x78: {  	[tilespmem:$0x1D8A0] =	vst v0  }
0x79: {  	[tilespmem:$0x1D830] =	vst v1  }
0x7a: {  	[tilespmem:$0x1D8B0] =	vst v0  }
0x7b: {  	[tilespmem:$0x1D840] =	vst v1  }
0x7c: {  	[tilespmem:$0x1D8C0] =	vst v0  }
0x7d: {  	[tilespmem:$0x1D850] =	vst v1  }
0x7e: {  	[tilespmem:$0x1D8D0] =	vst v0  }
0x7f: {  	[tilespmem:$0x1D860] =	vst v1  }
0x80: {  	[tilespmem:$0x1D8E0] =	vst v0  }
0x81: {  	[tilespmem:$0x1D870] =	vst v1  }
0x82: {  	[tilespmem:$0x1D8F0] =	vst v0  }
0x83: {  	[spmem:s18] =	stream.linear.scatter [tilespmem:s19], [sflag:$0x5], $0x800, $0x38;
	[tilespmem:$0x1F180] =	vst v63  }
0x84: {  	_ =	swait.ge [sflag:s20], $0x800  }
0x85: {  	[sflag:s20] =	ssyncset.done $0x0  }
0x86: {  	s9 =	sadd.s32 $0x0, s17;
	[sflag:s20] =	ssyncadd.s32 $0xFFFFF800  }
0x87: {  	[spmem:s9] =	stream.linear.scatter [tilespmem:s21], [sflag:$0x5], $0x80, $0x38;
	[tilespmem:$0x1F180] =	vst v63  }
0x88: {  	_ =	swait.ge [sflag:s20], $0x80  }
0x89: {  	s10 =	smov.u32 s18;
	s9 =	simm.s32 $0x200;
	[sflag:s20] =	ssyncset.done $0x0  }
.LBB2_4:
0x8a: {  	p1 =	sne.s32 s9, $0x6000;
	[sflag:s20] =	ssyncadd.s32 $0xFFFFFF80;
	s10 =	sadd.s32 $0x800, s10  }
0x8b: {  	[spmem:s10] =	stream.linear.scatter [tilespmem:s19], [sflag:$0x5], $0x800, $0x38;
	[tilespmem:$0x1F180] =	vst v63  }
0x8c: {  	s11 =	smov.u32 s9;
	s9 =	sadd.s32 $0x200, s9;
	_ =	swait.ge [sflag:s20], $0x800  }
.Ltmp3:
0x8d: {  	s11 =	sshra.s32 s11, $0x2;
	[sflag:s20] =	ssyncset.done $0x0;
	(pc) =	sbr.rel @p1 .LBB2_4-.Ltmp3, $4  }
0x8e: {  	s11 =	sadd.s32 s11, s17;
	[sflag:s20] =	ssyncadd.s32 $0xFFFFF800  }
0x8f: {  	[spmem:s11] =	stream.linear.scatter [tilespmem:s21], [sflag:$0x5], $0x80, $0x38;
	[tilespmem:$0x1F180] =	vst v63  }
0x90: {  	_ =	swait.ge [sflag:s20], $0x80  }
0x91: {  	[sflag:s20] =	ssyncset.done $0x0  }
.Ltmp4:
0x92: {  	[sflag:s20] =	ssyncadd.s32 $0xFFFFFF80;
	(pc) =	sbr.rel .LBB2_6-.Ltmp4, $4  }
0x93: {  	s24 =	simm.s32 $0x0;
	[bflag:$0x0] =	sbarrier.arrive $0xFFFF  }
0x94: {  	[tilespmem:s24], [sflag:$0x1] =	stream.linear.gather [hbm4b:s8+s24], $0x200, $0x38;
	[tilespmem:$0x1F180] =	vst v63  }
0x95: {  	s1 =	rddreg [dreg:$0x5]  }
0x96: {  	[tilespmem:s22], [sflag:$0x1] =	stream.linear.gather [hbm4b:s1+s24], $0x200, $0x38;
	[tilespmem:$0x1F180] =	vst v63  }
.LBB2_8:
0x97: {  	_ =	swait.ge [sflag:s28], $0x800  }
0x98: {  	[sflag:s28] =	ssyncset.done $0x0  }
0x99: {  	[sflag:s28] =	ssyncadd.s32 $0xFFFFF800  }
0x9a: {  	_ =	swait.ge [sflag:s28], $0x800  }
0x9b: {  	[sflag:s28] =	ssyncset.done $0x0  }
0x9c: {  	[sflag:s28] =	ssyncadd.s32 $0xFFFFF800  }
0x9d: {  	_ =	swait.ge [sflag:s28], $0x800  }
0x9e: {  	[sflag:s28] =	ssyncset.done $0x0  }
0x9f: {  	[sflag:s28] =	ssyncadd.s32 $0xFFFFF800  }
0xa0: {  	_ =	swait.ge [sflag:s28], $0x800  }
0xa1: {  	[sflag:s28] =	ssyncset.done $0x0  }
0xa2: {  	s1 =	sor.u32 $0x400, s11;
	[sflag:s28] =	ssyncadd.s32 $0xFFFFF800  }
0xa3: {  	[spmem:s3] =	stream.indirect.scatter.add.f32 [tilespmem:s9], [sflag:$0x3], $0x10, s1, s26, $0xb8;
	[tilespmem:$0x1F180] =	vst v63  }
0xa4: {  	s13 =	sor.u32 $0x400, s13  }
0xa5: {  	[spmem:s3] =	stream.indirect.scatter.add.f32 [tilespmem:s10], [sflag:$0x3], $0x10, s13, s26, $0xb8;
	[tilespmem:$0x1F180] =	vst v63  }
0xa6: {  	s15 =	sor.u32 $0x400, s15  }
0xa7: {  	[spmem:s3] =	stream.indirect.scatter.add.f32 [tilespmem:s12], [sflag:$0x3], $0x10, s15, s26, $0xb8;
	[tilespmem:$0x1F180] =	vst v63  }
0xa8: {  	s24 =	sor.u32 $0x400, s16  }
0xa9: {  	[spmem:s3] =	stream.indirect.scatter.add.f32 [tilespmem:s14], [sflag:$0x3], $0x10, s24, s26, $0xb8;
	[tilespmem:$0x1F180] =	vst v63  }
0xaa: {  	_ = 	snop  }
0xab: {  	[spmem:s4] =	stream.indirect.scatter.add.f32 [tilespmem:s29], [sflag:$0x4], $0x1, s1, s26, $0xb8;
	[tilespmem:$0x1F180] =	vst v63  }
0xac: {  	p1 =	slt.u32 s25, $0xC3  }
0xad: {  	[spmem:s4] =	stream.indirect.scatter.add.f32 [tilespmem:s29], [sflag:$0x4], $0x1, s13, s26, $0xb8;
	[tilespmem:$0x1F180] =	vst v63  }
.Ltmp5:
0xae: {  	_ = 	snop;
	(pc) =	sbr.rel @!p1 .LBB2_9-.Ltmp5, $4  }
0xaf: {  	[spmem:s4] =	stream.indirect.scatter.add.f32 [tilespmem:s29], [sflag:$0x4], $0x1, s15, s26, $0xb8;
	[tilespmem:$0x1F180] =	vst v63  }
0xb0: {  	_ = 	snop  }
0xb1: {  	[spmem:s4] =	stream.indirect.scatter.add.f32 [tilespmem:s29], [sflag:$0x4], $0x1, s24, s26, $0xb8;
	[tilespmem:$0x1F180] =	vst v63  }
0xb2: {  	s24 =	smov.u32 s25  }
.LBB2_6:
0xb3: {  	_ =	swait.ge [sflag:s23], $0x200  }
0xb4: {  	[sflag:s23] =	ssyncset.done $0x0  }
0xb5: {  	[sflag:s23] =	ssyncadd.s32 $0xFFFFFE00  }
0xb6: {  	s10 =	sand.u32 $0x1, s24;
	_ =	swait.ge [sflag:s23], $0x200  }
0xb7: {  	s14 =	sshll.u32 s10, $0xD;
	[sflag:s23] =	ssyncset.done $0x0  }
0xb8: {  	s11 =	sshll.u32 s10, $0x9;
	s9 =	sor.u32 $0x800, s14;
	[sflag:s23] =	ssyncadd.s32 $0xFFFFFE00  }
0xb9: {  	[tilespmem:s9], [sflag:$0x2] =	stream.indirect.gather [hbm4b:s0+s26], $0x10, s11, s26, $0xb8;
	[tilespmem:$0x1F180] =	vst v63  }
0xba: {  	s10 =	sor.u32 $0x1000, s14;
	s13 =	sor.u32 $0x80, s11  }
0xbb: {  	[tilespmem:s10], [sflag:$0x2] =	stream.indirect.gather [hbm4b:s0+s26], $0x10, s13, s26, $0xb8;
	[tilespmem:$0x1F180] =	vst v63  }
0xbc: {  	p1 =	seq.s32 s24, $0x0;
	s12 =	sor.u32 $0x1800, s14;
	s15 =	sor.u32 $0x100, s11  }
0xbd: {  	[tilespmem:s12], [sflag:$0x2] =	stream.indirect.gather [hbm4b:s0+s26], $0x10, s15, s26, $0xb8;
	[tilespmem:$0x1F180] =	vst v63  }
0xbe: {  	s25 =	simm.s32 @!p1 $0x3;
	s14 =	sadd.s32 $0x2000, s14;
	s16 =	sor.u32 $0x180, s11  }
0xbf: {  	[tilespmem:s14], [sflag:$0x2] =	stream.indirect.gather [hbm4b:s0+s26], $0x10, s16, s26, $0xb8;
	[tilespmem:$0x1F180] =	vst v63  }
0xc0: {  	_ =	swait.ge @!p1 [sflag:s25], $0x800  }
0xc1: {  	[sflag:s25] =	ssyncset.done @!p1 $0x0  }
0xc2: {  	[sflag:s25] =	ssyncadd.s32 @!p1 $0xFFFFF800  }
0xc3: {  	_ =	swait.ge @!p1 [sflag:s25], $0x800  }
0xc4: {  	[sflag:s25] =	ssyncset.done @!p1 $0x0  }
0xc5: {  	[sflag:s25] =	ssyncadd.s32 @!p1 $0xFFFFF800  }
0xc6: {  	_ =	swait.ge @!p1 [sflag:s25], $0x800  }
0xc7: {  	[sflag:s25] =	ssyncset.done @!p1 $0x0  }
0xc8: {  	[sflag:s25] =	ssyncadd.s32 @!p1 $0xFFFFF800  }
0xc9: {  	_ =	swait.ge @!p1 [sflag:s25], $0x800  }
0xca: {  	[sflag:s25] =	ssyncset.done @!p1 $0x0  }
0xcb: {  	[sflag:s25] =	ssyncadd.s32 @!p1 $0xFFFFF800;
	s25 =	simm.s32 @!p1 $0x4  }
0xcc: {  	_ =	swait.ge @!p1 [sflag:s25], $0x80  }
0xcd: {  	[sflag:s25] =	ssyncset.done @!p1 $0x0  }
0xce: {  	[sflag:s25] =	ssyncadd.s32 @!p1 $0xFFFFFF80  }
0xcf: {  	_ =	swait.ge @!p1 [sflag:s25], $0x80  }
0xd0: {  	[sflag:s25] =	ssyncset.done @!p1 $0x0  }
0xd1: {  	p2 =	seq.s32 @!p1 s24, $0xC2;
	[sflag:s25] =	ssyncadd.s32 @!p1 $0xFFFFFF80  }
0xd2: {  	p2 =	por p1, !p2;
	_ =	swait.ge @!p1 [sflag:s25], $0x80  }
.Ltmp6:
0xd3: {  	[sflag:s25] =	ssyncset.done @!p1 $0x0;
	(pc) =	sbr.rel @!p2 .LBB2_8-.Ltmp6, $4  }
0xd4: {  	[sflag:s25] =	ssyncadd.s32 @!p1 $0xFFFFFF80  }
0xd5: {  	_ =	swait.ge @!p1 [sflag:s25], $0x80  }
0xd6: {  	[sflag:s25] =	ssyncset.done @!p1 $0x0  }
0xd7: {  	[sflag:s25] =	ssyncadd.s32 @!p1 $0xFFFFFF80;
	s25 =	simm.s32 @!p1 $0xC3  }
0xd8: {  	s25 =	sadd.s32 @!p1 $0x1, s24  }
0xd9: {  	s25 =	simm.s32 @p1 $0x1  }
0xda: {  	s1 =	sshll.u32 s25, $0x9  }
0xdb: {  	s24 =	sadd.s32 s7, s1  }
.Ltmp7:
0xdc: {  	s24 =	sshrl.u32 s24, $0x3;
	(pc) =	sbr.rel .LBB2_8-.Ltmp7, $4  }
0xdd: {  	s1 =	ssub.s32 $0x200, s11;
	s24 =	sadd.s32 s6, s24  }
0xde: {  	[tilespmem:s1], [sflag:$0x1] =	stream.linear.gather [hbm4b:s24+s5], $0x200, $0x38;
	[tilespmem:$0x1F180] =	vst v63  }
0xdf: {  	s1 =	ssub.s32 $0x600, s11;
	s24 =	sadd.s32 $0x61A80, s24  }
0xe0: {  	[tilespmem:s1], [sflag:$0x1] =	stream.linear.gather [hbm4b:s24+s5], $0x200, $0x38;
	[tilespmem:$0x1F180] =	vst v63  }
.LBB2_10:
0xe1: {  	_ =	sfence.sel $0x180000  }
0xe2: {  	[bflag:$0x0] =	sbarrier.arrive $0xFFFF  }
0xe3: {  	_ =	strace $0x90000047  }
0xe4: {  	s0 =	stileid.u32;
	[bflag:$0x2] =	sbarrier.arrive $0xFFFF  }
0xe5: {  	p0 =	sne.s32 s0, $0x0;
	s0 =	rddreg [dreg:$0x4]  }
0xe6: {  	s0 =	sadd.s32 @!p0 $0x100000, s0  }
0xe7: {  	[sflag:s0] =	ssyncadd.tile.s32 @!p0 $0x1;
	_ =	shalt  }
.Lfunc_end2:
_tile_overlayer_lowered:
.L_overlay_start_2:
0xe8: {  	(tag) =	ssettag $0x2  }
0xe9: {  	s0 =	rddreg [dreg:$0x0];
	s2 =	stileid.u32  }
0xea: {  	s1 =	rddreg [dreg:$0x1];
	p0 =	sne.s32 s2, $0x0  }
0xeb: {  	s3 =	rddreg [dreg:$0x2];
	[bflag:$0x3] =	sbarrier.arrive $0xFFFF;
	s2 =	simm.s32 @!p0 $0x1C05  }
0xec: {  	[timem:s3], [sflag:s2] =	dma.local @!p0 [hbm:s0], s1  }
0xed: {  	s0 =	simm.s32 @!p0 $0x5  }
0xee: {  	_ =	swait.ge @!p0 [sflag:s0], s1  }
0xef: {  	s1 =	ssub.s32 @!p0 $0x0, s1;
	[sflag:s0] =	ssyncset.done @!p0 $0x0  }
0xf0: {  	[sflag:s0] =	ssyncadd.s32 @!p0 s1  }
0xf1: {  	[bflag:$0x3] =	sbarrier.arrive $0xFFFF  }
0xf2: {  	_ =	shalt  }

</sc_bundles>
